<compile_context>
chip_gen: v7x
topology: tpu7x:2x2x1
jax: 0.10.2.dev20260603
libtpu: 0.0.44.dev20260713+nightly
codegen_flags: <defaults>
</compile_context>

<pallas_src>
import functools

import jax
import jax.numpy as jnp
from jax import lax
from jax.experimental import pallas as pl
from jax.experimental.pallas import tpu as pltpu
from jax.experimental.pallas import tpu_sc as plsc

_AABB_MIN = -64.0
_AABB_MAX = 64.0
_GRID_RES = 128
_N_STEPS = 192
_RENDER_STEP = 1.0
_ALPHA_THRE = 0.01
_N_RAYS = 16384

_NC = 2
_NSUB = 16
_NW = _NC * _NSUB
_LANES = 16
_RAYS_PER_W = _N_RAYS // _NW
_CHUNK = 16
_CHUNKS_PER_W = _RAYS_PER_W // _CHUNK
_NVEC = _N_STEPS // _LANES
_NSAMP = _N_RAYS * _N_STEPS
_WORDS = (_GRID_RES ** 3) // 32
_CBUF = _CHUNK * _N_STEPS
_FBUF = _CBUF * 4


def _sc_march(rays3, occ_words):
    mesh = plsc.VectorSubcoreMesh(
        core_axis_name="c", subcore_axis_name="s",
        num_cores=_NC, num_subcores=_NSUB)

    @functools.partial(
        pl.kernel,
        out_type=(
            jax.ShapeDtypeStruct((_NSAMP * 4,), jnp.float32),
            jax.ShapeDtypeStruct((_NSAMP * 4,), jnp.float32),
            jax.ShapeDtypeStruct((_NSAMP,), jnp.float32),
            jax.ShapeDtypeStruct((_NSAMP,), jnp.float32),
        ),
        mesh=mesh,
        compiler_params=pltpu.CompilerParams(needs_layout_passes=False),
        scratch_types=[
            pltpu.VMEM((_WORDS,), jnp.int32),
            [pltpu.VMEM((8, _CHUNK), jnp.float32)] * 2,
            [pltpu.VMEM((_FBUF,), jnp.float32)] * 2,
            [pltpu.VMEM((_FBUF,), jnp.float32)] * 2,
            [pltpu.VMEM((_CBUF,), jnp.float32)] * 2,
            [pltpu.VMEM((_CBUF,), jnp.float32)] * 2,
            [pltpu.SemaphoreType.DMA] * 2,
            [pltpu.SemaphoreType.DMA] * 2,
        ],
    )
    def march(rays_hbm, words_hbm, so_hbm, sd_hbm, st_hbm, en_hbm,
              table_v, ray_v, so_v, sd_v, st_v, en_v, osem, rsem):
        cid = lax.axis_index("c")
        sid = lax.axis_index("s")
        wid = sid * _NC + cid
        chunk0 = wid * _CHUNKS_PER_W

        pltpu.sync_copy(words_hbm, table_v)
        pltpu.sync_copy(rays_hbm.at[chunk0], ray_v[0])

        zf = jnp.zeros((_LANES,), jnp.float32)
        neg_inf = zf - 3.0e38
        iota_f = jnp.arange(_LANES, dtype=jnp.int32).astype(jnp.float32)
        svecs = [iota_f + float(k * _LANES) for k in range(_NVEC)]

        def out_copies(chunk_id, half, enqueue):
            r0 = chunk_id * _CHUNK
            base1 = pl.multiple_of(r0 * _N_STEPS, _CBUF)
            base4 = pl.multiple_of(r0 * _N_STEPS * 4, _FBUF)
            mk = pltpu.async_copy if enqueue else pltpu.make_async_copy
            return [
                mk(so_v[half], so_hbm.at[pl.ds(base4, _FBUF)], osem[half]),
                mk(sd_v[half], sd_hbm.at[pl.ds(base4, _FBUF)], osem[half]),
                mk(st_v[half], st_hbm.at[pl.ds(base1, _CBUF)], osem[half]),
                mk(en_v[half], en_hbm.at[pl.ds(base1, _CBUF)], osem[half]),
            ]

        @pl.loop(0, _CHUNKS_PER_W // 2)
        def pair_loop(pi):
            for half in range(2):
                ci = pi * 2 + half
                chunk_id = chunk0 + ci

                @pl.when(ci >= 2)
                def _wait_out():
                    for dsc in out_copies(chunk_id - 2, half, False):
                        dsc.wait()

                @pl.when(ci <= _CHUNKS_PER_W - 2)
                def _prefetch():
                    pltpu.async_copy(
                        rays_hbm.at[chunk_id + 1], ray_v[1 - half],
                        rsem[1 - half])

                @pl.when(ci >= 1)
                def _wait_ray():
                    pltpu.make_async_copy(
                        rays_hbm.at[chunk_id], ray_v[half],
                        rsem[half]).wait()

                rv = ray_v[half]
                so_b, sd_b = so_v[half], sd_v[half]
                st_b, en_b = st_v[half], en_v[half]
                rows = [rv[k] for k in range(8)]

                @pl.loop(0, _CHUNK)
                def ray_loop(r):
                    ridx = jnp.full((_LANES,), r, dtype=jnp.int32)

                    def bc(k):
                        return lax.gather(
                            rows[k], ridx[:, None],
                            lax.GatherDimensionNumbers(
                                offset_dims=(),
                                collapsed_slice_dims=(0,),
                                start_index_map=(0,)),
                            (1,),
                            mode=lax.GatherScatterMode.PROMISE_IN_BOUNDS)
                    o0 = bc(0)
                    o1 = bc(1)
                    o2 = bc(2)
                    dxv = bc(3)
                    dyv = bc(4)
                    dzv = bc(5)
                    tnv = bc(6)
                    tfv = bc(7)
                    tfev = jnp.where(tfv > tnv, tfv, neg_inf)

                    off0 = r * _N_STEPS
                    for k in range(_NVEC):
                        t_start = tnv + svecs[k]
                        t_end = t_start + _RENDER_STEP
                        t_mid = (t_start + t_end) * 0.5
                        px = (o0 + dxv * t_mid) - _AABB_MIN
                        py = (o1 + dyv * t_mid) - _AABB_MIN
                        pz = (o2 + dzv * t_mid) - _AABB_MIN
                        vx = jnp.minimum(jnp.maximum(px, 0.0), 127.0)
                        vy = jnp.minimum(jnp.maximum(py, 0.0), 127.0)
                        vz = jnp.minimum(jnp.maximum(pz, 0.0), 127.0)
                        lin = (vx.astype(jnp.int32) * 128
                               + vy.astype(jnp.int32)) * 128 \
                            + vz.astype(jnp.int32)
                        word = lax.shift_right_logical(lin, 5)
                        bit = lin & 31
                        w = plsc.load_gather(table_v, [word])
                        occ = (lax.shift_right_logical(w, bit) & 1) == 1
                        keep = (t_end <= tfev) & occ
                        keepf = jnp.where(keep, 1.0, 0.0)

                        off = off0 + k * _LANES
                        fx = (lax.shift_right_logical(off, 7) * 512) \
                            + (off & 127)
                        st_b[pl.ds(off, _LANES)] = t_start * keepf
                        en_b[pl.ds(off, _LANES)] = t_end * keepf
                        so_b[pl.ds(fx, _LANES)] = o0 * keepf
                        so_b[pl.ds(fx + 128, _LANES)] = o1 * keepf
                        so_b[pl.ds(fx + 256, _LANES)] = o2 * keepf
                        sd_b[pl.ds(fx, _LANES)] = dxv * keepf
                        sd_b[pl.ds(fx + 128, _LANES)] = dyv * keepf
                        sd_b[pl.ds(fx + 256, _LANES)] = dzv * keepf

                out_copies(chunk_id, half, True)

        for half, ci in ((0, _CHUNKS_PER_W - 2), (1, _CHUNKS_PER_W - 1)):
            for dsc in out_copies(chunk0 + ci, half, False):
                dsc.wait()

    return march(rays3, occ_words)


def kernel(origins, directions, occ_grid):
    safe_d = jnp.where(jnp.abs(directions) < 1e-10, 1e-10, directions)
    inv_d = 1.0 / safe_d
    t0 = (_AABB_MIN - origins) * inv_d
    t1 = (_AABB_MAX - origins) * inv_d
    t_near = jnp.maximum(jnp.max(jnp.minimum(t0, t1), axis=-1), 0.0)
    t_far = jnp.min(jnp.maximum(t0, t1), axis=-1)

    fields = jnp.stack([
        origins[:, 0], origins[:, 1], origins[:, 2],
        directions[:, 0], directions[:, 1], directions[:, 2],
        t_near, t_far,
    ], axis=0)
    rays3 = fields.reshape(8, _N_RAYS // _CHUNK, _CHUNK).transpose(1, 0, 2)

    occ_bool = (occ_grid.reshape(-1, 32) > _ALPHA_THRE).astype(jnp.uint32)
    occ_words = (occ_bool << jnp.arange(32, dtype=jnp.uint32)[None, :]
                 ).sum(axis=1).astype(jnp.int32)

    so_f, sd_f, st, en = _sc_march(rays3, occ_words)

    s_origins = (so_f.reshape(_NSAMP // 128, 4, 128)[:, :3, :]
                 .transpose(0, 2, 1).reshape(_NSAMP, 3))
    s_dirs = (sd_f.reshape(_NSAMP // 128, 4, 128)[:, :3, :]
              .transpose(0, 2, 1).reshape(_NSAMP, 3))
    starts_out = st.reshape(_NSAMP, 1)
    ends_out = en.reshape(_NSAMP, 1)
    ray_ids = jnp.broadcast_to(
        jnp.arange(_N_RAYS, dtype=jnp.int32)[:, None],
        (_N_RAYS, _N_STEPS)).reshape(-1)
    ri = jnp.where(en > 0.0, ray_ids, 0)
    pixel_area = jnp.zeros((_NSAMP, 1), jnp.float32)
    return (s_origins, s_dirs, starts_out, ends_out, pixel_area, ri)

# --- scband reference (transcript-rebuilt; emitter-appended) ---
"""Pipeline reference for scband-volumetric-sampler-7928509628625 (READ-ONLY COPY).

The authoritative reference and input builder live on the scoring server;
editing this copy changes nothing except your own understanding.
"""

import jax, jax.numpy as jnp
import numpy as np

AABB_MIN = -64.0
AABB_MAX = 64.0
GRID_RES = 128
N_STEPS = 192
RENDER_STEP = 1.0
ALPHA_THRE = 0.01
N_RAYS = 16384


def setup_inputs(seed: int = 0):
    key = jax.random.key(seed)
    k1, k2, k3 = jax.random.split(key, 3)
    origins = jax.random.uniform(k1, (N_RAYS, 3), minval=-8.0, maxval=8.0, dtype=jnp.float32)
    d = jax.random.normal(k2, (N_RAYS, 3), dtype=jnp.float32)
    directions = d / (jnp.linalg.norm(d, axis=-1, keepdims=True) + 1e-8)
    occ_grid = (jax.random.uniform(k3, (GRID_RES, GRID_RES, GRID_RES)) > 0.5).astype(jnp.float32)
    return {"origins": origins, "directions": directions, "occ_grid": occ_grid}


def reference(origins, directions, occ_grid):
    # ray/AABB intersection (slab method), mirrors nerfacc.ray_marching near/far computation
    safe_d = jnp.where(jnp.abs(directions) < 1e-10, 1e-10, directions)
    inv_d = 1.0 / safe_d
    t0 = (AABB_MIN - origins) * inv_d
    t1 = (AABB_MAX - origins) * inv_d
    t_near = jnp.max(jnp.minimum(t0, t1), axis=-1)
    t_far = jnp.min(jnp.maximum(t0, t1), axis=-1)
    t_near = jnp.maximum(t_near, 0.0)
    # uniform marching with fixed render_step_size (cone_angle = 0)
    steps = jnp.arange(N_STEPS, dtype=jnp.float32)
    t_starts = t_near[:, None] + steps[None, :] * RENDER_STEP
    t_ends = t_starts + RENDER_STEP
    t_mid = (t_starts + t_ends) * 0.5
    valid = (t_ends <= t_far[:, None]) & (t_far[:, None] > t_near[:, None])
    # sample positions and occupancy-grid lookup (gather)
    positions = origins[:, None, :] + directions[:, None, :] * t_mid[..., None]
    voxel = jnp.clip(((positions - AABB_MIN) / (AABB_MAX - AABB_MIN) * GRID_RES).astype(jnp.int32), 0, GRID_RES - 1)
    occ_vals = occ_grid[voxel[..., 0], voxel[..., 1], voxel[..., 2]]
    keep = valid & (occ_vals > ALPHA_THRE)
    n_rays = origins.shape[0]
    # packed (dense, mask-zeroed for static shapes) ray samples
    ray_indices = jnp.broadcast_to(jnp.arange(n_rays)[:, None], (n_rays, N_STEPS)).reshape(-1)
    keep_flat = keep.reshape(-1).astype(jnp.float32)
    starts_out = t_starts.reshape(-1, 1) * keep_flat[:, None]
    ends_out = t_ends.reshape(-1, 1) * keep_flat[:, None]
    # gather per-sample origins/directions by ray index (rays_o[ray_indices])
    s_origins = jnp.take(origins, ray_indices, axis=0) * keep_flat[:, None]
    s_dirs = jnp.take(directions, ray_indices, axis=0) * keep_flat[:, None]
    ray_indices_out = jnp.where(keep.reshape(-1), ray_indices, 0)
    pixel_area = jnp.zeros_like(s_origins[:, :1])
    return (s_origins, s_dirs, starts_out, ends_out, pixel_area, ray_indices_out)

if __name__ == "__main__":
    import jax
    _d = setup_inputs()
    print(jax.jit(kernel)(*tuple(_d.values())))

</pallas_src>

<mosaic_0001>
#map = affine_map<(d0, d1) -> (0, 0, 0)>
#map1 = affine_map<(d0, d1) -> (0)>
module attributes {stable_mosaic.version = 14 : i64} {
  func.func @march(%arg0: i32, %arg1: i32, %arg2: memref<1024x8x16xf32, #tpu.memory_space<hbm>>, %arg3: memref<65536xi32, #tpu.memory_space<hbm>>, %arg4: memref<12582912xf32, #tpu.memory_space<hbm>>, %arg5: memref<12582912xf32, #tpu.memory_space<hbm>>, %arg6: memref<3145728xf32, #tpu.memory_space<hbm>>, %arg7: memref<3145728xf32, #tpu.memory_space<hbm>>, %arg8: memref<65536xi32, #tpu.memory_space<vmem>>, %arg9: memref<8x16xf32, #tpu.memory_space<vmem>>, %arg10: memref<8x16xf32, #tpu.memory_space<vmem>>, %arg11: memref<12288xf32, #tpu.memory_space<vmem>>, %arg12: memref<12288xf32, #tpu.memory_space<vmem>>, %arg13: memref<12288xf32, #tpu.memory_space<vmem>>, %arg14: memref<12288xf32, #tpu.memory_space<vmem>>, %arg15: memref<3072xf32, #tpu.memory_space<vmem>>, %arg16: memref<3072xf32, #tpu.memory_space<vmem>>, %arg17: memref<3072xf32, #tpu.memory_space<vmem>>, %arg18: memref<3072xf32, #tpu.memory_space<vmem>>, %arg19: memref<!tpu.dma_semaphore, #tpu.memory_space<semaphore_mem>>, %arg20: memref<!tpu.dma_semaphore, #tpu.memory_space<semaphore_mem>>, %arg21: memref<!tpu.dma_semaphore, #tpu.memory_space<semaphore_mem>>, %arg22: memref<!tpu.dma_semaphore, #tpu.memory_space<semaphore_mem>>) attributes {dimension_semantics = [#tpu.dimension_semantics<core_parallel>, #tpu.dimension_semantics<subcore_parallel>], iteration_bounds = array<i64: 2, 16>, scalar_prefetch = 0 : i64, scratch_operands = 15 : i64, tpu.core_type = #tpu.core_type<sc_vector_subcore>, window_params = [{transform_indices = #map}, {transform_indices = #map1}, {transform_indices = #map1}, {transform_indices = #map1}, {transform_indices = #map1}, {transform_indices = #map1}]} {
    %mul3A = arith.constant 2 : i32
    %mul3A_0 = arith.muli %arg1, %mul3A : i32
    %add3A = arith.addi %mul3A_0, %arg0 : i32
    %mul3A_1 = arith.constant 32 : i32
    %mul3A_2 = arith.muli %add3A, %mul3A_1 : i32
    "tpu.region"() ({
      %run_scoped3A = tpu.sem_alloc : memref<!tpu.dma_semaphore, #tpu.memory_space<semaphore_mem>>
      tpu.enqueue_dma source(%arg3 : memref<65536xi32, #tpu.memory_space<hbm>>) target(%arg8 : memref<65536xi32, #tpu.memory_space<vmem>>) target_semaphore(%run_scoped3A : memref<!tpu.dma_semaphore, #tpu.memory_space<semaphore_mem>>)
      tpu.wait_dma2 semaphore(%run_scoped3A : memref<!tpu.dma_semaphore, #tpu.memory_space<semaphore_mem>>) src(%arg3 : memref<65536xi32, #tpu.memory_space<hbm>>) dst(%arg8 : memref<65536xi32, #tpu.memory_space<vmem>>)
      tpu.yield
    }) : () -> ()
    "tpu.region"() ({
      %run_scoped3A = tpu.sem_alloc : memref<!tpu.dma_semaphore, #tpu.memory_space<semaphore_mem>>
      %dma_start3A = arith.constant 0 : i32
      %dma_start3A_84 = arith.constant 0 : i32
      %dma_start3A_85 = tpu.memref_slice %arg2[%mul3A_2, %dma_start3A, %dma_start3A_84] : memref<1024x8x16xf32, #tpu.memory_space<hbm>> -> memref<1x8x16xf32, #tpu.memory_space<hbm>>
      %dma_start3A_86 = tpu.memref_squeeze %dma_start3A_85 : memref<1x8x16xf32, #tpu.memory_space<hbm>> -> memref<8x16xf32, #tpu.memory_space<hbm>>
      %dma_start3A_87 = arith.constant 0 : i32
      %dma_start3A_88 = arith.constant 0 : i32
      %dma_start3A_89 = tpu.memref_slice %arg2[%mul3A_2, %dma_start3A_87, %dma_start3A_88] : memref<1024x8x16xf32, #tpu.memory_space<hbm>> -> memref<1x8x16xf32, #tpu.memory_space<hbm>>
      %dma_start3A_90 = tpu.memref_squeeze %dma_start3A_89 : memref<1x8x16xf32, #tpu.memory_space<hbm>> -> memref<8x16xf32, #tpu.memory_space<hbm>>
      tpu.enqueue_dma source(%dma_start3A_90 : memref<8x16xf32, #tpu.memory_space<hbm>>) target(%arg9 : memref<8x16xf32, #tpu.memory_space<vmem>>) target_semaphore(%run_scoped3A : memref<!tpu.dma_semaphore, #tpu.memory_space<semaphore_mem>>)
      %dma_wait3A_91 = arith.constant 0 : i32
      %dma_wait3A_92 = arith.constant 0 : i32
      %dma_wait3A_93 = tpu.memref_slice %arg2[%mul3A_2, %dma_wait3A_91, %dma_wait3A_92] : memref<1024x8x16xf32, #tpu.memory_space<hbm>> -> memref<1x8x16xf32, #tpu.memory_space<hbm>>
      %dma_wait3A_94 = tpu.memref_squeeze %dma_wait3A_93 : memref<1x8x16xf32, #tpu.memory_space<hbm>> -> memref<8x16xf32, #tpu.memory_space<hbm>>
      %dma_wait3A_95 = arith.constant 0 : i32
      %dma_wait3A_96 = arith.constant 0 : i32
      %dma_wait3A_97 = tpu.memref_slice %arg2[%mul3A_2, %dma_wait3A_95, %dma_wait3A_96] : memref<1024x8x16xf32, #tpu.memory_space<hbm>> -> memref<1x8x16xf32, #tpu.memory_space<hbm>>
      %dma_wait3A_98 = tpu.memref_squeeze %dma_wait3A_97 : memref<1x8x16xf32, #tpu.memory_space<hbm>> -> memref<8x16xf32, #tpu.memory_space<hbm>>
      tpu.wait_dma2 semaphore(%run_scoped3A : memref<!tpu.dma_semaphore, #tpu.memory_space<semaphore_mem>>) src(%dma_wait3A_98 : memref<8x16xf32, #tpu.memory_space<hbm>>) dst(%arg9 : memref<8x16xf32, #tpu.memory_space<vmem>>)
      tpu.yield
    }) : () -> ()
    %broadcast_in_dim3A = arith.constant 0.000000e+00 : f32
    %broadcast_in_dim3A_3 = vector.broadcast %broadcast_in_dim3A : f32 to vector<16xf32>
    %sub3A = arith.constant 3.000000e+38 : f32
    %sub3A_4 = vector.broadcast %sub3A : f32 to vector<16xf32>
    %sub3A_5 = arith.subf %broadcast_in_dim3A_3, %sub3A_4 : vector<16xf32>
    %iota3A = tpu.iota {dimensions = array<i32: 0>} : vector<16xi32>
    %convert_element_type3A = arith.sitofp %iota3A : vector<16xi32> to vector<16xf32>
    %add3A_6 = arith.constant 0.000000e+00 : f32
    %add3A_7 = vector.broadcast %add3A_6 : f32 to vector<16xf32>
    %add3A_8 = arith.addf %convert_element_type3A, %add3A_7 : vector<16xf32>
    %add3A_9 = arith.constant 1.600000e+01 : f32
    %add3A_10 = vector.broadcast %add3A_9 : f32 to vector<16xf32>
    %add3A_11 = arith.addf %convert_element_type3A, %add3A_10 : vector<16xf32>
    %add3A_12 = arith.constant 3.200000e+01 : f32
    %add3A_13 = vector.broadcast %add3A_12 : f32 to vector<16xf32>
    %add3A_14 = arith.addf %convert_element_type3A, %add3A_13 : vector<16xf32>
    %add3A_15 = arith.constant 4.800000e+01 : f32
    %add3A_16 = vector.broadcast %add3A_15 : f32 to vector<16xf32>
    %add3A_17 = arith.addf %convert_element_type3A, %add3A_16 : vector<16xf32>
    %add3A_18 = arith.constant 6.400000e+01 : f32
    %add3A_19 = vector.broadcast %add3A_18 : f32 to vector<16xf32>
    %add3A_20 = arith.addf %convert_element_type3A, %add3A_19 : vector<16xf32>
    %add3A_21 = arith.constant 8.000000e+01 : f32
    %add3A_22 = vector.broadcast %add3A_21 : f32 to vector<16xf32>
    %add3A_23 = arith.addf %convert_element_type3A, %add3A_22 : vector<16xf32>
    %add3A_24 = arith.constant 9.600000e+01 : f32
    %add3A_25 = vector.broadcast %add3A_24 : f32 to vector<16xf32>
    %add3A_26 = arith.addf %convert_element_type3A, %add3A_25 : vector<16xf32>
    %add3A_27 = arith.constant 1.120000e+02 : f32
    %add3A_28 = vector.broadcast %add3A_27 : f32 to vector<16xf32>
    %add3A_29 = arith.addf %convert_element_type3A, %add3A_28 : vector<16xf32>
    %add3A_30 = arith.constant 1.280000e+02 : f32
    %add3A_31 = vector.broadcast %add3A_30 : f32 to vector<16xf32>
    %add3A_32 = arith.addf %convert_element_type3A, %add3A_31 : vector<16xf32>
    %add3A_33 = arith.constant 1.440000e+02 : f32
    %add3A_34 = vector.broadcast %add3A_33 : f32 to vector<16xf32>
    %add3A_35 = arith.addf %convert_element_type3A, %add3A_34 : vector<16xf32>
    %add3A_36 = arith.constant 1.600000e+02 : f32
    %add3A_37 = vector.broadcast %add3A_36 : f32 to vector<16xf32>
    %add3A_38 = arith.addf %convert_element_type3A, %add3A_37 : vector<16xf32>
    %add3A_39 = arith.constant 1.760000e+02 : f32
    %add3A_40 = vector.broadcast %add3A_39 : f32 to vector<16xf32>
    %add3A_41 = arith.addf %convert_element_type3A, %add3A_40 : vector<16xf32>
    %scan3A = arith.constant 0 : i32
    %scan3A_42 = arith.constant 16 : i32
    %scan3A_43 = arith.addi %scan3A, %scan3A_42 : i32
    %scan3A_44 = arith.constant 1 : i32
    scf.for %scan3A_84 = %scan3A to %scan3A_43 step %scan3A_44  : i32 {
      %mul3A_85 = arith.constant 1 : i32
      %mul3A_86 = arith.muli %scan3A_84, %mul3A_85 : i32
      %add3A_87 = arith.constant 0 : i32
      %add3A_88 = arith.addi %add3A_87, %mul3A_86 : i32
      %mul3A_89 = arith.constant 2 : i32
      %mul3A_90 = arith.muli %add3A_88, %mul3A_89 : i32
      %add3A_91 = arith.constant 0 : i32
      %add3A_92 = arith.addi %mul3A_90, %add3A_91 : i32
      %add3A_93 = arith.addi %mul3A_2, %add3A_92 : i32
      %ge3A = arith.constant 2 : i32
      %ge3A_94 = arith.cmpi sge, %add3A_92, %ge3A : i32
      %convert_element_type3A_95 = arith.extui %ge3A_94 : i1 to i32
      %cond3A = arith.constant 0 : i32
      %cond3A_96 = arith.cmpi ne, %convert_element_type3A_95, %cond3A : i32
      scf.if %cond3A_96 {
        %sub3A_234 = arith.constant 2 : i32
        %sub3A_235 = arith.subi %add3A_93, %sub3A_234 : i32
        %mul3A_236 = arith.constant 16 : i32
        %mul3A_237 = arith.muli %sub3A_235, %mul3A_236 : i32
        %mul3A_238 = arith.constant 192 : i32
        %mul3A_239 = arith.muli %mul3A_237, %mul3A_238 : i32
        %multiple_of3A_240 = tpu.assume_multiple %mul3A_239, 3072 : i32
        %mul3A_241 = arith.constant 192 : i32
        %mul3A_242 = arith.muli %mul3A_237, %mul3A_241 : i32
        %mul3A_243 = arith.constant 4 : i32
        %mul3A_244 = arith.muli %mul3A_242, %mul3A_243 : i32
        %multiple_of3A_245 = tpu.assume_multiple %mul3A_244, 12288 : i32
        %dma_wait3A_246 = tpu.memref_slice %arg4[%multiple_of3A_245] : memref<12582912xf32, #tpu.memory_space<hbm>> -> memref<12288xf32, #tpu.memory_space<hbm>>
        %dma_wait3A_247 = tpu.memref_slice %arg4[%multiple_of3A_245] : memref<12582912xf32, #tpu.memory_space<hbm>> -> memref<12288xf32, #tpu.memory_space<hbm>>
        tpu.wait_dma2 semaphore(%arg19 : memref<!tpu.dma_semaphore, #tpu.memory_space<semaphore_mem>>) src(%arg11 : memref<12288xf32, #tpu.memory_space<vmem>>) dst(%dma_wait3A_247 : memref<12288xf32, #tpu.memory_space<hbm>>)
        %dma_wait3A_248 = tpu.memref_slice %arg5[%multiple_of3A_245] : memref<12582912xf32, #tpu.memory_space<hbm>> -> memref<12288xf32, #tpu.memory_space<hbm>>
        %dma_wait3A_249 = tpu.memref_slice %arg5[%multiple_of3A_245] : memref<12582912xf32, #tpu.memory_space<hbm>> -> memref<12288xf32, #tpu.memory_space<hbm>>
        tpu.wait_dma2 semaphore(%arg19 : memref<!tpu.dma_semaphore, #tpu.memory_space<semaphore_mem>>) src(%arg13 : memref<12288xf32, #tpu.memory_space<vmem>>) dst(%dma_wait3A_249 : memref<12288xf32, #tpu.memory_space<hbm>>)
        %dma_wait3A_250 = tpu.memref_slice %arg6[%multiple_of3A_240] : memref<3145728xf32, #tpu.memory_space<hbm>> -> memref<3072xf32, #tpu.memory_space<hbm>>
        %dma_wait3A_251 = tpu.memref_slice %arg6[%multiple_of3A_240] : memref<3145728xf32, #tpu.memory_space<hbm>> -> memref<3072xf32, #tpu.memory_space<hbm>>
        tpu.wait_dma2 semaphore(%arg19 : memref<!tpu.dma_semaphore, #tpu.memory_space<semaphore_mem>>) src(%arg15 : memref<3072xf32, #tpu.memory_space<vmem>>) dst(%dma_wait3A_251 : memref<3072xf32, #tpu.memory_space<hbm>>)
        %dma_wait3A_252 = tpu.memref_slice %arg7[%multiple_of3A_240] : memref<3145728xf32, #tpu.memory_space<hbm>> -> memref<3072xf32, #tpu.memory_space<hbm>>
        %dma_wait3A_253 = tpu.memref_slice %arg7[%multiple_of3A_240] : memref<3145728xf32, #tpu.memory_space<hbm>> -> memref<3072xf32, #tpu.memory_space<hbm>>
        tpu.wait_dma2 semaphore(%arg19 : memref<!tpu.dma_semaphore, #tpu.memory_space<semaphore_mem>>) src(%arg17 : memref<3072xf32, #tpu.memory_space<vmem>>) dst(%dma_wait3A_253 : memref<3072xf32, #tpu.memory_space<hbm>>)
      } else {
      }
      %le3A = arith.constant 30 : i32
      %le3A_97 = arith.cmpi sle, %add3A_92, %le3A : i32
      %convert_element_type3A_98 = arith.extui %le3A_97 : i1 to i32
      %cond3A_99 = arith.constant 0 : i32
      %cond3A_100 = arith.cmpi ne, %convert_element_type3A_98, %cond3A_99 : i32
      scf.if %cond3A_100 {
        %add3A_234 = arith.constant 1 : i32
        %add3A_235 = arith.addi %add3A_93, %add3A_234 : i32
        %dma_start3A_236 = arith.constant 0 : i32
        %dma_start3A_237 = arith.constant 0 : i32
        %dma_start3A_238 = tpu.memref_slice %arg2[%add3A_235, %dma_start3A_236, %dma_start3A_237] : memref<1024x8x16xf32, #tpu.memory_space<hbm>> -> memref<1x8x16xf32, #tpu.memory_space<hbm>>
        %dma_start3A_239 = tpu.memref_squeeze %dma_start3A_238 : memref<1x8x16xf32, #tpu.memory_space<hbm>> -> memref<8x16xf32, #tpu.memory_space<hbm>>
        %dma_start3A_240 = arith.constant 0 : i32
        %dma_start3A_241 = arith.constant 0 : i32
        %dma_start3A_242 = tpu.memref_slice %arg2[%add3A_235, %dma_start3A_240, %dma_start3A_241] : memref<1024x8x16xf32, #tpu.memory_space<hbm>> -> memref<1x8x16xf32, #tpu.memory_space<hbm>>
        %dma_start3A_243 = tpu.memref_squeeze %dma_start3A_242 : memref<1x8x16xf32, #tpu.memory_space<hbm>> -> memref<8x16xf32, #tpu.memory_space<hbm>>
        tpu.enqueue_dma source(%dma_start3A_243 : memref<8x16xf32, #tpu.memory_space<hbm>>) target(%arg10 : memref<8x16xf32, #tpu.memory_space<vmem>>) target_semaphore(%arg22 : memref<!tpu.dma_semaphore, #tpu.memory_space<semaphore_mem>>)
      } else {
      }
      %ge3A_101 = arith.constant 1 : i32
      %ge3A_102 = arith.cmpi sge, %add3A_92, %ge3A_101 : i32
      %convert_element_type3A_103 = arith.extui %ge3A_102 : i1 to i32
      %cond3A_104 = arith.constant 0 : i32
      %cond3A_105 = arith.cmpi ne, %convert_element_type3A_103, %cond3A_104 : i32
      scf.if %cond3A_105 {
        %dma_wait3A_234 = arith.constant 0 : i32
        %dma_wait3A_235 = arith.constant 0 : i32
        %dma_wait3A_236 = tpu.memref_slice %arg2[%add3A_93, %dma_wait3A_234, %dma_wait3A_235] : memref<1024x8x16xf32, #tpu.memory_space<hbm>> -> memref<1x8x16xf32, #tpu.memory_space<hbm>>
        %dma_wait3A_237 = tpu.memref_squeeze %dma_wait3A_236 : memref<1x8x16xf32, #tpu.memory_space<hbm>> -> memref<8x16xf32, #tpu.memory_space<hbm>>
        %dma_wait3A_238 = arith.constant 0 : i32
        %dma_wait3A_239 = arith.constant 0 : i32
        %dma_wait3A_240 = tpu.memref_slice %arg2[%add3A_93, %dma_wait3A_238, %dma_wait3A_239] : memref<1024x8x16xf32, #tpu.memory_space<hbm>> -> memref<1x8x16xf32, #tpu.memory_space<hbm>>
        %dma_wait3A_241 = tpu.memref_squeeze %dma_wait3A_240 : memref<1x8x16xf32, #tpu.memory_space<hbm>> -> memref<8x16xf32, #tpu.memory_space<hbm>>
        tpu.wait_dma2 semaphore(%arg21 : memref<!tpu.dma_semaphore, #tpu.memory_space<semaphore_mem>>) src(%dma_wait3A_241 : memref<8x16xf32, #tpu.memory_space<hbm>>) dst(%arg9 : memref<8x16xf32, #tpu.memory_space<vmem>>)
      } else {
      }
      %get3A = arith.constant 0 : i32
      %get3A_106 = arith.index_cast %get3A : i32 to index
      %get3A_107 = arith.constant 0 : index
      %get3A_108 = tpu.vector_load %arg9[%get3A_106, %get3A_107] {strides = array<i32>} : memref<8x16xf32, #tpu.memory_space<vmem>>, vector<16xf32>,
      %get3A_109 = arith.constant 1 : i32
      %get3A_110 = arith.index_cast %get3A_109 : i32 to index
      %get3A_111 = arith.constant 0 : index
      %get3A_112 = tpu.vector_load %arg9[%get3A_110, %get3A_111] {strides = array<i32>} : memref<8x16xf32, #tpu.memory_space<vmem>>, vector<16xf32>,
      %get3A_113 = arith.constant 2 : i32
      %get3A_114 = arith.index_cast %get3A_113 : i32 to index
      %get3A_115 = arith.constant 0 : index
      %get3A_116 = tpu.vector_load %arg9[%get3A_114, %get3A_115] {strides = array<i32>} : memref<8x16xf32, #tpu.memory_space<vmem>>, vector<16xf32>,
      %get3A_117 = arith.constant 3 : i32
      %get3A_118 = arith.index_cast %get3A_117 : i32 to index
      %get3A_119 = arith.constant 0 : index
      %get3A_120 = tpu.vector_load %arg9[%get3A_118, %get3A_119] {strides = array<i32>} : memref<8x16xf32, #tpu.memory_space<vmem>>, vector<16xf32>,
      %get3A_121 = arith.constant 4 : i32
      %get3A_122 = arith.index_cast %get3A_121 : i32 to index
      %get3A_123 = arith.constant 0 : index
      %get3A_124 = tpu.vector_load %arg9[%get3A_122, %get3A_123] {strides = array<i32>} : memref<8x16xf32, #tpu.memory_space<vmem>>, vector<16xf32>,
      %get3A_125 = arith.constant 5 : i32
      %get3A_126 = arith.index_cast %get3A_125 : i32 to index
      %get3A_127 = arith.constant 0 : index
      %get3A_128 = tpu.vector_load %arg9[%get3A_126, %get3A_127] {strides = array<i32>} : memref<8x16xf32, #tpu.memory_space<vmem>>, vector<16xf32>,
      %get3A_129 = arith.constant 6 : i32
      %get3A_130 = arith.index_cast %get3A_129 : i32 to index
      %get3A_131 = arith.constant 0 : index
      %get3A_132 = tpu.vector_load %arg9[%get3A_130, %get3A_131] {strides = array<i32>} : memref<8x16xf32, #tpu.memory_space<vmem>>, vector<16xf32>,
      %get3A_133 = arith.constant 7 : i32
      %get3A_134 = arith.index_cast %get3A_133 : i32 to index
      %get3A_135 = arith.constant 0 : index
      %get3A_136 = tpu.vector_load %arg9[%get3A_134, %get3A_135] {strides = array<i32>} : memref<8x16xf32, #tpu.memory_space<vmem>>, vector<16xf32>,
      %scan3A_137 = arith.constant 0 : i32
      %scan3A_138 = arith.constant 16 : i32
      %scan3A_139 = arith.addi %scan3A_137, %scan3A_138 : i32
      %scan3A_140 = arith.constant 1 : i32
      scf.for %scan3A_234 = %scan3A_137 to %scan3A_139 step %scan3A_140  : i32 {
        %mul3A_235 = arith.constant 1 : i32
        %mul3A_236 = arith.muli %scan3A_234, %mul3A_235 : i32
        %add3A_237 = arith.constant 0 : i32
        %add3A_238 = arith.addi %add3A_237, %mul3A_236 : i32
        %broadcast_in_dim3A_239 = vector.broadcast %add3A_238 : i32 to vector<16xi32>
        %broadcast_in_dim3A_240 = vector.shape_cast %broadcast_in_dim3A_239 : vector<16xi32> to vector<16x1xi32>
        %gather3A = vector.shape_cast %broadcast_in_dim3A_240 : vector<16x1xi32> to vector<16xi32>
        %gather3A_241 = tpu.dynamic_gather %get3A_108[%gather3A] in [0] : vector<16xf32>, vector<16xi32> -> vector<16xf32>
        %broadcast_in_dim3A_242 = vector.shape_cast %broadcast_in_dim3A_239 : vector<16xi32> to vector<16x1xi32>
        %gather3A_243 = vector.shape_cast %broadcast_in_dim3A_242 : vector<16x1xi32> to vector<16xi32>
        %gather3A_244 = tpu.dynamic_gather %get3A_112[%gather3A_243] in [0] : vector<16xf32>, vector<16xi32> -> vector<16xf32>
        %broadcast_in_dim3A_245 = vector.shape_cast %broadcast_in_dim3A_239 : vector<16xi32> to vector<16x1xi32>
        %gather3A_246 = vector.shape_cast %broadcast_in_dim3A_245 : vector<16x1xi32> to vector<16xi32>
        %gather3A_247 = tpu.dynamic_gather %get3A_116[%gather3A_246] in [0] : vector<16xf32>, vector<16xi32> -> vector<16xf32>
        %broadcast_in_dim3A_248 = vector.shape_cast %broadcast_in_dim3A_239 : vector<16xi32> to vector<16x1xi32>
        %gather3A_249 = vector.shape_cast %broadcast_in_dim3A_248 : vector<16x1xi32> to vector<16xi32>
        %gather3A_250 = tpu.dynamic_gather %get3A_120[%gather3A_249] in [0] : vector<16xf32>, vector<16xi32> -> vector<16xf32>
        %broadcast_in_dim3A_251 = vector.shape_cast %broadcast_in_dim3A_239 : vector<16xi32> to vector<16x1xi32>
        %gather3A_252 = vector.shape_cast %broadcast_in_dim3A_251 : vector<16x1xi32> to vector<16xi32>
        %gather3A_253 = tpu.dynamic_gather %get3A_124[%gather3A_252] in [0] : vector<16xf32>, vector<16xi32> -> vector<16xf32>
        %broadcast_in_dim3A_254 = vector.shape_cast %broadcast_in_dim3A_239 : vector<16xi32> to vector<16x1xi32>
        %gather3A_255 = vector.shape_cast %broadcast_in_dim3A_254 : vector<16x1xi32> to vector<16xi32>
        %gather3A_256 = tpu.dynamic_gather %get3A_128[%gather3A_255] in [0] : vector<16xf32>, vector<16xi32> -> vector<16xf32>
        %broadcast_in_dim3A_257 = vector.shape_cast %broadcast_in_dim3A_239 : vector<16xi32> to vector<16x1xi32>
        %gather3A_258 = vector.shape_cast %broadcast_in_dim3A_257 : vector<16x1xi32> to vector<16xi32>
        %gather3A_259 = tpu.dynamic_gather %get3A_132[%gather3A_258] in [0] : vector<16xf32>, vector<16xi32> -> vector<16xf32>
        %broadcast_in_dim3A_260 = vector.shape_cast %broadcast_in_dim3A_239 : vector<16xi32> to vector<16x1xi32>
        %gather3A_261 = vector.shape_cast %broadcast_in_dim3A_260 : vector<16x1xi32> to vector<16xi32>
        %gather3A_262 = tpu.dynamic_gather %get3A_136[%gather3A_261] in [0] : vector<16xf32>, vector<16xi32> -> vector<16xf32>
        %gt3A = arith.cmpf ogt, %gather3A_262, %gather3A_259 : vector<16xf32>
        %select_n3A = arith.select %gt3A, %gather3A_262, %sub3A_5 : vector<16xi1>, vector<16xf32>
        %mul3A_263 = arith.constant 192 : i32
        %mul3A_264 = arith.muli %add3A_238, %mul3A_263 : i32
        %add3A_265 = arith.addf %gather3A_259, %add3A_8 : vector<16xf32>
        %add3A_266 = arith.constant 1.000000e+00 : f32
        %add3A_267 = vector.broadcast %add3A_266 : f32 to vector<16xf32>
        %add3A_268 = arith.addf %add3A_265, %add3A_267 : vector<16xf32>
        %add3A_269 = arith.addf %add3A_265, %add3A_268 : vector<16xf32>
        %mul3A_270 = arith.constant 5.000000e-01 : f32
        %mul3A_271 = vector.broadcast %mul3A_270 : f32 to vector<16xf32>
        %mul3A_272 = arith.mulf %add3A_269, %mul3A_271 : vector<16xf32>
        %mul3A_273 = arith.mulf %gather3A_250, %mul3A_272 : vector<16xf32>
        %add3A_274 = arith.addf %gather3A_241, %mul3A_273 : vector<16xf32>
        %sub3A_275 = arith.constant -6.400000e+01 : f32
        %sub3A_276 = vector.broadcast %sub3A_275 : f32 to vector<16xf32>
        %sub3A_277 = arith.subf %add3A_274, %sub3A_276 : vector<16xf32>
        %mul3A_278 = arith.mulf %gather3A_253, %mul3A_272 : vector<16xf32>
        %add3A_279 = arith.addf %gather3A_244, %mul3A_278 : vector<16xf32>
        %sub3A_280 = arith.constant -6.400000e+01 : f32
        %sub3A_281 = vector.broadcast %sub3A_280 : f32 to vector<16xf32>
        %sub3A_282 = arith.subf %add3A_279, %sub3A_281 : vector<16xf32>
        %mul3A_283 = arith.mulf %gather3A_256, %mul3A_272 : vector<16xf32>
        %add3A_284 = arith.addf %gather3A_247, %mul3A_283 : vector<16xf32>
        %sub3A_285 = arith.constant -6.400000e+01 : f32
        %sub3A_286 = vector.broadcast %sub3A_285 : f32 to vector<16xf32>
        %sub3A_287 = arith.subf %add3A_284, %sub3A_286 : vector<16xf32>
        %max3A = arith.constant 0.000000e+00 : f32
        %max3A_288 = vector.broadcast %max3A : f32 to vector<16xf32>
        %max3A_289 = arith.maximumf %sub3A_277, %max3A_288 : vector<16xf32>
        %min3A = arith.constant 1.270000e+02 : f32
        %min3A_290 = vector.broadcast %min3A : f32 to vector<16xf32>
        %min3A_291 = arith.minimumf %max3A_289, %min3A_290 : vector<16xf32>
        %max3A_292 = arith.constant 0.000000e+00 : f32
        %max3A_293 = vector.broadcast %max3A_292 : f32 to vector<16xf32>
        %max3A_294 = arith.maximumf %sub3A_282, %max3A_293 : vector<16xf32>
        %min3A_295 = arith.constant 1.270000e+02 : f32
        %min3A_296 = vector.broadcast %min3A_295 : f32 to vector<16xf32>
        %min3A_297 = arith.minimumf %max3A_294, %min3A_296 : vector<16xf32>
        %max3A_298 = arith.constant 0.000000e+00 : f32
        %max3A_299 = vector.broadcast %max3A_298 : f32 to vector<16xf32>
        %max3A_300 = arith.maximumf %sub3A_287, %max3A_299 : vector<16xf32>
        %min3A_301 = arith.constant 1.270000e+02 : f32
        %min3A_302 = vector.broadcast %min3A_301 : f32 to vector<16xf32>
        %min3A_303 = arith.minimumf %max3A_300, %min3A_302 : vector<16xf32>
        %convert_element_type3A_304 = arith.fptosi %min3A_291 : vector<16xf32> to vector<16xi32>
        %mul3A_305 = arith.constant 128 : i32
        %mul3A_306 = vector.broadcast %mul3A_305 : i32 to vector<16xi32>
        %mul3A_307 = arith.muli %convert_element_type3A_304, %mul3A_306 : vector<16xi32>
        %convert_element_type3A_308 = arith.fptosi %min3A_297 : vector<16xf32> to vector<16xi32>
        %add3A_309 = arith.addi %mul3A_307, %convert_element_type3A_308 : vector<16xi32>
        %mul3A_310 = arith.constant 128 : i32
        %mul3A_311 = vector.broadcast %mul3A_310 : i32 to vector<16xi32>
        %mul3A_312 = arith.muli %add3A_309, %mul3A_311 : vector<16xi32>
        %convert_element_type3A_313 = arith.fptosi %min3A_303 : vector<16xf32> to vector<16xi32>
        %add3A_314 = arith.addi %mul3A_312, %convert_element_type3A_313 : vector<16xi32>
        %shift_right_logical3A = arith.constant 5 : i32
        %shift_right_logical3A_315 = vector.broadcast %shift_right_logical3A : i32 to vector<16xi32>
        %shift_right_logical3A_316 = arith.shrui %add3A_314, %shift_right_logical3A_315 : vector<16xi32>
        %and3A = arith.constant 31 : i32
        %and3A_317 = vector.broadcast %and3A : i32 to vector<16xi32>
        %and3A_318 = arith.andi %add3A_314, %and3A_317 : vector<16xi32>
        %gather3A_319 = tpu.vector_load_idx %arg8[%shift_right_logical3A_316] : memref<65536xi32, #tpu.memory_space<vmem>>[vector<16xi32>], vector<16xi32>,
        %shift_right_logical3A_320 = arith.shrui %gather3A_319, %and3A_318 : vector<16xi32>
        %and3A_321 = arith.constant 1 : i32
        %and3A_322 = vector.broadcast %and3A_321 : i32 to vector<16xi32>
        %and3A_323 = arith.andi %shift_right_logical3A_320, %and3A_322 : vector<16xi32>
        %eq3A = arith.constant 1 : i32
        %eq3A_324 = vector.broadcast %eq3A : i32 to vector<16xi32>
        %eq3A_325 = arith.cmpi eq, %and3A_323, %eq3A_324 : vector<16xi32>
        %le3A_326 = arith.cmpf ole, %add3A_268, %select_n3A : vector<16xf32>
        %and3A_327 = arith.andi %le3A_326, %eq3A_325 : vector<16xi1>
        %jit3A = arith.constant 1.000000e+00 : f32
        %jit3A_328 = arith.constant 0.000000e+00 : f32
        %broadcast_in_dim3A_329 = vector.broadcast %jit3A : f32 to vector<16xf32>
        %broadcast_in_dim3A_330 = vector.broadcast %jit3A_328 : f32 to vector<16xf32>
        %select_n3A_331 = arith.select %and3A_327, %broadcast_in_dim3A_329, %broadcast_in_dim3A_330 : vector<16xi1>, vector<16xf32>
        %add3A_332 = arith.constant 0 : i32
        %add3A_333 = arith.addi %mul3A_264, %add3A_332 : i32
        %shift_right_logical3A_334 = arith.constant 7 : i32
        %shift_right_logical3A_335 = arith.shrui %add3A_333, %shift_right_logical3A_334 : i32
        %mul3A_336 = arith.constant 512 : i32
        %mul3A_337 = arith.muli %shift_right_logical3A_335, %mul3A_336 : i32
        %and3A_338 = arith.constant 127 : i32
        %and3A_339 = arith.andi %add3A_333, %and3A_338 : i32
        %add3A_340 = arith.addi %mul3A_337, %and3A_339 : i32
        %mul3A_341 = arith.mulf %add3A_265, %select_n3A_331 : vector<16xf32>
        %swap3A = arith.index_cast %add3A_333 : i32 to index
        %swap3A_342 = tpu.vector_load %arg15[%swap3A] {strides = array<i32>} : memref<3072xf32, #tpu.memory_space<vmem>>, vector<16xf32>,
        tpu.vector_store %arg15[%swap3A], %mul3A_341 {strides = array<i32>} : memref<3072xf32, #tpu.memory_space<vmem>>, vector<16xf32>,
        %mul3A_343 = arith.mulf %add3A_268, %select_n3A_331 : vector<16xf32>
        %swap3A_344 = arith.index_cast %add3A_333 : i32 to index
        %swap3A_345 = tpu.vector_load %arg17[%swap3A_344] {strides = array<i32>} : memref<3072xf32, #tpu.memory_space<vmem>>, vector<16xf32>,
        tpu.vector_store %arg17[%swap3A_344], %mul3A_343 {strides = array<i32>} : memref<3072xf32, #tpu.memory_space<vmem>>, vector<16xf32>,
        %mul3A_346 = arith.mulf %gather3A_241, %select_n3A_331 : vector<16xf32>
        %swap3A_347 = arith.index_cast %add3A_340 : i32 to index
        %swap3A_348 = tpu.vector_load %arg11[%swap3A_347] {strides = array<i32>} : memref<12288xf32, #tpu.memory_space<vmem>>, vector<16xf32>,
        tpu.vector_store %arg11[%swap3A_347], %mul3A_346 {strides = array<i32>} : memref<12288xf32, #tpu.memory_space<vmem>>, vector<16xf32>,
        %mul3A_349 = arith.mulf %gather3A_244, %select_n3A_331 : vector<16xf32>
        %add3A_350 = arith.constant 128 : i32
        %add3A_351 = arith.addi %add3A_340, %add3A_350 : i32
        %swap3A_352 = arith.index_cast %add3A_351 : i32 to index
        %swap3A_353 = tpu.vector_load %arg11[%swap3A_352] {strides = array<i32>} : memref<12288xf32, #tpu.memory_space<vmem>>, vector<16xf32>,
        tpu.vector_store %arg11[%swap3A_352], %mul3A_349 {strides = array<i32>} : memref<12288xf32, #tpu.memory_space<vmem>>, vector<16xf32>,
        %mul3A_354 = arith.mulf %gather3A_247, %select_n3A_331 : vector<16xf32>
        %add3A_355 = arith.constant 256 : i32
        %add3A_356 = arith.addi %add3A_340, %add3A_355 : i32
        %swap3A_357 = arith.index_cast %add3A_356 : i32 to index
        %swap3A_358 = tpu.vector_load %arg11[%swap3A_357] {strides = array<i32>} : memref<12288xf32, #tpu.memory_space<vmem>>, vector<16xf32>,
        tpu.vector_store %arg11[%swap3A_357], %mul3A_354 {strides = array<i32>} : memref<12288xf32, #tpu.memory_space<vmem>>, vector<16xf32>,
        %mul3A_359 = arith.mulf %gather3A_250, %select_n3A_331 : vector<16xf32>
        %swap3A_360 = arith.index_cast %add3A_340 : i32 to index
        %swap3A_361 = tpu.vector_load %arg13[%swap3A_360] {strides = array<i32>} : memref<12288xf32, #tpu.memory_space<vmem>>, vector<16xf32>,
        tpu.vector_store %arg13[%swap3A_360], %mul3A_359 {strides = array<i32>} : memref<12288xf32, #tpu.memory_space<vmem>>, vector<16xf32>,
        %mul3A_362 = arith.mulf %gather3A_253, %select_n3A_331 : vector<16xf32>
        %add3A_363 = arith.constant 128 : i32
        %add3A_364 = arith.addi %add3A_340, %add3A_363 : i32
        %swap3A_365 = arith.index_cast %add3A_364 : i32 to index
        %swap3A_366 = tpu.vector_load %arg13[%swap3A_365] {strides = array<i32>} : memref<12288xf32, #tpu.memory_space<vmem>>, vector<16xf32>,
        tpu.vector_store %arg13[%swap3A_365], %mul3A_362 {strides = array<i32>} : memref<12288xf32, #tpu.memory_space<vmem>>, vector<16xf32>,
        %mul3A_367 = arith.mulf %gather3A_256, %select_n3A_331 : vector<16xf32>
        %add3A_368 = arith.constant 256 : i32
        %add3A_369 = arith.addi %add3A_340, %add3A_368 : i32
        %swap3A_370 = arith.index_cast %add3A_369 : i32 to index
        %swap3A_371 = tpu.vector_load %arg13[%swap3A_370] {strides = array<i32>} : memref<12288xf32, #tpu.memory_space<vmem>>, vector<16xf32>,
        tpu.vector_store %arg13[%swap3A_370], %mul3A_367 {strides = array<i32>} : memref<12288xf32, #tpu.memory_space<vmem>>, vector<16xf32>,
        %add3A_372 = arith.addf %gather3A_259, %add3A_11 : vector<16xf32>
        %add3A_373 = arith.constant 1.000000e+00 : f32
        %add3A_374 = vector.broadcast %add3A_373 : f32 to vector<16xf32>
        %add3A_375 = arith.addf %add3A_372, %add3A_374 : vector<16xf32>
        %add3A_376 = arith.addf %add3A_372, %add3A_375 : vector<16xf32>
        %mul3A_377 = arith.constant 5.000000e-01 : f32
        %mul3A_378 = vector.broadcast %mul3A_377 : f32 to vector<16xf32>
        %mul3A_379 = arith.mulf %add3A_376, %mul3A_378 : vector<16xf32>
        %mul3A_380 = arith.mulf %gather3A_250, %mul3A_379 : vector<16xf32>
        %add3A_381 = arith.addf %gather3A_241, %mul3A_380 : vector<16xf32>
        %sub3A_382 = arith.constant -6.400000e+01 : f32
        %sub3A_383 = vector.broadcast %sub3A_382 : f32 to vector<16xf32>
        %sub3A_384 = arith.subf %add3A_381, %sub3A_383 : vector<16xf32>
        %mul3A_385 = arith.mulf %gather3A_253, %mul3A_379 : vector<16xf32>
        %add3A_386 = arith.addf %gather3A_244, %mul3A_385 : vector<16xf32>
        %sub3A_387 = arith.constant -6.400000e+01 : f32
        %sub3A_388 = vector.broadcast %sub3A_387 : f32 to vector<16xf32>
        %sub3A_389 = arith.subf %add3A_386, %sub3A_388 : vector<16xf32>
        %mul3A_390 = arith.mulf %gather3A_256, %mul3A_379 : vector<16xf32>
        %add3A_391 = arith.addf %gather3A_247, %mul3A_390 : vector<16xf32>
        %sub3A_392 = arith.constant -6.400000e+01 : f32
        %sub3A_393 = vector.broadcast %sub3A_392 : f32 to vector<16xf32>
        %sub3A_394 = arith.subf %add3A_391, %sub3A_393 : vector<16xf32>
        %max3A_395 = arith.constant 0.000000e+00 : f32
        %max3A_396 = vector.broadcast %max3A_395 : f32 to vector<16xf32>
        %max3A_397 = arith.maximumf %sub3A_384, %max3A_396 : vector<16xf32>
        %min3A_398 = arith.constant 1.270000e+02 : f32
        %min3A_399 = vector.broadcast %min3A_398 : f32 to vector<16xf32>
        %min3A_400 = arith.minimumf %max3A_397, %min3A_399 : vector<16xf32>
        %max3A_401 = arith.constant 0.000000e+00 : f32
        %max3A_402 = vector.broadcast %max3A_401 : f32 to vector<16xf32>
        %max3A_403 = arith.maximumf %sub3A_389, %max3A_402 : vector<16xf32>
        %min3A_404 = arith.constant 1.270000e+02 : f32
        %min3A_405 = vector.broadcast %min3A_404 : f32 to vector<16xf32>
        %min3A_406 = arith.minimumf %max3A_403, %min3A_405 : vector<16xf32>
        %max3A_407 = arith.constant 0.000000e+00 : f32
        %max3A_408 = vector.broadcast %max3A_407 : f32 to vector<16xf32>
        %max3A_409 = arith.maximumf %sub3A_394, %max3A_408 : vector<16xf32>
        %min3A_410 = arith.constant 1.270000e+02 : f32
        %min3A_411 = vector.broadcast %min3A_410 : f32 to vector<16xf32>
        %min3A_412 = arith.minimumf %max3A_409, %min3A_411 : vector<16xf32>
        %convert_element_type3A_413 = arith.fptosi %min3A_400 : vector<16xf32> to vector<16xi32>
        %mul3A_414 = arith.constant 128 : i32
        %mul3A_415 = vector.broadcast %mul3A_414 : i32 to vector<16xi32>
        %mul3A_416 = arith.muli %convert_element_type3A_413, %mul3A_415 : vector<16xi32>
        %convert_element_type3A_417 = arith.fptosi %min3A_406 : vector<16xf32> to vector<16xi32>
        %add3A_418 = arith.addi %mul3A_416, %convert_element_type3A_417 : vector<16xi32>
        %mul3A_419 = arith.constant 128 : i32
        %mul3A_420 = vector.broadcast %mul3A_419 : i32 to vector<16xi32>
        %mul3A_421 = arith.muli %add3A_418, %mul3A_420 : vector<16xi32>
        %convert_element_type3A_422 = arith.fptosi %min3A_412 : vector<16xf32> to vector<16xi32>
        %add3A_423 = arith.addi %mul3A_421, %convert_element_type3A_422 : vector<16xi32>
        %shift_right_logical3A_424 = arith.constant 5 : i32
        %shift_right_logical3A_425 = vector.broadcast %shift_right_logical3A_424 : i32 to vector<16xi32>
        %shift_right_logical3A_426 = arith.shrui %add3A_423, %shift_right_logical3A_425 : vector<16xi32>
        %and3A_427 = arith.constant 31 : i32
        %and3A_428 = vector.broadcast %and3A_427 : i32 to vector<16xi32>
        %and3A_429 = arith.andi %add3A_423, %and3A_428 : vector<16xi32>
        %gather3A_430 = tpu.vector_load_idx %arg8[%shift_right_logical3A_426] : memref<65536xi32, #tpu.memory_space<vmem>>[vector<16xi32>], vector<16xi32>,
        %shift_right_logical3A_431 = arith.shrui %gather3A_430, %and3A_429 : vector<16xi32>
        %and3A_432 = arith.constant 1 : i32
        %and3A_433 = vector.broadcast %and3A_432 : i32 to vector<16xi32>
        %and3A_434 = arith.andi %shift_right_logical3A_431, %and3A_433 : vector<16xi32>
        %eq3A_435 = arith.constant 1 : i32
        %eq3A_436 = vector.broadcast %eq3A_435 : i32 to vector<16xi32>
        %eq3A_437 = arith.cmpi eq, %and3A_434, %eq3A_436 : vector<16xi32>
        %le3A_438 = arith.cmpf ole, %add3A_375, %select_n3A : vector<16xf32>
        %and3A_439 = arith.andi %le3A_438, %eq3A_437 : vector<16xi1>
        %jit3A_440 = arith.constant 1.000000e+00 : f32
        %jit3A_441 = arith.constant 0.000000e+00 : f32
        %broadcast_in_dim3A_442 = vector.broadcast %jit3A_440 : f32 to vector<16xf32>
        %broadcast_in_dim3A_443 = vector.broadcast %jit3A_441 : f32 to vector<16xf32>
        %select_n3A_444 = arith.select %and3A_439, %broadcast_in_dim3A_442, %broadcast_in_dim3A_443 : vector<16xi1>, vector<16xf32>
        %add3A_445 = arith.constant 16 : i32
        %add3A_446 = arith.addi %mul3A_264, %add3A_445 : i32
        %shift_right_logical3A_447 = arith.constant 7 : i32
        %shift_right_logical3A_448 = arith.shrui %add3A_446, %shift_right_logical3A_447 : i32
        %mul3A_449 = arith.constant 512 : i32
        %mul3A_450 = arith.muli %shift_right_logical3A_448, %mul3A_449 : i32
        %and3A_451 = arith.constant 127 : i32
        %and3A_452 = arith.andi %add3A_446, %and3A_451 : i32
        %add3A_453 = arith.addi %mul3A_450, %and3A_452 : i32
        %mul3A_454 = arith.mulf %add3A_372, %select_n3A_444 : vector<16xf32>
        %swap3A_455 = arith.index_cast %add3A_446 : i32 to index
        %swap3A_456 = tpu.vector_load %arg15[%swap3A_455] {strides = array<i32>} : memref<3072xf32, #tpu.memory_space<vmem>>, vector<16xf32>,
        tpu.vector_store %arg15[%swap3A_455], %mul3A_454 {strides = array<i32>} : memref<3072xf32, #tpu.memory_space<vmem>>, vector<16xf32>,
        %mul3A_457 = arith.mulf %add3A_375, %select_n3A_444 : vector<16xf32>
        %swap3A_458 = arith.index_cast %add3A_446 : i32 to index
        %swap3A_459 = tpu.vector_load %arg17[%swap3A_458] {strides = array<i32>} : memref<3072xf32, #tpu.memory_space<vmem>>, vector<16xf32>,
        tpu.vector_store %arg17[%swap3A_458], %mul3A_457 {strides = array<i32>} : memref<3072xf32, #tpu.memory_space<vmem>>, vector<16xf32>,
        %mul3A_460 = arith.mulf %gather3A_241, %select_n3A_444 : vector<16xf32>
        %swap3A_461 = arith.index_cast %add3A_453 : i32 to index
        %swap3A_462 = tpu.vector_load %arg11[%swap3A_461] {strides = array<i32>} : memref<12288xf32, #tpu.memory_space<vmem>>, vector<16xf32>,
        tpu.vector_store %arg11[%swap3A_461], %mul3A_460 {strides = array<i32>} : memref<12288xf32, #tpu.memory_space<vmem>>, vector<16xf32>,
        %mul3A_463 = arith.mulf %gather3A_244, %select_n3A_444 : vector<16xf32>
        %add3A_464 = arith.constant 128 : i32
        %add3A_465 = arith.addi %add3A_453, %add3A_464 : i32
        %swap3A_466 = arith.index_cast %add3A_465 : i32 to index
        %swap3A_467 = tpu.vector_load %arg11[%swap3A_466] {strides = array<i32>} : memref<12288xf32, #tpu.memory_space<vmem>>, vector<16xf32>,
        tpu.vector_store %arg11[%swap3A_466], %mul3A_463 {strides = array<i32>} : memref<12288xf32, #tpu.memory_space<vmem>>, vector<16xf32>,
        %mul3A_468 = arith.mulf %gather3A_247, %select_n3A_444 : vector<16xf32>
        %add3A_469 = arith.constant 256 : i32
        %add3A_470 = arith.addi %add3A_453, %add3A_469 : i32
        %swap3A_471 = arith.index_cast %add3A_470 : i32 to index
        %swap3A_472 = tpu.vector_load %arg11[%swap3A_471] {strides = array<i32>} : memref<12288xf32, #tpu.memory_space<vmem>>, vector<16xf32>,
        tpu.vector_store %arg11[%swap3A_471], %mul3A_468 {strides = array<i32>} : memref<12288xf32, #tpu.memory_space<vmem>>, vector<16xf32>,
        %mul3A_473 = arith.mulf %gather3A_250, %select_n3A_444 : vector<16xf32>
        %swap3A_474 = arith.index_cast %add3A_453 : i32 to index
        %swap3A_475 = tpu.vector_load %arg13[%swap3A_474] {strides = array<i32>} : memref<12288xf32, #tpu.memory_space<vmem>>, vector<16xf32>,
        tpu.vector_store %arg13[%swap3A_474], %mul3A_473 {strides = array<i32>} : memref<12288xf32, #tpu.memory_space<vmem>>, vector<16xf32>,
        %mul3A_476 = arith.mulf %gather3A_253, %select_n3A_444 : vector<16xf32>
        %add3A_477 = arith.constant 128 : i32
        %add3A_478 = arith.addi %add3A_453, %add3A_477 : i32
        %swap3A_479 = arith.index_cast %add3A_478 : i32 to index
        %swap3A_480 = tpu.vector_load %arg13[%swap3A_479] {strides = array<i32>} : memref<12288xf32, #tpu.memory_space<vmem>>, vector<16xf32>,
        tpu.vector_store %arg13[%swap3A_479], %mul3A_476 {strides = array<i32>} : memref<12288xf32, #tpu.memory_space<vmem>>, vector<16xf32>,
        %mul3A_481 = arith.mulf %gather3A_256, %select_n3A_444 : vector<16xf32>
        %add3A_482 = arith.constant 256 : i32
        %add3A_483 = arith.addi %add3A_453, %add3A_482 : i32
        %swap3A_484 = arith.index_cast %add3A_483 : i32 to index
        %swap3A_485 = tpu.vector_load %arg13[%swap3A_484] {strides = array<i32>} : memref<12288xf32, #tpu.memory_space<vmem>>, vector<16xf32>,
        tpu.vector_store %arg13[%swap3A_484], %mul3A_481 {strides = array<i32>} : memref<12288xf32, #tpu.memory_space<vmem>>, vector<16xf32>,
        %add3A_486 = arith.addf %gather3A_259, %add3A_14 : vector<16xf32>
        %add3A_487 = arith.constant 1.000000e+00 : f32
        %add3A_488 = vector.broadcast %add3A_487 : f32 to vector<16xf32>
        %add3A_489 = arith.addf %add3A_486, %add3A_488 : vector<16xf32>
        %add3A_490 = arith.addf %add3A_486, %add3A_489 : vector<16xf32>
        %mul3A_491 = arith.constant 5.000000e-01 : f32
        %mul3A_492 = vector.broadcast %mul3A_491 : f32 to vector<16xf32>
        %mul3A_493 = arith.mulf %add3A_490, %mul3A_492 : vector<16xf32>
        %mul3A_494 = arith.mulf %gather3A_250, %mul3A_493 : vector<16xf32>
        %add3A_495 = arith.addf %gather3A_241, %mul3A_494 : vector<16xf32>
        %sub3A_496 = arith.constant -6.400000e+01 : f32
        %sub3A_497 = vector.broadcast %sub3A_496 : f32 to vector<16xf32>
        %sub3A_498 = arith.subf %add3A_495, %sub3A_497 : vector<16xf32>
        %mul3A_499 = arith.mulf %gather3A_253, %mul3A_493 : vector<16xf32>
        %add3A_500 = arith.addf %gather3A_244, %mul3A_499 : vector<16xf32>
        %sub3A_501 = arith.constant -6.400000e+01 : f32
        %sub3A_502 = vector.broadcast %sub3A_501 : f32 to vector<16xf32>
        %sub3A_503 = arith.subf %add3A_500, %sub3A_502 : vector<16xf32>
        %mul3A_504 = arith.mulf %gather3A_256, %mul3A_493 : vector<16xf32>
        %add3A_505 = arith.addf %gather3A_247, %mul3A_504 : vector<16xf32>
        %sub3A_506 = arith.constant -6.400000e+01 : f32
        %sub3A_507 = vector.broadcast %sub3A_506 : f32 to vector<16xf32>
        %sub3A_508 = arith.subf %add3A_505, %sub3A_507 : vector<16xf32>
        %max3A_509 = arith.constant 0.000000e+00 : f32
        %max3A_510 = vector.broadcast %max3A_509 : f32 to vector<16xf32>
        %max3A_511 = arith.maximumf %sub3A_498, %max3A_510 : vector<16xf32>
        %min3A_512 = arith.constant 1.270000e+02 : f32
        %min3A_513 = vector.broadcast %min3A_512 : f32 to vector<16xf32>
        %min3A_514 = arith.minimumf %max3A_511, %min3A_513 : vector<16xf32>
        %max3A_515 = arith.constant 0.000000e+00 : f32
        %max3A_516 = vector.broadcast %max3A_515 : f32 to vector<16xf32>
        %max3A_517 = arith.maximumf %sub3A_503, %max3A_516 : vector<16xf32>
        %min3A_518 = arith.constant 1.270000e+02 : f32
        %min3A_519 = vector.broadcast %min3A_518 : f32 to vector<16xf32>
        %min3A_520 = arith.minimumf %max3A_517, %min3A_519 : vector<16xf32>
        %max3A_521 = arith.constant 0.000000e+00 : f32
        %max3A_522 = vector.broadcast %max3A_521 : f32 to vector<16xf32>
        %max3A_523 = arith.maximumf %sub3A_508, %max3A_522 : vector<16xf32>
        %min3A_524 = arith.constant 1.270000e+02 : f32
        %min3A_525 = vector.broadcast %min3A_524 : f32 to vector<16xf32>
        %min3A_526 = arith.minimumf %max3A_523, %min3A_525 : vector<16xf32>
        %convert_element_type3A_527 = arith.fptosi %min3A_514 : vector<16xf32> to vector<16xi32>
        %mul3A_528 = arith.constant 128 : i32
        %mul3A_529 = vector.broadcast %mul3A_528 : i32 to vector<16xi32>
        %mul3A_530 = arith.muli %convert_element_type3A_527, %mul3A_529 : vector<16xi32>
        %convert_element_type3A_531 = arith.fptosi %min3A_520 : vector<16xf32> to vector<16xi32>
        %add3A_532 = arith.addi %mul3A_530, %convert_element_type3A_531 : vector<16xi32>
        %mul3A_533 = arith.constant 128 : i32
        %mul3A_534 = vector.broadcast %mul3A_533 : i32 to vector<16xi32>
        %mul3A_535 = arith.muli %add3A_532, %mul3A_534 : vector<16xi32>
        %convert_element_type3A_536 = arith.fptosi %min3A_526 : vector<16xf32> to vector<16xi32>
        %add3A_537 = arith.addi %mul3A_535, %convert_element_type3A_536 : vector<16xi32>
        %shift_right_logical3A_538 = arith.constant 5 : i32
        %shift_right_logical3A_539 = vector.broadcast %shift_right_logical3A_538 : i32 to vector<16xi32>
        %shift_right_logical3A_540 = arith.shrui %add3A_537, %shift_right_logical3A_539 : vector<16xi32>
        %and3A_541 = arith.constant 31 : i32
        %and3A_542 = vector.broadcast %and3A_541 : i32 to vector<16xi32>
        %and3A_543 = arith.andi %add3A_537, %and3A_542 : vector<16xi32>
        %gather3A_544 = tpu.vector_load_idx %arg8[%shift_right_logical3A_540] : memref<65536xi32, #tpu.memory_space<vmem>>[vector<16xi32>], vector<16xi32>,
        %shift_right_logical3A_545 = arith.shrui %gather3A_544, %and3A_543 : vector<16xi32>
        %and3A_546 = arith.constant 1 : i32
        %and3A_547 = vector.broadcast %and3A_546 : i32 to vector<16xi32>
        %and3A_548 = arith.andi %shift_right_logical3A_545, %and3A_547 : vector<16xi32>
        %eq3A_549 = arith.constant 1 : i32
        %eq3A_550 = vector.broadcast %eq3A_549 : i32 to vector<16xi32>
        %eq3A_551 = arith.cmpi eq, %and3A_548, %eq3A_550 : vector<16xi32>
        %le3A_552 = arith.cmpf ole, %add3A_489, %select_n3A : vector<16xf32>
        %and3A_553 = arith.andi %le3A_552, %eq3A_551 : vector<16xi1>
        %jit3A_554 = arith.constant 1.000000e+00 : f32
        %jit3A_555 = arith.constant 0.000000e+00 : f32
        %broadcast_in_dim3A_556 = vector.broadcast %jit3A_554 : f32 to vector<16xf32>
        %broadcast_in_dim3A_557 = vector.broadcast %jit3A_555 : f32 to vector<16xf32>
        %select_n3A_558 = arith.select %and3A_553, %broadcast_in_dim3A_556, %broadcast_in_dim3A_557 : vector<16xi1>, vector<16xf32>
        %add3A_559 = arith.constant 32 : i32
        %add3A_560 = arith.addi %mul3A_264, %add3A_559 : i32
        %shift_right_logical3A_561 = arith.constant 7 : i32
        %shift_right_logical3A_562 = arith.shrui %add3A_560, %shift_right_logical3A_561 : i32
        %mul3A_563 = arith.constant 512 : i32
        %mul3A_564 = arith.muli %shift_right_logical3A_562, %mul3A_563 : i32
        %and3A_565 = arith.constant 127 : i32
        %and3A_566 = arith.andi %add3A_560, %and3A_565 : i32
        %add3A_567 = arith.addi %mul3A_564, %and3A_566 : i32
        %mul3A_568 = arith.mulf %add3A_486, %select_n3A_558 : vector<16xf32>
        %swap3A_569 = arith.index_cast %add3A_560 : i32 to index
        %swap3A_570 = tpu.vector_load %arg15[%swap3A_569] {strides = array<i32>} : memref<3072xf32, #tpu.memory_space<vmem>>, vector<16xf32>,
        tpu.vector_store %arg15[%swap3A_569], %mul3A_568 {strides = array<i32>} : memref<3072xf32, #tpu.memory_space<vmem>>, vector<16xf32>,
        %mul3A_571 = arith.mulf %add3A_489, %select_n3A_558 : vector<16xf32>
        %swap3A_572 = arith.index_cast %add3A_560 : i32 to index
        %swap3A_573 = tpu.vector_load %arg17[%swap3A_572] {strides = array<i32>} : memref<3072xf32, #tpu.memory_space<vmem>>, vector<16xf32>,
        tpu.vector_store %arg17[%swap3A_572], %mul3A_571 {strides = array<i32>} : memref<3072xf32, #tpu.memory_space<vmem>>, vector<16xf32>,
        %mul3A_574 = arith.mulf %gather3A_241, %select_n3A_558 : vector<16xf32>
        %swap3A_575 = arith.index_cast %add3A_567 : i32 to index
        %swap3A_576 = tpu.vector_load %arg11[%swap3A_575] {strides = array<i32>} : memref<12288xf32, #tpu.memory_space<vmem>>, vector<16xf32>,
        tpu.vector_store %arg11[%swap3A_575], %mul3A_574 {strides = array<i32>} : memref<12288xf32, #tpu.memory_space<vmem>>, vector<16xf32>,
        %mul3A_577 = arith.mulf %gather3A_244, %select_n3A_558 : vector<16xf32>
        %add3A_578 = arith.constant 128 : i32
        %add3A_579 = arith.addi %add3A_567, %add3A_578 : i32
        %swap3A_580 = arith.index_cast %add3A_579 : i32 to index
        %swap3A_581 = tpu.vector_load %arg11[%swap3A_580] {strides = array<i32>} : memref<12288xf32, #tpu.memory_space<vmem>>, vector<16xf32>,
        tpu.vector_store %arg11[%swap3A_580], %mul3A_577 {strides = array<i32>} : memref<12288xf32, #tpu.memory_space<vmem>>, vector<16xf32>,
        %mul3A_582 = arith.mulf %gather3A_247, %select_n3A_558 : vector<16xf32>
        %add3A_583 = arith.constant 256 : i32
        %add3A_584 = arith.addi %add3A_567, %add3A_583 : i32
        %swap3A_585 = arith.index_cast %add3A_584 : i32 to index
        %swap3A_586 = tpu.vector_load %arg11[%swap3A_585] {strides = array<i32>} : memref<12288xf32, #tpu.memory_space<vmem>>, vector<16xf32>,
        tpu.vector_store %arg11[%swap3A_585], %mul3A_582 {strides = array<i32>} : memref<12288xf32, #tpu.memory_space<vmem>>, vector<16xf32>,
        %mul3A_587 = arith.mulf %gather3A_250, %select_n3A_558 : vector<16xf32>
        %swap3A_588 = arith.index_cast %add3A_567 : i32 to index
        %swap3A_589 = tpu.vector_load %arg13[%swap3A_588] {strides = array<i32>} : memref<12288xf32, #tpu.memory_space<vmem>>, vector<16xf32>,
        tpu.vector_store %arg13[%swap3A_588], %mul3A_587 {strides = array<i32>} : memref<12288xf32, #tpu.memory_space<vmem>>, vector<16xf32>,
        %mul3A_590 = arith.mulf %gather3A_253, %select_n3A_558 : vector<16xf32>
        %add3A_591 = arith.constant 128 : i32
        %add3A_592 = arith.addi %add3A_567, %add3A_591 : i32
        %swap3A_593 = arith.index_cast %add3A_592 : i32 to index
        %swap3A_594 = tpu.vector_load %arg13[%swap3A_593] {strides = array<i32>} : memref<12288xf32, #tpu.memory_space<vmem>>, vector<16xf32>,
        tpu.vector_store %arg13[%swap3A_593], %mul3A_590 {strides = array<i32>} : memref<12288xf32, #tpu.memory_space<vmem>>, vector<16xf32>,
        %mul3A_595 = arith.mulf %gather3A_256, %select_n3A_558 : vector<16xf32>
        %add3A_596 = arith.constant 256 : i32
        %add3A_597 = arith.addi %add3A_567, %add3A_596 : i32
        %swap3A_598 = arith.index_cast %add3A_597 : i32 to index
        %swap3A_599 = tpu.vector_load %arg13[%swap3A_598] {strides = array<i32>} : memref<12288xf32, #tpu.memory_space<vmem>>, vector<16xf32>,
        tpu.vector_store %arg13[%swap3A_598], %mul3A_595 {strides = array<i32>} : memref<12288xf32, #tpu.memory_space<vmem>>, vector<16xf32>,
        %add3A_600 = arith.addf %gather3A_259, %add3A_17 : vector<16xf32>
        %add3A_601 = arith.constant 1.000000e+00 : f32
        %add3A_602 = vector.broadcast %add3A_601 : f32 to vector<16xf32>
        %add3A_603 = arith.addf %add3A_600, %add3A_602 : vector<16xf32>
        %add3A_604 = arith.addf %add3A_600, %add3A_603 : vector<16xf32>
        %mul3A_605 = arith.constant 5.000000e-01 : f32
        %mul3A_606 = vector.broadcast %mul3A_605 : f32 to vector<16xf32>
        %mul3A_607 = arith.mulf %add3A_604, %mul3A_606 : vector<16xf32>
        %mul3A_608 = arith.mulf %gather3A_250, %mul3A_607 : vector<16xf32>
        %add3A_609 = arith.addf %gather3A_241, %mul3A_608 : vector<16xf32>
        %sub3A_610 = arith.constant -6.400000e+01 : f32
        %sub3A_611 = vector.broadcast %sub3A_610 : f32 to vector<16xf32>
        %sub3A_612 = arith.subf %add3A_609, %sub3A_611 : vector<16xf32>
        %mul3A_613 = arith.mulf %gather3A_253, %mul3A_607 : vector<16xf32>
        %add3A_614 = arith.addf %gather3A_244, %mul3A_613 : vector<16xf32>
        %sub3A_615 = arith.constant -6.400000e+01 : f32
        %sub3A_616 = vector.broadcast %sub3A_615 : f32 to vector<16xf32>
        %sub3A_617 = arith.subf %add3A_614, %sub3A_616 : vector<16xf32>
        %mul3A_618 = arith.mulf %gather3A_256, %mul3A_607 : vector<16xf32>
        %add3A_619 = arith.addf %gather3A_247, %mul3A_618 : vector<16xf32>
        %sub3A_620 = arith.constant -6.400000e+01 : f32
        %sub3A_621 = vector.broadcast %sub3A_620 : f32 to vector<16xf32>
        %sub3A_622 = arith.subf %add3A_619, %sub3A_621 : vector<16xf32>
        %max3A_623 = arith.constant 0.000000e+00 : f32
        %max3A_624 = vector.broadcast %max3A_623 : f32 to vector<16xf32>
        %max3A_625 = arith.maximumf %sub3A_612, %max3A_624 : vector<16xf32>
        %min3A_626 = arith.constant 1.270000e+02 : f32
        %min3A_627 = vector.broadcast %min3A_626 : f32 to vector<16xf32>
        %min3A_628 = arith.minimumf %max3A_625, %min3A_627 : vector<16xf32>
        %max3A_629 = arith.constant 0.000000e+00 : f32
        %max3A_630 = vector.broadcast %max3A_629 : f32 to vector<16xf32>
        %max3A_631 = arith.maximumf %sub3A_617, %max3A_630 : vector<16xf32>
        %min3A_632 = arith.constant 1.270000e+02 : f32
        %min3A_633 = vector.broadcast %min3A_632 : f32 to vector<16xf32>
        %min3A_634 = arith.minimumf %max3A_631, %min3A_633 : vector<16xf32>
        %max3A_635 = arith.constant 0.000000e+00 : f32
        %max3A_636 = vector.broadcast %max3A_635 : f32 to vector<16xf32>
        %max3A_637 = arith.maximumf %sub3A_622, %max3A_636 : vector<16xf32>
        %min3A_638 = arith.constant 1.270000e+02 : f32
        %min3A_639 = vector.broadcast %min3A_638 : f32 to vector<16xf32>
        %min3A_640 = arith.minimumf %max3A_637, %min3A_639 : vector<16xf32>
        %convert_element_type3A_641 = arith.fptosi %min3A_628 : vector<16xf32> to vector<16xi32>
        %mul3A_642 = arith.constant 128 : i32
        %mul3A_643 = vector.broadcast %mul3A_642 : i32 to vector<16xi32>
        %mul3A_644 = arith.muli %convert_element_type3A_641, %mul3A_643 : vector<16xi32>
        %convert_element_type3A_645 = arith.fptosi %min3A_634 : vector<16xf32> to vector<16xi32>
        %add3A_646 = arith.addi %mul3A_644, %convert_element_type3A_645 : vector<16xi32>
        %mul3A_647 = arith.constant 128 : i32
        %mul3A_648 = vector.broadcast %mul3A_647 : i32 to vector<16xi32>
        %mul3A_649 = arith.muli %add3A_646, %mul3A_648 : vector<16xi32>
        %convert_element_type3A_650 = arith.fptosi %min3A_640 : vector<16xf32> to vector<16xi32>
        %add3A_651 = arith.addi %mul3A_649, %convert_element_type3A_650 : vector<16xi32>
        %shift_right_logical3A_652 = arith.constant 5 : i32
        %shift_right_logical3A_653 = vector.broadcast %shift_right_logical3A_652 : i32 to vector<16xi32>
        %shift_right_logical3A_654 = arith.shrui %add3A_651, %shift_right_logical3A_653 : vector<16xi32>
        %and3A_655 = arith.constant 31 : i32
        %and3A_656 = vector.broadcast %and3A_655 : i32 to vector<16xi32>
        %and3A_657 = arith.andi %add3A_651, %and3A_656 : vector<16xi32>
        %gather3A_658 = tpu.vector_load_idx %arg8[%shift_right_logical3A_654] : memref<65536xi32, #tpu.memory_space<vmem>>[vector<16xi32>], vector<16xi32>,
        %shift_right_logical3A_659 = arith.shrui %gather3A_658, %and3A_657 : vector<16xi32>
        %and3A_660 = arith.constant 1 : i32
        %and3A_661 = vector.broadcast %and3A_660 : i32 to vector<16xi32>
        %and3A_662 = arith.andi %shift_right_logical3A_659, %and3A_661 : vector<16xi32>
        %eq3A_663 = arith.constant 1 : i32
        %eq3A_664 = vector.broadcast %eq3A_663 : i32 to vector<16xi32>
        %eq3A_665 = arith.cmpi eq, %and3A_662, %eq3A_664 : vector<16xi32>
        %le3A_666 = arith.cmpf ole, %add3A_603, %select_n3A : vector<16xf32>
        %and3A_667 = arith.andi %le3A_666, %eq3A_665 : vector<16xi1>
        %jit3A_668 = arith.constant 1.000000e+00 : f32
        %jit3A_669 = arith.constant 0.000000e+00 : f32
        %broadcast_in_dim3A_670 = vector.broadcast %jit3A_668 : f32 to vector<16xf32>
        %broadcast_in_dim3A_671 = vector.broadcast %jit3A_669 : f32 to vector<16xf32>
        %select_n3A_672 = arith.select %and3A_667, %broadcast_in_dim3A_670, %broadcast_in_dim3A_671 : vector<16xi1>, vector<16xf32>
        %add3A_673 = arith.constant 48 : i32
        %add3A_674 = arith.addi %mul3A_264, %add3A_673 : i32
        %shift_right_logical3A_675 = arith.constant 7 : i32
        %shift_right_logical3A_676 = arith.shrui %add3A_674, %shift_right_logical3A_675 : i32
        %mul3A_677 = arith.constant 512 : i32
        %mul3A_678 = arith.muli %shift_right_logical3A_676, %mul3A_677 : i32
        %and3A_679 = arith.constant 127 : i32
        %and3A_680 = arith.andi %add3A_674, %and3A_679 : i32
        %add3A_681 = arith.addi %mul3A_678, %and3A_680 : i32
        %mul3A_682 = arith.mulf %add3A_600, %select_n3A_672 : vector<16xf32>
        %swap3A_683 = arith.index_cast %add3A_674 : i32 to index
        %swap3A_684 = tpu.vector_load %arg15[%swap3A_683] {strides = array<i32>} : memref<3072xf32, #tpu.memory_space<vmem>>, vector<16xf32>,
        tpu.vector_store %arg15[%swap3A_683], %mul3A_682 {strides = array<i32>} : memref<3072xf32, #tpu.memory_space<vmem>>, vector<16xf32>,
        %mul3A_685 = arith.mulf %add3A_603, %select_n3A_672 : vector<16xf32>
        %swap3A_686 = arith.index_cast %add3A_674 : i32 to index
        %swap3A_687 = tpu.vector_load %arg17[%swap3A_686] {strides = array<i32>} : memref<3072xf32, #tpu.memory_space<vmem>>, vector<16xf32>,
        tpu.vector_store %arg17[%swap3A_686], %mul3A_685 {strides = array<i32>} : memref<3072xf32, #tpu.memory_space<vmem>>, vector<16xf32>,
        %mul3A_688 = arith.mulf %gather3A_241, %select_n3A_672 : vector<16xf32>
        %swap3A_689 = arith.index_cast %add3A_681 : i32 to index
        %swap3A_690 = tpu.vector_load %arg11[%swap3A_689] {strides = array<i32>} : memref<12288xf32, #tpu.memory_space<vmem>>, vector<16xf32>,
        tpu.vector_store %arg11[%swap3A_689], %mul3A_688 {strides = array<i32>} : memref<12288xf32, #tpu.memory_space<vmem>>, vector<16xf32>,
        %mul3A_691 = arith.mulf %gather3A_244, %select_n3A_672 : vector<16xf32>
        %add3A_692 = arith.constant 128 : i32
        %add3A_693 = arith.addi %add3A_681, %add3A_692 : i32
        %swap3A_694 = arith.index_cast %add3A_693 : i32 to index
        %swap3A_695 = tpu.vector_load %arg11[%swap3A_694] {strides = array<i32>} : memref<12288xf32, #tpu.memory_space<vmem>>, vector<16xf32>,
        tpu.vector_store %arg11[%swap3A_694], %mul3A_691 {strides = array<i32>} : memref<12288xf32, #tpu.memory_space<vmem>>, vector<16xf32>,
        %mul3A_696 = arith.mulf %gather3A_247, %select_n3A_672 : vector<16xf32>
        %add3A_697 = arith.constant 256 : i32
        %add3A_698 = arith.addi %add3A_681, %add3A_697 : i32
        %swap3A_699 = arith.index_cast %add3A_698 : i32 to index
        %swap3A_700 = tpu.vector_load %arg11[%swap3A_699] {strides = array<i32>} : memref<12288xf32, #tpu.memory_space<vmem>>, vector<16xf32>,
        tpu.vector_store %arg11[%swap3A_699], %mul3A_696 {strides = array<i32>} : memref<12288xf32, #tpu.memory_space<vmem>>, vector<16xf32>,
        %mul3A_701 = arith.mulf %gather3A_250, %select_n3A_672 : vector<16xf32>
        %swap3A_702 = arith.index_cast %add3A_681 : i32 to index
        %swap3A_703 = tpu.vector_load %arg13[%swap3A_702] {strides = array<i32>} : memref<12288xf32, #tpu.memory_space<vmem>>, vector<16xf32>,
        tpu.vector_store %arg13[%swap3A_702], %mul3A_701 {strides = array<i32>} : memref<12288xf32, #tpu.memory_space<vmem>>, vector<16xf32>,
        %mul3A_704 = arith.mulf %gather3A_253, %select_n3A_672 : vector<16xf32>
        %add3A_705 = arith.constant 128 : i32
        %add3A_706 = arith.addi %add3A_681, %add3A_705 : i32
        %swap3A_707 = arith.index_cast %add3A_706 : i32 to index
        %swap3A_708 = tpu.vector_load %arg13[%swap3A_707] {strides = array<i32>} : memref<12288xf32, #tpu.memory_space<vmem>>, vector<16xf32>,
        tpu.vector_store %arg13[%swap3A_707], %mul3A_704 {strides = array<i32>} : memref<12288xf32, #tpu.memory_space<vmem>>, vector<16xf32>,
        %mul3A_709 = arith.mulf %gather3A_256, %select_n3A_672 : vector<16xf32>
        %add3A_710 = arith.constant 256 : i32
        %add3A_711 = arith.addi %add3A_681, %add3A_710 : i32
        %swap3A_712 = arith.index_cast %add3A_711 : i32 to index
        %swap3A_713 = tpu.vector_load %arg13[%swap3A_712] {strides = array<i32>} : memref<12288xf32, #tpu.memory_space<vmem>>, vector<16xf32>,
        tpu.vector_store %arg13[%swap3A_712], %mul3A_709 {strides = array<i32>} : memref<12288xf32, #tpu.memory_space<vmem>>, vector<16xf32>,
        %add3A_714 = arith.addf %gather3A_259, %add3A_20 : vector<16xf32>
        %add3A_715 = arith.constant 1.000000e+00 : f32
        %add3A_716 = vector.broadcast %add3A_715 : f32 to vector<16xf32>
        %add3A_717 = arith.addf %add3A_714, %add3A_716 : vector<16xf32>
        %add3A_718 = arith.addf %add3A_714, %add3A_717 : vector<16xf32>
        %mul3A_719 = arith.constant 5.000000e-01 : f32
        %mul3A_720 = vector.broadcast %mul3A_719 : f32 to vector<16xf32>
        %mul3A_721 = arith.mulf %add3A_718, %mul3A_720 : vector<16xf32>
        %mul3A_722 = arith.mulf %gather3A_250, %mul3A_721 : vector<16xf32>
        %add3A_723 = arith.addf %gather3A_241, %mul3A_722 : vector<16xf32>
        %sub3A_724 = arith.constant -6.400000e+01 : f32
        %sub3A_725 = vector.broadcast %sub3A_724 : f32 to vector<16xf32>
        %sub3A_726 = arith.subf %add3A_723, %sub3A_725 : vector<16xf32>
        %mul3A_727 = arith.mulf %gather3A_253, %mul3A_721 : vector<16xf32>
        %add3A_728 = arith.addf %gather3A_244, %mul3A_727 : vector<16xf32>
        %sub3A_729 = arith.constant -6.400000e+01 : f32
        %sub3A_730 = vector.broadcast %sub3A_729 : f32 to vector<16xf32>
        %sub3A_731 = arith.subf %add3A_728, %sub3A_730 : vector<16xf32>
        %mul3A_732 = arith.mulf %gather3A_256, %mul3A_721 : vector<16xf32>
        %add3A_733 = arith.addf %gather3A_247, %mul3A_732 : vector<16xf32>
        %sub3A_734 = arith.constant -6.400000e+01 : f32
        %sub3A_735 = vector.broadcast %sub3A_734 : f32 to vector<16xf32>
        %sub3A_736 = arith.subf %add3A_733, %sub3A_735 : vector<16xf32>
        %max3A_737 = arith.constant 0.000000e+00 : f32
        %max3A_738 = vector.broadcast %max3A_737 : f32 to vector<16xf32>
        %max3A_739 = arith.maximumf %sub3A_726, %max3A_738 : vector<16xf32>
        %min3A_740 = arith.constant 1.270000e+02 : f32
        %min3A_741 = vector.broadcast %min3A_740 : f32 to vector<16xf32>
        %min3A_742 = arith.minimumf %max3A_739, %min3A_741 : vector<16xf32>
        %max3A_743 = arith.constant 0.000000e+00 : f32
        %max3A_744 = vector.broadcast %max3A_743 : f32 to vector<16xf32>
        %max3A_745 = arith.maximumf %sub3A_731, %max3A_744 : vector<16xf32>
        %min3A_746 = arith.constant 1.270000e+02 : f32
        %min3A_747 = vector.broadcast %min3A_746 : f32 to vector<16xf32>
        %min3A_748 = arith.minimumf %max3A_745, %min3A_747 : vector<16xf32>
        %max3A_749 = arith.constant 0.000000e+00 : f32
        %max3A_750 = vector.broadcast %max3A_749 : f32 to vector<16xf32>
        %max3A_751 = arith.maximumf %sub3A_736, %max3A_750 : vector<16xf32>
        %min3A_752 = arith.constant 1.270000e+02 : f32
        %min3A_753 = vector.broadcast %min3A_752 : f32 to vector<16xf32>
        %min3A_754 = arith.minimumf %max3A_751, %min3A_753 : vector<16xf32>
        %convert_element_type3A_755 = arith.fptosi %min3A_742 : vector<16xf32> to vector<16xi32>
        %mul3A_756 = arith.constant 128 : i32
        %mul3A_757 = vector.broadcast %mul3A_756 : i32 to vector<16xi32>
        %mul3A_758 = arith.muli %convert_element_type3A_755, %mul3A_757 : vector<16xi32>
        %convert_element_type3A_759 = arith.fptosi %min3A_748 : vector<16xf32> to vector<16xi32>
        %add3A_760 = arith.addi %mul3A_758, %convert_element_type3A_759 : vector<16xi32>
        %mul3A_761 = arith.constant 128 : i32
        %mul3A_762 = vector.broadcast %mul3A_761 : i32 to vector<16xi32>
        %mul3A_763 = arith.muli %add3A_760, %mul3A_762 : vector<16xi32>
        %convert_element_type3A_764 = arith.fptosi %min3A_754 : vector<16xf32> to vector<16xi32>
        %add3A_765 = arith.addi %mul3A_763, %convert_element_type3A_764 : vector<16xi32>
        %shift_right_logical3A_766 = arith.constant 5 : i32
        %shift_right_logical3A_767 = vector.broadcast %shift_right_logical3A_766 : i32 to vector<16xi32>
        %shift_right_logical3A_768 = arith.shrui %add3A_765, %shift_right_logical3A_767 : vector<16xi32>
        %and3A_769 = arith.constant 31 : i32
        %and3A_770 = vector.broadcast %and3A_769 : i32 to vector<16xi32>
        %and3A_771 = arith.andi %add3A_765, %and3A_770 : vector<16xi32>
        %gather3A_772 = tpu.vector_load_idx %arg8[%shift_right_logical3A_768] : memref<65536xi32, #tpu.memory_space<vmem>>[vector<16xi32>], vector<16xi32>,
        %shift_right_logical3A_773 = arith.shrui %gather3A_772, %and3A_771 : vector<16xi32>
        %and3A_774 = arith.constant 1 : i32
        %and3A_775 = vector.broadcast %and3A_774 : i32 to vector<16xi32>
        %and3A_776 = arith.andi %shift_right_logical3A_773, %and3A_775 : vector<16xi32>
        %eq3A_777 = arith.constant 1 : i32
        %eq3A_778 = vector.broadcast %eq3A_777 : i32 to vector<16xi32>
        %eq3A_779 = arith.cmpi eq, %and3A_776, %eq3A_778 : vector<16xi32>
        %le3A_780 = arith.cmpf ole, %add3A_717, %select_n3A : vector<16xf32>
        %and3A_781 = arith.andi %le3A_780, %eq3A_779 : vector<16xi1>
        %jit3A_782 = arith.constant 1.000000e+00 : f32
        %jit3A_783 = arith.constant 0.000000e+00 : f32
        %broadcast_in_dim3A_784 = vector.broadcast %jit3A_782 : f32 to vector<16xf32>
        %broadcast_in_dim3A_785 = vector.broadcast %jit3A_783 : f32 to vector<16xf32>
        %select_n3A_786 = arith.select %and3A_781, %broadcast_in_dim3A_784, %broadcast_in_dim3A_785 : vector<16xi1>, vector<16xf32>
        %add3A_787 = arith.constant 64 : i32
        %add3A_788 = arith.addi %mul3A_264, %add3A_787 : i32
        %shift_right_logical3A_789 = arith.constant 7 : i32
        %shift_right_logical3A_790 = arith.shrui %add3A_788, %shift_right_logical3A_789 : i32
        %mul3A_791 = arith.constant 512 : i32
        %mul3A_792 = arith.muli %shift_right_logical3A_790, %mul3A_791 : i32
        %and3A_793 = arith.constant 127 : i32
        %and3A_794 = arith.andi %add3A_788, %and3A_793 : i32
        %add3A_795 = arith.addi %mul3A_792, %and3A_794 : i32
        %mul3A_796 = arith.mulf %add3A_714, %select_n3A_786 : vector<16xf32>
        %swap3A_797 = arith.index_cast %add3A_788 : i32 to index
        %swap3A_798 = tpu.vector_load %arg15[%swap3A_797] {strides = array<i32>} : memref<3072xf32, #tpu.memory_space<vmem>>, vector<16xf32>,
        tpu.vector_store %arg15[%swap3A_797], %mul3A_796 {strides = array<i32>} : memref<3072xf32, #tpu.memory_space<vmem>>, vector<16xf32>,
        %mul3A_799 = arith.mulf %add3A_717, %select_n3A_786 : vector<16xf32>
        %swap3A_800 = arith.index_cast %add3A_788 : i32 to index
        %swap3A_801 = tpu.vector_load %arg17[%swap3A_800] {strides = array<i32>} : memref<3072xf32, #tpu.memory_space<vmem>>, vector<16xf32>,
        tpu.vector_store %arg17[%swap3A_800], %mul3A_799 {strides = array<i32>} : memref<3072xf32, #tpu.memory_space<vmem>>, vector<16xf32>,
        %mul3A_802 = arith.mulf %gather3A_241, %select_n3A_786 : vector<16xf32>
        %swap3A_803 = arith.index_cast %add3A_795 : i32 to index
        %swap3A_804 = tpu.vector_load %arg11[%swap3A_803] {strides = array<i32>} : memref<12288xf32, #tpu.memory_space<vmem>>, vector<16xf32>,
        tpu.vector_store %arg11[%swap3A_803], %mul3A_802 {strides = array<i32>} : memref<12288xf32, #tpu.memory_space<vmem>>, vector<16xf32>,
        %mul3A_805 = arith.mulf %gather3A_244, %select_n3A_786 : vector<16xf32>
        %add3A_806 = arith.constant 128 : i32
        %add3A_807 = arith.addi %add3A_795, %add3A_806 : i32
        %swap3A_808 = arith.index_cast %add3A_807 : i32 to index
        %swap3A_809 = tpu.vector_load %arg11[%swap3A_808] {strides = array<i32>} : memref<12288xf32, #tpu.memory_space<vmem>>, vector<16xf32>,
        tpu.vector_store %arg11[%swap3A_808], %mul3A_805 {strides = array<i32>} : memref<12288xf32, #tpu.memory_space<vmem>>, vector<16xf32>,
        %mul3A_810 = arith.mulf %gather3A_247, %select_n3A_786 : vector<16xf32>
        %add3A_811 = arith.constant 256 : i32
        %add3A_812 = arith.addi %add3A_795, %add3A_811 : i32
        %swap3A_813 = arith.index_cast %add3A_812 : i32 to index
        %swap3A_814 = tpu.vector_load %arg11[%swap3A_813] {strides = array<i32>} : memref<12288xf32, #tpu.memory_space<vmem>>, vector<16xf32>,
        tpu.vector_store %arg11[%swap3A_813], %mul3A_810 {strides = array<i32>} : memref<12288xf32, #tpu.memory_space<vmem>>, vector<16xf32>,
        %mul3A_815 = arith.mulf %gather3A_250, %select_n3A_786 : vector<16xf32>
        %swap3A_816 = arith.index_cast %add3A_795 : i32 to index
        %swap3A_817 = tpu.vector_load %arg13[%swap3A_816] {strides = array<i32>} : memref<12288xf32, #tpu.memory_space<vmem>>, vector<16xf32>,
        tpu.vector_store %arg13[%swap3A_816], %mul3A_815 {strides = array<i32>} : memref<12288xf32, #tpu.memory_space<vmem>>, vector<16xf32>,
        %mul3A_818 = arith.mulf %gather3A_253, %select_n3A_786 : vector<16xf32>
        %add3A_819 = arith.constant 128 : i32
        %add3A_820 = arith.addi %add3A_795, %add3A_819 : i32
        %swap3A_821 = arith.index_cast %add3A_820 : i32 to index
        %swap3A_822 = tpu.vector_load %arg13[%swap3A_821] {strides = array<i32>} : memref<12288xf32, #tpu.memory_space<vmem>>, vector<16xf32>,
        tpu.vector_store %arg13[%swap3A_821], %mul3A_818 {strides = array<i32>} : memref<12288xf32, #tpu.memory_space<vmem>>, vector<16xf32>,
        %mul3A_823 = arith.mulf %gather3A_256, %select_n3A_786 : vector<16xf32>
        %add3A_824 = arith.constant 256 : i32
        %add3A_825 = arith.addi %add3A_795, %add3A_824 : i32
        %swap3A_826 = arith.index_cast %add3A_825 : i32 to index
        %swap3A_827 = tpu.vector_load %arg13[%swap3A_826] {strides = array<i32>} : memref<12288xf32, #tpu.memory_space<vmem>>, vector<16xf32>,
        tpu.vector_store %arg13[%swap3A_826], %mul3A_823 {strides = array<i32>} : memref<12288xf32, #tpu.memory_space<vmem>>, vector<16xf32>,
        %add3A_828 = arith.addf %gather3A_259, %add3A_23 : vector<16xf32>
        %add3A_829 = arith.constant 1.000000e+00 : f32
        %add3A_830 = vector.broadcast %add3A_829 : f32 to vector<16xf32>
        %add3A_831 = arith.addf %add3A_828, %add3A_830 : vector<16xf32>
        %add3A_832 = arith.addf %add3A_828, %add3A_831 : vector<16xf32>
        %mul3A_833 = arith.constant 5.000000e-01 : f32
        %mul3A_834 = vector.broadcast %mul3A_833 : f32 to vector<16xf32>
        %mul3A_835 = arith.mulf %add3A_832, %mul3A_834 : vector<16xf32>
        %mul3A_836 = arith.mulf %gather3A_250, %mul3A_835 : vector<16xf32>
        %add3A_837 = arith.addf %gather3A_241, %mul3A_836 : vector<16xf32>
        %sub3A_838 = arith.constant -6.400000e+01 : f32
        %sub3A_839 = vector.broadcast %sub3A_838 : f32 to vector<16xf32>
        %sub3A_840 = arith.subf %add3A_837, %sub3A_839 : vector<16xf32>
        %mul3A_841 = arith.mulf %gather3A_253, %mul3A_835 : vector<16xf32>
        %add3A_842 = arith.addf %gather3A_244, %mul3A_841 : vector<16xf32>
        %sub3A_843 = arith.constant -6.400000e+01 : f32
        %sub3A_844 = vector.broadcast %sub3A_843 : f32 to vector<16xf32>
        %sub3A_845 = arith.subf %add3A_842, %sub3A_844 : vector<16xf32>
        %mul3A_846 = arith.mulf %gather3A_256, %mul3A_835 : vector<16xf32>
        %add3A_847 = arith.addf %gather3A_247, %mul3A_846 : vector<16xf32>
        %sub3A_848 = arith.constant -6.400000e+01 : f32
        %sub3A_849 = vector.broadcast %sub3A_848 : f32 to vector<16xf32>
        %sub3A_850 = arith.subf %add3A_847, %sub3A_849 : vector<16xf32>
        %max3A_851 = arith.constant 0.000000e+00 : f32
        %max3A_852 = vector.broadcast %max3A_851 : f32 to vector<16xf32>
        %max3A_853 = arith.maximumf %sub3A_840, %max3A_852 : vector<16xf32>
        %min3A_854 = arith.constant 1.270000e+02 : f32
        %min3A_855 = vector.broadcast %min3A_854 : f32 to vector<16xf32>
        %min3A_856 = arith.minimumf %max3A_853, %min3A_855 : vector<16xf32>
        %max3A_857 = arith.constant 0.000000e+00 : f32
        %max3A_858 = vector.broadcast %max3A_857 : f32 to vector<16xf32>
        %max3A_859 = arith.maximumf %sub3A_845, %max3A_858 : vector<16xf32>
        %min3A_860 = arith.constant 1.270000e+02 : f32
        %min3A_861 = vector.broadcast %min3A_860 : f32 to vector<16xf32>
        %min3A_862 = arith.minimumf %max3A_859, %min3A_861 : vector<16xf32>
        %max3A_863 = arith.constant 0.000000e+00 : f32
        %max3A_864 = vector.broadcast %max3A_863 : f32 to vector<16xf32>
        %max3A_865 = arith.maximumf %sub3A_850, %max3A_864 : vector<16xf32>
        %min3A_866 = arith.constant 1.270000e+02 : f32
        %min3A_867 = vector.broadcast %min3A_866 : f32 to vector<16xf32>
        %min3A_868 = arith.minimumf %max3A_865, %min3A_867 : vector<16xf32>
        %convert_element_type3A_869 = arith.fptosi %min3A_856 : vector<16xf32> to vector<16xi32>
        %mul3A_870 = arith.constant 128 : i32
        %mul3A_871 = vector.broadcast %mul3A_870 : i32 to vector<16xi32>
        %mul3A_872 = arith.muli %convert_element_type3A_869, %mul3A_871 : vector<16xi32>
        %convert_element_type3A_873 = arith.fptosi %min3A_862 : vector<16xf32> to vector<16xi32>
        %add3A_874 = arith.addi %mul3A_872, %convert_element_type3A_873 : vector<16xi32>
        %mul3A_875 = arith.constant 128 : i32
        %mul3A_876 = vector.broadcast %mul3A_875 : i32 to vector<16xi32>
        %mul3A_877 = arith.muli %add3A_874, %mul3A_876 : vector<16xi32>
        %convert_element_type3A_878 = arith.fptosi %min3A_868 : vector<16xf32> to vector<16xi32>
        %add3A_879 = arith.addi %mul3A_877, %convert_element_type3A_878 : vector<16xi32>
        %shift_right_logical3A_880 = arith.constant 5 : i32
        %shift_right_logical3A_881 = vector.broadcast %shift_right_logical3A_880 : i32 to vector<16xi32>
        %shift_right_logical3A_882 = arith.shrui %add3A_879, %shift_right_logical3A_881 : vector<16xi32>
        %and3A_883 = arith.constant 31 : i32
        %and3A_884 = vector.broadcast %and3A_883 : i32 to vector<16xi32>
        %and3A_885 = arith.andi %add3A_879, %and3A_884 : vector<16xi32>
        %gather3A_886 = tpu.vector_load_idx %arg8[%shift_right_logical3A_882] : memref<65536xi32, #tpu.memory_space<vmem>>[vector<16xi32>], vector<16xi32>,
        %shift_right_logical3A_887 = arith.shrui %gather3A_886, %and3A_885 : vector<16xi32>
        %and3A_888 = arith.constant 1 : i32
        %and3A_889 = vector.broadcast %and3A_888 : i32 to vector<16xi32>
        %and3A_890 = arith.andi %shift_right_logical3A_887, %and3A_889 : vector<16xi32>
        %eq3A_891 = arith.constant 1 : i32
        %eq3A_892 = vector.broadcast %eq3A_891 : i32 to vector<16xi32>
        %eq3A_893 = arith.cmpi eq, %and3A_890, %eq3A_892 : vector<16xi32>
        %le3A_894 = arith.cmpf ole, %add3A_831, %select_n3A : vector<16xf32>
        %and3A_895 = arith.andi %le3A_894, %eq3A_893 : vector<16xi1>
        %jit3A_896 = arith.constant 1.000000e+00 : f32
        %jit3A_897 = arith.constant 0.000000e+00 : f32
        %broadcast_in_dim3A_898 = vector.broadcast %jit3A_896 : f32 to vector<16xf32>
        %broadcast_in_dim3A_899 = vector.broadcast %jit3A_897 : f32 to vector<16xf32>
        %select_n3A_900 = arith.select %and3A_895, %broadcast_in_dim3A_898, %broadcast_in_dim3A_899 : vector<16xi1>, vector<16xf32>
        %add3A_901 = arith.constant 80 : i32
        %add3A_902 = arith.addi %mul3A_264, %add3A_901 : i32
        %shift_right_logical3A_903 = arith.constant 7 : i32
        %shift_right_logical3A_904 = arith.shrui %add3A_902, %shift_right_logical3A_903 : i32
        %mul3A_905 = arith.constant 512 : i32
        %mul3A_906 = arith.muli %shift_right_logical3A_904, %mul3A_905 : i32
        %and3A_907 = arith.constant 127 : i32
        %and3A_908 = arith.andi %add3A_902, %and3A_907 : i32
        %add3A_909 = arith.addi %mul3A_906, %and3A_908 : i32
        %mul3A_910 = arith.mulf %add3A_828, %select_n3A_900 : vector<16xf32>
        %swap3A_911 = arith.index_cast %add3A_902 : i32 to index
        %swap3A_912 = tpu.vector_load %arg15[%swap3A_911] {strides = array<i32>} : memref<3072xf32, #tpu.memory_space<vmem>>, vector<16xf32>,
        tpu.vector_store %arg15[%swap3A_911], %mul3A_910 {strides = array<i32>} : memref<3072xf32, #tpu.memory_space<vmem>>, vector<16xf32>,
        %mul3A_913 = arith.mulf %add3A_831, %select_n3A_900 : vector<16xf32>
        %swap3A_914 = arith.index_cast %add3A_902 : i32 to index
        %swap3A_915 = tpu.vector_load %arg17[%swap3A_914] {strides = array<i32>} : memref<3072xf32, #tpu.memory_space<vmem>>, vector<16xf32>,
        tpu.vector_store %arg17[%swap3A_914], %mul3A_913 {strides = array<i32>} : memref<3072xf32, #tpu.memory_space<vmem>>, vector<16xf32>,
        %mul3A_916 = arith.mulf %gather3A_241, %select_n3A_900 : vector<16xf32>
        %swap3A_917 = arith.index_cast %add3A_909 : i32 to index
        %swap3A_918 = tpu.vector_load %arg11[%swap3A_917] {strides = array<i32>} : memref<12288xf32, #tpu.memory_space<vmem>>, vector<16xf32>,
        tpu.vector_store %arg11[%swap3A_917], %mul3A_916 {strides = array<i32>} : memref<12288xf32, #tpu.memory_space<vmem>>, vector<16xf32>,
        %mul3A_919 = arith.mulf %gather3A_244, %select_n3A_900 : vector<16xf32>
        %add3A_920 = arith.constant 128 : i32
        %add3A_921 = arith.addi %add3A_909, %add3A_920 : i32
        %swap3A_922 = arith.index_cast %add3A_921 : i32 to index
        %swap3A_923 = tpu.vector_load %arg11[%swap3A_922] {strides = array<i32>} : memref<12288xf32, #tpu.memory_space<vmem>>, vector<16xf32>,
        tpu.vector_store %arg11[%swap3A_922], %mul3A_919 {strides = array<i32>} : memref<12288xf32, #tpu.memory_space<vmem>>, vector<16xf32>,
        %mul3A_924 = arith.mulf %gather3A_247, %select_n3A_900 : vector<16xf32>
        %add3A_925 = arith.constant 256 : i32
        %add3A_926 = arith.addi %add3A_909, %add3A_925 : i32
        %swap3A_927 = arith.index_cast %add3A_926 : i32 to index
        %swap3A_928 = tpu.vector_load %arg11[%swap3A_927] {strides = array<i32>} : memref<12288xf32, #tpu.memory_space<vmem>>, vector<16xf32>,
        tpu.vector_store %arg11[%swap3A_927], %mul3A_924 {strides = array<i32>} : memref<12288xf32, #tpu.memory_space<vmem>>, vector<16xf32>,
        %mul3A_929 = arith.mulf %gather3A_250, %select_n3A_900 : vector<16xf32>
        %swap3A_930 = arith.index_cast %add3A_909 : i32 to index
        %swap3A_931 = tpu.vector_load %arg13[%swap3A_930] {strides = array<i32>} : memref<12288xf32, #tpu.memory_space<vmem>>, vector<16xf32>,
        tpu.vector_store %arg13[%swap3A_930], %mul3A_929 {strides = array<i32>} : memref<12288xf32, #tpu.memory_space<vmem>>, vector<16xf32>,
        %mul3A_932 = arith.mulf %gather3A_253, %select_n3A_900 : vector<16xf32>
        %add3A_933 = arith.constant 128 : i32
        %add3A_934 = arith.addi %add3A_909, %add3A_933 : i32
        %swap3A_935 = arith.index_cast %add3A_934 : i32 to index
        %swap3A_936 = tpu.vector_load %arg13[%swap3A_935] {strides = array<i32>} : memref<12288xf32, #tpu.memory_space<vmem>>, vector<16xf32>,
        tpu.vector_store %arg13[%swap3A_935], %mul3A_932 {strides = array<i32>} : memref<12288xf32, #tpu.memory_space<vmem>>, vector<16xf32>,
        %mul3A_937 = arith.mulf %gather3A_256, %select_n3A_900 : vector<16xf32>
        %add3A_938 = arith.constant 256 : i32
        %add3A_939 = arith.addi %add3A_909, %add3A_938 : i32
        %swap3A_940 = arith.index_cast %add3A_939 : i32 to index
        %swap3A_941 = tpu.vector_load %arg13[%swap3A_940] {strides = array<i32>} : memref<12288xf32, #tpu.memory_space<vmem>>, vector<16xf32>,
        tpu.vector_store %arg13[%swap3A_940], %mul3A_937 {strides = array<i32>} : memref<12288xf32, #tpu.memory_space<vmem>>, vector<16xf32>,
        %add3A_942 = arith.addf %gather3A_259, %add3A_26 : vector<16xf32>
        %add3A_943 = arith.constant 1.000000e+00 : f32
        %add3A_944 = vector.broadcast %add3A_943 : f32 to vector<16xf32>
        %add3A_945 = arith.addf %add3A_942, %add3A_944 : vector<16xf32>
        %add3A_946 = arith.addf %add3A_942, %add3A_945 : vector<16xf32>
        %mul3A_947 = arith.constant 5.000000e-01 : f32
        %mul3A_948 = vector.broadcast %mul3A_947 : f32 to vector<16xf32>
        %mul3A_949 = arith.mulf %add3A_946, %mul3A_948 : vector<16xf32>
        %mul3A_950 = arith.mulf %gather3A_250, %mul3A_949 : vector<16xf32>
        %add3A_951 = arith.addf %gather3A_241, %mul3A_950 : vector<16xf32>
        %sub3A_952 = arith.constant -6.400000e+01 : f32
        %sub3A_953 = vector.broadcast %sub3A_952 : f32 to vector<16xf32>
        %sub3A_954 = arith.subf %add3A_951, %sub3A_953 : vector<16xf32>
        %mul3A_955 = arith.mulf %gather3A_253, %mul3A_949 : vector<16xf32>
        %add3A_956 = arith.addf %gather3A_244, %mul3A_955 : vector<16xf32>
        %sub3A_957 = arith.constant -6.400000e+01 : f32
        %sub3A_958 = vector.broadcast %sub3A_957 : f32 to vector<16xf32>
        %sub3A_959 = arith.subf %add3A_956, %sub3A_958 : vector<16xf32>
        %mul3A_960 = arith.mulf %gather3A_256, %mul3A_949 : vector<16xf32>
        %add3A_961 = arith.addf %gather3A_247, %mul3A_960 : vector<16xf32>
        %sub3A_962 = arith.constant -6.400000e+01 : f32
        %sub3A_963 = vector.broadcast %sub3A_962 : f32 to vector<16xf32>
        %sub3A_964 = arith.subf %add3A_961, %sub3A_963 : vector<16xf32>
        %max3A_965 = arith.constant 0.000000e+00 : f32
        %max3A_966 = vector.broadcast %max3A_965 : f32 to vector<16xf32>
        %max3A_967 = arith.maximumf %sub3A_954, %max3A_966 : vector<16xf32>
        %min3A_968 = arith.constant 1.270000e+02 : f32
        %min3A_969 = vector.broadcast %min3A_968 : f32 to vector<16xf32>
        %min3A_970 = arith.minimumf %max3A_967, %min3A_969 : vector<16xf32>
        %max3A_971 = arith.constant 0.000000e+00 : f32
        %max3A_972 = vector.broadcast %max3A_971 : f32 to vector<16xf32>
        %max3A_973 = arith.maximumf %sub3A_959, %max3A_972 : vector<16xf32>
        %min3A_974 = arith.constant 1.270000e+02 : f32
        %min3A_975 = vector.broadcast %min3A_974 : f32 to vector<16xf32>
        %min3A_976 = arith.minimumf %max3A_973, %min3A_975 : vector<16xf32>
        %max3A_977 = arith.constant 0.000000e+00 : f32
        %max3A_978 = vector.broadcast %max3A_977 : f32 to vector<16xf32>
        %max3A_979 = arith.maximumf %sub3A_964, %max3A_978 : vector<16xf32>
        %min3A_980 = arith.constant 1.270000e+02 : f32
        %min3A_981 = vector.broadcast %min3A_980 : f32 to vector<16xf32>
        %min3A_982 = arith.minimumf %max3A_979, %min3A_981 : vector<16xf32>
        %convert_element_type3A_983 = arith.fptosi %min3A_970 : vector<16xf32> to vector<16xi32>
        %mul3A_984 = arith.constant 128 : i32
        %mul3A_985 = vector.broadcast %mul3A_984 : i32 to vector<16xi32>
        %mul3A_986 = arith.muli %convert_element_type3A_983, %mul3A_985 : vector<16xi32>
        %convert_element_type3A_987 = arith.fptosi %min3A_976 : vector<16xf32> to vector<16xi32>
        %add3A_988 = arith.addi %mul3A_986, %convert_element_type3A_987 : vector<16xi32>
        %mul3A_989 = arith.constant 128 : i32
        %mul3A_990 = vector.broadcast %mul3A_989 : i32 to vector<16xi32>
        %mul3A_991 = arith.muli %add3A_988, %mul3A_990 : vector<16xi32>
        %convert_element_type3A_992 = arith.fptosi %min3A_982 : vector<16xf32> to vector<16xi32>
        %add3A_993 = arith.addi %mul3A_991, %convert_element_type3A_992 : vector<16xi32>
        %shift_right_logical3A_994 = arith.constant 5 : i32
        %shift_right_logical3A_995 = vector.broadcast %shift_right_logical3A_994 : i32 to vector<16xi32>
        %shift_right_logical3A_996 = arith.shrui %add3A_993, %shift_right_logical3A_995 : vector<16xi32>
        %and3A_997 = arith.constant 31 : i32
        %and3A_998 = vector.broadcast %and3A_997 : i32 to vector<16xi32>
        %and3A_999 = arith.andi %add3A_993, %and3A_998 : vector<16xi32>
        %gather3A_1000 = tpu.vector_load_idx %arg8[%shift_right_logical3A_996] : memref<65536xi32, #tpu.memory_space<vmem>>[vector<16xi32>], vector<16xi32>,
        %shift_right_logical3A_1001 = arith.shrui %gather3A_1000, %and3A_999 : vector<16xi32>
        %and3A_1002 = arith.constant 1 : i32
        %and3A_1003 = vector.broadcast %and3A_1002 : i32 to vector<16xi32>
        %and3A_1004 = arith.andi %shift_right_logical3A_1001, %and3A_1003 : vector<16xi32>
        %eq3A_1005 = arith.constant 1 : i32
        %eq3A_1006 = vector.broadcast %eq3A_1005 : i32 to vector<16xi32>
        %eq3A_1007 = arith.cmpi eq, %and3A_1004, %eq3A_1006 : vector<16xi32>
        %le3A_1008 = arith.cmpf ole, %add3A_945, %select_n3A : vector<16xf32>
        %and3A_1009 = arith.andi %le3A_1008, %eq3A_1007 : vector<16xi1>
        %jit3A_1010 = arith.constant 1.000000e+00 : f32
        %jit3A_1011 = arith.constant 0.000000e+00 : f32
        %broadcast_in_dim3A_1012 = vector.broadcast %jit3A_1010 : f32 to vector<16xf32>
        %broadcast_in_dim3A_1013 = vector.broadcast %jit3A_1011 : f32 to vector<16xf32>
        %select_n3A_1014 = arith.select %and3A_1009, %broadcast_in_dim3A_1012, %broadcast_in_dim3A_1013 : vector<16xi1>, vector<16xf32>
        %add3A_1015 = arith.constant 96 : i32
        %add3A_1016 = arith.addi %mul3A_264, %add3A_1015 : i32
        %shift_right_logical3A_1017 = arith.constant 7 : i32
        %shift_right_logical3A_1018 = arith.shrui %add3A_1016, %shift_right_logical3A_1017 : i32
        %mul3A_1019 = arith.constant 512 : i32
        %mul3A_1020 = arith.muli %shift_right_logical3A_1018, %mul3A_1019 : i32
        %and3A_1021 = arith.constant 127 : i32
        %and3A_1022 = arith.andi %add3A_1016, %and3A_1021 : i32
        %add3A_1023 = arith.addi %mul3A_1020, %and3A_1022 : i32
        %mul3A_1024 = arith.mulf %add3A_942, %select_n3A_1014 : vector<16xf32>
        %swap3A_1025 = arith.index_cast %add3A_1016 : i32 to index
        %swap3A_1026 = tpu.vector_load %arg15[%swap3A_1025] {strides = array<i32>} : memref<3072xf32, #tpu.memory_space<vmem>>, vector<16xf32>,
        tpu.vector_store %arg15[%swap3A_1025], %mul3A_1024 {strides = array<i32>} : memref<3072xf32, #tpu.memory_space<vmem>>, vector<16xf32>,
        %mul3A_1027 = arith.mulf %add3A_945, %select_n3A_1014 : vector<16xf32>
        %swap3A_1028 = arith.index_cast %add3A_1016 : i32 to index
        %swap3A_1029 = tpu.vector_load %arg17[%swap3A_1028] {strides = array<i32>} : memref<3072xf32, #tpu.memory_space<vmem>>, vector<16xf32>,
        tpu.vector_store %arg17[%swap3A_1028], %mul3A_1027 {strides = array<i32>} : memref<3072xf32, #tpu.memory_space<vmem>>, vector<16xf32>,
        %mul3A_1030 = arith.mulf %gather3A_241, %select_n3A_1014 : vector<16xf32>
        %swap3A_1031 = arith.index_cast %add3A_1023 : i32 to index
        %swap3A_1032 = tpu.vector_load %arg11[%swap3A_1031] {strides = array<i32>} : memref<12288xf32, #tpu.memory_space<vmem>>, vector<16xf32>,
        tpu.vector_store %arg11[%swap3A_1031], %mul3A_1030 {strides = array<i32>} : memref<12288xf32, #tpu.memory_space<vmem>>, vector<16xf32>,
        %mul3A_1033 = arith.mulf %gather3A_244, %select_n3A_1014 : vector<16xf32>
        %add3A_1034 = arith.constant 128 : i32
        %add3A_1035 = arith.addi %add3A_1023, %add3A_1034 : i32
        %swap3A_1036 = arith.index_cast %add3A_1035 : i32 to index
        %swap3A_1037 = tpu.vector_load %arg11[%swap3A_1036] {strides = array<i32>} : memref<12288xf32, #tpu.memory_space<vmem>>, vector<16xf32>,
        tpu.vector_store %arg11[%swap3A_1036], %mul3A_1033 {strides = array<i32>} : memref<12288xf32, #tpu.memory_space<vmem>>, vector<16xf32>,
        %mul3A_1038 = arith.mulf %gather3A_247, %select_n3A_1014 : vector<16xf32>
        %add3A_1039 = arith.constant 256 : i32
        %add3A_1040 = arith.addi %add3A_1023, %add3A_1039 : i32
        %swap3A_1041 = arith.index_cast %add3A_1040 : i32 to index
        %swap3A_1042 = tpu.vector_load %arg11[%swap3A_1041] {strides = array<i32>} : memref<12288xf32, #tpu.memory_space<vmem>>, vector<16xf32>,
        tpu.vector_store %arg11[%swap3A_1041], %mul3A_1038 {strides = array<i32>} : memref<12288xf32, #tpu.memory_space<vmem>>, vector<16xf32>,
        %mul3A_1043 = arith.mulf %gather3A_250, %select_n3A_1014 : vector<16xf32>
        %swap3A_1044 = arith.index_cast %add3A_1023 : i32 to index
        %swap3A_1045 = tpu.vector_load %arg13[%swap3A_1044] {strides = array<i32>} : memref<12288xf32, #tpu.memory_space<vmem>>, vector<16xf32>,
        tpu.vector_store %arg13[%swap3A_1044], %mul3A_1043 {strides = array<i32>} : memref<12288xf32, #tpu.memory_space<vmem>>, vector<16xf32>,
        %mul3A_1046 = arith.mulf %gather3A_253, %select_n3A_1014 : vector<16xf32>
        %add3A_1047 = arith.constant 128 : i32
        %add3A_1048 = arith.addi %add3A_1023, %add3A_1047 : i32
        %swap3A_1049 = arith.index_cast %add3A_1048 : i32 to index
        %swap3A_1050 = tpu.vector_load %arg13[%swap3A_1049] {strides = array<i32>} : memref<12288xf32, #tpu.memory_space<vmem>>, vector<16xf32>,
        tpu.vector_store %arg13[%swap3A_1049], %mul3A_1046 {strides = array<i32>} : memref<12288xf32, #tpu.memory_space<vmem>>, vector<16xf32>,
        %mul3A_1051 = arith.mulf %gather3A_256, %select_n3A_1014 : vector<16xf32>
        %add3A_1052 = arith.constant 256 : i32
        %add3A_1053 = arith.addi %add3A_1023, %add3A_1052 : i32
        %swap3A_1054 = arith.index_cast %add3A_1053 : i32 to index
        %swap3A_1055 = tpu.vector_load %arg13[%swap3A_1054] {strides = array<i32>} : memref<12288xf32, #tpu.memory_space<vmem>>, vector<16xf32>,
        tpu.vector_store %arg13[%swap3A_1054], %mul3A_1051 {strides = array<i32>} : memref<12288xf32, #tpu.memory_space<vmem>>, vector<16xf32>,
        %add3A_1056 = arith.addf %gather3A_259, %add3A_29 : vector<16xf32>
        %add3A_1057 = arith.constant 1.000000e+00 : f32
        %add3A_1058 = vector.broadcast %add3A_1057 : f32 to vector<16xf32>
        %add3A_1059 = arith.addf %add3A_1056, %add3A_1058 : vector<16xf32>
        %add3A_1060 = arith.addf %add3A_1056, %add3A_1059 : vector<16xf32>
        %mul3A_1061 = arith.constant 5.000000e-01 : f32
        %mul3A_1062 = vector.broadcast %mul3A_1061 : f32 to vector<16xf32>
        %mul3A_1063 = arith.mulf %add3A_1060, %mul3A_1062 : vector<16xf32>
        %mul3A_1064 = arith.mulf %gather3A_250, %mul3A_1063 : vector<16xf32>
        %add3A_1065 = arith.addf %gather3A_241, %mul3A_1064 : vector<16xf32>
        %sub3A_1066 = arith.constant -6.400000e+01 : f32
        %sub3A_1067 = vector.broadcast %sub3A_1066 : f32 to vector<16xf32>
        %sub3A_1068 = arith.subf %add3A_1065, %sub3A_1067 : vector<16xf32>
        %mul3A_1069 = arith.mulf %gather3A_253, %mul3A_1063 : vector<16xf32>
        %add3A_1070 = arith.addf %gather3A_244, %mul3A_1069 : vector<16xf32>
        %sub3A_1071 = arith.constant -6.400000e+01 : f32
        %sub3A_1072 = vector.broadcast %sub3A_1071 : f32 to vector<16xf32>
        %sub3A_1073 = arith.subf %add3A_1070, %sub3A_1072 : vector<16xf32>
        %mul3A_1074 = arith.mulf %gather3A_256, %mul3A_1063 : vector<16xf32>
        %add3A_1075 = arith.addf %gather3A_247, %mul3A_1074 : vector<16xf32>
        %sub3A_1076 = arith.constant -6.400000e+01 : f32
        %sub3A_1077 = vector.broadcast %sub3A_1076 : f32 to vector<16xf32>
        %sub3A_1078 = arith.subf %add3A_1075, %sub3A_1077 : vector<16xf32>
        %max3A_1079 = arith.constant 0.000000e+00 : f32
        %max3A_1080 = vector.broadcast %max3A_1079 : f32 to vector<16xf32>
        %max3A_1081 = arith.maximumf %sub3A_1068, %max3A_1080 : vector<16xf32>
        %min3A_1082 = arith.constant 1.270000e+02 : f32
        %min3A_1083 = vector.broadcast %min3A_1082 : f32 to vector<16xf32>
        %min3A_1084 = arith.minimumf %max3A_1081, %min3A_1083 : vector<16xf32>
        %max3A_1085 = arith.constant 0.000000e+00 : f32
        %max3A_1086 = vector.broadcast %max3A_1085 : f32 to vector<16xf32>
        %max3A_1087 = arith.maximumf %sub3A_1073, %max3A_1086 : vector<16xf32>
        %min3A_1088 = arith.constant 1.270000e+02 : f32
        %min3A_1089 = vector.broadcast %min3A_1088 : f32 to vector<16xf32>
        %min3A_1090 = arith.minimumf %max3A_1087, %min3A_1089 : vector<16xf32>
        %max3A_1091 = arith.constant 0.000000e+00 : f32
        %max3A_1092 = vector.broadcast %max3A_1091 : f32 to vector<16xf32>
        %max3A_1093 = arith.maximumf %sub3A_1078, %max3A_1092 : vector<16xf32>
        %min3A_1094 = arith.constant 1.270000e+02 : f32
        %min3A_1095 = vector.broadcast %min3A_1094 : f32 to vector<16xf32>
        %min3A_1096 = arith.minimumf %max3A_1093, %min3A_1095 : vector<16xf32>
        %convert_element_type3A_1097 = arith.fptosi %min3A_1084 : vector<16xf32> to vector<16xi32>
        %mul3A_1098 = arith.constant 128 : i32
        %mul3A_1099 = vector.broadcast %mul3A_1098 : i32 to vector<16xi32>
        %mul3A_1100 = arith.muli %convert_element_type3A_1097, %mul3A_1099 : vector<16xi32>
        %convert_element_type3A_1101 = arith.fptosi %min3A_1090 : vector<16xf32> to vector<16xi32>
        %add3A_1102 = arith.addi %mul3A_1100, %convert_element_type3A_1101 : vector<16xi32>
        %mul3A_1103 = arith.constant 128 : i32
        %mul3A_1104 = vector.broadcast %mul3A_1103 : i32 to vector<16xi32>
        %mul3A_1105 = arith.muli %add3A_1102, %mul3A_1104 : vector<16xi32>
        %convert_element_type3A_1106 = arith.fptosi %min3A_1096 : vector<16xf32> to vector<16xi32>
        %add3A_1107 = arith.addi %mul3A_1105, %convert_element_type3A_1106 : vector<16xi32>
        %shift_right_logical3A_1108 = arith.constant 5 : i32
        %shift_right_logical3A_1109 = vector.broadcast %shift_right_logical3A_1108 : i32 to vector<16xi32>
        %shift_right_logical3A_1110 = arith.shrui %add3A_1107, %shift_right_logical3A_1109 : vector<16xi32>
        %and3A_1111 = arith.constant 31 : i32
        %and3A_1112 = vector.broadcast %and3A_1111 : i32 to vector<16xi32>
        %and3A_1113 = arith.andi %add3A_1107, %and3A_1112 : vector<16xi32>
        %gather3A_1114 = tpu.vector_load_idx %arg8[%shift_right_logical3A_1110] : memref<65536xi32, #tpu.memory_space<vmem>>[vector<16xi32>], vector<16xi32>,
        %shift_right_logical3A_1115 = arith.shrui %gather3A_1114, %and3A_1113 : vector<16xi32>
        %and3A_1116 = arith.constant 1 : i32
        %and3A_1117 = vector.broadcast %and3A_1116 : i32 to vector<16xi32>
        %and3A_1118 = arith.andi %shift_right_logical3A_1115, %and3A_1117 : vector<16xi32>
        %eq3A_1119 = arith.constant 1 : i32
        %eq3A_1120 = vector.broadcast %eq3A_1119 : i32 to vector<16xi32>
        %eq3A_1121 = arith.cmpi eq, %and3A_1118, %eq3A_1120 : vector<16xi32>
        %le3A_1122 = arith.cmpf ole, %add3A_1059, %select_n3A : vector<16xf32>
        %and3A_1123 = arith.andi %le3A_1122, %eq3A_1121 : vector<16xi1>
        %jit3A_1124 = arith.constant 1.000000e+00 : f32
        %jit3A_1125 = arith.constant 0.000000e+00 : f32
        %broadcast_in_dim3A_1126 = vector.broadcast %jit3A_1124 : f32 to vector<16xf32>
        %broadcast_in_dim3A_1127 = vector.broadcast %jit3A_1125 : f32 to vector<16xf32>
        %select_n3A_1128 = arith.select %and3A_1123, %broadcast_in_dim3A_1126, %broadcast_in_dim3A_1127 : vector<16xi1>, vector<16xf32>
        %add3A_1129 = arith.constant 112 : i32
        %add3A_1130 = arith.addi %mul3A_264, %add3A_1129 : i32
        %shift_right_logical3A_1131 = arith.constant 7 : i32
        %shift_right_logical3A_1132 = arith.shrui %add3A_1130, %shift_right_logical3A_1131 : i32
        %mul3A_1133 = arith.constant 512 : i32
        %mul3A_1134 = arith.muli %shift_right_logical3A_1132, %mul3A_1133 : i32
        %and3A_1135 = arith.constant 127 : i32
        %and3A_1136 = arith.andi %add3A_1130, %and3A_1135 : i32
        %add3A_1137 = arith.addi %mul3A_1134, %and3A_1136 : i32
        %mul3A_1138 = arith.mulf %add3A_1056, %select_n3A_1128 : vector<16xf32>
        %swap3A_1139 = arith.index_cast %add3A_1130 : i32 to index
        %swap3A_1140 = tpu.vector_load %arg15[%swap3A_1139] {strides = array<i32>} : memref<3072xf32, #tpu.memory_space<vmem>>, vector<16xf32>,
        tpu.vector_store %arg15[%swap3A_1139], %mul3A_1138 {strides = array<i32>} : memref<3072xf32, #tpu.memory_space<vmem>>, vector<16xf32>,
        %mul3A_1141 = arith.mulf %add3A_1059, %select_n3A_1128 : vector<16xf32>
        %swap3A_1142 = arith.index_cast %add3A_1130 : i32 to index
        %swap3A_1143 = tpu.vector_load %arg17[%swap3A_1142] {strides = array<i32>} : memref<3072xf32, #tpu.memory_space<vmem>>, vector<16xf32>,
        tpu.vector_store %arg17[%swap3A_1142], %mul3A_1141 {strides = array<i32>} : memref<3072xf32, #tpu.memory_space<vmem>>, vector<16xf32>,
        %mul3A_1144 = arith.mulf %gather3A_241, %select_n3A_1128 : vector<16xf32>
        %swap3A_1145 = arith.index_cast %add3A_1137 : i32 to index
        %swap3A_1146 = tpu.vector_load %arg11[%swap3A_1145] {strides = array<i32>} : memref<12288xf32, #tpu.memory_space<vmem>>, vector<16xf32>,
        tpu.vector_store %arg11[%swap3A_1145], %mul3A_1144 {strides = array<i32>} : memref<12288xf32, #tpu.memory_space<vmem>>, vector<16xf32>,
        %mul3A_1147 = arith.mulf %gather3A_244, %select_n3A_1128 : vector<16xf32>
        %add3A_1148 = arith.constant 128 : i32
        %add3A_1149 = arith.addi %add3A_1137, %add3A_1148 : i32
        %swap3A_1150 = arith.index_cast %add3A_1149 : i32 to index
        %swap3A_1151 = tpu.vector_load %arg11[%swap3A_1150] {strides = array<i32>} : memref<12288xf32, #tpu.memory_space<vmem>>, vector<16xf32>,
        tpu.vector_store %arg11[%swap3A_1150], %mul3A_1147 {strides = array<i32>} : memref<12288xf32, #tpu.memory_space<vmem>>, vector<16xf32>,
        %mul3A_1152 = arith.mulf %gather3A_247, %select_n3A_1128 : vector<16xf32>
        %add3A_1153 = arith.constant 256 : i32
        %add3A_1154 = arith.addi %add3A_1137, %add3A_1153 : i32
        %swap3A_1155 = arith.index_cast %add3A_1154 : i32 to index
        %swap3A_1156 = tpu.vector_load %arg11[%swap3A_1155] {strides = array<i32>} : memref<12288xf32, #tpu.memory_space<vmem>>, vector<16xf32>,
        tpu.vector_store %arg11[%swap3A_1155], %mul3A_1152 {strides = array<i32>} : memref<12288xf32, #tpu.memory_space<vmem>>, vector<16xf32>,
        %mul3A_1157 = arith.mulf %gather3A_250, %select_n3A_1128 : vector<16xf32>
        %swap3A_1158 = arith.index_cast %add3A_1137 : i32 to index
        %swap3A_1159 = tpu.vector_load %arg13[%swap3A_1158] {strides = array<i32>} : memref<12288xf32, #tpu.memory_space<vmem>>, vector<16xf32>,
        tpu.vector_store %arg13[%swap3A_1158], %mul3A_1157 {strides = array<i32>} : memref<12288xf32, #tpu.memory_space<vmem>>, vector<16xf32>,
        %mul3A_1160 = arith.mulf %gather3A_253, %select_n3A_1128 : vector<16xf32>
        %add3A_1161 = arith.constant 128 : i32
        %add3A_1162 = arith.addi %add3A_1137, %add3A_1161 : i32
        %swap3A_1163 = arith.index_cast %add3A_1162 : i32 to index
        %swap3A_1164 = tpu.vector_load %arg13[%swap3A_1163] {strides = array<i32>} : memref<12288xf32, #tpu.memory_space<vmem>>, vector<16xf32>,
        tpu.vector_store %arg13[%swap3A_1163], %mul3A_1160 {strides = array<i32>} : memref<12288xf32, #tpu.memory_space<vmem>>, vector<16xf32>,
        %mul3A_1165 = arith.mulf %gather3A_256, %select_n3A_1128 : vector<16xf32>
        %add3A_1166 = arith.constant 256 : i32
        %add3A_1167 = arith.addi %add3A_1137, %add3A_1166 : i32
        %swap3A_1168 = arith.index_cast %add3A_1167 : i32 to index
        %swap3A_1169 = tpu.vector_load %arg13[%swap3A_1168] {strides = array<i32>} : memref<12288xf32, #tpu.memory_space<vmem>>, vector<16xf32>,
        tpu.vector_store %arg13[%swap3A_1168], %mul3A_1165 {strides = array<i32>} : memref<12288xf32, #tpu.memory_space<vmem>>, vector<16xf32>,
        %add3A_1170 = arith.addf %gather3A_259, %add3A_32 : vector<16xf32>
        %add3A_1171 = arith.constant 1.000000e+00 : f32
        %add3A_1172 = vector.broadcast %add3A_1171 : f32 to vector<16xf32>
        %add3A_1173 = arith.addf %add3A_1170, %add3A_1172 : vector<16xf32>
        %add3A_1174 = arith.addf %add3A_1170, %add3A_1173 : vector<16xf32>
        %mul3A_1175 = arith.constant 5.000000e-01 : f32
        %mul3A_1176 = vector.broadcast %mul3A_1175 : f32 to vector<16xf32>
        %mul3A_1177 = arith.mulf %add3A_1174, %mul3A_1176 : vector<16xf32>
        %mul3A_1178 = arith.mulf %gather3A_250, %mul3A_1177 : vector<16xf32>
        %add3A_1179 = arith.addf %gather3A_241, %mul3A_1178 : vector<16xf32>
        %sub3A_1180 = arith.constant -6.400000e+01 : f32
        %sub3A_1181 = vector.broadcast %sub3A_1180 : f32 to vector<16xf32>
        %sub3A_1182 = arith.subf %add3A_1179, %sub3A_1181 : vector<16xf32>
        %mul3A_1183 = arith.mulf %gather3A_253, %mul3A_1177 : vector<16xf32>
        %add3A_1184 = arith.addf %gather3A_244, %mul3A_1183 : vector<16xf32>
        %sub3A_1185 = arith.constant -6.400000e+01 : f32
        %sub3A_1186 = vector.broadcast %sub3A_1185 : f32 to vector<16xf32>
        %sub3A_1187 = arith.subf %add3A_1184, %sub3A_1186 : vector<16xf32>
        %mul3A_1188 = arith.mulf %gather3A_256, %mul3A_1177 : vector<16xf32>
        %add3A_1189 = arith.addf %gather3A_247, %mul3A_1188 : vector<16xf32>
        %sub3A_1190 = arith.constant -6.400000e+01 : f32
        %sub3A_1191 = vector.broadcast %sub3A_1190 : f32 to vector<16xf32>
        %sub3A_1192 = arith.subf %add3A_1189, %sub3A_1191 : vector<16xf32>
        %max3A_1193 = arith.constant 0.000000e+00 : f32
        %max3A_1194 = vector.broadcast %max3A_1193 : f32 to vector<16xf32>
        %max3A_1195 = arith.maximumf %sub3A_1182, %max3A_1194 : vector<16xf32>
        %min3A_1196 = arith.constant 1.270000e+02 : f32
        %min3A_1197 = vector.broadcast %min3A_1196 : f32 to vector<16xf32>
        %min3A_1198 = arith.minimumf %max3A_1195, %min3A_1197 : vector<16xf32>
        %max3A_1199 = arith.constant 0.000000e+00 : f32
        %max3A_1200 = vector.broadcast %max3A_1199 : f32 to vector<16xf32>
        %max3A_1201 = arith.maximumf %sub3A_1187, %max3A_1200 : vector<16xf32>
        %min3A_1202 = arith.constant 1.270000e+02 : f32
        %min3A_1203 = vector.broadcast %min3A_1202 : f32 to vector<16xf32>
        %min3A_1204 = arith.minimumf %max3A_1201, %min3A_1203 : vector<16xf32>
        %max3A_1205 = arith.constant 0.000000e+00 : f32
        %max3A_1206 = vector.broadcast %max3A_1205 : f32 to vector<16xf32>
        %max3A_1207 = arith.maximumf %sub3A_1192, %max3A_1206 : vector<16xf32>
        %min3A_1208 = arith.constant 1.270000e+02 : f32
        %min3A_1209 = vector.broadcast %min3A_1208 : f32 to vector<16xf32>
        %min3A_1210 = arith.minimumf %max3A_1207, %min3A_1209 : vector<16xf32>
        %convert_element_type3A_1211 = arith.fptosi %min3A_1198 : vector<16xf32> to vector<16xi32>
        %mul3A_1212 = arith.constant 128 : i32
        %mul3A_1213 = vector.broadcast %mul3A_1212 : i32 to vector<16xi32>
        %mul3A_1214 = arith.muli %convert_element_type3A_1211, %mul3A_1213 : vector<16xi32>
        %convert_element_type3A_1215 = arith.fptosi %min3A_1204 : vector<16xf32> to vector<16xi32>
        %add3A_1216 = arith.addi %mul3A_1214, %convert_element_type3A_1215 : vector<16xi32>
        %mul3A_1217 = arith.constant 128 : i32
        %mul3A_1218 = vector.broadcast %mul3A_1217 : i32 to vector<16xi32>
        %mul3A_1219 = arith.muli %add3A_1216, %mul3A_1218 : vector<16xi32>
        %convert_element_type3A_1220 = arith.fptosi %min3A_1210 : vector<16xf32> to vector<16xi32>
        %add3A_1221 = arith.addi %mul3A_1219, %convert_element_type3A_1220 : vector<16xi32>
        %shift_right_logical3A_1222 = arith.constant 5 : i32
        %shift_right_logical3A_1223 = vector.broadcast %shift_right_logical3A_1222 : i32 to vector<16xi32>
        %shift_right_logical3A_1224 = arith.shrui %add3A_1221, %shift_right_logical3A_1223 : vector<16xi32>
        %and3A_1225 = arith.constant 31 : i32
        %and3A_1226 = vector.broadcast %and3A_1225 : i32 to vector<16xi32>
        %and3A_1227 = arith.andi %add3A_1221, %and3A_1226 : vector<16xi32>
        %gather3A_1228 = tpu.vector_load_idx %arg8[%shift_right_logical3A_1224] : memref<65536xi32, #tpu.memory_space<vmem>>[vector<16xi32>], vector<16xi32>,
        %shift_right_logical3A_1229 = arith.shrui %gather3A_1228, %and3A_1227 : vector<16xi32>
        %and3A_1230 = arith.constant 1 : i32
        %and3A_1231 = vector.broadcast %and3A_1230 : i32 to vector<16xi32>
        %and3A_1232 = arith.andi %shift_right_logical3A_1229, %and3A_1231 : vector<16xi32>
        %eq3A_1233 = arith.constant 1 : i32
        %eq3A_1234 = vector.broadcast %eq3A_1233 : i32 to vector<16xi32>
        %eq3A_1235 = arith.cmpi eq, %and3A_1232, %eq3A_1234 : vector<16xi32>
        %le3A_1236 = arith.cmpf ole, %add3A_1173, %select_n3A : vector<16xf32>
        %and3A_1237 = arith.andi %le3A_1236, %eq3A_1235 : vector<16xi1>
        %jit3A_1238 = arith.constant 1.000000e+00 : f32
        %jit3A_1239 = arith.constant 0.000000e+00 : f32
        %broadcast_in_dim3A_1240 = vector.broadcast %jit3A_1238 : f32 to vector<16xf32>
        %broadcast_in_dim3A_1241 = vector.broadcast %jit3A_1239 : f32 to vector<16xf32>
        %select_n3A_1242 = arith.select %and3A_1237, %broadcast_in_dim3A_1240, %broadcast_in_dim3A_1241 : vector<16xi1>, vector<16xf32>
        %add3A_1243 = arith.constant 128 : i32
        %add3A_1244 = arith.addi %mul3A_264, %add3A_1243 : i32
        %shift_right_logical3A_1245 = arith.constant 7 : i32
        %shift_right_logical3A_1246 = arith.shrui %add3A_1244, %shift_right_logical3A_1245 : i32
        %mul3A_1247 = arith.constant 512 : i32
        %mul3A_1248 = arith.muli %shift_right_logical3A_1246, %mul3A_1247 : i32
        %and3A_1249 = arith.constant 127 : i32
        %and3A_1250 = arith.andi %add3A_1244, %and3A_1249 : i32
        %add3A_1251 = arith.addi %mul3A_1248, %and3A_1250 : i32
        %mul3A_1252 = arith.mulf %add3A_1170, %select_n3A_1242 : vector<16xf32>
        %swap3A_1253 = arith.index_cast %add3A_1244 : i32 to index
        %swap3A_1254 = tpu.vector_load %arg15[%swap3A_1253] {strides = array<i32>} : memref<3072xf32, #tpu.memory_space<vmem>>, vector<16xf32>,
        tpu.vector_store %arg15[%swap3A_1253], %mul3A_1252 {strides = array<i32>} : memref<3072xf32, #tpu.memory_space<vmem>>, vector<16xf32>,
        %mul3A_1255 = arith.mulf %add3A_1173, %select_n3A_1242 : vector<16xf32>
        %swap3A_1256 = arith.index_cast %add3A_1244 : i32 to index
        %swap3A_1257 = tpu.vector_load %arg17[%swap3A_1256] {strides = array<i32>} : memref<3072xf32, #tpu.memory_space<vmem>>, vector<16xf32>,
        tpu.vector_store %arg17[%swap3A_1256], %mul3A_1255 {strides = array<i32>} : memref<3072xf32, #tpu.memory_space<vmem>>, vector<16xf32>,
        %mul3A_1258 = arith.mulf %gather3A_241, %select_n3A_1242 : vector<16xf32>
        %swap3A_1259 = arith.index_cast %add3A_1251 : i32 to index
        %swap3A_1260 = tpu.vector_load %arg11[%swap3A_1259] {strides = array<i32>} : memref<12288xf32, #tpu.memory_space<vmem>>, vector<16xf32>,
        tpu.vector_store %arg11[%swap3A_1259], %mul3A_1258 {strides = array<i32>} : memref<12288xf32, #tpu.memory_space<vmem>>, vector<16xf32>,
        %mul3A_1261 = arith.mulf %gather3A_244, %select_n3A_1242 : vector<16xf32>
        %add3A_1262 = arith.constant 128 : i32
        %add3A_1263 = arith.addi %add3A_1251, %add3A_1262 : i32
        %swap3A_1264 = arith.index_cast %add3A_1263 : i32 to index
        %swap3A_1265 = tpu.vector_load %arg11[%swap3A_1264] {strides = array<i32>} : memref<12288xf32, #tpu.memory_space<vmem>>, vector<16xf32>,
        tpu.vector_store %arg11[%swap3A_1264], %mul3A_1261 {strides = array<i32>} : memref<12288xf32, #tpu.memory_space<vmem>>, vector<16xf32>,
        %mul3A_1266 = arith.mulf %gather3A_247, %select_n3A_1242 : vector<16xf32>
        %add3A_1267 = arith.constant 256 : i32
        %add3A_1268 = arith.addi %add3A_1251, %add3A_1267 : i32
        %swap3A_1269 = arith.index_cast %add3A_1268 : i32 to index
        %swap3A_1270 = tpu.vector_load %arg11[%swap3A_1269] {strides = array<i32>} : memref<12288xf32, #tpu.memory_space<vmem>>, vector<16xf32>,
        tpu.vector_store %arg11[%swap3A_1269], %mul3A_1266 {strides = array<i32>} : memref<12288xf32, #tpu.memory_space<vmem>>, vector<16xf32>,
        %mul3A_1271 = arith.mulf %gather3A_250, %select_n3A_1242 : vector<16xf32>
        %swap3A_1272 = arith.index_cast %add3A_1251 : i32 to index
        %swap3A_1273 = tpu.vector_load %arg13[%swap3A_1272] {strides = array<i32>} : memref<12288xf32, #tpu.memory_space<vmem>>, vector<16xf32>,
        tpu.vector_store %arg13[%swap3A_1272], %mul3A_1271 {strides = array<i32>} : memref<12288xf32, #tpu.memory_space<vmem>>, vector<16xf32>,
        %mul3A_1274 = arith.mulf %gather3A_253, %select_n3A_1242 : vector<16xf32>
        %add3A_1275 = arith.constant 128 : i32
        %add3A_1276 = arith.addi %add3A_1251, %add3A_1275 : i32
        %swap3A_1277 = arith.index_cast %add3A_1276 : i32 to index
        %swap3A_1278 = tpu.vector_load %arg13[%swap3A_1277] {strides = array<i32>} : memref<12288xf32, #tpu.memory_space<vmem>>, vector<16xf32>,
        tpu.vector_store %arg13[%swap3A_1277], %mul3A_1274 {strides = array<i32>} : memref<12288xf32, #tpu.memory_space<vmem>>, vector<16xf32>,
        %mul3A_1279 = arith.mulf %gather3A_256, %select_n3A_1242 : vector<16xf32>
        %add3A_1280 = arith.constant 256 : i32
        %add3A_1281 = arith.addi %add3A_1251, %add3A_1280 : i32
        %swap3A_1282 = arith.index_cast %add3A_1281 : i32 to index
        %swap3A_1283 = tpu.vector_load %arg13[%swap3A_1282] {strides = array<i32>} : memref<12288xf32, #tpu.memory_space<vmem>>, vector<16xf32>,
        tpu.vector_store %arg13[%swap3A_1282], %mul3A_1279 {strides = array<i32>} : memref<12288xf32, #tpu.memory_space<vmem>>, vector<16xf32>,
        %add3A_1284 = arith.addf %gather3A_259, %add3A_35 : vector<16xf32>
        %add3A_1285 = arith.constant 1.000000e+00 : f32
        %add3A_1286 = vector.broadcast %add3A_1285 : f32 to vector<16xf32>
        %add3A_1287 = arith.addf %add3A_1284, %add3A_1286 : vector<16xf32>
        %add3A_1288 = arith.addf %add3A_1284, %add3A_1287 : vector<16xf32>
        %mul3A_1289 = arith.constant 5.000000e-01 : f32
        %mul3A_1290 = vector.broadcast %mul3A_1289 : f32 to vector<16xf32>
        %mul3A_1291 = arith.mulf %add3A_1288, %mul3A_1290 : vector<16xf32>
        %mul3A_1292 = arith.mulf %gather3A_250, %mul3A_1291 : vector<16xf32>
        %add3A_1293 = arith.addf %gather3A_241, %mul3A_1292 : vector<16xf32>
        %sub3A_1294 = arith.constant -6.400000e+01 : f32
        %sub3A_1295 = vector.broadcast %sub3A_1294 : f32 to vector<16xf32>
        %sub3A_1296 = arith.subf %add3A_1293, %sub3A_1295 : vector<16xf32>
        %mul3A_1297 = arith.mulf %gather3A_253, %mul3A_1291 : vector<16xf32>
        %add3A_1298 = arith.addf %gather3A_244, %mul3A_1297 : vector<16xf32>
        %sub3A_1299 = arith.constant -6.400000e+01 : f32
        %sub3A_1300 = vector.broadcast %sub3A_1299 : f32 to vector<16xf32>
        %sub3A_1301 = arith.subf %add3A_1298, %sub3A_1300 : vector<16xf32>
        %mul3A_1302 = arith.mulf %gather3A_256, %mul3A_1291 : vector<16xf32>
        %add3A_1303 = arith.addf %gather3A_247, %mul3A_1302 : vector<16xf32>
        %sub3A_1304 = arith.constant -6.400000e+01 : f32
        %sub3A_1305 = vector.broadcast %sub3A_1304 : f32 to vector<16xf32>
        %sub3A_1306 = arith.subf %add3A_1303, %sub3A_1305 : vector<16xf32>
        %max3A_1307 = arith.constant 0.000000e+00 : f32
        %max3A_1308 = vector.broadcast %max3A_1307 : f32 to vector<16xf32>
        %max3A_1309 = arith.maximumf %sub3A_1296, %max3A_1308 : vector<16xf32>
        %min3A_1310 = arith.constant 1.270000e+02 : f32
        %min3A_1311 = vector.broadcast %min3A_1310 : f32 to vector<16xf32>
        %min3A_1312 = arith.minimumf %max3A_1309, %min3A_1311 : vector<16xf32>
        %max3A_1313 = arith.constant 0.000000e+00 : f32
        %max3A_1314 = vector.broadcast %max3A_1313 : f32 to vector<16xf32>
        %max3A_1315 = arith.maximumf %sub3A_1301, %max3A_1314 : vector<16xf32>
        %min3A_1316 = arith.constant 1.270000e+02 : f32
        %min3A_1317 = vector.broadcast %min3A_1316 : f32 to vector<16xf32>
        %min3A_1318 = arith.minimumf %max3A_1315, %min3A_1317 : vector<16xf32>
        %max3A_1319 = arith.constant 0.000000e+00 : f32
        %max3A_1320 = vector.broadcast %max3A_1319 : f32 to vector<16xf32>
        %max3A_1321 = arith.maximumf %sub3A_1306, %max3A_1320 : vector<16xf32>
        %min3A_1322 = arith.constant 1.270000e+02 : f32
        %min3A_1323 = vector.broadcast %min3A_1322 : f32 to vector<16xf32>
        %min3A_1324 = arith.minimumf %max3A_1321, %min3A_1323 : vector<16xf32>
        %convert_element_type3A_1325 = arith.fptosi %min3A_1312 : vector<16xf32> to vector<16xi32>
        %mul3A_1326 = arith.constant 128 : i32
        %mul3A_1327 = vector.broadcast %mul3A_1326 : i32 to vector<16xi32>
        %mul3A_1328 = arith.muli %convert_element_type3A_1325, %mul3A_1327 : vector<16xi32>
        %convert_element_type3A_1329 = arith.fptosi %min3A_1318 : vector<16xf32> to vector<16xi32>
        %add3A_1330 = arith.addi %mul3A_1328, %convert_element_type3A_1329 : vector<16xi32>
        %mul3A_1331 = arith.constant 128 : i32
        %mul3A_1332 = vector.broadcast %mul3A_1331 : i32 to vector<16xi32>
        %mul3A_1333 = arith.muli %add3A_1330, %mul3A_1332 : vector<16xi32>
        %convert_element_type3A_1334 = arith.fptosi %min3A_1324 : vector<16xf32> to vector<16xi32>
        %add3A_1335 = arith.addi %mul3A_1333, %convert_element_type3A_1334 : vector<16xi32>
        %shift_right_logical3A_1336 = arith.constant 5 : i32
        %shift_right_logical3A_1337 = vector.broadcast %shift_right_logical3A_1336 : i32 to vector<16xi32>
        %shift_right_logical3A_1338 = arith.shrui %add3A_1335, %shift_right_logical3A_1337 : vector<16xi32>
        %and3A_1339 = arith.constant 31 : i32
        %and3A_1340 = vector.broadcast %and3A_1339 : i32 to vector<16xi32>
        %and3A_1341 = arith.andi %add3A_1335, %and3A_1340 : vector<16xi32>
        %gather3A_1342 = tpu.vector_load_idx %arg8[%shift_right_logical3A_1338] : memref<65536xi32, #tpu.memory_space<vmem>>[vector<16xi32>], vector<16xi32>,
        %shift_right_logical3A_1343 = arith.shrui %gather3A_1342, %and3A_1341 : vector<16xi32>
        %and3A_1344 = arith.constant 1 : i32
        %and3A_1345 = vector.broadcast %and3A_1344 : i32 to vector<16xi32>
        %and3A_1346 = arith.andi %shift_right_logical3A_1343, %and3A_1345 : vector<16xi32>
        %eq3A_1347 = arith.constant 1 : i32
        %eq3A_1348 = vector.broadcast %eq3A_1347 : i32 to vector<16xi32>
        %eq3A_1349 = arith.cmpi eq, %and3A_1346, %eq3A_1348 : vector<16xi32>
        %le3A_1350 = arith.cmpf ole, %add3A_1287, %select_n3A : vector<16xf32>
        %and3A_1351 = arith.andi %le3A_1350, %eq3A_1349 : vector<16xi1>
        %jit3A_1352 = arith.constant 1.000000e+00 : f32
        %jit3A_1353 = arith.constant 0.000000e+00 : f32
        %broadcast_in_dim3A_1354 = vector.broadcast %jit3A_1352 : f32 to vector<16xf32>
        %broadcast_in_dim3A_1355 = vector.broadcast %jit3A_1353 : f32 to vector<16xf32>
        %select_n3A_1356 = arith.select %and3A_1351, %broadcast_in_dim3A_1354, %broadcast_in_dim3A_1355 : vector<16xi1>, vector<16xf32>
        %add3A_1357 = arith.constant 144 : i32
        %add3A_1358 = arith.addi %mul3A_264, %add3A_1357 : i32
        %shift_right_logical3A_1359 = arith.constant 7 : i32
        %shift_right_logical3A_1360 = arith.shrui %add3A_1358, %shift_right_logical3A_1359 : i32
        %mul3A_1361 = arith.constant 512 : i32
        %mul3A_1362 = arith.muli %shift_right_logical3A_1360, %mul3A_1361 : i32
        %and3A_1363 = arith.constant 127 : i32
        %and3A_1364 = arith.andi %add3A_1358, %and3A_1363 : i32
        %add3A_1365 = arith.addi %mul3A_1362, %and3A_1364 : i32
        %mul3A_1366 = arith.mulf %add3A_1284, %select_n3A_1356 : vector<16xf32>
        %swap3A_1367 = arith.index_cast %add3A_1358 : i32 to index
        %swap3A_1368 = tpu.vector_load %arg15[%swap3A_1367] {strides = array<i32>} : memref<3072xf32, #tpu.memory_space<vmem>>, vector<16xf32>,
        tpu.vector_store %arg15[%swap3A_1367], %mul3A_1366 {strides = array<i32>} : memref<3072xf32, #tpu.memory_space<vmem>>, vector<16xf32>,
        %mul3A_1369 = arith.mulf %add3A_1287, %select_n3A_1356 : vector<16xf32>
        %swap3A_1370 = arith.index_cast %add3A_1358 : i32 to index
        %swap3A_1371 = tpu.vector_load %arg17[%swap3A_1370] {strides = array<i32>} : memref<3072xf32, #tpu.memory_space<vmem>>, vector<16xf32>,
        tpu.vector_store %arg17[%swap3A_1370], %mul3A_1369 {strides = array<i32>} : memref<3072xf32, #tpu.memory_space<vmem>>, vector<16xf32>,
        %mul3A_1372 = arith.mulf %gather3A_241, %select_n3A_1356 : vector<16xf32>
        %swap3A_1373 = arith.index_cast %add3A_1365 : i32 to index
        %swap3A_1374 = tpu.vector_load %arg11[%swap3A_1373] {strides = array<i32>} : memref<12288xf32, #tpu.memory_space<vmem>>, vector<16xf32>,
        tpu.vector_store %arg11[%swap3A_1373], %mul3A_1372 {strides = array<i32>} : memref<12288xf32, #tpu.memory_space<vmem>>, vector<16xf32>,
        %mul3A_1375 = arith.mulf %gather3A_244, %select_n3A_1356 : vector<16xf32>
        %add3A_1376 = arith.constant 128 : i32
        %add3A_1377 = arith.addi %add3A_1365, %add3A_1376 : i32
        %swap3A_1378 = arith.index_cast %add3A_1377 : i32 to index
        %swap3A_1379 = tpu.vector_load %arg11[%swap3A_1378] {strides = array<i32>} : memref<12288xf32, #tpu.memory_space<vmem>>, vector<16xf32>,
        tpu.vector_store %arg11[%swap3A_1378], %mul3A_1375 {strides = array<i32>} : memref<12288xf32, #tpu.memory_space<vmem>>, vector<16xf32>,
        %mul3A_1380 = arith.mulf %gather3A_247, %select_n3A_1356 : vector<16xf32>
        %add3A_1381 = arith.constant 256 : i32
        %add3A_1382 = arith.addi %add3A_1365, %add3A_1381 : i32
        %swap3A_1383 = arith.index_cast %add3A_1382 : i32 to index
        %swap3A_1384 = tpu.vector_load %arg11[%swap3A_1383] {strides = array<i32>} : memref<12288xf32, #tpu.memory_space<vmem>>, vector<16xf32>,
        tpu.vector_store %arg11[%swap3A_1383], %mul3A_1380 {strides = array<i32>} : memref<12288xf32, #tpu.memory_space<vmem>>, vector<16xf32>,
        %mul3A_1385 = arith.mulf %gather3A_250, %select_n3A_1356 : vector<16xf32>
        %swap3A_1386 = arith.index_cast %add3A_1365 : i32 to index
        %swap3A_1387 = tpu.vector_load %arg13[%swap3A_1386] {strides = array<i32>} : memref<12288xf32, #tpu.memory_space<vmem>>, vector<16xf32>,
        tpu.vector_store %arg13[%swap3A_1386], %mul3A_1385 {strides = array<i32>} : memref<12288xf32, #tpu.memory_space<vmem>>, vector<16xf32>,
        %mul3A_1388 = arith.mulf %gather3A_253, %select_n3A_1356 : vector<16xf32>
        %add3A_1389 = arith.constant 128 : i32
        %add3A_1390 = arith.addi %add3A_1365, %add3A_1389 : i32
        %swap3A_1391 = arith.index_cast %add3A_1390 : i32 to index
        %swap3A_1392 = tpu.vector_load %arg13[%swap3A_1391] {strides = array<i32>} : memref<12288xf32, #tpu.memory_space<vmem>>, vector<16xf32>,
        tpu.vector_store %arg13[%swap3A_1391], %mul3A_1388 {strides = array<i32>} : memref<12288xf32, #tpu.memory_space<vmem>>, vector<16xf32>,
        %mul3A_1393 = arith.mulf %gather3A_256, %select_n3A_1356 : vector<16xf32>
        %add3A_1394 = arith.constant 256 : i32
        %add3A_1395 = arith.addi %add3A_1365, %add3A_1394 : i32
        %swap3A_1396 = arith.index_cast %add3A_1395 : i32 to index
        %swap3A_1397 = tpu.vector_load %arg13[%swap3A_1396] {strides = array<i32>} : memref<12288xf32, #tpu.memory_space<vmem>>, vector<16xf32>,
        tpu.vector_store %arg13[%swap3A_1396], %mul3A_1393 {strides = array<i32>} : memref<12288xf32, #tpu.memory_space<vmem>>, vector<16xf32>,
        %add3A_1398 = arith.addf %gather3A_259, %add3A_38 : vector<16xf32>
        %add3A_1399 = arith.constant 1.000000e+00 : f32
        %add3A_1400 = vector.broadcast %add3A_1399 : f32 to vector<16xf32>
        %add3A_1401 = arith.addf %add3A_1398, %add3A_1400 : vector<16xf32>
        %add3A_1402 = arith.addf %add3A_1398, %add3A_1401 : vector<16xf32>
        %mul3A_1403 = arith.constant 5.000000e-01 : f32
        %mul3A_1404 = vector.broadcast %mul3A_1403 : f32 to vector<16xf32>
        %mul3A_1405 = arith.mulf %add3A_1402, %mul3A_1404 : vector<16xf32>
        %mul3A_1406 = arith.mulf %gather3A_250, %mul3A_1405 : vector<16xf32>
        %add3A_1407 = arith.addf %gather3A_241, %mul3A_1406 : vector<16xf32>
        %sub3A_1408 = arith.constant -6.400000e+01 : f32
        %sub3A_1409 = vector.broadcast %sub3A_1408 : f32 to vector<16xf32>
        %sub3A_1410 = arith.subf %add3A_1407, %sub3A_1409 : vector<16xf32>
        %mul3A_1411 = arith.mulf %gather3A_253, %mul3A_1405 : vector<16xf32>
        %add3A_1412 = arith.addf %gather3A_244, %mul3A_1411 : vector<16xf32>
        %sub3A_1413 = arith.constant -6.400000e+01 : f32
        %sub3A_1414 = vector.broadcast %sub3A_1413 : f32 to vector<16xf32>
        %sub3A_1415 = arith.subf %add3A_1412, %sub3A_1414 : vector<16xf32>
        %mul3A_1416 = arith.mulf %gather3A_256, %mul3A_1405 : vector<16xf32>
        %add3A_1417 = arith.addf %gather3A_247, %mul3A_1416 : vector<16xf32>
        %sub3A_1418 = arith.constant -6.400000e+01 : f32
        %sub3A_1419 = vector.broadcast %sub3A_1418 : f32 to vector<16xf32>
        %sub3A_1420 = arith.subf %add3A_1417, %sub3A_1419 : vector<16xf32>
        %max3A_1421 = arith.constant 0.000000e+00 : f32
        %max3A_1422 = vector.broadcast %max3A_1421 : f32 to vector<16xf32>
        %max3A_1423 = arith.maximumf %sub3A_1410, %max3A_1422 : vector<16xf32>
        %min3A_1424 = arith.constant 1.270000e+02 : f32
        %min3A_1425 = vector.broadcast %min3A_1424 : f32 to vector<16xf32>
        %min3A_1426 = arith.minimumf %max3A_1423, %min3A_1425 : vector<16xf32>
        %max3A_1427 = arith.constant 0.000000e+00 : f32
        %max3A_1428 = vector.broadcast %max3A_1427 : f32 to vector<16xf32>
        %max3A_1429 = arith.maximumf %sub3A_1415, %max3A_1428 : vector<16xf32>
        %min3A_1430 = arith.constant 1.270000e+02 : f32
        %min3A_1431 = vector.broadcast %min3A_1430 : f32 to vector<16xf32>
        %min3A_1432 = arith.minimumf %max3A_1429, %min3A_1431 : vector<16xf32>
        %max3A_1433 = arith.constant 0.000000e+00 : f32
        %max3A_1434 = vector.broadcast %max3A_1433 : f32 to vector<16xf32>
        %max3A_1435 = arith.maximumf %sub3A_1420, %max3A_1434 : vector<16xf32>
        %min3A_1436 = arith.constant 1.270000e+02 : f32
        %min3A_1437 = vector.broadcast %min3A_1436 : f32 to vector<16xf32>
        %min3A_1438 = arith.minimumf %max3A_1435, %min3A_1437 : vector<16xf32>
        %convert_element_type3A_1439 = arith.fptosi %min3A_1426 : vector<16xf32> to vector<16xi32>
        %mul3A_1440 = arith.constant 128 : i32
        %mul3A_1441 = vector.broadcast %mul3A_1440 : i32 to vector<16xi32>
        %mul3A_1442 = arith.muli %convert_element_type3A_1439, %mul3A_1441 : vector<16xi32>
        %convert_element_type3A_1443 = arith.fptosi %min3A_1432 : vector<16xf32> to vector<16xi32>
        %add3A_1444 = arith.addi %mul3A_1442, %convert_element_type3A_1443 : vector<16xi32>
        %mul3A_1445 = arith.constant 128 : i32
        %mul3A_1446 = vector.broadcast %mul3A_1445 : i32 to vector<16xi32>
        %mul3A_1447 = arith.muli %add3A_1444, %mul3A_1446 : vector<16xi32>
        %convert_element_type3A_1448 = arith.fptosi %min3A_1438 : vector<16xf32> to vector<16xi32>
        %add3A_1449 = arith.addi %mul3A_1447, %convert_element_type3A_1448 : vector<16xi32>
        %shift_right_logical3A_1450 = arith.constant 5 : i32
        %shift_right_logical3A_1451 = vector.broadcast %shift_right_logical3A_1450 : i32 to vector<16xi32>
        %shift_right_logical3A_1452 = arith.shrui %add3A_1449, %shift_right_logical3A_1451 : vector<16xi32>
        %and3A_1453 = arith.constant 31 : i32
        %and3A_1454 = vector.broadcast %and3A_1453 : i32 to vector<16xi32>
        %and3A_1455 = arith.andi %add3A_1449, %and3A_1454 : vector<16xi32>
        %gather3A_1456 = tpu.vector_load_idx %arg8[%shift_right_logical3A_1452] : memref<65536xi32, #tpu.memory_space<vmem>>[vector<16xi32>], vector<16xi32>,
        %shift_right_logical3A_1457 = arith.shrui %gather3A_1456, %and3A_1455 : vector<16xi32>
        %and3A_1458 = arith.constant 1 : i32
        %and3A_1459 = vector.broadcast %and3A_1458 : i32 to vector<16xi32>
        %and3A_1460 = arith.andi %shift_right_logical3A_1457, %and3A_1459 : vector<16xi32>
        %eq3A_1461 = arith.constant 1 : i32
        %eq3A_1462 = vector.broadcast %eq3A_1461 : i32 to vector<16xi32>
        %eq3A_1463 = arith.cmpi eq, %and3A_1460, %eq3A_1462 : vector<16xi32>
        %le3A_1464 = arith.cmpf ole, %add3A_1401, %select_n3A : vector<16xf32>
        %and3A_1465 = arith.andi %le3A_1464, %eq3A_1463 : vector<16xi1>
        %jit3A_1466 = arith.constant 1.000000e+00 : f32
        %jit3A_1467 = arith.constant 0.000000e+00 : f32
        %broadcast_in_dim3A_1468 = vector.broadcast %jit3A_1466 : f32 to vector<16xf32>
        %broadcast_in_dim3A_1469 = vector.broadcast %jit3A_1467 : f32 to vector<16xf32>
        %select_n3A_1470 = arith.select %and3A_1465, %broadcast_in_dim3A_1468, %broadcast_in_dim3A_1469 : vector<16xi1>, vector<16xf32>
        %add3A_1471 = arith.constant 160 : i32
        %add3A_1472 = arith.addi %mul3A_264, %add3A_1471 : i32
        %shift_right_logical3A_1473 = arith.constant 7 : i32
        %shift_right_logical3A_1474 = arith.shrui %add3A_1472, %shift_right_logical3A_1473 : i32
        %mul3A_1475 = arith.constant 512 : i32
        %mul3A_1476 = arith.muli %shift_right_logical3A_1474, %mul3A_1475 : i32
        %and3A_1477 = arith.constant 127 : i32
        %and3A_1478 = arith.andi %add3A_1472, %and3A_1477 : i32
        %add3A_1479 = arith.addi %mul3A_1476, %and3A_1478 : i32
        %mul3A_1480 = arith.mulf %add3A_1398, %select_n3A_1470 : vector<16xf32>
        %swap3A_1481 = arith.index_cast %add3A_1472 : i32 to index
        %swap3A_1482 = tpu.vector_load %arg15[%swap3A_1481] {strides = array<i32>} : memref<3072xf32, #tpu.memory_space<vmem>>, vector<16xf32>,
        tpu.vector_store %arg15[%swap3A_1481], %mul3A_1480 {strides = array<i32>} : memref<3072xf32, #tpu.memory_space<vmem>>, vector<16xf32>,
        %mul3A_1483 = arith.mulf %add3A_1401, %select_n3A_1470 : vector<16xf32>
        %swap3A_1484 = arith.index_cast %add3A_1472 : i32 to index
        %swap3A_1485 = tpu.vector_load %arg17[%swap3A_1484] {strides = array<i32>} : memref<3072xf32, #tpu.memory_space<vmem>>, vector<16xf32>,
        tpu.vector_store %arg17[%swap3A_1484], %mul3A_1483 {strides = array<i32>} : memref<3072xf32, #tpu.memory_space<vmem>>, vector<16xf32>,
        %mul3A_1486 = arith.mulf %gather3A_241, %select_n3A_1470 : vector<16xf32>
        %swap3A_1487 = arith.index_cast %add3A_1479 : i32 to index
        %swap3A_1488 = tpu.vector_load %arg11[%swap3A_1487] {strides = array<i32>} : memref<12288xf32, #tpu.memory_space<vmem>>, vector<16xf32>,
        tpu.vector_store %arg11[%swap3A_1487], %mul3A_1486 {strides = array<i32>} : memref<12288xf32, #tpu.memory_space<vmem>>, vector<16xf32>,
        %mul3A_1489 = arith.mulf %gather3A_244, %select_n3A_1470 : vector<16xf32>
        %add3A_1490 = arith.constant 128 : i32
        %add3A_1491 = arith.addi %add3A_1479, %add3A_1490 : i32
        %swap3A_1492 = arith.index_cast %add3A_1491 : i32 to index
        %swap3A_1493 = tpu.vector_load %arg11[%swap3A_1492] {strides = array<i32>} : memref<12288xf32, #tpu.memory_space<vmem>>, vector<16xf32>,
        tpu.vector_store %arg11[%swap3A_1492], %mul3A_1489 {strides = array<i32>} : memref<12288xf32, #tpu.memory_space<vmem>>, vector<16xf32>,
        %mul3A_1494 = arith.mulf %gather3A_247, %select_n3A_1470 : vector<16xf32>
        %add3A_1495 = arith.constant 256 : i32
        %add3A_1496 = arith.addi %add3A_1479, %add3A_1495 : i32
        %swap3A_1497 = arith.index_cast %add3A_1496 : i32 to index
        %swap3A_1498 = tpu.vector_load %arg11[%swap3A_1497] {strides = array<i32>} : memref<12288xf32, #tpu.memory_space<vmem>>, vector<16xf32>,
        tpu.vector_store %arg11[%swap3A_1497], %mul3A_1494 {strides = array<i32>} : memref<12288xf32, #tpu.memory_space<vmem>>, vector<16xf32>,
        %mul3A_1499 = arith.mulf %gather3A_250, %select_n3A_1470 : vector<16xf32>
        %swap3A_1500 = arith.index_cast %add3A_1479 : i32 to index
        %swap3A_1501 = tpu.vector_load %arg13[%swap3A_1500] {strides = array<i32>} : memref<12288xf32, #tpu.memory_space<vmem>>, vector<16xf32>,
        tpu.vector_store %arg13[%swap3A_1500], %mul3A_1499 {strides = array<i32>} : memref<12288xf32, #tpu.memory_space<vmem>>, vector<16xf32>,
        %mul3A_1502 = arith.mulf %gather3A_253, %select_n3A_1470 : vector<16xf32>
        %add3A_1503 = arith.constant 128 : i32
        %add3A_1504 = arith.addi %add3A_1479, %add3A_1503 : i32
        %swap3A_1505 = arith.index_cast %add3A_1504 : i32 to index
        %swap3A_1506 = tpu.vector_load %arg13[%swap3A_1505] {strides = array<i32>} : memref<12288xf32, #tpu.memory_space<vmem>>, vector<16xf32>,
        tpu.vector_store %arg13[%swap3A_1505], %mul3A_1502 {strides = array<i32>} : memref<12288xf32, #tpu.memory_space<vmem>>, vector<16xf32>,
        %mul3A_1507 = arith.mulf %gather3A_256, %select_n3A_1470 : vector<16xf32>
        %add3A_1508 = arith.constant 256 : i32
        %add3A_1509 = arith.addi %add3A_1479, %add3A_1508 : i32
        %swap3A_1510 = arith.index_cast %add3A_1509 : i32 to index
        %swap3A_1511 = tpu.vector_load %arg13[%swap3A_1510] {strides = array<i32>} : memref<12288xf32, #tpu.memory_space<vmem>>, vector<16xf32>,
        tpu.vector_store %arg13[%swap3A_1510], %mul3A_1507 {strides = array<i32>} : memref<12288xf32, #tpu.memory_space<vmem>>, vector<16xf32>,
        %add3A_1512 = arith.addf %gather3A_259, %add3A_41 : vector<16xf32>
        %add3A_1513 = arith.constant 1.000000e+00 : f32
        %add3A_1514 = vector.broadcast %add3A_1513 : f32 to vector<16xf32>
        %add3A_1515 = arith.addf %add3A_1512, %add3A_1514 : vector<16xf32>
        %add3A_1516 = arith.addf %add3A_1512, %add3A_1515 : vector<16xf32>
        %mul3A_1517 = arith.constant 5.000000e-01 : f32
        %mul3A_1518 = vector.broadcast %mul3A_1517 : f32 to vector<16xf32>
        %mul3A_1519 = arith.mulf %add3A_1516, %mul3A_1518 : vector<16xf32>
        %mul3A_1520 = arith.mulf %gather3A_250, %mul3A_1519 : vector<16xf32>
        %add3A_1521 = arith.addf %gather3A_241, %mul3A_1520 : vector<16xf32>
        %sub3A_1522 = arith.constant -6.400000e+01 : f32
        %sub3A_1523 = vector.broadcast %sub3A_1522 : f32 to vector<16xf32>
        %sub3A_1524 = arith.subf %add3A_1521, %sub3A_1523 : vector<16xf32>
        %mul3A_1525 = arith.mulf %gather3A_253, %mul3A_1519 : vector<16xf32>
        %add3A_1526 = arith.addf %gather3A_244, %mul3A_1525 : vector<16xf32>
        %sub3A_1527 = arith.constant -6.400000e+01 : f32
        %sub3A_1528 = vector.broadcast %sub3A_1527 : f32 to vector<16xf32>
        %sub3A_1529 = arith.subf %add3A_1526, %sub3A_1528 : vector<16xf32>
        %mul3A_1530 = arith.mulf %gather3A_256, %mul3A_1519 : vector<16xf32>
        %add3A_1531 = arith.addf %gather3A_247, %mul3A_1530 : vector<16xf32>
        %sub3A_1532 = arith.constant -6.400000e+01 : f32
        %sub3A_1533 = vector.broadcast %sub3A_1532 : f32 to vector<16xf32>
        %sub3A_1534 = arith.subf %add3A_1531, %sub3A_1533 : vector<16xf32>
        %max3A_1535 = arith.constant 0.000000e+00 : f32
        %max3A_1536 = vector.broadcast %max3A_1535 : f32 to vector<16xf32>
        %max3A_1537 = arith.maximumf %sub3A_1524, %max3A_1536 : vector<16xf32>
        %min3A_1538 = arith.constant 1.270000e+02 : f32
        %min3A_1539 = vector.broadcast %min3A_1538 : f32 to vector<16xf32>
        %min3A_1540 = arith.minimumf %max3A_1537, %min3A_1539 : vector<16xf32>
        %max3A_1541 = arith.constant 0.000000e+00 : f32
        %max3A_1542 = vector.broadcast %max3A_1541 : f32 to vector<16xf32>
        %max3A_1543 = arith.maximumf %sub3A_1529, %max3A_1542 : vector<16xf32>
        %min3A_1544 = arith.constant 1.270000e+02 : f32
        %min3A_1545 = vector.broadcast %min3A_1544 : f32 to vector<16xf32>
        %min3A_1546 = arith.minimumf %max3A_1543, %min3A_1545 : vector<16xf32>
        %max3A_1547 = arith.constant 0.000000e+00 : f32
        %max3A_1548 = vector.broadcast %max3A_1547 : f32 to vector<16xf32>
        %max3A_1549 = arith.maximumf %sub3A_1534, %max3A_1548 : vector<16xf32>
        %min3A_1550 = arith.constant 1.270000e+02 : f32
        %min3A_1551 = vector.broadcast %min3A_1550 : f32 to vector<16xf32>
        %min3A_1552 = arith.minimumf %max3A_1549, %min3A_1551 : vector<16xf32>
        %convert_element_type3A_1553 = arith.fptosi %min3A_1540 : vector<16xf32> to vector<16xi32>
        %mul3A_1554 = arith.constant 128 : i32
        %mul3A_1555 = vector.broadcast %mul3A_1554 : i32 to vector<16xi32>
        %mul3A_1556 = arith.muli %convert_element_type3A_1553, %mul3A_1555 : vector<16xi32>
        %convert_element_type3A_1557 = arith.fptosi %min3A_1546 : vector<16xf32> to vector<16xi32>
        %add3A_1558 = arith.addi %mul3A_1556, %convert_element_type3A_1557 : vector<16xi32>
        %mul3A_1559 = arith.constant 128 : i32
        %mul3A_1560 = vector.broadcast %mul3A_1559 : i32 to vector<16xi32>
        %mul3A_1561 = arith.muli %add3A_1558, %mul3A_1560 : vector<16xi32>
        %convert_element_type3A_1562 = arith.fptosi %min3A_1552 : vector<16xf32> to vector<16xi32>
        %add3A_1563 = arith.addi %mul3A_1561, %convert_element_type3A_1562 : vector<16xi32>
        %shift_right_logical3A_1564 = arith.constant 5 : i32
        %shift_right_logical3A_1565 = vector.broadcast %shift_right_logical3A_1564 : i32 to vector<16xi32>
        %shift_right_logical3A_1566 = arith.shrui %add3A_1563, %shift_right_logical3A_1565 : vector<16xi32>
        %and3A_1567 = arith.constant 31 : i32
        %and3A_1568 = vector.broadcast %and3A_1567 : i32 to vector<16xi32>
        %and3A_1569 = arith.andi %add3A_1563, %and3A_1568 : vector<16xi32>
        %gather3A_1570 = tpu.vector_load_idx %arg8[%shift_right_logical3A_1566] : memref<65536xi32, #tpu.memory_space<vmem>>[vector<16xi32>], vector<16xi32>,
        %shift_right_logical3A_1571 = arith.shrui %gather3A_1570, %and3A_1569 : vector<16xi32>
        %and3A_1572 = arith.constant 1 : i32
        %and3A_1573 = vector.broadcast %and3A_1572 : i32 to vector<16xi32>
        %and3A_1574 = arith.andi %shift_right_logical3A_1571, %and3A_1573 : vector<16xi32>
        %eq3A_1575 = arith.constant 1 : i32
        %eq3A_1576 = vector.broadcast %eq3A_1575 : i32 to vector<16xi32>
        %eq3A_1577 = arith.cmpi eq, %and3A_1574, %eq3A_1576 : vector<16xi32>
        %le3A_1578 = arith.cmpf ole, %add3A_1515, %select_n3A : vector<16xf32>
        %and3A_1579 = arith.andi %le3A_1578, %eq3A_1577 : vector<16xi1>
        %jit3A_1580 = arith.constant 1.000000e+00 : f32
        %jit3A_1581 = arith.constant 0.000000e+00 : f32
        %broadcast_in_dim3A_1582 = vector.broadcast %jit3A_1580 : f32 to vector<16xf32>
        %broadcast_in_dim3A_1583 = vector.broadcast %jit3A_1581 : f32 to vector<16xf32>
        %select_n3A_1584 = arith.select %and3A_1579, %broadcast_in_dim3A_1582, %broadcast_in_dim3A_1583 : vector<16xi1>, vector<16xf32>
        %add3A_1585 = arith.constant 176 : i32
        %add3A_1586 = arith.addi %mul3A_264, %add3A_1585 : i32
        %shift_right_logical3A_1587 = arith.constant 7 : i32
        %shift_right_logical3A_1588 = arith.shrui %add3A_1586, %shift_right_logical3A_1587 : i32
        %mul3A_1589 = arith.constant 512 : i32
        %mul3A_1590 = arith.muli %shift_right_logical3A_1588, %mul3A_1589 : i32
        %and3A_1591 = arith.constant 127 : i32
        %and3A_1592 = arith.andi %add3A_1586, %and3A_1591 : i32
        %add3A_1593 = arith.addi %mul3A_1590, %and3A_1592 : i32
        %mul3A_1594 = arith.mulf %add3A_1512, %select_n3A_1584 : vector<16xf32>
        %swap3A_1595 = arith.index_cast %add3A_1586 : i32 to index
        %swap3A_1596 = tpu.vector_load %arg15[%swap3A_1595] {strides = array<i32>} : memref<3072xf32, #tpu.memory_space<vmem>>, vector<16xf32>,
        tpu.vector_store %arg15[%swap3A_1595], %mul3A_1594 {strides = array<i32>} : memref<3072xf32, #tpu.memory_space<vmem>>, vector<16xf32>,
        %mul3A_1597 = arith.mulf %add3A_1515, %select_n3A_1584 : vector<16xf32>
        %swap3A_1598 = arith.index_cast %add3A_1586 : i32 to index
        %swap3A_1599 = tpu.vector_load %arg17[%swap3A_1598] {strides = array<i32>} : memref<3072xf32, #tpu.memory_space<vmem>>, vector<16xf32>,
        tpu.vector_store %arg17[%swap3A_1598], %mul3A_1597 {strides = array<i32>} : memref<3072xf32, #tpu.memory_space<vmem>>, vector<16xf32>,
        %mul3A_1600 = arith.mulf %gather3A_241, %select_n3A_1584 : vector<16xf32>
        %swap3A_1601 = arith.index_cast %add3A_1593 : i32 to index
        %swap3A_1602 = tpu.vector_load %arg11[%swap3A_1601] {strides = array<i32>} : memref<12288xf32, #tpu.memory_space<vmem>>, vector<16xf32>,
        tpu.vector_store %arg11[%swap3A_1601], %mul3A_1600 {strides = array<i32>} : memref<12288xf32, #tpu.memory_space<vmem>>, vector<16xf32>,
        %mul3A_1603 = arith.mulf %gather3A_244, %select_n3A_1584 : vector<16xf32>
        %add3A_1604 = arith.constant 128 : i32
        %add3A_1605 = arith.addi %add3A_1593, %add3A_1604 : i32
        %swap3A_1606 = arith.index_cast %add3A_1605 : i32 to index
        %swap3A_1607 = tpu.vector_load %arg11[%swap3A_1606] {strides = array<i32>} : memref<12288xf32, #tpu.memory_space<vmem>>, vector<16xf32>,
        tpu.vector_store %arg11[%swap3A_1606], %mul3A_1603 {strides = array<i32>} : memref<12288xf32, #tpu.memory_space<vmem>>, vector<16xf32>,
        %mul3A_1608 = arith.mulf %gather3A_247, %select_n3A_1584 : vector<16xf32>
        %add3A_1609 = arith.constant 256 : i32
        %add3A_1610 = arith.addi %add3A_1593, %add3A_1609 : i32
        %swap3A_1611 = arith.index_cast %add3A_1610 : i32 to index
        %swap3A_1612 = tpu.vector_load %arg11[%swap3A_1611] {strides = array<i32>} : memref<12288xf32, #tpu.memory_space<vmem>>, vector<16xf32>,
        tpu.vector_store %arg11[%swap3A_1611], %mul3A_1608 {strides = array<i32>} : memref<12288xf32, #tpu.memory_space<vmem>>, vector<16xf32>,
        %mul3A_1613 = arith.mulf %gather3A_250, %select_n3A_1584 : vector<16xf32>
        %swap3A_1614 = arith.index_cast %add3A_1593 : i32 to index
        %swap3A_1615 = tpu.vector_load %arg13[%swap3A_1614] {strides = array<i32>} : memref<12288xf32, #tpu.memory_space<vmem>>, vector<16xf32>,
        tpu.vector_store %arg13[%swap3A_1614], %mul3A_1613 {strides = array<i32>} : memref<12288xf32, #tpu.memory_space<vmem>>, vector<16xf32>,
        %mul3A_1616 = arith.mulf %gather3A_253, %select_n3A_1584 : vector<16xf32>
        %add3A_1617 = arith.constant 128 : i32
        %add3A_1618 = arith.addi %add3A_1593, %add3A_1617 : i32
        %swap3A_1619 = arith.index_cast %add3A_1618 : i32 to index
        %swap3A_1620 = tpu.vector_load %arg13[%swap3A_1619] {strides = array<i32>} : memref<12288xf32, #tpu.memory_space<vmem>>, vector<16xf32>,
        tpu.vector_store %arg13[%swap3A_1619], %mul3A_1616 {strides = array<i32>} : memref<12288xf32, #tpu.memory_space<vmem>>, vector<16xf32>,
        %mul3A_1621 = arith.mulf %gather3A_256, %select_n3A_1584 : vector<16xf32>
        %add3A_1622 = arith.constant 256 : i32
        %add3A_1623 = arith.addi %add3A_1593, %add3A_1622 : i32
        %swap3A_1624 = arith.index_cast %add3A_1623 : i32 to index
        %swap3A_1625 = tpu.vector_load %arg13[%swap3A_1624] {strides = array<i32>} : memref<12288xf32, #tpu.memory_space<vmem>>, vector<16xf32>,
        tpu.vector_store %arg13[%swap3A_1624], %mul3A_1621 {strides = array<i32>} : memref<12288xf32, #tpu.memory_space<vmem>>, vector<16xf32>,
      }
      %scan3A_141 = arith.constant 16 : i32
      %mul3A_142 = arith.constant 16 : i32
      %mul3A_143 = arith.muli %add3A_93, %mul3A_142 : i32
      %mul3A_144 = arith.constant 192 : i32
      %mul3A_145 = arith.muli %mul3A_143, %mul3A_144 : i32
      %multiple_of3A_146 = tpu.assume_multiple %mul3A_145, 3072 : i32
      %mul3A_147 = arith.constant 192 : i32
      %mul3A_148 = arith.muli %mul3A_143, %mul3A_147 : i32
      %mul3A_149 = arith.constant 4 : i32
      %mul3A_150 = arith.muli %mul3A_148, %mul3A_149 : i32
      %multiple_of3A_151 = tpu.assume_multiple %mul3A_150, 12288 : i32
      %dma_start3A = tpu.memref_slice %arg4[%multiple_of3A_151] : memref<12582912xf32, #tpu.memory_space<hbm>> -> memref<12288xf32, #tpu.memory_space<hbm>>
      %dma_start3A_152 = tpu.memref_slice %arg4[%multiple_of3A_151] : memref<12582912xf32, #tpu.memory_space<hbm>> -> memref<12288xf32, #tpu.memory_space<hbm>>
      tpu.enqueue_dma source(%arg11 : memref<12288xf32, #tpu.memory_space<vmem>>) target(%dma_start3A_152 : memref<12288xf32, #tpu.memory_space<hbm>>) target_semaphore(%arg19 : memref<!tpu.dma_semaphore, #tpu.memory_space<semaphore_mem>>)
      %dma_start3A_153 = tpu.memref_slice %arg5[%multiple_of3A_151] : memref<12582912xf32, #tpu.memory_space<hbm>> -> memref<12288xf32, #tpu.memory_space<hbm>>
      %dma_start3A_154 = tpu.memref_slice %arg5[%multiple_of3A_151] : memref<12582912xf32, #tpu.memory_space<hbm>> -> memref<12288xf32, #tpu.memory_space<hbm>>
      tpu.enqueue_dma source(%arg13 : memref<12288xf32, #tpu.memory_space<vmem>>) target(%dma_start3A_154 : memref<12288xf32, #tpu.memory_space<hbm>>) target_semaphore(%arg19 : memref<!tpu.dma_semaphore, #tpu.memory_space<semaphore_mem>>)
      %dma_start3A_155 = tpu.memref_slice %arg6[%multiple_of3A_146] : memref<3145728xf32, #tpu.memory_space<hbm>> -> memref<3072xf32, #tpu.memory_space<hbm>>
      %dma_start3A_156 = tpu.memref_slice %arg6[%multiple_of3A_146] : memref<3145728xf32, #tpu.memory_space<hbm>> -> memref<3072xf32, #tpu.memory_space<hbm>>
      tpu.enqueue_dma source(%arg15 : memref<3072xf32, #tpu.memory_space<vmem>>) target(%dma_start3A_156 : memref<3072xf32, #tpu.memory_space<hbm>>) target_semaphore(%arg19 : memref<!tpu.dma_semaphore, #tpu.memory_space<semaphore_mem>>)
      %dma_start3A_157 = tpu.memref_slice %arg7[%multiple_of3A_146] : memref<3145728xf32, #tpu.memory_space<hbm>> -> memref<3072xf32, #tpu.memory_space<hbm>>
      %dma_start3A_158 = tpu.memref_slice %arg7[%multiple_of3A_146] : memref<3145728xf32, #tpu.memory_space<hbm>> -> memref<3072xf32, #tpu.memory_space<hbm>>
      tpu.enqueue_dma source(%arg17 : memref<3072xf32, #tpu.memory_space<vmem>>) target(%dma_start3A_158 : memref<3072xf32, #tpu.memory_space<hbm>>) target_semaphore(%arg19 : memref<!tpu.dma_semaphore, #tpu.memory_space<semaphore_mem>>)
      %mul3A_159 = arith.constant 2 : i32
      %mul3A_160 = arith.muli %add3A_88, %mul3A_159 : i32
      %add3A_161 = arith.constant 1 : i32
      %add3A_162 = arith.addi %mul3A_160, %add3A_161 : i32
      %add3A_163 = arith.addi %mul3A_2, %add3A_162 : i32
      %ge3A_164 = arith.constant 2 : i32
      %ge3A_165 = arith.cmpi sge, %add3A_162, %ge3A_164 : i32
      %convert_element_type3A_166 = arith.extui %ge3A_165 : i1 to i32
      %cond3A_167 = arith.constant 0 : i32
      %cond3A_168 = arith.cmpi ne, %convert_element_type3A_166, %cond3A_167 : i32
      scf.if %cond3A_168 {
        %sub3A_234 = arith.constant 2 : i32
        %sub3A_235 = arith.subi %add3A_163, %sub3A_234 : i32
        %mul3A_236 = arith.constant 16 : i32
        %mul3A_237 = arith.muli %sub3A_235, %mul3A_236 : i32
        %mul3A_238 = arith.constant 192 : i32
        %mul3A_239 = arith.muli %mul3A_237, %mul3A_238 : i32
        %multiple_of3A_240 = tpu.assume_multiple %mul3A_239, 3072 : i32
        %mul3A_241 = arith.constant 192 : i32
        %mul3A_242 = arith.muli %mul3A_237, %mul3A_241 : i32
        %mul3A_243 = arith.constant 4 : i32
        %mul3A_244 = arith.muli %mul3A_242, %mul3A_243 : i32
        %multiple_of3A_245 = tpu.assume_multiple %mul3A_244, 12288 : i32
        %dma_wait3A_246 = tpu.memref_slice %arg4[%multiple_of3A_245] : memref<12582912xf32, #tpu.memory_space<hbm>> -> memref<12288xf32, #tpu.memory_space<hbm>>
        %dma_wait3A_247 = tpu.memref_slice %arg4[%multiple_of3A_245] : memref<12582912xf32, #tpu.memory_space<hbm>> -> memref<12288xf32, #tpu.memory_space<hbm>>
        tpu.wait_dma2 semaphore(%arg20 : memref<!tpu.dma_semaphore, #tpu.memory_space<semaphore_mem>>) src(%arg12 : memref<12288xf32, #tpu.memory_space<vmem>>) dst(%dma_wait3A_247 : memref<12288xf32, #tpu.memory_space<hbm>>)
        %dma_wait3A_248 = tpu.memref_slice %arg5[%multiple_of3A_245] : memref<12582912xf32, #tpu.memory_space<hbm>> -> memref<12288xf32, #tpu.memory_space<hbm>>
        %dma_wait3A_249 = tpu.memref_slice %arg5[%multiple_of3A_245] : memref<12582912xf32, #tpu.memory_space<hbm>> -> memref<12288xf32, #tpu.memory_space<hbm>>
        tpu.wait_dma2 semaphore(%arg20 : memref<!tpu.dma_semaphore, #tpu.memory_space<semaphore_mem>>) src(%arg14 : memref<12288xf32, #tpu.memory_space<vmem>>) dst(%dma_wait3A_249 : memref<12288xf32, #tpu.memory_space<hbm>>)
        %dma_wait3A_250 = tpu.memref_slice %arg6[%multiple_of3A_240] : memref<3145728xf32, #tpu.memory_space<hbm>> -> memref<3072xf32, #tpu.memory_space<hbm>>
        %dma_wait3A_251 = tpu.memref_slice %arg6[%multiple_of3A_240] : memref<3145728xf32, #tpu.memory_space<hbm>> -> memref<3072xf32, #tpu.memory_space<hbm>>
        tpu.wait_dma2 semaphore(%arg20 : memref<!tpu.dma_semaphore, #tpu.memory_space<semaphore_mem>>) src(%arg16 : memref<3072xf32, #tpu.memory_space<vmem>>) dst(%dma_wait3A_251 : memref<3072xf32, #tpu.memory_space<hbm>>)
        %dma_wait3A_252 = tpu.memref_slice %arg7[%multiple_of3A_240] : memref<3145728xf32, #tpu.memory_space<hbm>> -> memref<3072xf32, #tpu.memory_space<hbm>>
        %dma_wait3A_253 = tpu.memref_slice %arg7[%multiple_of3A_240] : memref<3145728xf32, #tpu.memory_space<hbm>> -> memref<3072xf32, #tpu.memory_space<hbm>>
        tpu.wait_dma2 semaphore(%arg20 : memref<!tpu.dma_semaphore, #tpu.memory_space<semaphore_mem>>) src(%arg18 : memref<3072xf32, #tpu.memory_space<vmem>>) dst(%dma_wait3A_253 : memref<3072xf32, #tpu.memory_space<hbm>>)
      } else {
      }
      %le3A_169 = arith.constant 30 : i32
      %le3A_170 = arith.cmpi sle, %add3A_162, %le3A_169 : i32
      %convert_element_type3A_171 = arith.extui %le3A_170 : i1 to i32
      %cond3A_172 = arith.constant 0 : i32
      %cond3A_173 = arith.cmpi ne, %convert_element_type3A_171, %cond3A_172 : i32
      scf.if %cond3A_173 {
        %add3A_234 = arith.constant 1 : i32
        %add3A_235 = arith.addi %add3A_163, %add3A_234 : i32
        %dma_start3A_236 = arith.constant 0 : i32
        %dma_start3A_237 = arith.constant 0 : i32
        %dma_start3A_238 = tpu.memref_slice %arg2[%add3A_235, %dma_start3A_236, %dma_start3A_237] : memref<1024x8x16xf32, #tpu.memory_space<hbm>> -> memref<1x8x16xf32, #tpu.memory_space<hbm>>
        %dma_start3A_239 = tpu.memref_squeeze %dma_start3A_238 : memref<1x8x16xf32, #tpu.memory_space<hbm>> -> memref<8x16xf32, #tpu.memory_space<hbm>>
        %dma_start3A_240 = arith.constant 0 : i32
        %dma_start3A_241 = arith.constant 0 : i32
        %dma_start3A_242 = tpu.memref_slice %arg2[%add3A_235, %dma_start3A_240, %dma_start3A_241] : memref<1024x8x16xf32, #tpu.memory_space<hbm>> -> memref<1x8x16xf32, #tpu.memory_space<hbm>>
        %dma_start3A_243 = tpu.memref_squeeze %dma_start3A_242 : memref<1x8x16xf32, #tpu.memory_space<hbm>> -> memref<8x16xf32, #tpu.memory_space<hbm>>
        tpu.enqueue_dma source(%dma_start3A_243 : memref<8x16xf32, #tpu.memory_space<hbm>>) target(%arg9 : memref<8x16xf32, #tpu.memory_space<vmem>>) target_semaphore(%arg21 : memref<!tpu.dma_semaphore, #tpu.memory_space<semaphore_mem>>)
      } else {
      }
      %ge3A_174 = arith.constant 1 : i32
      %ge3A_175 = arith.cmpi sge, %add3A_162, %ge3A_174 : i32
      %convert_element_type3A_176 = arith.extui %ge3A_175 : i1 to i32
      %cond3A_177 = arith.constant 0 : i32
      %cond3A_178 = arith.cmpi ne, %convert_element_type3A_176, %cond3A_177 : i32
      scf.if %cond3A_178 {
        %dma_wait3A_234 = arith.constant 0 : i32
        %dma_wait3A_235 = arith.constant 0 : i32
        %dma_wait3A_236 = tpu.memref_slice %arg2[%add3A_163, %dma_wait3A_234, %dma_wait3A_235] : memref<1024x8x16xf32, #tpu.memory_space<hbm>> -> memref<1x8x16xf32, #tpu.memory_space<hbm>>
        %dma_wait3A_237 = tpu.memref_squeeze %dma_wait3A_236 : memref<1x8x16xf32, #tpu.memory_space<hbm>> -> memref<8x16xf32, #tpu.memory_space<hbm>>
        %dma_wait3A_238 = arith.constant 0 : i32
        %dma_wait3A_239 = arith.constant 0 : i32
        %dma_wait3A_240 = tpu.memref_slice %arg2[%add3A_163, %dma_wait3A_238, %dma_wait3A_239] : memref<1024x8x16xf32, #tpu.memory_space<hbm>> -> memref<1x8x16xf32, #tpu.memory_space<hbm>>
        %dma_wait3A_241 = tpu.memref_squeeze %dma_wait3A_240 : memref<1x8x16xf32, #tpu.memory_space<hbm>> -> memref<8x16xf32, #tpu.memory_space<hbm>>
        tpu.wait_dma2 semaphore(%arg22 : memref<!tpu.dma_semaphore, #tpu.memory_space<semaphore_mem>>) src(%dma_wait3A_241 : memref<8x16xf32, #tpu.memory_space<hbm>>) dst(%arg10 : memref<8x16xf32, #tpu.memory_space<vmem>>)
      } else {
      }
      %get3A_179 = arith.constant 0 : i32
      %get3A_180 = arith.index_cast %get3A_179 : i32 to index
      %get3A_181 = arith.constant 0 : index
      %get3A_182 = tpu.vector_load %arg10[%get3A_180, %get3A_181] {strides = array<i32>} : memref<8x16xf32, #tpu.memory_space<vmem>>, vector<16xf32>,
      %get3A_183 = arith.constant 1 : i32
      %get3A_184 = arith.index_cast %get3A_183 : i32 to index
      %get3A_185 = arith.constant 0 : index
      %get3A_186 = tpu.vector_load %arg10[%get3A_184, %get3A_185] {strides = array<i32>} : memref<8x16xf32, #tpu.memory_space<vmem>>, vector<16xf32>,
      %get3A_187 = arith.constant 2 : i32
      %get3A_188 = arith.index_cast %get3A_187 : i32 to index
      %get3A_189 = arith.constant 0 : index
      %get3A_190 = tpu.vector_load %arg10[%get3A_188, %get3A_189] {strides = array<i32>} : memref<8x16xf32, #tpu.memory_space<vmem>>, vector<16xf32>,
      %get3A_191 = arith.constant 3 : i32
      %get3A_192 = arith.index_cast %get3A_191 : i32 to index
      %get3A_193 = arith.constant 0 : index
      %get3A_194 = tpu.vector_load %arg10[%get3A_192, %get3A_193] {strides = array<i32>} : memref<8x16xf32, #tpu.memory_space<vmem>>, vector<16xf32>,
      %get3A_195 = arith.constant 4 : i32
      %get3A_196 = arith.index_cast %get3A_195 : i32 to index
      %get3A_197 = arith.constant 0 : index
      %get3A_198 = tpu.vector_load %arg10[%get3A_196, %get3A_197] {strides = array<i32>} : memref<8x16xf32, #tpu.memory_space<vmem>>, vector<16xf32>,
      %get3A_199 = arith.constant 5 : i32
      %get3A_200 = arith.index_cast %get3A_199 : i32 to index
      %get3A_201 = arith.constant 0 : index
      %get3A_202 = tpu.vector_load %arg10[%get3A_200, %get3A_201] {strides = array<i32>} : memref<8x16xf32, #tpu.memory_space<vmem>>, vector<16xf32>,
      %get3A_203 = arith.constant 6 : i32
      %get3A_204 = arith.index_cast %get3A_203 : i32 to index
      %get3A_205 = arith.constant 0 : index
      %get3A_206 = tpu.vector_load %arg10[%get3A_204, %get3A_205] {strides = array<i32>} : memref<8x16xf32, #tpu.memory_space<vmem>>, vector<16xf32>,
      %get3A_207 = arith.constant 7 : i32
      %get3A_208 = arith.index_cast %get3A_207 : i32 to index
      %get3A_209 = arith.constant 0 : index
      %get3A_210 = tpu.vector_load %arg10[%get3A_208, %get3A_209] {strides = array<i32>} : memref<8x16xf32, #tpu.memory_space<vmem>>, vector<16xf32>,
      %scan3A_211 = arith.constant 0 : i32
      %scan3A_212 = arith.constant 16 : i32
      %scan3A_213 = arith.addi %scan3A_211, %scan3A_212 : i32
      %scan3A_214 = arith.constant 1 : i32
      scf.for %scan3A_234 = %scan3A_211 to %scan3A_213 step %scan3A_214  : i32 {
        %mul3A_235 = arith.constant 1 : i32
        %mul3A_236 = arith.muli %scan3A_234, %mul3A_235 : i32
        %add3A_237 = arith.constant 0 : i32
        %add3A_238 = arith.addi %add3A_237, %mul3A_236 : i32
        %broadcast_in_dim3A_239 = vector.broadcast %add3A_238 : i32 to vector<16xi32>
        %broadcast_in_dim3A_240 = vector.shape_cast %broadcast_in_dim3A_239 : vector<16xi32> to vector<16x1xi32>
        %gather3A = vector.shape_cast %broadcast_in_dim3A_240 : vector<16x1xi32> to vector<16xi32>
        %gather3A_241 = tpu.dynamic_gather %get3A_182[%gather3A] in [0] : vector<16xf32>, vector<16xi32> -> vector<16xf32>
        %broadcast_in_dim3A_242 = vector.shape_cast %broadcast_in_dim3A_239 : vector<16xi32> to vector<16x1xi32>
        %gather3A_243 = vector.shape_cast %broadcast_in_dim3A_242 : vector<16x1xi32> to vector<16xi32>
        %gather3A_244 = tpu.dynamic_gather %get3A_186[%gather3A_243] in [0] : vector<16xf32>, vector<16xi32> -> vector<16xf32>
        %broadcast_in_dim3A_245 = vector.shape_cast %broadcast_in_dim3A_239 : vector<16xi32> to vector<16x1xi32>
        %gather3A_246 = vector.shape_cast %broadcast_in_dim3A_245 : vector<16x1xi32> to vector<16xi32>
        %gather3A_247 = tpu.dynamic_gather %get3A_190[%gather3A_246] in [0] : vector<16xf32>, vector<16xi32> -> vector<16xf32>
        %broadcast_in_dim3A_248 = vector.shape_cast %broadcast_in_dim3A_239 : vector<16xi32> to vector<16x1xi32>
        %gather3A_249 = vector.shape_cast %broadcast_in_dim3A_248 : vector<16x1xi32> to vector<16xi32>
        %gather3A_250 = tpu.dynamic_gather %get3A_194[%gather3A_249] in [0] : vector<16xf32>, vector<16xi32> -> vector<16xf32>
        %broadcast_in_dim3A_251 = vector.shape_cast %broadcast_in_dim3A_239 : vector<16xi32> to vector<16x1xi32>
        %gather3A_252 = vector.shape_cast %broadcast_in_dim3A_251 : vector<16x1xi32> to vector<16xi32>
        %gather3A_253 = tpu.dynamic_gather %get3A_198[%gather3A_252] in [0] : vector<16xf32>, vector<16xi32> -> vector<16xf32>
        %broadcast_in_dim3A_254 = vector.shape_cast %broadcast_in_dim3A_239 : vector<16xi32> to vector<16x1xi32>
        %gather3A_255 = vector.shape_cast %broadcast_in_dim3A_254 : vector<16x1xi32> to vector<16xi32>
        %gather3A_256 = tpu.dynamic_gather %get3A_202[%gather3A_255] in [0] : vector<16xf32>, vector<16xi32> -> vector<16xf32>
        %broadcast_in_dim3A_257 = vector.shape_cast %broadcast_in_dim3A_239 : vector<16xi32> to vector<16x1xi32>
        %gather3A_258 = vector.shape_cast %broadcast_in_dim3A_257 : vector<16x1xi32> to vector<16xi32>
        %gather3A_259 = tpu.dynamic_gather %get3A_206[%gather3A_258] in [0] : vector<16xf32>, vector<16xi32> -> vector<16xf32>
        %broadcast_in_dim3A_260 = vector.shape_cast %broadcast_in_dim3A_239 : vector<16xi32> to vector<16x1xi32>
        %gather3A_261 = vector.shape_cast %broadcast_in_dim3A_260 : vector<16x1xi32> to vector<16xi32>
        %gather3A_262 = tpu.dynamic_gather %get3A_210[%gather3A_261] in [0] : vector<16xf32>, vector<16xi32> -> vector<16xf32>
        %gt3A = arith.cmpf ogt, %gather3A_262, %gather3A_259 : vector<16xf32>
        %select_n3A = arith.select %gt3A, %gather3A_262, %sub3A_5 : vector<16xi1>, vector<16xf32>
        %mul3A_263 = arith.constant 192 : i32
        %mul3A_264 = arith.muli %add3A_238, %mul3A_263 : i32
        %add3A_265 = arith.addf %gather3A_259, %add3A_8 : vector<16xf32>
        %add3A_266 = arith.constant 1.000000e+00 : f32
        %add3A_267 = vector.broadcast %add3A_266 : f32 to vector<16xf32>
        %add3A_268 = arith.addf %add3A_265, %add3A_267 : vector<16xf32>
        %add3A_269 = arith.addf %add3A_265, %add3A_268 : vector<16xf32>
        %mul3A_270 = arith.constant 5.000000e-01 : f32
        %mul3A_271 = vector.broadcast %mul3A_270 : f32 to vector<16xf32>
        %mul3A_272 = arith.mulf %add3A_269, %mul3A_271 : vector<16xf32>
        %mul3A_273 = arith.mulf %gather3A_250, %mul3A_272 : vector<16xf32>
        %add3A_274 = arith.addf %gather3A_241, %mul3A_273 : vector<16xf32>
        %sub3A_275 = arith.constant -6.400000e+01 : f32
        %sub3A_276 = vector.broadcast %sub3A_275 : f32 to vector<16xf32>
        %sub3A_277 = arith.subf %add3A_274, %sub3A_276 : vector<16xf32>
        %mul3A_278 = arith.mulf %gather3A_253, %mul3A_272 : vector<16xf32>
        %add3A_279 = arith.addf %gather3A_244, %mul3A_278 : vector<16xf32>
        %sub3A_280 = arith.constant -6.400000e+01 : f32
        %sub3A_281 = vector.broadcast %sub3A_280 : f32 to vector<16xf32>
        %sub3A_282 = arith.subf %add3A_279, %sub3A_281 : vector<16xf32>
        %mul3A_283 = arith.mulf %gather3A_256, %mul3A_272 : vector<16xf32>
        %add3A_284 = arith.addf %gather3A_247, %mul3A_283 : vector<16xf32>
        %sub3A_285 = arith.constant -6.400000e+01 : f32
        %sub3A_286 = vector.broadcast %sub3A_285 : f32 to vector<16xf32>
        %sub3A_287 = arith.subf %add3A_284, %sub3A_286 : vector<16xf32>
        %max3A = arith.constant 0.000000e+00 : f32
        %max3A_288 = vector.broadcast %max3A : f32 to vector<16xf32>
        %max3A_289 = arith.maximumf %sub3A_277, %max3A_288 : vector<16xf32>
        %min3A = arith.constant 1.270000e+02 : f32
        %min3A_290 = vector.broadcast %min3A : f32 to vector<16xf32>
        %min3A_291 = arith.minimumf %max3A_289, %min3A_290 : vector<16xf32>
        %max3A_292 = arith.constant 0.000000e+00 : f32
        %max3A_293 = vector.broadcast %max3A_292 : f32 to vector<16xf32>
        %max3A_294 = arith.maximumf %sub3A_282, %max3A_293 : vector<16xf32>
        %min3A_295 = arith.constant 1.270000e+02 : f32
        %min3A_296 = vector.broadcast %min3A_295 : f32 to vector<16xf32>
        %min3A_297 = arith.minimumf %max3A_294, %min3A_296 : vector<16xf32>
        %max3A_298 = arith.constant 0.000000e+00 : f32
        %max3A_299 = vector.broadcast %max3A_298 : f32 to vector<16xf32>
        %max3A_300 = arith.maximumf %sub3A_287, %max3A_299 : vector<16xf32>
        %min3A_301 = arith.constant 1.270000e+02 : f32
        %min3A_302 = vector.broadcast %min3A_301 : f32 to vector<16xf32>
        %min3A_303 = arith.minimumf %max3A_300, %min3A_302 : vector<16xf32>
        %convert_element_type3A_304 = arith.fptosi %min3A_291 : vector<16xf32> to vector<16xi32>
        %mul3A_305 = arith.constant 128 : i32
        %mul3A_306 = vector.broadcast %mul3A_305 : i32 to vector<16xi32>
        %mul3A_307 = arith.muli %convert_element_type3A_304, %mul3A_306 : vector<16xi32>
        %convert_element_type3A_308 = arith.fptosi %min3A_297 : vector<16xf32> to vector<16xi32>
        %add3A_309 = arith.addi %mul3A_307, %convert_element_type3A_308 : vector<16xi32>
        %mul3A_310 = arith.constant 128 : i32
        %mul3A_311 = vector.broadcast %mul3A_310 : i32 to vector<16xi32>
        %mul3A_312 = arith.muli %add3A_309, %mul3A_311 : vector<16xi32>
        %convert_element_type3A_313 = arith.fptosi %min3A_303 : vector<16xf32> to vector<16xi32>
        %add3A_314 = arith.addi %mul3A_312, %convert_element_type3A_313 : vector<16xi32>
        %shift_right_logical3A = arith.constant 5 : i32
        %shift_right_logical3A_315 = vector.broadcast %shift_right_logical3A : i32 to vector<16xi32>
        %shift_right_logical3A_316 = arith.shrui %add3A_314, %shift_right_logical3A_315 : vector<16xi32>
        %and3A = arith.constant 31 : i32
        %and3A_317 = vector.broadcast %and3A : i32 to vector<16xi32>
        %and3A_318 = arith.andi %add3A_314, %and3A_317 : vector<16xi32>
        %gather3A_319 = tpu.vector_load_idx %arg8[%shift_right_logical3A_316] : memref<65536xi32, #tpu.memory_space<vmem>>[vector<16xi32>], vector<16xi32>,
        %shift_right_logical3A_320 = arith.shrui %gather3A_319, %and3A_318 : vector<16xi32>
        %and3A_321 = arith.constant 1 : i32
        %and3A_322 = vector.broadcast %and3A_321 : i32 to vector<16xi32>
        %and3A_323 = arith.andi %shift_right_logical3A_320, %and3A_322 : vector<16xi32>
        %eq3A = arith.constant 1 : i32
        %eq3A_324 = vector.broadcast %eq3A : i32 to vector<16xi32>
        %eq3A_325 = arith.cmpi eq, %and3A_323, %eq3A_324 : vector<16xi32>
        %le3A_326 = arith.cmpf ole, %add3A_268, %select_n3A : vector<16xf32>
        %and3A_327 = arith.andi %le3A_326, %eq3A_325 : vector<16xi1>
        %jit3A = arith.constant 1.000000e+00 : f32
        %jit3A_328 = arith.constant 0.000000e+00 : f32
        %broadcast_in_dim3A_329 = vector.broadcast %jit3A : f32 to vector<16xf32>
        %broadcast_in_dim3A_330 = vector.broadcast %jit3A_328 : f32 to vector<16xf32>
        %select_n3A_331 = arith.select %and3A_327, %broadcast_in_dim3A_329, %broadcast_in_dim3A_330 : vector<16xi1>, vector<16xf32>
        %add3A_332 = arith.constant 0 : i32
        %add3A_333 = arith.addi %mul3A_264, %add3A_332 : i32
        %shift_right_logical3A_334 = arith.constant 7 : i32
        %shift_right_logical3A_335 = arith.shrui %add3A_333, %shift_right_logical3A_334 : i32
        %mul3A_336 = arith.constant 512 : i32
        %mul3A_337 = arith.muli %shift_right_logical3A_335, %mul3A_336 : i32
        %and3A_338 = arith.constant 127 : i32
        %and3A_339 = arith.andi %add3A_333, %and3A_338 : i32
        %add3A_340 = arith.addi %mul3A_337, %and3A_339 : i32
        %mul3A_341 = arith.mulf %add3A_265, %select_n3A_331 : vector<16xf32>
        %swap3A = arith.index_cast %add3A_333 : i32 to index
        %swap3A_342 = tpu.vector_load %arg16[%swap3A] {strides = array<i32>} : memref<3072xf32, #tpu.memory_space<vmem>>, vector<16xf32>,
        tpu.vector_store %arg16[%swap3A], %mul3A_341 {strides = array<i32>} : memref<3072xf32, #tpu.memory_space<vmem>>, vector<16xf32>,
        %mul3A_343 = arith.mulf %add3A_268, %select_n3A_331 : vector<16xf32>
        %swap3A_344 = arith.index_cast %add3A_333 : i32 to index
        %swap3A_345 = tpu.vector_load %arg18[%swap3A_344] {strides = array<i32>} : memref<3072xf32, #tpu.memory_space<vmem>>, vector<16xf32>,
        tpu.vector_store %arg18[%swap3A_344], %mul3A_343 {strides = array<i32>} : memref<3072xf32, #tpu.memory_space<vmem>>, vector<16xf32>,
        %mul3A_346 = arith.mulf %gather3A_241, %select_n3A_331 : vector<16xf32>
        %swap3A_347 = arith.index_cast %add3A_340 : i32 to index
        %swap3A_348 = tpu.vector_load %arg12[%swap3A_347] {strides = array<i32>} : memref<12288xf32, #tpu.memory_space<vmem>>, vector<16xf32>,
        tpu.vector_store %arg12[%swap3A_347], %mul3A_346 {strides = array<i32>} : memref<12288xf32, #tpu.memory_space<vmem>>, vector<16xf32>,
        %mul3A_349 = arith.mulf %gather3A_244, %select_n3A_331 : vector<16xf32>
        %add3A_350 = arith.constant 128 : i32
        %add3A_351 = arith.addi %add3A_340, %add3A_350 : i32
        %swap3A_352 = arith.index_cast %add3A_351 : i32 to index
        %swap3A_353 = tpu.vector_load %arg12[%swap3A_352] {strides = array<i32>} : memref<12288xf32, #tpu.memory_space<vmem>>, vector<16xf32>,
        tpu.vector_store %arg12[%swap3A_352], %mul3A_349 {strides = array<i32>} : memref<12288xf32, #tpu.memory_space<vmem>>, vector<16xf32>,
        %mul3A_354 = arith.mulf %gather3A_247, %select_n3A_331 : vector<16xf32>
        %add3A_355 = arith.constant 256 : i32
        %add3A_356 = arith.addi %add3A_340, %add3A_355 : i32
        %swap3A_357 = arith.index_cast %add3A_356 : i32 to index
        %swap3A_358 = tpu.vector_load %arg12[%swap3A_357] {strides = array<i32>} : memref<12288xf32, #tpu.memory_space<vmem>>, vector<16xf32>,
        tpu.vector_store %arg12[%swap3A_357], %mul3A_354 {strides = array<i32>} : memref<12288xf32, #tpu.memory_space<vmem>>, vector<16xf32>,
        %mul3A_359 = arith.mulf %gather3A_250, %select_n3A_331 : vector<16xf32>
        %swap3A_360 = arith.index_cast %add3A_340 : i32 to index
        %swap3A_361 = tpu.vector_load %arg14[%swap3A_360] {strides = array<i32>} : memref<12288xf32, #tpu.memory_space<vmem>>, vector<16xf32>,
        tpu.vector_store %arg14[%swap3A_360], %mul3A_359 {strides = array<i32>} : memref<12288xf32, #tpu.memory_space<vmem>>, vector<16xf32>,
        %mul3A_362 = arith.mulf %gather3A_253, %select_n3A_331 : vector<16xf32>
        %add3A_363 = arith.constant 128 : i32
        %add3A_364 = arith.addi %add3A_340, %add3A_363 : i32
        %swap3A_365 = arith.index_cast %add3A_364 : i32 to index
        %swap3A_366 = tpu.vector_load %arg14[%swap3A_365] {strides = array<i32>} : memref<12288xf32, #tpu.memory_space<vmem>>, vector<16xf32>,
        tpu.vector_store %arg14[%swap3A_365], %mul3A_362 {strides = array<i32>} : memref<12288xf32, #tpu.memory_space<vmem>>, vector<16xf32>,
        %mul3A_367 = arith.mulf %gather3A_256, %select_n3A_331 : vector<16xf32>
        %add3A_368 = arith.constant 256 : i32
        %add3A_369 = arith.addi %add3A_340, %add3A_368 : i32
        %swap3A_370 = arith.index_cast %add3A_369 : i32 to index
        %swap3A_371 = tpu.vector_load %arg14[%swap3A_370] {strides = array<i32>} : memref<12288xf32, #tpu.memory_space<vmem>>, vector<16xf32>,
        tpu.vector_store %arg14[%swap3A_370], %mul3A_367 {strides = array<i32>} : memref<12288xf32, #tpu.memory_space<vmem>>, vector<16xf32>,
        %add3A_372 = arith.addf %gather3A_259, %add3A_11 : vector<16xf32>
        %add3A_373 = arith.constant 1.000000e+00 : f32
        %add3A_374 = vector.broadcast %add3A_373 : f32 to vector<16xf32>
        %add3A_375 = arith.addf %add3A_372, %add3A_374 : vector<16xf32>
        %add3A_376 = arith.addf %add3A_372, %add3A_375 : vector<16xf32>
        %mul3A_377 = arith.constant 5.000000e-01 : f32
        %mul3A_378 = vector.broadcast %mul3A_377 : f32 to vector<16xf32>
        %mul3A_379 = arith.mulf %add3A_376, %mul3A_378 : vector<16xf32>
        %mul3A_380 = arith.mulf %gather3A_250, %mul3A_379 : vector<16xf32>
        %add3A_381 = arith.addf %gather3A_241, %mul3A_380 : vector<16xf32>
        %sub3A_382 = arith.constant -6.400000e+01 : f32
        %sub3A_383 = vector.broadcast %sub3A_382 : f32 to vector<16xf32>
        %sub3A_384 = arith.subf %add3A_381, %sub3A_383 : vector<16xf32>
        %mul3A_385 = arith.mulf %gather3A_253, %mul3A_379 : vector<16xf32>
        %add3A_386 = arith.addf %gather3A_244, %mul3A_385 : vector<16xf32>
        %sub3A_387 = arith.constant -6.400000e+01 : f32
        %sub3A_388 = vector.broadcast %sub3A_387 : f32 to vector<16xf32>
        %sub3A_389 = arith.subf %add3A_386, %sub3A_388 : vector<16xf32>
        %mul3A_390 = arith.mulf %gather3A_256, %mul3A_379 : vector<16xf32>
        %add3A_391 = arith.addf %gather3A_247, %mul3A_390 : vector<16xf32>
        %sub3A_392 = arith.constant -6.400000e+01 : f32
        %sub3A_393 = vector.broadcast %sub3A_392 : f32 to vector<16xf32>
        %sub3A_394 = arith.subf %add3A_391, %sub3A_393 : vector<16xf32>
        %max3A_395 = arith.constant 0.000000e+00 : f32
        %max3A_396 = vector.broadcast %max3A_395 : f32 to vector<16xf32>
        %max3A_397 = arith.maximumf %sub3A_384, %max3A_396 : vector<16xf32>
        %min3A_398 = arith.constant 1.270000e+02 : f32
        %min3A_399 = vector.broadcast %min3A_398 : f32 to vector<16xf32>
        %min3A_400 = arith.minimumf %max3A_397, %min3A_399 : vector<16xf32>
        %max3A_401 = arith.constant 0.000000e+00 : f32
        %max3A_402 = vector.broadcast %max3A_401 : f32 to vector<16xf32>
        %max3A_403 = arith.maximumf %sub3A_389, %max3A_402 : vector<16xf32>
        %min3A_404 = arith.constant 1.270000e+02 : f32
        %min3A_405 = vector.broadcast %min3A_404 : f32 to vector<16xf32>
        %min3A_406 = arith.minimumf %max3A_403, %min3A_405 : vector<16xf32>
        %max3A_407 = arith.constant 0.000000e+00 : f32
        %max3A_408 = vector.broadcast %max3A_407 : f32 to vector<16xf32>
        %max3A_409 = arith.maximumf %sub3A_394, %max3A_408 : vector<16xf32>
        %min3A_410 = arith.constant 1.270000e+02 : f32
        %min3A_411 = vector.broadcast %min3A_410 : f32 to vector<16xf32>
        %min3A_412 = arith.minimumf %max3A_409, %min3A_411 : vector<16xf32>
        %convert_element_type3A_413 = arith.fptosi %min3A_400 : vector<16xf32> to vector<16xi32>
        %mul3A_414 = arith.constant 128 : i32
        %mul3A_415 = vector.broadcast %mul3A_414 : i32 to vector<16xi32>
        %mul3A_416 = arith.muli %convert_element_type3A_413, %mul3A_415 : vector<16xi32>
        %convert_element_type3A_417 = arith.fptosi %min3A_406 : vector<16xf32> to vector<16xi32>
        %add3A_418 = arith.addi %mul3A_416, %convert_element_type3A_417 : vector<16xi32>
        %mul3A_419 = arith.constant 128 : i32
        %mul3A_420 = vector.broadcast %mul3A_419 : i32 to vector<16xi32>
        %mul3A_421 = arith.muli %add3A_418, %mul3A_420 : vector<16xi32>
        %convert_element_type3A_422 = arith.fptosi %min3A_412 : vector<16xf32> to vector<16xi32>
        %add3A_423 = arith.addi %mul3A_421, %convert_element_type3A_422 : vector<16xi32>
        %shift_right_logical3A_424 = arith.constant 5 : i32
        %shift_right_logical3A_425 = vector.broadcast %shift_right_logical3A_424 : i32 to vector<16xi32>
        %shift_right_logical3A_426 = arith.shrui %add3A_423, %shift_right_logical3A_425 : vector<16xi32>
        %and3A_427 = arith.constant 31 : i32
        %and3A_428 = vector.broadcast %and3A_427 : i32 to vector<16xi32>
        %and3A_429 = arith.andi %add3A_423, %and3A_428 : vector<16xi32>
        %gather3A_430 = tpu.vector_load_idx %arg8[%shift_right_logical3A_426] : memref<65536xi32, #tpu.memory_space<vmem>>[vector<16xi32>], vector<16xi32>,
        %shift_right_logical3A_431 = arith.shrui %gather3A_430, %and3A_429 : vector<16xi32>
        %and3A_432 = arith.constant 1 : i32
        %and3A_433 = vector.broadcast %and3A_432 : i32 to vector<16xi32>
        %and3A_434 = arith.andi %shift_right_logical3A_431, %and3A_433 : vector<16xi32>
        %eq3A_435 = arith.constant 1 : i32
        %eq3A_436 = vector.broadcast %eq3A_435 : i32 to vector<16xi32>
        %eq3A_437 = arith.cmpi eq, %and3A_434, %eq3A_436 : vector<16xi32>
        %le3A_438 = arith.cmpf ole, %add3A_375, %select_n3A : vector<16xf32>
        %and3A_439 = arith.andi %le3A_438, %eq3A_437 : vector<16xi1>
        %jit3A_440 = arith.constant 1.000000e+00 : f32
        %jit3A_441 = arith.constant 0.000000e+00 : f32
        %broadcast_in_dim3A_442 = vector.broadcast %jit3A_440 : f32 to vector<16xf32>
        %broadcast_in_dim3A_443 = vector.broadcast %jit3A_441 : f32 to vector<16xf32>
        %select_n3A_444 = arith.select %and3A_439, %broadcast_in_dim3A_442, %broadcast_in_dim3A_443 : vector<16xi1>, vector<16xf32>
        %add3A_445 = arith.constant 16 : i32
        %add3A_446 = arith.addi %mul3A_264, %add3A_445 : i32
        %shift_right_logical3A_447 = arith.constant 7 : i32
        %shift_right_logical3A_448 = arith.shrui %add3A_446, %shift_right_logical3A_447 : i32
        %mul3A_449 = arith.constant 512 : i32
        %mul3A_450 = arith.muli %shift_right_logical3A_448, %mul3A_449 : i32
        %and3A_451 = arith.constant 127 : i32
        %and3A_452 = arith.andi %add3A_446, %and3A_451 : i32
        %add3A_453 = arith.addi %mul3A_450, %and3A_452 : i32
        %mul3A_454 = arith.mulf %add3A_372, %select_n3A_444 : vector<16xf32>
        %swap3A_455 = arith.index_cast %add3A_446 : i32 to index
        %swap3A_456 = tpu.vector_load %arg16[%swap3A_455] {strides = array<i32>} : memref<3072xf32, #tpu.memory_space<vmem>>, vector<16xf32>,
        tpu.vector_store %arg16[%swap3A_455], %mul3A_454 {strides = array<i32>} : memref<3072xf32, #tpu.memory_space<vmem>>, vector<16xf32>,
        %mul3A_457 = arith.mulf %add3A_375, %select_n3A_444 : vector<16xf32>
        %swap3A_458 = arith.index_cast %add3A_446 : i32 to index
        %swap3A_459 = tpu.vector_load %arg18[%swap3A_458] {strides = array<i32>} : memref<3072xf32, #tpu.memory_space<vmem>>, vector<16xf32>,
        tpu.vector_store %arg18[%swap3A_458], %mul3A_457 {strides = array<i32>} : memref<3072xf32, #tpu.memory_space<vmem>>, vector<16xf32>,
        %mul3A_460 = arith.mulf %gather3A_241, %select_n3A_444 : vector<16xf32>
        %swap3A_461 = arith.index_cast %add3A_453 : i32 to index
        %swap3A_462 = tpu.vector_load %arg12[%swap3A_461] {strides = array<i32>} : memref<12288xf32, #tpu.memory_space<vmem>>, vector<16xf32>,
        tpu.vector_store %arg12[%swap3A_461], %mul3A_460 {strides = array<i32>} : memref<12288xf32, #tpu.memory_space<vmem>>, vector<16xf32>,
        %mul3A_463 = arith.mulf %gather3A_244, %select_n3A_444 : vector<16xf32>
        %add3A_464 = arith.constant 128 : i32
        %add3A_465 = arith.addi %add3A_453, %add3A_464 : i32
        %swap3A_466 = arith.index_cast %add3A_465 : i32 to index
        %swap3A_467 = tpu.vector_load %arg12[%swap3A_466] {strides = array<i32>} : memref<12288xf32, #tpu.memory_space<vmem>>, vector<16xf32>,
        tpu.vector_store %arg12[%swap3A_466], %mul3A_463 {strides = array<i32>} : memref<12288xf32, #tpu.memory_space<vmem>>, vector<16xf32>,
        %mul3A_468 = arith.mulf %gather3A_247, %select_n3A_444 : vector<16xf32>
        %add3A_469 = arith.constant 256 : i32
        %add3A_470 = arith.addi %add3A_453, %add3A_469 : i32
        %swap3A_471 = arith.index_cast %add3A_470 : i32 to index
        %swap3A_472 = tpu.vector_load %arg12[%swap3A_471] {strides = array<i32>} : memref<12288xf32, #tpu.memory_space<vmem>>, vector<16xf32>,
        tpu.vector_store %arg12[%swap3A_471], %mul3A_468 {strides = array<i32>} : memref<12288xf32, #tpu.memory_space<vmem>>, vector<16xf32>,
        %mul3A_473 = arith.mulf %gather3A_250, %select_n3A_444 : vector<16xf32>
        %swap3A_474 = arith.index_cast %add3A_453 : i32 to index
        %swap3A_475 = tpu.vector_load %arg14[%swap3A_474] {strides = array<i32>} : memref<12288xf32, #tpu.memory_space<vmem>>, vector<16xf32>,
        tpu.vector_store %arg14[%swap3A_474], %mul3A_473 {strides = array<i32>} : memref<12288xf32, #tpu.memory_space<vmem>>, vector<16xf32>,
        %mul3A_476 = arith.mulf %gather3A_253, %select_n3A_444 : vector<16xf32>
        %add3A_477 = arith.constant 128 : i32
        %add3A_478 = arith.addi %add3A_453, %add3A_477 : i32
        %swap3A_479 = arith.index_cast %add3A_478 : i32 to index
        %swap3A_480 = tpu.vector_load %arg14[%swap3A_479] {strides = array<i32>} : memref<12288xf32, #tpu.memory_space<vmem>>, vector<16xf32>,
        tpu.vector_store %arg14[%swap3A_479], %mul3A_476 {strides = array<i32>} : memref<12288xf32, #tpu.memory_space<vmem>>, vector<16xf32>,
        %mul3A_481 = arith.mulf %gather3A_256, %select_n3A_444 : vector<16xf32>
        %add3A_482 = arith.constant 256 : i32
        %add3A_483 = arith.addi %add3A_453, %add3A_482 : i32
        %swap3A_484 = arith.index_cast %add3A_483 : i32 to index
        %swap3A_485 = tpu.vector_load %arg14[%swap3A_484] {strides = array<i32>} : memref<12288xf32, #tpu.memory_space<vmem>>, vector<16xf32>,
        tpu.vector_store %arg14[%swap3A_484], %mul3A_481 {strides = array<i32>} : memref<12288xf32, #tpu.memory_space<vmem>>, vector<16xf32>,
        %add3A_486 = arith.addf %gather3A_259, %add3A_14 : vector<16xf32>
        %add3A_487 = arith.constant 1.000000e+00 : f32
        %add3A_488 = vector.broadcast %add3A_487 : f32 to vector<16xf32>
        %add3A_489 = arith.addf %add3A_486, %add3A_488 : vector<16xf32>
        %add3A_490 = arith.addf %add3A_486, %add3A_489 : vector<16xf32>
        %mul3A_491 = arith.constant 5.000000e-01 : f32
        %mul3A_492 = vector.broadcast %mul3A_491 : f32 to vector<16xf32>
        %mul3A_493 = arith.mulf %add3A_490, %mul3A_492 : vector<16xf32>
        %mul3A_494 = arith.mulf %gather3A_250, %mul3A_493 : vector<16xf32>
        %add3A_495 = arith.addf %gather3A_241, %mul3A_494 : vector<16xf32>
        %sub3A_496 = arith.constant -6.400000e+01 : f32
        %sub3A_497 = vector.broadcast %sub3A_496 : f32 to vector<16xf32>
        %sub3A_498 = arith.subf %add3A_495, %sub3A_497 : vector<16xf32>
        %mul3A_499 = arith.mulf %gather3A_253, %mul3A_493 : vector<16xf32>
        %add3A_500 = arith.addf %gather3A_244, %mul3A_499 : vector<16xf32>
        %sub3A_501 = arith.constant -6.400000e+01 : f32
        %sub3A_502 = vector.broadcast %sub3A_501 : f32 to vector<16xf32>
        %sub3A_503 = arith.subf %add3A_500, %sub3A_502 : vector<16xf32>
        %mul3A_504 = arith.mulf %gather3A_256, %mul3A_493 : vector<16xf32>
        %add3A_505 = arith.addf %gather3A_247, %mul3A_504 : vector<16xf32>
        %sub3A_506 = arith.constant -6.400000e+01 : f32
        %sub3A_507 = vector.broadcast %sub3A_506 : f32 to vector<16xf32>
        %sub3A_508 = arith.subf %add3A_505, %sub3A_507 : vector<16xf32>
        %max3A_509 = arith.constant 0.000000e+00 : f32
        %max3A_510 = vector.broadcast %max3A_509 : f32 to vector<16xf32>
        %max3A_511 = arith.maximumf %sub3A_498, %max3A_510 : vector<16xf32>
        %min3A_512 = arith.constant 1.270000e+02 : f32
        %min3A_513 = vector.broadcast %min3A_512 : f32 to vector<16xf32>
        %min3A_514 = arith.minimumf %max3A_511, %min3A_513 : vector<16xf32>
        %max3A_515 = arith.constant 0.000000e+00 : f32
        %max3A_516 = vector.broadcast %max3A_515 : f32 to vector<16xf32>
        %max3A_517 = arith.maximumf %sub3A_503, %max3A_516 : vector<16xf32>
        %min3A_518 = arith.constant 1.270000e+02 : f32
        %min3A_519 = vector.broadcast %min3A_518 : f32 to vector<16xf32>
        %min3A_520 = arith.minimumf %max3A_517, %min3A_519 : vector<16xf32>
        %max3A_521 = arith.constant 0.000000e+00 : f32
        %max3A_522 = vector.broadcast %max3A_521 : f32 to vector<16xf32>
        %max3A_523 = arith.maximumf %sub3A_508, %max3A_522 : vector<16xf32>
        %min3A_524 = arith.constant 1.270000e+02 : f32
        %min3A_525 = vector.broadcast %min3A_524 : f32 to vector<16xf32>
        %min3A_526 = arith.minimumf %max3A_523, %min3A_525 : vector<16xf32>
        %convert_element_type3A_527 = arith.fptosi %min3A_514 : vector<16xf32> to vector<16xi32>
        %mul3A_528 = arith.constant 128 : i32
        %mul3A_529 = vector.broadcast %mul3A_528 : i32 to vector<16xi32>
        %mul3A_530 = arith.muli %convert_element_type3A_527, %mul3A_529 : vector<16xi32>
        %convert_element_type3A_531 = arith.fptosi %min3A_520 : vector<16xf32> to vector<16xi32>
        %add3A_532 = arith.addi %mul3A_530, %convert_element_type3A_531 : vector<16xi32>
        %mul3A_533 = arith.constant 128 : i32
        %mul3A_534 = vector.broadcast %mul3A_533 : i32 to vector<16xi32>
        %mul3A_535 = arith.muli %add3A_532, %mul3A_534 : vector<16xi32>
        %convert_element_type3A_536 = arith.fptosi %min3A_526 : vector<16xf32> to vector<16xi32>
        %add3A_537 = arith.addi %mul3A_535, %convert_element_type3A_536 : vector<16xi32>
        %shift_right_logical3A_538 = arith.constant 5 : i32
        %shift_right_logical3A_539 = vector.broadcast %shift_right_logical3A_538 : i32 to vector<16xi32>
        %shift_right_logical3A_540 = arith.shrui %add3A_537, %shift_right_logical3A_539 : vector<16xi32>
        %and3A_541 = arith.constant 31 : i32
        %and3A_542 = vector.broadcast %and3A_541 : i32 to vector<16xi32>
        %and3A_543 = arith.andi %add3A_537, %and3A_542 : vector<16xi32>
        %gather3A_544 = tpu.vector_load_idx %arg8[%shift_right_logical3A_540] : memref<65536xi32, #tpu.memory_space<vmem>>[vector<16xi32>], vector<16xi32>,
        %shift_right_logical3A_545 = arith.shrui %gather3A_544, %and3A_543 : vector<16xi32>
        %and3A_546 = arith.constant 1 : i32
        %and3A_547 = vector.broadcast %and3A_546 : i32 to vector<16xi32>
        %and3A_548 = arith.andi %shift_right_logical3A_545, %and3A_547 : vector<16xi32>
        %eq3A_549 = arith.constant 1 : i32
        %eq3A_550 = vector.broadcast %eq3A_549 : i32 to vector<16xi32>
        %eq3A_551 = arith.cmpi eq, %and3A_548, %eq3A_550 : vector<16xi32>
        %le3A_552 = arith.cmpf ole, %add3A_489, %select_n3A : vector<16xf32>
        %and3A_553 = arith.andi %le3A_552, %eq3A_551 : vector<16xi1>
        %jit3A_554 = arith.constant 1.000000e+00 : f32
        %jit3A_555 = arith.constant 0.000000e+00 : f32
        %broadcast_in_dim3A_556 = vector.broadcast %jit3A_554 : f32 to vector<16xf32>
        %broadcast_in_dim3A_557 = vector.broadcast %jit3A_555 : f32 to vector<16xf32>
        %select_n3A_558 = arith.select %and3A_553, %broadcast_in_dim3A_556, %broadcast_in_dim3A_557 : vector<16xi1>, vector<16xf32>
        %add3A_559 = arith.constant 32 : i32
        %add3A_560 = arith.addi %mul3A_264, %add3A_559 : i32
        %shift_right_logical3A_561 = arith.constant 7 : i32
        %shift_right_logical3A_562 = arith.shrui %add3A_560, %shift_right_logical3A_561 : i32
        %mul3A_563 = arith.constant 512 : i32
        %mul3A_564 = arith.muli %shift_right_logical3A_562, %mul3A_563 : i32
        %and3A_565 = arith.constant 127 : i32
        %and3A_566 = arith.andi %add3A_560, %and3A_565 : i32
        %add3A_567 = arith.addi %mul3A_564, %and3A_566 : i32
        %mul3A_568 = arith.mulf %add3A_486, %select_n3A_558 : vector<16xf32>
        %swap3A_569 = arith.index_cast %add3A_560 : i32 to index
        %swap3A_570 = tpu.vector_load %arg16[%swap3A_569] {strides = array<i32>} : memref<3072xf32, #tpu.memory_space<vmem>>, vector<16xf32>,
        tpu.vector_store %arg16[%swap3A_569], %mul3A_568 {strides = array<i32>} : memref<3072xf32, #tpu.memory_space<vmem>>, vector<16xf32>,
        %mul3A_571 = arith.mulf %add3A_489, %select_n3A_558 : vector<16xf32>
        %swap3A_572 = arith.index_cast %add3A_560 : i32 to index
        %swap3A_573 = tpu.vector_load %arg18[%swap3A_572] {strides = array<i32>} : memref<3072xf32, #tpu.memory_space<vmem>>, vector<16xf32>,
        tpu.vector_store %arg18[%swap3A_572], %mul3A_571 {strides = array<i32>} : memref<3072xf32, #tpu.memory_space<vmem>>, vector<16xf32>,
        %mul3A_574 = arith.mulf %gather3A_241, %select_n3A_558 : vector<16xf32>
        %swap3A_575 = arith.index_cast %add3A_567 : i32 to index
        %swap3A_576 = tpu.vector_load %arg12[%swap3A_575] {strides = array<i32>} : memref<12288xf32, #tpu.memory_space<vmem>>, vector<16xf32>,
        tpu.vector_store %arg12[%swap3A_575], %mul3A_574 {strides = array<i32>} : memref<12288xf32, #tpu.memory_space<vmem>>, vector<16xf32>,
        %mul3A_577 = arith.mulf %gather3A_244, %select_n3A_558 : vector<16xf32>
        %add3A_578 = arith.constant 128 : i32
        %add3A_579 = arith.addi %add3A_567, %add3A_578 : i32
        %swap3A_580 = arith.index_cast %add3A_579 : i32 to index
        %swap3A_581 = tpu.vector_load %arg12[%swap3A_580] {strides = array<i32>} : memref<12288xf32, #tpu.memory_space<vmem>>, vector<16xf32>,
        tpu.vector_store %arg12[%swap3A_580], %mul3A_577 {strides = array<i32>} : memref<12288xf32, #tpu.memory_space<vmem>>, vector<16xf32>,
        %mul3A_582 = arith.mulf %gather3A_247, %select_n3A_558 : vector<16xf32>
        %add3A_583 = arith.constant 256 : i32
        %add3A_584 = arith.addi %add3A_567, %add3A_583 : i32
        %swap3A_585 = arith.index_cast %add3A_584 : i32 to index
        %swap3A_586 = tpu.vector_load %arg12[%swap3A_585] {strides = array<i32>} : memref<12288xf32, #tpu.memory_space<vmem>>, vector<16xf32>,
        tpu.vector_store %arg12[%swap3A_585], %mul3A_582 {strides = array<i32>} : memref<12288xf32, #tpu.memory_space<vmem>>, vector<16xf32>,
        %mul3A_587 = arith.mulf %gather3A_250, %select_n3A_558 : vector<16xf32>
        %swap3A_588 = arith.index_cast %add3A_567 : i32 to index
        %swap3A_589 = tpu.vector_load %arg14[%swap3A_588] {strides = array<i32>} : memref<12288xf32, #tpu.memory_space<vmem>>, vector<16xf32>,
        tpu.vector_store %arg14[%swap3A_588], %mul3A_587 {strides = array<i32>} : memref<12288xf32, #tpu.memory_space<vmem>>, vector<16xf32>,
        %mul3A_590 = arith.mulf %gather3A_253, %select_n3A_558 : vector<16xf32>
        %add3A_591 = arith.constant 128 : i32
        %add3A_592 = arith.addi %add3A_567, %add3A_591 : i32
        %swap3A_593 = arith.index_cast %add3A_592 : i32 to index
        %swap3A_594 = tpu.vector_load %arg14[%swap3A_593] {strides = array<i32>} : memref<12288xf32, #tpu.memory_space<vmem>>, vector<16xf32>,
        tpu.vector_store %arg14[%swap3A_593], %mul3A_590 {strides = array<i32>} : memref<12288xf32, #tpu.memory_space<vmem>>, vector<16xf32>,
        %mul3A_595 = arith.mulf %gather3A_256, %select_n3A_558 : vector<16xf32>
        %add3A_596 = arith.constant 256 : i32
        %add3A_597 = arith.addi %add3A_567, %add3A_596 : i32
        %swap3A_598 = arith.index_cast %add3A_597 : i32 to index
        %swap3A_599 = tpu.vector_load %arg14[%swap3A_598] {strides = array<i32>} : memref<12288xf32, #tpu.memory_space<vmem>>, vector<16xf32>,
        tpu.vector_store %arg14[%swap3A_598], %mul3A_595 {strides = array<i32>} : memref<12288xf32, #tpu.memory_space<vmem>>, vector<16xf32>,
        %add3A_600 = arith.addf %gather3A_259, %add3A_17 : vector<16xf32>
        %add3A_601 = arith.constant 1.000000e+00 : f32
        %add3A_602 = vector.broadcast %add3A_601 : f32 to vector<16xf32>
        %add3A_603 = arith.addf %add3A_600, %add3A_602 : vector<16xf32>
        %add3A_604 = arith.addf %add3A_600, %add3A_603 : vector<16xf32>
        %mul3A_605 = arith.constant 5.000000e-01 : f32
        %mul3A_606 = vector.broadcast %mul3A_605 : f32 to vector<16xf32>
        %mul3A_607 = arith.mulf %add3A_604, %mul3A_606 : vector<16xf32>
        %mul3A_608 = arith.mulf %gather3A_250, %mul3A_607 : vector<16xf32>
        %add3A_609 = arith.addf %gather3A_241, %mul3A_608 : vector<16xf32>
        %sub3A_610 = arith.constant -6.400000e+01 : f32
        %sub3A_611 = vector.broadcast %sub3A_610 : f32 to vector<16xf32>
        %sub3A_612 = arith.subf %add3A_609, %sub3A_611 : vector<16xf32>
        %mul3A_613 = arith.mulf %gather3A_253, %mul3A_607 : vector<16xf32>
        %add3A_614 = arith.addf %gather3A_244, %mul3A_613 : vector<16xf32>
        %sub3A_615 = arith.constant -6.400000e+01 : f32
        %sub3A_616 = vector.broadcast %sub3A_615 : f32 to vector<16xf32>
        %sub3A_617 = arith.subf %add3A_614, %sub3A_616 : vector<16xf32>
        %mul3A_618 = arith.mulf %gather3A_256, %mul3A_607 : vector<16xf32>
        %add3A_619 = arith.addf %gather3A_247, %mul3A_618 : vector<16xf32>
        %sub3A_620 = arith.constant -6.400000e+01 : f32
        %sub3A_621 = vector.broadcast %sub3A_620 : f32 to vector<16xf32>
        %sub3A_622 = arith.subf %add3A_619, %sub3A_621 : vector<16xf32>
        %max3A_623 = arith.constant 0.000000e+00 : f32
        %max3A_624 = vector.broadcast %max3A_623 : f32 to vector<16xf32>
        %max3A_625 = arith.maximumf %sub3A_612, %max3A_624 : vector<16xf32>
        %min3A_626 = arith.constant 1.270000e+02 : f32
        %min3A_627 = vector.broadcast %min3A_626 : f32 to vector<16xf32>
        %min3A_628 = arith.minimumf %max3A_625, %min3A_627 : vector<16xf32>
        %max3A_629 = arith.constant 0.000000e+00 : f32
        %max3A_630 = vector.broadcast %max3A_629 : f32 to vector<16xf32>
        %max3A_631 = arith.maximumf %sub3A_617, %max3A_630 : vector<16xf32>
        %min3A_632 = arith.constant 1.270000e+02 : f32
        %min3A_633 = vector.broadcast %min3A_632 : f32 to vector<16xf32>
        %min3A_634 = arith.minimumf %max3A_631, %min3A_633 : vector<16xf32>
        %max3A_635 = arith.constant 0.000000e+00 : f32
        %max3A_636 = vector.broadcast %max3A_635 : f32 to vector<16xf32>
        %max3A_637 = arith.maximumf %sub3A_622, %max3A_636 : vector<16xf32>
        %min3A_638 = arith.constant 1.270000e+02 : f32
        %min3A_639 = vector.broadcast %min3A_638 : f32 to vector<16xf32>
        %min3A_640 = arith.minimumf %max3A_637, %min3A_639 : vector<16xf32>
        %convert_element_type3A_641 = arith.fptosi %min3A_628 : vector<16xf32> to vector<16xi32>
        %mul3A_642 = arith.constant 128 : i32
        %mul3A_643 = vector.broadcast %mul3A_642 : i32 to vector<16xi32>
        %mul3A_644 = arith.muli %convert_element_type3A_641, %mul3A_643 : vector<16xi32>
        %convert_element_type3A_645 = arith.fptosi %min3A_634 : vector<16xf32> to vector<16xi32>
        %add3A_646 = arith.addi %mul3A_644, %convert_element_type3A_645 : vector<16xi32>
        %mul3A_647 = arith.constant 128 : i32
        %mul3A_648 = vector.broadcast %mul3A_647 : i32 to vector<16xi32>
        %mul3A_649 = arith.muli %add3A_646, %mul3A_648 : vector<16xi32>
        %convert_element_type3A_650 = arith.fptosi %min3A_640 : vector<16xf32> to vector<16xi32>
        %add3A_651 = arith.addi %mul3A_649, %convert_element_type3A_650 : vector<16xi32>
        %shift_right_logical3A_652 = arith.constant 5 : i32
        %shift_right_logical3A_653 = vector.broadcast %shift_right_logical3A_652 : i32 to vector<16xi32>
        %shift_right_logical3A_654 = arith.shrui %add3A_651, %shift_right_logical3A_653 : vector<16xi32>
        %and3A_655 = arith.constant 31 : i32
        %and3A_656 = vector.broadcast %and3A_655 : i32 to vector<16xi32>
        %and3A_657 = arith.andi %add3A_651, %and3A_656 : vector<16xi32>
        %gather3A_658 = tpu.vector_load_idx %arg8[%shift_right_logical3A_654] : memref<65536xi32, #tpu.memory_space<vmem>>[vector<16xi32>], vector<16xi32>,
        %shift_right_logical3A_659 = arith.shrui %gather3A_658, %and3A_657 : vector<16xi32>
        %and3A_660 = arith.constant 1 : i32
        %and3A_661 = vector.broadcast %and3A_660 : i32 to vector<16xi32>
        %and3A_662 = arith.andi %shift_right_logical3A_659, %and3A_661 : vector<16xi32>
        %eq3A_663 = arith.constant 1 : i32
        %eq3A_664 = vector.broadcast %eq3A_663 : i32 to vector<16xi32>
        %eq3A_665 = arith.cmpi eq, %and3A_662, %eq3A_664 : vector<16xi32>
        %le3A_666 = arith.cmpf ole, %add3A_603, %select_n3A : vector<16xf32>
        %and3A_667 = arith.andi %le3A_666, %eq3A_665 : vector<16xi1>
        %jit3A_668 = arith.constant 1.000000e+00 : f32
        %jit3A_669 = arith.constant 0.000000e+00 : f32
        %broadcast_in_dim3A_670 = vector.broadcast %jit3A_668 : f32 to vector<16xf32>
        %broadcast_in_dim3A_671 = vector.broadcast %jit3A_669 : f32 to vector<16xf32>
        %select_n3A_672 = arith.select %and3A_667, %broadcast_in_dim3A_670, %broadcast_in_dim3A_671 : vector<16xi1>, vector<16xf32>
        %add3A_673 = arith.constant 48 : i32
        %add3A_674 = arith.addi %mul3A_264, %add3A_673 : i32
        %shift_right_logical3A_675 = arith.constant 7 : i32
        %shift_right_logical3A_676 = arith.shrui %add3A_674, %shift_right_logical3A_675 : i32
        %mul3A_677 = arith.constant 512 : i32
        %mul3A_678 = arith.muli %shift_right_logical3A_676, %mul3A_677 : i32
        %and3A_679 = arith.constant 127 : i32
        %and3A_680 = arith.andi %add3A_674, %and3A_679 : i32
        %add3A_681 = arith.addi %mul3A_678, %and3A_680 : i32
        %mul3A_682 = arith.mulf %add3A_600, %select_n3A_672 : vector<16xf32>
        %swap3A_683 = arith.index_cast %add3A_674 : i32 to index
        %swap3A_684 = tpu.vector_load %arg16[%swap3A_683] {strides = array<i32>} : memref<3072xf32, #tpu.memory_space<vmem>>, vector<16xf32>,
        tpu.vector_store %arg16[%swap3A_683], %mul3A_682 {strides = array<i32>} : memref<3072xf32, #tpu.memory_space<vmem>>, vector<16xf32>,
        %mul3A_685 = arith.mulf %add3A_603, %select_n3A_672 : vector<16xf32>
        %swap3A_686 = arith.index_cast %add3A_674 : i32 to index
        %swap3A_687 = tpu.vector_load %arg18[%swap3A_686] {strides = array<i32>} : memref<3072xf32, #tpu.memory_space<vmem>>, vector<16xf32>,
        tpu.vector_store %arg18[%swap3A_686], %mul3A_685 {strides = array<i32>} : memref<3072xf32, #tpu.memory_space<vmem>>, vector<16xf32>,
        %mul3A_688 = arith.mulf %gather3A_241, %select_n3A_672 : vector<16xf32>
        %swap3A_689 = arith.index_cast %add3A_681 : i32 to index
        %swap3A_690 = tpu.vector_load %arg12[%swap3A_689] {strides = array<i32>} : memref<12288xf32, #tpu.memory_space<vmem>>, vector<16xf32>,
        tpu.vector_store %arg12[%swap3A_689], %mul3A_688 {strides = array<i32>} : memref<12288xf32, #tpu.memory_space<vmem>>, vector<16xf32>,
        %mul3A_691 = arith.mulf %gather3A_244, %select_n3A_672 : vector<16xf32>
        %add3A_692 = arith.constant 128 : i32
        %add3A_693 = arith.addi %add3A_681, %add3A_692 : i32
        %swap3A_694 = arith.index_cast %add3A_693 : i32 to index
        %swap3A_695 = tpu.vector_load %arg12[%swap3A_694] {strides = array<i32>} : memref<12288xf32, #tpu.memory_space<vmem>>, vector<16xf32>,
        tpu.vector_store %arg12[%swap3A_694], %mul3A_691 {strides = array<i32>} : memref<12288xf32, #tpu.memory_space<vmem>>, vector<16xf32>,
        %mul3A_696 = arith.mulf %gather3A_247, %select_n3A_672 : vector<16xf32>
        %add3A_697 = arith.constant 256 : i32
        %add3A_698 = arith.addi %add3A_681, %add3A_697 : i32
        %swap3A_699 = arith.index_cast %add3A_698 : i32 to index
        %swap3A_700 = tpu.vector_load %arg12[%swap3A_699] {strides = array<i32>} : memref<12288xf32, #tpu.memory_space<vmem>>, vector<16xf32>,
        tpu.vector_store %arg12[%swap3A_699], %mul3A_696 {strides = array<i32>} : memref<12288xf32, #tpu.memory_space<vmem>>, vector<16xf32>,
        %mul3A_701 = arith.mulf %gather3A_250, %select_n3A_672 : vector<16xf32>
        %swap3A_702 = arith.index_cast %add3A_681 : i32 to index
        %swap3A_703 = tpu.vector_load %arg14[%swap3A_702] {strides = array<i32>} : memref<12288xf32, #tpu.memory_space<vmem>>, vector<16xf32>,
        tpu.vector_store %arg14[%swap3A_702], %mul3A_701 {strides = array<i32>} : memref<12288xf32, #tpu.memory_space<vmem>>, vector<16xf32>,
        %mul3A_704 = arith.mulf %gather3A_253, %select_n3A_672 : vector<16xf32>
        %add3A_705 = arith.constant 128 : i32
        %add3A_706 = arith.addi %add3A_681, %add3A_705 : i32
        %swap3A_707 = arith.index_cast %add3A_706 : i32 to index
        %swap3A_708 = tpu.vector_load %arg14[%swap3A_707] {strides = array<i32>} : memref<12288xf32, #tpu.memory_space<vmem>>, vector<16xf32>,
        tpu.vector_store %arg14[%swap3A_707], %mul3A_704 {strides = array<i32>} : memref<12288xf32, #tpu.memory_space<vmem>>, vector<16xf32>,
        %mul3A_709 = arith.mulf %gather3A_256, %select_n3A_672 : vector<16xf32>
        %add3A_710 = arith.constant 256 : i32
        %add3A_711 = arith.addi %add3A_681, %add3A_710 : i32
        %swap3A_712 = arith.index_cast %add3A_711 : i32 to index
        %swap3A_713 = tpu.vector_load %arg14[%swap3A_712] {strides = array<i32>} : memref<12288xf32, #tpu.memory_space<vmem>>, vector<16xf32>,
        tpu.vector_store %arg14[%swap3A_712], %mul3A_709 {strides = array<i32>} : memref<12288xf32, #tpu.memory_space<vmem>>, vector<16xf32>,
        %add3A_714 = arith.addf %gather3A_259, %add3A_20 : vector<16xf32>
        %add3A_715 = arith.constant 1.000000e+00 : f32
        %add3A_716 = vector.broadcast %add3A_715 : f32 to vector<16xf32>
        %add3A_717 = arith.addf %add3A_714, %add3A_716 : vector<16xf32>
        %add3A_718 = arith.addf %add3A_714, %add3A_717 : vector<16xf32>
        %mul3A_719 = arith.constant 5.000000e-01 : f32
        %mul3A_720 = vector.broadcast %mul3A_719 : f32 to vector<16xf32>
        %mul3A_721 = arith.mulf %add3A_718, %mul3A_720 : vector<16xf32>
        %mul3A_722 = arith.mulf %gather3A_250, %mul3A_721 : vector<16xf32>
        %add3A_723 = arith.addf %gather3A_241, %mul3A_722 : vector<16xf32>
        %sub3A_724 = arith.constant -6.400000e+01 : f32
        %sub3A_725 = vector.broadcast %sub3A_724 : f32 to vector<16xf32>
        %sub3A_726 = arith.subf %add3A_723, %sub3A_725 : vector<16xf32>
        %mul3A_727 = arith.mulf %gather3A_253, %mul3A_721 : vector<16xf32>
        %add3A_728 = arith.addf %gather3A_244, %mul3A_727 : vector<16xf32>
        %sub3A_729 = arith.constant -6.400000e+01 : f32
        %sub3A_730 = vector.broadcast %sub3A_729 : f32 to vector<16xf32>
        %sub3A_731 = arith.subf %add3A_728, %sub3A_730 : vector<16xf32>
        %mul3A_732 = arith.mulf %gather3A_256, %mul3A_721 : vector<16xf32>
        %add3A_733 = arith.addf %gather3A_247, %mul3A_732 : vector<16xf32>
        %sub3A_734 = arith.constant -6.400000e+01 : f32
        %sub3A_735 = vector.broadcast %sub3A_734 : f32 to vector<16xf32>
        %sub3A_736 = arith.subf %add3A_733, %sub3A_735 : vector<16xf32>
        %max3A_737 = arith.constant 0.000000e+00 : f32
        %max3A_738 = vector.broadcast %max3A_737 : f32 to vector<16xf32>
        %max3A_739 = arith.maximumf %sub3A_726, %max3A_738 : vector<16xf32>
        %min3A_740 = arith.constant 1.270000e+02 : f32
        %min3A_741 = vector.broadcast %min3A_740 : f32 to vector<16xf32>
        %min3A_742 = arith.minimumf %max3A_739, %min3A_741 : vector<16xf32>
        %max3A_743 = arith.constant 0.000000e+00 : f32
        %max3A_744 = vector.broadcast %max3A_743 : f32 to vector<16xf32>
        %max3A_745 = arith.maximumf %sub3A_731, %max3A_744 : vector<16xf32>
        %min3A_746 = arith.constant 1.270000e+02 : f32
        %min3A_747 = vector.broadcast %min3A_746 : f32 to vector<16xf32>
        %min3A_748 = arith.minimumf %max3A_745, %min3A_747 : vector<16xf32>
        %max3A_749 = arith.constant 0.000000e+00 : f32
        %max3A_750 = vector.broadcast %max3A_749 : f32 to vector<16xf32>
        %max3A_751 = arith.maximumf %sub3A_736, %max3A_750 : vector<16xf32>
        %min3A_752 = arith.constant 1.270000e+02 : f32
        %min3A_753 = vector.broadcast %min3A_752 : f32 to vector<16xf32>
        %min3A_754 = arith.minimumf %max3A_751, %min3A_753 : vector<16xf32>
        %convert_element_type3A_755 = arith.fptosi %min3A_742 : vector<16xf32> to vector<16xi32>
        %mul3A_756 = arith.constant 128 : i32
        %mul3A_757 = vector.broadcast %mul3A_756 : i32 to vector<16xi32>
        %mul3A_758 = arith.muli %convert_element_type3A_755, %mul3A_757 : vector<16xi32>
        %convert_element_type3A_759 = arith.fptosi %min3A_748 : vector<16xf32> to vector<16xi32>
        %add3A_760 = arith.addi %mul3A_758, %convert_element_type3A_759 : vector<16xi32>
        %mul3A_761 = arith.constant 128 : i32
        %mul3A_762 = vector.broadcast %mul3A_761 : i32 to vector<16xi32>
        %mul3A_763 = arith.muli %add3A_760, %mul3A_762 : vector<16xi32>
        %convert_element_type3A_764 = arith.fptosi %min3A_754 : vector<16xf32> to vector<16xi32>
        %add3A_765 = arith.addi %mul3A_763, %convert_element_type3A_764 : vector<16xi32>
        %shift_right_logical3A_766 = arith.constant 5 : i32
        %shift_right_logical3A_767 = vector.broadcast %shift_right_logical3A_766 : i32 to vector<16xi32>
        %shift_right_logical3A_768 = arith.shrui %add3A_765, %shift_right_logical3A_767 : vector<16xi32>
        %and3A_769 = arith.constant 31 : i32
        %and3A_770 = vector.broadcast %and3A_769 : i32 to vector<16xi32>
        %and3A_771 = arith.andi %add3A_765, %and3A_770 : vector<16xi32>
        %gather3A_772 = tpu.vector_load_idx %arg8[%shift_right_logical3A_768] : memref<65536xi32, #tpu.memory_space<vmem>>[vector<16xi32>], vector<16xi32>,
        %shift_right_logical3A_773 = arith.shrui %gather3A_772, %and3A_771 : vector<16xi32>
        %and3A_774 = arith.constant 1 : i32
        %and3A_775 = vector.broadcast %and3A_774 : i32 to vector<16xi32>
        %and3A_776 = arith.andi %shift_right_logical3A_773, %and3A_775 : vector<16xi32>
        %eq3A_777 = arith.constant 1 : i32
        %eq3A_778 = vector.broadcast %eq3A_777 : i32 to vector<16xi32>
        %eq3A_779 = arith.cmpi eq, %and3A_776, %eq3A_778 : vector<16xi32>
        %le3A_780 = arith.cmpf ole, %add3A_717, %select_n3A : vector<16xf32>
        %and3A_781 = arith.andi %le3A_780, %eq3A_779 : vector<16xi1>
        %jit3A_782 = arith.constant 1.000000e+00 : f32
        %jit3A_783 = arith.constant 0.000000e+00 : f32
        %broadcast_in_dim3A_784 = vector.broadcast %jit3A_782 : f32 to vector<16xf32>
        %broadcast_in_dim3A_785 = vector.broadcast %jit3A_783 : f32 to vector<16xf32>
        %select_n3A_786 = arith.select %and3A_781, %broadcast_in_dim3A_784, %broadcast_in_dim3A_785 : vector<16xi1>, vector<16xf32>
        %add3A_787 = arith.constant 64 : i32
        %add3A_788 = arith.addi %mul3A_264, %add3A_787 : i32
        %shift_right_logical3A_789 = arith.constant 7 : i32
        %shift_right_logical3A_790 = arith.shrui %add3A_788, %shift_right_logical3A_789 : i32
        %mul3A_791 = arith.constant 512 : i32
        %mul3A_792 = arith.muli %shift_right_logical3A_790, %mul3A_791 : i32
        %and3A_793 = arith.constant 127 : i32
        %and3A_794 = arith.andi %add3A_788, %and3A_793 : i32
        %add3A_795 = arith.addi %mul3A_792, %and3A_794 : i32
        %mul3A_796 = arith.mulf %add3A_714, %select_n3A_786 : vector<16xf32>
        %swap3A_797 = arith.index_cast %add3A_788 : i32 to index
        %swap3A_798 = tpu.vector_load %arg16[%swap3A_797] {strides = array<i32>} : memref<3072xf32, #tpu.memory_space<vmem>>, vector<16xf32>,
        tpu.vector_store %arg16[%swap3A_797], %mul3A_796 {strides = array<i32>} : memref<3072xf32, #tpu.memory_space<vmem>>, vector<16xf32>,
        %mul3A_799 = arith.mulf %add3A_717, %select_n3A_786 : vector<16xf32>
        %swap3A_800 = arith.index_cast %add3A_788 : i32 to index
        %swap3A_801 = tpu.vector_load %arg18[%swap3A_800] {strides = array<i32>} : memref<3072xf32, #tpu.memory_space<vmem>>, vector<16xf32>,
        tpu.vector_store %arg18[%swap3A_800], %mul3A_799 {strides = array<i32>} : memref<3072xf32, #tpu.memory_space<vmem>>, vector<16xf32>,
        %mul3A_802 = arith.mulf %gather3A_241, %select_n3A_786 : vector<16xf32>
        %swap3A_803 = arith.index_cast %add3A_795 : i32 to index
        %swap3A_804 = tpu.vector_load %arg12[%swap3A_803] {strides = array<i32>} : memref<12288xf32, #tpu.memory_space<vmem>>, vector<16xf32>,
        tpu.vector_store %arg12[%swap3A_803], %mul3A_802 {strides = array<i32>} : memref<12288xf32, #tpu.memory_space<vmem>>, vector<16xf32>,
        %mul3A_805 = arith.mulf %gather3A_244, %select_n3A_786 : vector<16xf32>
        %add3A_806 = arith.constant 128 : i32
        %add3A_807 = arith.addi %add3A_795, %add3A_806 : i32
        %swap3A_808 = arith.index_cast %add3A_807 : i32 to index
        %swap3A_809 = tpu.vector_load %arg12[%swap3A_808] {strides = array<i32>} : memref<12288xf32, #tpu.memory_space<vmem>>, vector<16xf32>,
        tpu.vector_store %arg12[%swap3A_808], %mul3A_805 {strides = array<i32>} : memref<12288xf32, #tpu.memory_space<vmem>>, vector<16xf32>,
        %mul3A_810 = arith.mulf %gather3A_247, %select_n3A_786 : vector<16xf32>
        %add3A_811 = arith.constant 256 : i32
        %add3A_812 = arith.addi %add3A_795, %add3A_811 : i32
        %swap3A_813 = arith.index_cast %add3A_812 : i32 to index
        %swap3A_814 = tpu.vector_load %arg12[%swap3A_813] {strides = array<i32>} : memref<12288xf32, #tpu.memory_space<vmem>>, vector<16xf32>,
        tpu.vector_store %arg12[%swap3A_813], %mul3A_810 {strides = array<i32>} : memref<12288xf32, #tpu.memory_space<vmem>>, vector<16xf32>,
        %mul3A_815 = arith.mulf %gather3A_250, %select_n3A_786 : vector<16xf32>
        %swap3A_816 = arith.index_cast %add3A_795 : i32 to index
        %swap3A_817 = tpu.vector_load %arg14[%swap3A_816] {strides = array<i32>} : memref<12288xf32, #tpu.memory_space<vmem>>, vector<16xf32>,
        tpu.vector_store %arg14[%swap3A_816], %mul3A_815 {strides = array<i32>} : memref<12288xf32, #tpu.memory_space<vmem>>, vector<16xf32>,
        %mul3A_818 = arith.mulf %gather3A_253, %select_n3A_786 : vector<16xf32>
        %add3A_819 = arith.constant 128 : i32
        %add3A_820 = arith.addi %add3A_795, %add3A_819 : i32
        %swap3A_821 = arith.index_cast %add3A_820 : i32 to index
        %swap3A_822 = tpu.vector_load %arg14[%swap3A_821] {strides = array<i32>} : memref<12288xf32, #tpu.memory_space<vmem>>, vector<16xf32>,
        tpu.vector_store %arg14[%swap3A_821], %mul3A_818 {strides = array<i32>} : memref<12288xf32, #tpu.memory_space<vmem>>, vector<16xf32>,
        %mul3A_823 = arith.mulf %gather3A_256, %select_n3A_786 : vector<16xf32>
        %add3A_824 = arith.constant 256 : i32
        %add3A_825 = arith.addi %add3A_795, %add3A_824 : i32
        %swap3A_826 = arith.index_cast %add3A_825 : i32 to index
        %swap3A_827 = tpu.vector_load %arg14[%swap3A_826] {strides = array<i32>} : memref<12288xf32, #tpu.memory_space<vmem>>, vector<16xf32>,
        tpu.vector_store %arg14[%swap3A_826], %mul3A_823 {strides = array<i32>} : memref<12288xf32, #tpu.memory_space<vmem>>, vector<16xf32>,
        %add3A_828 = arith.addf %gather3A_259, %add3A_23 : vector<16xf32>
        %add3A_829 = arith.constant 1.000000e+00 : f32
        %add3A_830 = vector.broadcast %add3A_829 : f32 to vector<16xf32>
        %add3A_831 = arith.addf %add3A_828, %add3A_830 : vector<16xf32>
        %add3A_832 = arith.addf %add3A_828, %add3A_831 : vector<16xf32>
        %mul3A_833 = arith.constant 5.000000e-01 : f32
        %mul3A_834 = vector.broadcast %mul3A_833 : f32 to vector<16xf32>
        %mul3A_835 = arith.mulf %add3A_832, %mul3A_834 : vector<16xf32>
        %mul3A_836 = arith.mulf %gather3A_250, %mul3A_835 : vector<16xf32>
        %add3A_837 = arith.addf %gather3A_241, %mul3A_836 : vector<16xf32>
        %sub3A_838 = arith.constant -6.400000e+01 : f32
        %sub3A_839 = vector.broadcast %sub3A_838 : f32 to vector<16xf32>
        %sub3A_840 = arith.subf %add3A_837, %sub3A_839 : vector<16xf32>
        %mul3A_841 = arith.mulf %gather3A_253, %mul3A_835 : vector<16xf32>
        %add3A_842 = arith.addf %gather3A_244, %mul3A_841 : vector<16xf32>
        %sub3A_843 = arith.constant -6.400000e+01 : f32
        %sub3A_844 = vector.broadcast %sub3A_843 : f32 to vector<16xf32>
        %sub3A_845 = arith.subf %add3A_842, %sub3A_844 : vector<16xf32>
        %mul3A_846 = arith.mulf %gather3A_256, %mul3A_835 : vector<16xf32>
        %add3A_847 = arith.addf %gather3A_247, %mul3A_846 : vector<16xf32>
        %sub3A_848 = arith.constant -6.400000e+01 : f32
        %sub3A_849 = vector.broadcast %sub3A_848 : f32 to vector<16xf32>
        %sub3A_850 = arith.subf %add3A_847, %sub3A_849 : vector<16xf32>
        %max3A_851 = arith.constant 0.000000e+00 : f32
        %max3A_852 = vector.broadcast %max3A_851 : f32 to vector<16xf32>
        %max3A_853 = arith.maximumf %sub3A_840, %max3A_852 : vector<16xf32>
        %min3A_854 = arith.constant 1.270000e+02 : f32
        %min3A_855 = vector.broadcast %min3A_854 : f32 to vector<16xf32>
        %min3A_856 = arith.minimumf %max3A_853, %min3A_855 : vector<16xf32>
        %max3A_857 = arith.constant 0.000000e+00 : f32
        %max3A_858 = vector.broadcast %max3A_857 : f32 to vector<16xf32>
        %max3A_859 = arith.maximumf %sub3A_845, %max3A_858 : vector<16xf32>
        %min3A_860 = arith.constant 1.270000e+02 : f32
        %min3A_861 = vector.broadcast %min3A_860 : f32 to vector<16xf32>
        %min3A_862 = arith.minimumf %max3A_859, %min3A_861 : vector<16xf32>
        %max3A_863 = arith.constant 0.000000e+00 : f32
        %max3A_864 = vector.broadcast %max3A_863 : f32 to vector<16xf32>
        %max3A_865 = arith.maximumf %sub3A_850, %max3A_864 : vector<16xf32>
        %min3A_866 = arith.constant 1.270000e+02 : f32
        %min3A_867 = vector.broadcast %min3A_866 : f32 to vector<16xf32>
        %min3A_868 = arith.minimumf %max3A_865, %min3A_867 : vector<16xf32>
        %convert_element_type3A_869 = arith.fptosi %min3A_856 : vector<16xf32> to vector<16xi32>
        %mul3A_870 = arith.constant 128 : i32
        %mul3A_871 = vector.broadcast %mul3A_870 : i32 to vector<16xi32>
        %mul3A_872 = arith.muli %convert_element_type3A_869, %mul3A_871 : vector<16xi32>
        %convert_element_type3A_873 = arith.fptosi %min3A_862 : vector<16xf32> to vector<16xi32>
        %add3A_874 = arith.addi %mul3A_872, %convert_element_type3A_873 : vector<16xi32>
        %mul3A_875 = arith.constant 128 : i32
        %mul3A_876 = vector.broadcast %mul3A_875 : i32 to vector<16xi32>
        %mul3A_877 = arith.muli %add3A_874, %mul3A_876 : vector<16xi32>
        %convert_element_type3A_878 = arith.fptosi %min3A_868 : vector<16xf32> to vector<16xi32>
        %add3A_879 = arith.addi %mul3A_877, %convert_element_type3A_878 : vector<16xi32>
        %shift_right_logical3A_880 = arith.constant 5 : i32
        %shift_right_logical3A_881 = vector.broadcast %shift_right_logical3A_880 : i32 to vector<16xi32>
        %shift_right_logical3A_882 = arith.shrui %add3A_879, %shift_right_logical3A_881 : vector<16xi32>
        %and3A_883 = arith.constant 31 : i32
        %and3A_884 = vector.broadcast %and3A_883 : i32 to vector<16xi32>
        %and3A_885 = arith.andi %add3A_879, %and3A_884 : vector<16xi32>
        %gather3A_886 = tpu.vector_load_idx %arg8[%shift_right_logical3A_882] : memref<65536xi32, #tpu.memory_space<vmem>>[vector<16xi32>], vector<16xi32>,
        %shift_right_logical3A_887 = arith.shrui %gather3A_886, %and3A_885 : vector<16xi32>
        %and3A_888 = arith.constant 1 : i32
        %and3A_889 = vector.broadcast %and3A_888 : i32 to vector<16xi32>
        %and3A_890 = arith.andi %shift_right_logical3A_887, %and3A_889 : vector<16xi32>
        %eq3A_891 = arith.constant 1 : i32
        %eq3A_892 = vector.broadcast %eq3A_891 : i32 to vector<16xi32>
        %eq3A_893 = arith.cmpi eq, %and3A_890, %eq3A_892 : vector<16xi32>
        %le3A_894 = arith.cmpf ole, %add3A_831, %select_n3A : vector<16xf32>
        %and3A_895 = arith.andi %le3A_894, %eq3A_893 : vector<16xi1>
        %jit3A_896 = arith.constant 1.000000e+00 : f32
        %jit3A_897 = arith.constant 0.000000e+00 : f32
        %broadcast_in_dim3A_898 = vector.broadcast %jit3A_896 : f32 to vector<16xf32>
        %broadcast_in_dim3A_899 = vector.broadcast %jit3A_897 : f32 to vector<16xf32>
        %select_n3A_900 = arith.select %and3A_895, %broadcast_in_dim3A_898, %broadcast_in_dim3A_899 : vector<16xi1>, vector<16xf32>
        %add3A_901 = arith.constant 80 : i32
        %add3A_902 = arith.addi %mul3A_264, %add3A_901 : i32
        %shift_right_logical3A_903 = arith.constant 7 : i32
        %shift_right_logical3A_904 = arith.shrui %add3A_902, %shift_right_logical3A_903 : i32
        %mul3A_905 = arith.constant 512 : i32
        %mul3A_906 = arith.muli %shift_right_logical3A_904, %mul3A_905 : i32
        %and3A_907 = arith.constant 127 : i32
        %and3A_908 = arith.andi %add3A_902, %and3A_907 : i32
        %add3A_909 = arith.addi %mul3A_906, %and3A_908 : i32
        %mul3A_910 = arith.mulf %add3A_828, %select_n3A_900 : vector<16xf32>
        %swap3A_911 = arith.index_cast %add3A_902 : i32 to index
        %swap3A_912 = tpu.vector_load %arg16[%swap3A_911] {strides = array<i32>} : memref<3072xf32, #tpu.memory_space<vmem>>, vector<16xf32>,
        tpu.vector_store %arg16[%swap3A_911], %mul3A_910 {strides = array<i32>} : memref<3072xf32, #tpu.memory_space<vmem>>, vector<16xf32>,
        %mul3A_913 = arith.mulf %add3A_831, %select_n3A_900 : vector<16xf32>
        %swap3A_914 = arith.index_cast %add3A_902 : i32 to index
        %swap3A_915 = tpu.vector_load %arg18[%swap3A_914] {strides = array<i32>} : memref<3072xf32, #tpu.memory_space<vmem>>, vector<16xf32>,
        tpu.vector_store %arg18[%swap3A_914], %mul3A_913 {strides = array<i32>} : memref<3072xf32, #tpu.memory_space<vmem>>, vector<16xf32>,
        %mul3A_916 = arith.mulf %gather3A_241, %select_n3A_900 : vector<16xf32>
        %swap3A_917 = arith.index_cast %add3A_909 : i32 to index
        %swap3A_918 = tpu.vector_load %arg12[%swap3A_917] {strides = array<i32>} : memref<12288xf32, #tpu.memory_space<vmem>>, vector<16xf32>,
        tpu.vector_store %arg12[%swap3A_917], %mul3A_916 {strides = array<i32>} : memref<12288xf32, #tpu.memory_space<vmem>>, vector<16xf32>,
        %mul3A_919 = arith.mulf %gather3A_244, %select_n3A_900 : vector<16xf32>
        %add3A_920 = arith.constant 128 : i32
        %add3A_921 = arith.addi %add3A_909, %add3A_920 : i32
        %swap3A_922 = arith.index_cast %add3A_921 : i32 to index
        %swap3A_923 = tpu.vector_load %arg12[%swap3A_922] {strides = array<i32>} : memref<12288xf32, #tpu.memory_space<vmem>>, vector<16xf32>,
        tpu.vector_store %arg12[%swap3A_922], %mul3A_919 {strides = array<i32>} : memref<12288xf32, #tpu.memory_space<vmem>>, vector<16xf32>,
        %mul3A_924 = arith.mulf %gather3A_247, %select_n3A_900 : vector<16xf32>
        %add3A_925 = arith.constant 256 : i32
        %add3A_926 = arith.addi %add3A_909, %add3A_925 : i32
        %swap3A_927 = arith.index_cast %add3A_926 : i32 to index
        %swap3A_928 = tpu.vector_load %arg12[%swap3A_927] {strides = array<i32>} : memref<12288xf32, #tpu.memory_space<vmem>>, vector<16xf32>,
        tpu.vector_store %arg12[%swap3A_927], %mul3A_924 {strides = array<i32>} : memref<12288xf32, #tpu.memory_space<vmem>>, vector<16xf32>,
        %mul3A_929 = arith.mulf %gather3A_250, %select_n3A_900 : vector<16xf32>
        %swap3A_930 = arith.index_cast %add3A_909 : i32 to index
        %swap3A_931 = tpu.vector_load %arg14[%swap3A_930] {strides = array<i32>} : memref<12288xf32, #tpu.memory_space<vmem>>, vector<16xf32>,
        tpu.vector_store %arg14[%swap3A_930], %mul3A_929 {strides = array<i32>} : memref<12288xf32, #tpu.memory_space<vmem>>, vector<16xf32>,
        %mul3A_932 = arith.mulf %gather3A_253, %select_n3A_900 : vector<16xf32>
        %add3A_933 = arith.constant 128 : i32
        %add3A_934 = arith.addi %add3A_909, %add3A_933 : i32
        %swap3A_935 = arith.index_cast %add3A_934 : i32 to index
        %swap3A_936 = tpu.vector_load %arg14[%swap3A_935] {strides = array<i32>} : memref<12288xf32, #tpu.memory_space<vmem>>, vector<16xf32>,
        tpu.vector_store %arg14[%swap3A_935], %mul3A_932 {strides = array<i32>} : memref<12288xf32, #tpu.memory_space<vmem>>, vector<16xf32>,
        %mul3A_937 = arith.mulf %gather3A_256, %select_n3A_900 : vector<16xf32>
        %add3A_938 = arith.constant 256 : i32
        %add3A_939 = arith.addi %add3A_909, %add3A_938 : i32
        %swap3A_940 = arith.index_cast %add3A_939 : i32 to index
        %swap3A_941 = tpu.vector_load %arg14[%swap3A_940] {strides = array<i32>} : memref<12288xf32, #tpu.memory_space<vmem>>, vector<16xf32>,
        tpu.vector_store %arg14[%swap3A_940], %mul3A_937 {strides = array<i32>} : memref<12288xf32, #tpu.memory_space<vmem>>, vector<16xf32>,
        %add3A_942 = arith.addf %gather3A_259, %add3A_26 : vector<16xf32>
        %add3A_943 = arith.constant 1.000000e+00 : f32
        %add3A_944 = vector.broadcast %add3A_943 : f32 to vector<16xf32>
        %add3A_945 = arith.addf %add3A_942, %add3A_944 : vector<16xf32>
        %add3A_946 = arith.addf %add3A_942, %add3A_945 : vector<16xf32>
        %mul3A_947 = arith.constant 5.000000e-01 : f32
        %mul3A_948 = vector.broadcast %mul3A_947 : f32 to vector<16xf32>
        %mul3A_949 = arith.mulf %add3A_946, %mul3A_948 : vector<16xf32>
        %mul3A_950 = arith.mulf %gather3A_250, %mul3A_949 : vector<16xf32>
        %add3A_951 = arith.addf %gather3A_241, %mul3A_950 : vector<16xf32>
        %sub3A_952 = arith.constant -6.400000e+01 : f32
        %sub3A_953 = vector.broadcast %sub3A_952 : f32 to vector<16xf32>
        %sub3A_954 = arith.subf %add3A_951, %sub3A_953 : vector<16xf32>
        %mul3A_955 = arith.mulf %gather3A_253, %mul3A_949 : vector<16xf32>
        %add3A_956 = arith.addf %gather3A_244, %mul3A_955 : vector<16xf32>
        %sub3A_957 = arith.constant -6.400000e+01 : f32
        %sub3A_958 = vector.broadcast %sub3A_957 : f32 to vector<16xf32>
        %sub3A_959 = arith.subf %add3A_956, %sub3A_958 : vector<16xf32>
        %mul3A_960 = arith.mulf %gather3A_256, %mul3A_949 : vector<16xf32>
        %add3A_961 = arith.addf %gather3A_247, %mul3A_960 : vector<16xf32>
        %sub3A_962 = arith.constant -6.400000e+01 : f32
        %sub3A_963 = vector.broadcast %sub3A_962 : f32 to vector<16xf32>
        %sub3A_964 = arith.subf %add3A_961, %sub3A_963 : vector<16xf32>
        %max3A_965 = arith.constant 0.000000e+00 : f32
        %max3A_966 = vector.broadcast %max3A_965 : f32 to vector<16xf32>
        %max3A_967 = arith.maximumf %sub3A_954, %max3A_966 : vector<16xf32>
        %min3A_968 = arith.constant 1.270000e+02 : f32
        %min3A_969 = vector.broadcast %min3A_968 : f32 to vector<16xf32>
        %min3A_970 = arith.minimumf %max3A_967, %min3A_969 : vector<16xf32>
        %max3A_971 = arith.constant 0.000000e+00 : f32
        %max3A_972 = vector.broadcast %max3A_971 : f32 to vector<16xf32>
        %max3A_973 = arith.maximumf %sub3A_959, %max3A_972 : vector<16xf32>
        %min3A_974 = arith.constant 1.270000e+02 : f32
        %min3A_975 = vector.broadcast %min3A_974 : f32 to vector<16xf32>
        %min3A_976 = arith.minimumf %max3A_973, %min3A_975 : vector<16xf32>
        %max3A_977 = arith.constant 0.000000e+00 : f32
        %max3A_978 = vector.broadcast %max3A_977 : f32 to vector<16xf32>
        %max3A_979 = arith.maximumf %sub3A_964, %max3A_978 : vector<16xf32>
        %min3A_980 = arith.constant 1.270000e+02 : f32
        %min3A_981 = vector.broadcast %min3A_980 : f32 to vector<16xf32>
        %min3A_982 = arith.minimumf %max3A_979, %min3A_981 : vector<16xf32>
        %convert_element_type3A_983 = arith.fptosi %min3A_970 : vector<16xf32> to vector<16xi32>
        %mul3A_984 = arith.constant 128 : i32
        %mul3A_985 = vector.broadcast %mul3A_984 : i32 to vector<16xi32>
        %mul3A_986 = arith.muli %convert_element_type3A_983, %mul3A_985 : vector<16xi32>
        %convert_element_type3A_987 = arith.fptosi %min3A_976 : vector<16xf32> to vector<16xi32>
        %add3A_988 = arith.addi %mul3A_986, %convert_element_type3A_987 : vector<16xi32>
        %mul3A_989 = arith.constant 128 : i32
        %mul3A_990 = vector.broadcast %mul3A_989 : i32 to vector<16xi32>
        %mul3A_991 = arith.muli %add3A_988, %mul3A_990 : vector<16xi32>
        %convert_element_type3A_992 = arith.fptosi %min3A_982 : vector<16xf32> to vector<16xi32>
        %add3A_993 = arith.addi %mul3A_991, %convert_element_type3A_992 : vector<16xi32>
        %shift_right_logical3A_994 = arith.constant 5 : i32
        %shift_right_logical3A_995 = vector.broadcast %shift_right_logical3A_994 : i32 to vector<16xi32>
        %shift_right_logical3A_996 = arith.shrui %add3A_993, %shift_right_logical3A_995 : vector<16xi32>
        %and3A_997 = arith.constant 31 : i32
        %and3A_998 = vector.broadcast %and3A_997 : i32 to vector<16xi32>
        %and3A_999 = arith.andi %add3A_993, %and3A_998 : vector<16xi32>
        %gather3A_1000 = tpu.vector_load_idx %arg8[%shift_right_logical3A_996] : memref<65536xi32, #tpu.memory_space<vmem>>[vector<16xi32>], vector<16xi32>,
        %shift_right_logical3A_1001 = arith.shrui %gather3A_1000, %and3A_999 : vector<16xi32>
        %and3A_1002 = arith.constant 1 : i32
        %and3A_1003 = vector.broadcast %and3A_1002 : i32 to vector<16xi32>
        %and3A_1004 = arith.andi %shift_right_logical3A_1001, %and3A_1003 : vector<16xi32>
        %eq3A_1005 = arith.constant 1 : i32
        %eq3A_1006 = vector.broadcast %eq3A_1005 : i32 to vector<16xi32>
        %eq3A_1007 = arith.cmpi eq, %and3A_1004, %eq3A_1006 : vector<16xi32>
        %le3A_1008 = arith.cmpf ole, %add3A_945, %select_n3A : vector<16xf32>
        %and3A_1009 = arith.andi %le3A_1008, %eq3A_1007 : vector<16xi1>
        %jit3A_1010 = arith.constant 1.000000e+00 : f32
        %jit3A_1011 = arith.constant 0.000000e+00 : f32
        %broadcast_in_dim3A_1012 = vector.broadcast %jit3A_1010 : f32 to vector<16xf32>
        %broadcast_in_dim3A_1013 = vector.broadcast %jit3A_1011 : f32 to vector<16xf32>
        %select_n3A_1014 = arith.select %and3A_1009, %broadcast_in_dim3A_1012, %broadcast_in_dim3A_1013 : vector<16xi1>, vector<16xf32>
        %add3A_1015 = arith.constant 96 : i32
        %add3A_1016 = arith.addi %mul3A_264, %add3A_1015 : i32
        %shift_right_logical3A_1017 = arith.constant 7 : i32
        %shift_right_logical3A_1018 = arith.shrui %add3A_1016, %shift_right_logical3A_1017 : i32
        %mul3A_1019 = arith.constant 512 : i32
        %mul3A_1020 = arith.muli %shift_right_logical3A_1018, %mul3A_1019 : i32
        %and3A_1021 = arith.constant 127 : i32
        %and3A_1022 = arith.andi %add3A_1016, %and3A_1021 : i32
        %add3A_1023 = arith.addi %mul3A_1020, %and3A_1022 : i32
        %mul3A_1024 = arith.mulf %add3A_942, %select_n3A_1014 : vector<16xf32>
        %swap3A_1025 = arith.index_cast %add3A_1016 : i32 to index
        %swap3A_1026 = tpu.vector_load %arg16[%swap3A_1025] {strides = array<i32>} : memref<3072xf32, #tpu.memory_space<vmem>>, vector<16xf32>,
        tpu.vector_store %arg16[%swap3A_1025], %mul3A_1024 {strides = array<i32>} : memref<3072xf32, #tpu.memory_space<vmem>>, vector<16xf32>,
        %mul3A_1027 = arith.mulf %add3A_945, %select_n3A_1014 : vector<16xf32>
        %swap3A_1028 = arith.index_cast %add3A_1016 : i32 to index
        %swap3A_1029 = tpu.vector_load %arg18[%swap3A_1028] {strides = array<i32>} : memref<3072xf32, #tpu.memory_space<vmem>>, vector<16xf32>,
        tpu.vector_store %arg18[%swap3A_1028], %mul3A_1027 {strides = array<i32>} : memref<3072xf32, #tpu.memory_space<vmem>>, vector<16xf32>,
        %mul3A_1030 = arith.mulf %gather3A_241, %select_n3A_1014 : vector<16xf32>
        %swap3A_1031 = arith.index_cast %add3A_1023 : i32 to index
        %swap3A_1032 = tpu.vector_load %arg12[%swap3A_1031] {strides = array<i32>} : memref<12288xf32, #tpu.memory_space<vmem>>, vector<16xf32>,
        tpu.vector_store %arg12[%swap3A_1031], %mul3A_1030 {strides = array<i32>} : memref<12288xf32, #tpu.memory_space<vmem>>, vector<16xf32>,
        %mul3A_1033 = arith.mulf %gather3A_244, %select_n3A_1014 : vector<16xf32>
        %add3A_1034 = arith.constant 128 : i32
        %add3A_1035 = arith.addi %add3A_1023, %add3A_1034 : i32
        %swap3A_1036 = arith.index_cast %add3A_1035 : i32 to index
        %swap3A_1037 = tpu.vector_load %arg12[%swap3A_1036] {strides = array<i32>} : memref<12288xf32, #tpu.memory_space<vmem>>, vector<16xf32>,
        tpu.vector_store %arg12[%swap3A_1036], %mul3A_1033 {strides = array<i32>} : memref<12288xf32, #tpu.memory_space<vmem>>, vector<16xf32>,
        %mul3A_1038 = arith.mulf %gather3A_247, %select_n3A_1014 : vector<16xf32>
        %add3A_1039 = arith.constant 256 : i32
        %add3A_1040 = arith.addi %add3A_1023, %add3A_1039 : i32
        %swap3A_1041 = arith.index_cast %add3A_1040 : i32 to index
        %swap3A_1042 = tpu.vector_load %arg12[%swap3A_1041] {strides = array<i32>} : memref<12288xf32, #tpu.memory_space<vmem>>, vector<16xf32>,
        tpu.vector_store %arg12[%swap3A_1041], %mul3A_1038 {strides = array<i32>} : memref<12288xf32, #tpu.memory_space<vmem>>, vector<16xf32>,
        %mul3A_1043 = arith.mulf %gather3A_250, %select_n3A_1014 : vector<16xf32>
        %swap3A_1044 = arith.index_cast %add3A_1023 : i32 to index
        %swap3A_1045 = tpu.vector_load %arg14[%swap3A_1044] {strides = array<i32>} : memref<12288xf32, #tpu.memory_space<vmem>>, vector<16xf32>,
        tpu.vector_store %arg14[%swap3A_1044], %mul3A_1043 {strides = array<i32>} : memref<12288xf32, #tpu.memory_space<vmem>>, vector<16xf32>,
        %mul3A_1046 = arith.mulf %gather3A_253, %select_n3A_1014 : vector<16xf32>
        %add3A_1047 = arith.constant 128 : i32
        %add3A_1048 = arith.addi %add3A_1023, %add3A_1047 : i32
        %swap3A_1049 = arith.index_cast %add3A_1048 : i32 to index
        %swap3A_1050 = tpu.vector_load %arg14[%swap3A_1049] {strides = array<i32>} : memref<12288xf32, #tpu.memory_space<vmem>>, vector<16xf32>,
        tpu.vector_store %arg14[%swap3A_1049], %mul3A_1046 {strides = array<i32>} : memref<12288xf32, #tpu.memory_space<vmem>>, vector<16xf32>,
        %mul3A_1051 = arith.mulf %gather3A_256, %select_n3A_1014 : vector<16xf32>
        %add3A_1052 = arith.constant 256 : i32
        %add3A_1053 = arith.addi %add3A_1023, %add3A_1052 : i32
        %swap3A_1054 = arith.index_cast %add3A_1053 : i32 to index
        %swap3A_1055 = tpu.vector_load %arg14[%swap3A_1054] {strides = array<i32>} : memref<12288xf32, #tpu.memory_space<vmem>>, vector<16xf32>,
        tpu.vector_store %arg14[%swap3A_1054], %mul3A_1051 {strides = array<i32>} : memref<12288xf32, #tpu.memory_space<vmem>>, vector<16xf32>,
        %add3A_1056 = arith.addf %gather3A_259, %add3A_29 : vector<16xf32>
        %add3A_1057 = arith.constant 1.000000e+00 : f32
        %add3A_1058 = vector.broadcast %add3A_1057 : f32 to vector<16xf32>
        %add3A_1059 = arith.addf %add3A_1056, %add3A_1058 : vector<16xf32>
        %add3A_1060 = arith.addf %add3A_1056, %add3A_1059 : vector<16xf32>
        %mul3A_1061 = arith.constant 5.000000e-01 : f32
        %mul3A_1062 = vector.broadcast %mul3A_1061 : f32 to vector<16xf32>
        %mul3A_1063 = arith.mulf %add3A_1060, %mul3A_1062 : vector<16xf32>
        %mul3A_1064 = arith.mulf %gather3A_250, %mul3A_1063 : vector<16xf32>
        %add3A_1065 = arith.addf %gather3A_241, %mul3A_1064 : vector<16xf32>
        %sub3A_1066 = arith.constant -6.400000e+01 : f32
        %sub3A_1067 = vector.broadcast %sub3A_1066 : f32 to vector<16xf32>
        %sub3A_1068 = arith.subf %add3A_1065, %sub3A_1067 : vector<16xf32>
        %mul3A_1069 = arith.mulf %gather3A_253, %mul3A_1063 : vector<16xf32>
        %add3A_1070 = arith.addf %gather3A_244, %mul3A_1069 : vector<16xf32>
        %sub3A_1071 = arith.constant -6.400000e+01 : f32
        %sub3A_1072 = vector.broadcast %sub3A_1071 : f32 to vector<16xf32>
        %sub3A_1073 = arith.subf %add3A_1070, %sub3A_1072 : vector<16xf32>
        %mul3A_1074 = arith.mulf %gather3A_256, %mul3A_1063 : vector<16xf32>
        %add3A_1075 = arith.addf %gather3A_247, %mul3A_1074 : vector<16xf32>
        %sub3A_1076 = arith.constant -6.400000e+01 : f32
        %sub3A_1077 = vector.broadcast %sub3A_1076 : f32 to vector<16xf32>
        %sub3A_1078 = arith.subf %add3A_1075, %sub3A_1077 : vector<16xf32>
        %max3A_1079 = arith.constant 0.000000e+00 : f32
        %max3A_1080 = vector.broadcast %max3A_1079 : f32 to vector<16xf32>
        %max3A_1081 = arith.maximumf %sub3A_1068, %max3A_1080 : vector<16xf32>
        %min3A_1082 = arith.constant 1.270000e+02 : f32
        %min3A_1083 = vector.broadcast %min3A_1082 : f32 to vector<16xf32>
        %min3A_1084 = arith.minimumf %max3A_1081, %min3A_1083 : vector<16xf32>
        %max3A_1085 = arith.constant 0.000000e+00 : f32
        %max3A_1086 = vector.broadcast %max3A_1085 : f32 to vector<16xf32>
        %max3A_1087 = arith.maximumf %sub3A_1073, %max3A_1086 : vector<16xf32>
        %min3A_1088 = arith.constant 1.270000e+02 : f32
        %min3A_1089 = vector.broadcast %min3A_1088 : f32 to vector<16xf32>
        %min3A_1090 = arith.minimumf %max3A_1087, %min3A_1089 : vector<16xf32>
        %max3A_1091 = arith.constant 0.000000e+00 : f32
        %max3A_1092 = vector.broadcast %max3A_1091 : f32 to vector<16xf32>
        %max3A_1093 = arith.maximumf %sub3A_1078, %max3A_1092 : vector<16xf32>
        %min3A_1094 = arith.constant 1.270000e+02 : f32
        %min3A_1095 = vector.broadcast %min3A_1094 : f32 to vector<16xf32>
        %min3A_1096 = arith.minimumf %max3A_1093, %min3A_1095 : vector<16xf32>
        %convert_element_type3A_1097 = arith.fptosi %min3A_1084 : vector<16xf32> to vector<16xi32>
        %mul3A_1098 = arith.constant 128 : i32
        %mul3A_1099 = vector.broadcast %mul3A_1098 : i32 to vector<16xi32>
        %mul3A_1100 = arith.muli %convert_element_type3A_1097, %mul3A_1099 : vector<16xi32>
        %convert_element_type3A_1101 = arith.fptosi %min3A_1090 : vector<16xf32> to vector<16xi32>
        %add3A_1102 = arith.addi %mul3A_1100, %convert_element_type3A_1101 : vector<16xi32>
        %mul3A_1103 = arith.constant 128 : i32
        %mul3A_1104 = vector.broadcast %mul3A_1103 : i32 to vector<16xi32>
        %mul3A_1105 = arith.muli %add3A_1102, %mul3A_1104 : vector<16xi32>
        %convert_element_type3A_1106 = arith.fptosi %min3A_1096 : vector<16xf32> to vector<16xi32>
        %add3A_1107 = arith.addi %mul3A_1105, %convert_element_type3A_1106 : vector<16xi32>
        %shift_right_logical3A_1108 = arith.constant 5 : i32
        %shift_right_logical3A_1109 = vector.broadcast %shift_right_logical3A_1108 : i32 to vector<16xi32>
        %shift_right_logical3A_1110 = arith.shrui %add3A_1107, %shift_right_logical3A_1109 : vector<16xi32>
        %and3A_1111 = arith.constant 31 : i32
        %and3A_1112 = vector.broadcast %and3A_1111 : i32 to vector<16xi32>
        %and3A_1113 = arith.andi %add3A_1107, %and3A_1112 : vector<16xi32>
        %gather3A_1114 = tpu.vector_load_idx %arg8[%shift_right_logical3A_1110] : memref<65536xi32, #tpu.memory_space<vmem>>[vector<16xi32>], vector<16xi32>,
        %shift_right_logical3A_1115 = arith.shrui %gather3A_1114, %and3A_1113 : vector<16xi32>
        %and3A_1116 = arith.constant 1 : i32
        %and3A_1117 = vector.broadcast %and3A_1116 : i32 to vector<16xi32>
        %and3A_1118 = arith.andi %shift_right_logical3A_1115, %and3A_1117 : vector<16xi32>
        %eq3A_1119 = arith.constant 1 : i32
        %eq3A_1120 = vector.broadcast %eq3A_1119 : i32 to vector<16xi32>
        %eq3A_1121 = arith.cmpi eq, %and3A_1118, %eq3A_1120 : vector<16xi32>
        %le3A_1122 = arith.cmpf ole, %add3A_1059, %select_n3A : vector<16xf32>
        %and3A_1123 = arith.andi %le3A_1122, %eq3A_1121 : vector<16xi1>
        %jit3A_1124 = arith.constant 1.000000e+00 : f32
        %jit3A_1125 = arith.constant 0.000000e+00 : f32
        %broadcast_in_dim3A_1126 = vector.broadcast %jit3A_1124 : f32 to vector<16xf32>
        %broadcast_in_dim3A_1127 = vector.broadcast %jit3A_1125 : f32 to vector<16xf32>
        %select_n3A_1128 = arith.select %and3A_1123, %broadcast_in_dim3A_1126, %broadcast_in_dim3A_1127 : vector<16xi1>, vector<16xf32>
        %add3A_1129 = arith.constant 112 : i32
        %add3A_1130 = arith.addi %mul3A_264, %add3A_1129 : i32
        %shift_right_logical3A_1131 = arith.constant 7 : i32
        %shift_right_logical3A_1132 = arith.shrui %add3A_1130, %shift_right_logical3A_1131 : i32
        %mul3A_1133 = arith.constant 512 : i32
        %mul3A_1134 = arith.muli %shift_right_logical3A_1132, %mul3A_1133 : i32
        %and3A_1135 = arith.constant 127 : i32
        %and3A_1136 = arith.andi %add3A_1130, %and3A_1135 : i32
        %add3A_1137 = arith.addi %mul3A_1134, %and3A_1136 : i32
        %mul3A_1138 = arith.mulf %add3A_1056, %select_n3A_1128 : vector<16xf32>
        %swap3A_1139 = arith.index_cast %add3A_1130 : i32 to index
        %swap3A_1140 = tpu.vector_load %arg16[%swap3A_1139] {strides = array<i32>} : memref<3072xf32, #tpu.memory_space<vmem>>, vector<16xf32>,
        tpu.vector_store %arg16[%swap3A_1139], %mul3A_1138 {strides = array<i32>} : memref<3072xf32, #tpu.memory_space<vmem>>, vector<16xf32>,
        %mul3A_1141 = arith.mulf %add3A_1059, %select_n3A_1128 : vector<16xf32>
        %swap3A_1142 = arith.index_cast %add3A_1130 : i32 to index
        %swap3A_1143 = tpu.vector_load %arg18[%swap3A_1142] {strides = array<i32>} : memref<3072xf32, #tpu.memory_space<vmem>>, vector<16xf32>,
        tpu.vector_store %arg18[%swap3A_1142], %mul3A_1141 {strides = array<i32>} : memref<3072xf32, #tpu.memory_space<vmem>>, vector<16xf32>,
        %mul3A_1144 = arith.mulf %gather3A_241, %select_n3A_1128 : vector<16xf32>
        %swap3A_1145 = arith.index_cast %add3A_1137 : i32 to index
        %swap3A_1146 = tpu.vector_load %arg12[%swap3A_1145] {strides = array<i32>} : memref<12288xf32, #tpu.memory_space<vmem>>, vector<16xf32>,
        tpu.vector_store %arg12[%swap3A_1145], %mul3A_1144 {strides = array<i32>} : memref<12288xf32, #tpu.memory_space<vmem>>, vector<16xf32>,
        %mul3A_1147 = arith.mulf %gather3A_244, %select_n3A_1128 : vector<16xf32>
        %add3A_1148 = arith.constant 128 : i32
        %add3A_1149 = arith.addi %add3A_1137, %add3A_1148 : i32
        %swap3A_1150 = arith.index_cast %add3A_1149 : i32 to index
        %swap3A_1151 = tpu.vector_load %arg12[%swap3A_1150] {strides = array<i32>} : memref<12288xf32, #tpu.memory_space<vmem>>, vector<16xf32>,
        tpu.vector_store %arg12[%swap3A_1150], %mul3A_1147 {strides = array<i32>} : memref<12288xf32, #tpu.memory_space<vmem>>, vector<16xf32>,
        %mul3A_1152 = arith.mulf %gather3A_247, %select_n3A_1128 : vector<16xf32>
        %add3A_1153 = arith.constant 256 : i32
        %add3A_1154 = arith.addi %add3A_1137, %add3A_1153 : i32
        %swap3A_1155 = arith.index_cast %add3A_1154 : i32 to index
        %swap3A_1156 = tpu.vector_load %arg12[%swap3A_1155] {strides = array<i32>} : memref<12288xf32, #tpu.memory_space<vmem>>, vector<16xf32>,
        tpu.vector_store %arg12[%swap3A_1155], %mul3A_1152 {strides = array<i32>} : memref<12288xf32, #tpu.memory_space<vmem>>, vector<16xf32>,
        %mul3A_1157 = arith.mulf %gather3A_250, %select_n3A_1128 : vector<16xf32>
        %swap3A_1158 = arith.index_cast %add3A_1137 : i32 to index
        %swap3A_1159 = tpu.vector_load %arg14[%swap3A_1158] {strides = array<i32>} : memref<12288xf32, #tpu.memory_space<vmem>>, vector<16xf32>,
        tpu.vector_store %arg14[%swap3A_1158], %mul3A_1157 {strides = array<i32>} : memref<12288xf32, #tpu.memory_space<vmem>>, vector<16xf32>,
        %mul3A_1160 = arith.mulf %gather3A_253, %select_n3A_1128 : vector<16xf32>
        %add3A_1161 = arith.constant 128 : i32
        %add3A_1162 = arith.addi %add3A_1137, %add3A_1161 : i32
        %swap3A_1163 = arith.index_cast %add3A_1162 : i32 to index
        %swap3A_1164 = tpu.vector_load %arg14[%swap3A_1163] {strides = array<i32>} : memref<12288xf32, #tpu.memory_space<vmem>>, vector<16xf32>,
        tpu.vector_store %arg14[%swap3A_1163], %mul3A_1160 {strides = array<i32>} : memref<12288xf32, #tpu.memory_space<vmem>>, vector<16xf32>,
        %mul3A_1165 = arith.mulf %gather3A_256, %select_n3A_1128 : vector<16xf32>
        %add3A_1166 = arith.constant 256 : i32
        %add3A_1167 = arith.addi %add3A_1137, %add3A_1166 : i32
        %swap3A_1168 = arith.index_cast %add3A_1167 : i32 to index
        %swap3A_1169 = tpu.vector_load %arg14[%swap3A_1168] {strides = array<i32>} : memref<12288xf32, #tpu.memory_space<vmem>>, vector<16xf32>,
        tpu.vector_store %arg14[%swap3A_1168], %mul3A_1165 {strides = array<i32>} : memref<12288xf32, #tpu.memory_space<vmem>>, vector<16xf32>,
        %add3A_1170 = arith.addf %gather3A_259, %add3A_32 : vector<16xf32>
        %add3A_1171 = arith.constant 1.000000e+00 : f32
        %add3A_1172 = vector.broadcast %add3A_1171 : f32 to vector<16xf32>
        %add3A_1173 = arith.addf %add3A_1170, %add3A_1172 : vector<16xf32>
        %add3A_1174 = arith.addf %add3A_1170, %add3A_1173 : vector<16xf32>
        %mul3A_1175 = arith.constant 5.000000e-01 : f32
        %mul3A_1176 = vector.broadcast %mul3A_1175 : f32 to vector<16xf32>
        %mul3A_1177 = arith.mulf %add3A_1174, %mul3A_1176 : vector<16xf32>
        %mul3A_1178 = arith.mulf %gather3A_250, %mul3A_1177 : vector<16xf32>
        %add3A_1179 = arith.addf %gather3A_241, %mul3A_1178 : vector<16xf32>
        %sub3A_1180 = arith.constant -6.400000e+01 : f32
        %sub3A_1181 = vector.broadcast %sub3A_1180 : f32 to vector<16xf32>
        %sub3A_1182 = arith.subf %add3A_1179, %sub3A_1181 : vector<16xf32>
        %mul3A_1183 = arith.mulf %gather3A_253, %mul3A_1177 : vector<16xf32>
        %add3A_1184 = arith.addf %gather3A_244, %mul3A_1183 : vector<16xf32>
        %sub3A_1185 = arith.constant -6.400000e+01 : f32
        %sub3A_1186 = vector.broadcast %sub3A_1185 : f32 to vector<16xf32>
        %sub3A_1187 = arith.subf %add3A_1184, %sub3A_1186 : vector<16xf32>
        %mul3A_1188 = arith.mulf %gather3A_256, %mul3A_1177 : vector<16xf32>
        %add3A_1189 = arith.addf %gather3A_247, %mul3A_1188 : vector<16xf32>
        %sub3A_1190 = arith.constant -6.400000e+01 : f32
        %sub3A_1191 = vector.broadcast %sub3A_1190 : f32 to vector<16xf32>
        %sub3A_1192 = arith.subf %add3A_1189, %sub3A_1191 : vector<16xf32>
        %max3A_1193 = arith.constant 0.000000e+00 : f32
        %max3A_1194 = vector.broadcast %max3A_1193 : f32 to vector<16xf32>
        %max3A_1195 = arith.maximumf %sub3A_1182, %max3A_1194 : vector<16xf32>
        %min3A_1196 = arith.constant 1.270000e+02 : f32
        %min3A_1197 = vector.broadcast %min3A_1196 : f32 to vector<16xf32>
        %min3A_1198 = arith.minimumf %max3A_1195, %min3A_1197 : vector<16xf32>
        %max3A_1199 = arith.constant 0.000000e+00 : f32
        %max3A_1200 = vector.broadcast %max3A_1199 : f32 to vector<16xf32>
        %max3A_1201 = arith.maximumf %sub3A_1187, %max3A_1200 : vector<16xf32>
        %min3A_1202 = arith.constant 1.270000e+02 : f32
        %min3A_1203 = vector.broadcast %min3A_1202 : f32 to vector<16xf32>
        %min3A_1204 = arith.minimumf %max3A_1201, %min3A_1203 : vector<16xf32>
        %max3A_1205 = arith.constant 0.000000e+00 : f32
        %max3A_1206 = vector.broadcast %max3A_1205 : f32 to vector<16xf32>
        %max3A_1207 = arith.maximumf %sub3A_1192, %max3A_1206 : vector<16xf32>
        %min3A_1208 = arith.constant 1.270000e+02 : f32
        %min3A_1209 = vector.broadcast %min3A_1208 : f32 to vector<16xf32>
        %min3A_1210 = arith.minimumf %max3A_1207, %min3A_1209 : vector<16xf32>
        %convert_element_type3A_1211 = arith.fptosi %min3A_1198 : vector<16xf32> to vector<16xi32>
        %mul3A_1212 = arith.constant 128 : i32
        %mul3A_1213 = vector.broadcast %mul3A_1212 : i32 to vector<16xi32>
        %mul3A_1214 = arith.muli %convert_element_type3A_1211, %mul3A_1213 : vector<16xi32>
        %convert_element_type3A_1215 = arith.fptosi %min3A_1204 : vector<16xf32> to vector<16xi32>
        %add3A_1216 = arith.addi %mul3A_1214, %convert_element_type3A_1215 : vector<16xi32>
        %mul3A_1217 = arith.constant 128 : i32
        %mul3A_1218 = vector.broadcast %mul3A_1217 : i32 to vector<16xi32>
        %mul3A_1219 = arith.muli %add3A_1216, %mul3A_1218 : vector<16xi32>
        %convert_element_type3A_1220 = arith.fptosi %min3A_1210 : vector<16xf32> to vector<16xi32>
        %add3A_1221 = arith.addi %mul3A_1219, %convert_element_type3A_1220 : vector<16xi32>
        %shift_right_logical3A_1222 = arith.constant 5 : i32
        %shift_right_logical3A_1223 = vector.broadcast %shift_right_logical3A_1222 : i32 to vector<16xi32>
        %shift_right_logical3A_1224 = arith.shrui %add3A_1221, %shift_right_logical3A_1223 : vector<16xi32>
        %and3A_1225 = arith.constant 31 : i32
        %and3A_1226 = vector.broadcast %and3A_1225 : i32 to vector<16xi32>
        %and3A_1227 = arith.andi %add3A_1221, %and3A_1226 : vector<16xi32>
        %gather3A_1228 = tpu.vector_load_idx %arg8[%shift_right_logical3A_1224] : memref<65536xi32, #tpu.memory_space<vmem>>[vector<16xi32>], vector<16xi32>,
        %shift_right_logical3A_1229 = arith.shrui %gather3A_1228, %and3A_1227 : vector<16xi32>
        %and3A_1230 = arith.constant 1 : i32
        %and3A_1231 = vector.broadcast %and3A_1230 : i32 to vector<16xi32>
        %and3A_1232 = arith.andi %shift_right_logical3A_1229, %and3A_1231 : vector<16xi32>
        %eq3A_1233 = arith.constant 1 : i32
        %eq3A_1234 = vector.broadcast %eq3A_1233 : i32 to vector<16xi32>
        %eq3A_1235 = arith.cmpi eq, %and3A_1232, %eq3A_1234 : vector<16xi32>
        %le3A_1236 = arith.cmpf ole, %add3A_1173, %select_n3A : vector<16xf32>
        %and3A_1237 = arith.andi %le3A_1236, %eq3A_1235 : vector<16xi1>
        %jit3A_1238 = arith.constant 1.000000e+00 : f32
        %jit3A_1239 = arith.constant 0.000000e+00 : f32
        %broadcast_in_dim3A_1240 = vector.broadcast %jit3A_1238 : f32 to vector<16xf32>
        %broadcast_in_dim3A_1241 = vector.broadcast %jit3A_1239 : f32 to vector<16xf32>
        %select_n3A_1242 = arith.select %and3A_1237, %broadcast_in_dim3A_1240, %broadcast_in_dim3A_1241 : vector<16xi1>, vector<16xf32>
        %add3A_1243 = arith.constant 128 : i32
        %add3A_1244 = arith.addi %mul3A_264, %add3A_1243 : i32
        %shift_right_logical3A_1245 = arith.constant 7 : i32
        %shift_right_logical3A_1246 = arith.shrui %add3A_1244, %shift_right_logical3A_1245 : i32
        %mul3A_1247 = arith.constant 512 : i32
        %mul3A_1248 = arith.muli %shift_right_logical3A_1246, %mul3A_1247 : i32
        %and3A_1249 = arith.constant 127 : i32
        %and3A_1250 = arith.andi %add3A_1244, %and3A_1249 : i32
        %add3A_1251 = arith.addi %mul3A_1248, %and3A_1250 : i32
        %mul3A_1252 = arith.mulf %add3A_1170, %select_n3A_1242 : vector<16xf32>
        %swap3A_1253 = arith.index_cast %add3A_1244 : i32 to index
        %swap3A_1254 = tpu.vector_load %arg16[%swap3A_1253] {strides = array<i32>} : memref<3072xf32, #tpu.memory_space<vmem>>, vector<16xf32>,
        tpu.vector_store %arg16[%swap3A_1253], %mul3A_1252 {strides = array<i32>} : memref<3072xf32, #tpu.memory_space<vmem>>, vector<16xf32>,
        %mul3A_1255 = arith.mulf %add3A_1173, %select_n3A_1242 : vector<16xf32>
        %swap3A_1256 = arith.index_cast %add3A_1244 : i32 to index
        %swap3A_1257 = tpu.vector_load %arg18[%swap3A_1256] {strides = array<i32>} : memref<3072xf32, #tpu.memory_space<vmem>>, vector<16xf32>,
        tpu.vector_store %arg18[%swap3A_1256], %mul3A_1255 {strides = array<i32>} : memref<3072xf32, #tpu.memory_space<vmem>>, vector<16xf32>,
        %mul3A_1258 = arith.mulf %gather3A_241, %select_n3A_1242 : vector<16xf32>
        %swap3A_1259 = arith.index_cast %add3A_1251 : i32 to index
        %swap3A_1260 = tpu.vector_load %arg12[%swap3A_1259] {strides = array<i32>} : memref<12288xf32, #tpu.memory_space<vmem>>, vector<16xf32>,
        tpu.vector_store %arg12[%swap3A_1259], %mul3A_1258 {strides = array<i32>} : memref<12288xf32, #tpu.memory_space<vmem>>, vector<16xf32>,
        %mul3A_1261 = arith.mulf %gather3A_244, %select_n3A_1242 : vector<16xf32>
        %add3A_1262 = arith.constant 128 : i32
        %add3A_1263 = arith.addi %add3A_1251, %add3A_1262 : i32
        %swap3A_1264 = arith.index_cast %add3A_1263 : i32 to index
        %swap3A_1265 = tpu.vector_load %arg12[%swap3A_1264] {strides = array<i32>} : memref<12288xf32, #tpu.memory_space<vmem>>, vector<16xf32>,
        tpu.vector_store %arg12[%swap3A_1264], %mul3A_1261 {strides = array<i32>} : memref<12288xf32, #tpu.memory_space<vmem>>, vector<16xf32>,
        %mul3A_1266 = arith.mulf %gather3A_247, %select_n3A_1242 : vector<16xf32>
        %add3A_1267 = arith.constant 256 : i32
        %add3A_1268 = arith.addi %add3A_1251, %add3A_1267 : i32
        %swap3A_1269 = arith.index_cast %add3A_1268 : i32 to index
        %swap3A_1270 = tpu.vector_load %arg12[%swap3A_1269] {strides = array<i32>} : memref<12288xf32, #tpu.memory_space<vmem>>, vector<16xf32>,
        tpu.vector_store %arg12[%swap3A_1269], %mul3A_1266 {strides = array<i32>} : memref<12288xf32, #tpu.memory_space<vmem>>, vector<16xf32>,
        %mul3A_1271 = arith.mulf %gather3A_250, %select_n3A_1242 : vector<16xf32>
        %swap3A_1272 = arith.index_cast %add3A_1251 : i32 to index
        %swap3A_1273 = tpu.vector_load %arg14[%swap3A_1272] {strides = array<i32>} : memref<12288xf32, #tpu.memory_space<vmem>>, vector<16xf32>,
        tpu.vector_store %arg14[%swap3A_1272], %mul3A_1271 {strides = array<i32>} : memref<12288xf32, #tpu.memory_space<vmem>>, vector<16xf32>,
        %mul3A_1274 = arith.mulf %gather3A_253, %select_n3A_1242 : vector<16xf32>
        %add3A_1275 = arith.constant 128 : i32
        %add3A_1276 = arith.addi %add3A_1251, %add3A_1275 : i32
        %swap3A_1277 = arith.index_cast %add3A_1276 : i32 to index
        %swap3A_1278 = tpu.vector_load %arg14[%swap3A_1277] {strides = array<i32>} : memref<12288xf32, #tpu.memory_space<vmem>>, vector<16xf32>,
        tpu.vector_store %arg14[%swap3A_1277], %mul3A_1274 {strides = array<i32>} : memref<12288xf32, #tpu.memory_space<vmem>>, vector<16xf32>,
        %mul3A_1279 = arith.mulf %gather3A_256, %select_n3A_1242 : vector<16xf32>
        %add3A_1280 = arith.constant 256 : i32
        %add3A_1281 = arith.addi %add3A_1251, %add3A_1280 : i32
        %swap3A_1282 = arith.index_cast %add3A_1281 : i32 to index
        %swap3A_1283 = tpu.vector_load %arg14[%swap3A_1282] {strides = array<i32>} : memref<12288xf32, #tpu.memory_space<vmem>>, vector<16xf32>,
        tpu.vector_store %arg14[%swap3A_1282], %mul3A_1279 {strides = array<i32>} : memref<12288xf32, #tpu.memory_space<vmem>>, vector<16xf32>,
        %add3A_1284 = arith.addf %gather3A_259, %add3A_35 : vector<16xf32>
        %add3A_1285 = arith.constant 1.000000e+00 : f32
        %add3A_1286 = vector.broadcast %add3A_1285 : f32 to vector<16xf32>
        %add3A_1287 = arith.addf %add3A_1284, %add3A_1286 : vector<16xf32>
        %add3A_1288 = arith.addf %add3A_1284, %add3A_1287 : vector<16xf32>
        %mul3A_1289 = arith.constant 5.000000e-01 : f32
        %mul3A_1290 = vector.broadcast %mul3A_1289 : f32 to vector<16xf32>
        %mul3A_1291 = arith.mulf %add3A_1288, %mul3A_1290 : vector<16xf32>
        %mul3A_1292 = arith.mulf %gather3A_250, %mul3A_1291 : vector<16xf32>
        %add3A_1293 = arith.addf %gather3A_241, %mul3A_1292 : vector<16xf32>
        %sub3A_1294 = arith.constant -6.400000e+01 : f32
        %sub3A_1295 = vector.broadcast %sub3A_1294 : f32 to vector<16xf32>
        %sub3A_1296 = arith.subf %add3A_1293, %sub3A_1295 : vector<16xf32>
        %mul3A_1297 = arith.mulf %gather3A_253, %mul3A_1291 : vector<16xf32>
        %add3A_1298 = arith.addf %gather3A_244, %mul3A_1297 : vector<16xf32>
        %sub3A_1299 = arith.constant -6.400000e+01 : f32
        %sub3A_1300 = vector.broadcast %sub3A_1299 : f32 to vector<16xf32>
        %sub3A_1301 = arith.subf %add3A_1298, %sub3A_1300 : vector<16xf32>
        %mul3A_1302 = arith.mulf %gather3A_256, %mul3A_1291 : vector<16xf32>
        %add3A_1303 = arith.addf %gather3A_247, %mul3A_1302 : vector<16xf32>
        %sub3A_1304 = arith.constant -6.400000e+01 : f32
        %sub3A_1305 = vector.broadcast %sub3A_1304 : f32 to vector<16xf32>
        %sub3A_1306 = arith.subf %add3A_1303, %sub3A_1305 : vector<16xf32>
        %max3A_1307 = arith.constant 0.000000e+00 : f32
        %max3A_1308 = vector.broadcast %max3A_1307 : f32 to vector<16xf32>
        %max3A_1309 = arith.maximumf %sub3A_1296, %max3A_1308 : vector<16xf32>
        %min3A_1310 = arith.constant 1.270000e+02 : f32
        %min3A_1311 = vector.broadcast %min3A_1310 : f32 to vector<16xf32>
        %min3A_1312 = arith.minimumf %max3A_1309, %min3A_1311 : vector<16xf32>
        %max3A_1313 = arith.constant 0.000000e+00 : f32
        %max3A_1314 = vector.broadcast %max3A_1313 : f32 to vector<16xf32>
        %max3A_1315 = arith.maximumf %sub3A_1301, %max3A_1314 : vector<16xf32>
        %min3A_1316 = arith.constant 1.270000e+02 : f32
        %min3A_1317 = vector.broadcast %min3A_1316 : f32 to vector<16xf32>
        %min3A_1318 = arith.minimumf %max3A_1315, %min3A_1317 : vector<16xf32>
        %max3A_1319 = arith.constant 0.000000e+00 : f32
        %max3A_1320 = vector.broadcast %max3A_1319 : f32 to vector<16xf32>
        %max3A_1321 = arith.maximumf %sub3A_1306, %max3A_1320 : vector<16xf32>
        %min3A_1322 = arith.constant 1.270000e+02 : f32
        %min3A_1323 = vector.broadcast %min3A_1322 : f32 to vector<16xf32>
        %min3A_1324 = arith.minimumf %max3A_1321, %min3A_1323 : vector<16xf32>
        %convert_element_type3A_1325 = arith.fptosi %min3A_1312 : vector<16xf32> to vector<16xi32>
        %mul3A_1326 = arith.constant 128 : i32
        %mul3A_1327 = vector.broadcast %mul3A_1326 : i32 to vector<16xi32>
        %mul3A_1328 = arith.muli %convert_element_type3A_1325, %mul3A_1327 : vector<16xi32>
        %convert_element_type3A_1329 = arith.fptosi %min3A_1318 : vector<16xf32> to vector<16xi32>
        %add3A_1330 = arith.addi %mul3A_1328, %convert_element_type3A_1329 : vector<16xi32>
        %mul3A_1331 = arith.constant 128 : i32
        %mul3A_1332 = vector.broadcast %mul3A_1331 : i32 to vector<16xi32>
        %mul3A_1333 = arith.muli %add3A_1330, %mul3A_1332 : vector<16xi32>
        %convert_element_type3A_1334 = arith.fptosi %min3A_1324 : vector<16xf32> to vector<16xi32>
        %add3A_1335 = arith.addi %mul3A_1333, %convert_element_type3A_1334 : vector<16xi32>
        %shift_right_logical3A_1336 = arith.constant 5 : i32
        %shift_right_logical3A_1337 = vector.broadcast %shift_right_logical3A_1336 : i32 to vector<16xi32>
        %shift_right_logical3A_1338 = arith.shrui %add3A_1335, %shift_right_logical3A_1337 : vector<16xi32>
        %and3A_1339 = arith.constant 31 : i32
        %and3A_1340 = vector.broadcast %and3A_1339 : i32 to vector<16xi32>
        %and3A_1341 = arith.andi %add3A_1335, %and3A_1340 : vector<16xi32>
        %gather3A_1342 = tpu.vector_load_idx %arg8[%shift_right_logical3A_1338] : memref<65536xi32, #tpu.memory_space<vmem>>[vector<16xi32>], vector<16xi32>,
        %shift_right_logical3A_1343 = arith.shrui %gather3A_1342, %and3A_1341 : vector<16xi32>
        %and3A_1344 = arith.constant 1 : i32
        %and3A_1345 = vector.broadcast %and3A_1344 : i32 to vector<16xi32>
        %and3A_1346 = arith.andi %shift_right_logical3A_1343, %and3A_1345 : vector<16xi32>
        %eq3A_1347 = arith.constant 1 : i32
        %eq3A_1348 = vector.broadcast %eq3A_1347 : i32 to vector<16xi32>
        %eq3A_1349 = arith.cmpi eq, %and3A_1346, %eq3A_1348 : vector<16xi32>
        %le3A_1350 = arith.cmpf ole, %add3A_1287, %select_n3A : vector<16xf32>
        %and3A_1351 = arith.andi %le3A_1350, %eq3A_1349 : vector<16xi1>
        %jit3A_1352 = arith.constant 1.000000e+00 : f32
        %jit3A_1353 = arith.constant 0.000000e+00 : f32
        %broadcast_in_dim3A_1354 = vector.broadcast %jit3A_1352 : f32 to vector<16xf32>
        %broadcast_in_dim3A_1355 = vector.broadcast %jit3A_1353 : f32 to vector<16xf32>
        %select_n3A_1356 = arith.select %and3A_1351, %broadcast_in_dim3A_1354, %broadcast_in_dim3A_1355 : vector<16xi1>, vector<16xf32>
        %add3A_1357 = arith.constant 144 : i32
        %add3A_1358 = arith.addi %mul3A_264, %add3A_1357 : i32
        %shift_right_logical3A_1359 = arith.constant 7 : i32
        %shift_right_logical3A_1360 = arith.shrui %add3A_1358, %shift_right_logical3A_1359 : i32
        %mul3A_1361 = arith.constant 512 : i32
        %mul3A_1362 = arith.muli %shift_right_logical3A_1360, %mul3A_1361 : i32
        %and3A_1363 = arith.constant 127 : i32
        %and3A_1364 = arith.andi %add3A_1358, %and3A_1363 : i32
        %add3A_1365 = arith.addi %mul3A_1362, %and3A_1364 : i32
        %mul3A_1366 = arith.mulf %add3A_1284, %select_n3A_1356 : vector<16xf32>
        %swap3A_1367 = arith.index_cast %add3A_1358 : i32 to index
        %swap3A_1368 = tpu.vector_load %arg16[%swap3A_1367] {strides = array<i32>} : memref<3072xf32, #tpu.memory_space<vmem>>, vector<16xf32>,
        tpu.vector_store %arg16[%swap3A_1367], %mul3A_1366 {strides = array<i32>} : memref<3072xf32, #tpu.memory_space<vmem>>, vector<16xf32>,
        %mul3A_1369 = arith.mulf %add3A_1287, %select_n3A_1356 : vector<16xf32>
        %swap3A_1370 = arith.index_cast %add3A_1358 : i32 to index
        %swap3A_1371 = tpu.vector_load %arg18[%swap3A_1370] {strides = array<i32>} : memref<3072xf32, #tpu.memory_space<vmem>>, vector<16xf32>,
        tpu.vector_store %arg18[%swap3A_1370], %mul3A_1369 {strides = array<i32>} : memref<3072xf32, #tpu.memory_space<vmem>>, vector<16xf32>,
        %mul3A_1372 = arith.mulf %gather3A_241, %select_n3A_1356 : vector<16xf32>
        %swap3A_1373 = arith.index_cast %add3A_1365 : i32 to index
        %swap3A_1374 = tpu.vector_load %arg12[%swap3A_1373] {strides = array<i32>} : memref<12288xf32, #tpu.memory_space<vmem>>, vector<16xf32>,
        tpu.vector_store %arg12[%swap3A_1373], %mul3A_1372 {strides = array<i32>} : memref<12288xf32, #tpu.memory_space<vmem>>, vector<16xf32>,
        %mul3A_1375 = arith.mulf %gather3A_244, %select_n3A_1356 : vector<16xf32>
        %add3A_1376 = arith.constant 128 : i32
        %add3A_1377 = arith.addi %add3A_1365, %add3A_1376 : i32
        %swap3A_1378 = arith.index_cast %add3A_1377 : i32 to index
        %swap3A_1379 = tpu.vector_load %arg12[%swap3A_1378] {strides = array<i32>} : memref<12288xf32, #tpu.memory_space<vmem>>, vector<16xf32>,
        tpu.vector_store %arg12[%swap3A_1378], %mul3A_1375 {strides = array<i32>} : memref<12288xf32, #tpu.memory_space<vmem>>, vector<16xf32>,
        %mul3A_1380 = arith.mulf %gather3A_247, %select_n3A_1356 : vector<16xf32>
        %add3A_1381 = arith.constant 256 : i32
        %add3A_1382 = arith.addi %add3A_1365, %add3A_1381 : i32
        %swap3A_1383 = arith.index_cast %add3A_1382 : i32 to index
        %swap3A_1384 = tpu.vector_load %arg12[%swap3A_1383] {strides = array<i32>} : memref<12288xf32, #tpu.memory_space<vmem>>, vector<16xf32>,
        tpu.vector_store %arg12[%swap3A_1383], %mul3A_1380 {strides = array<i32>} : memref<12288xf32, #tpu.memory_space<vmem>>, vector<16xf32>,
        %mul3A_1385 = arith.mulf %gather3A_250, %select_n3A_1356 : vector<16xf32>
        %swap3A_1386 = arith.index_cast %add3A_1365 : i32 to index
        %swap3A_1387 = tpu.vector_load %arg14[%swap3A_1386] {strides = array<i32>} : memref<12288xf32, #tpu.memory_space<vmem>>, vector<16xf32>,
        tpu.vector_store %arg14[%swap3A_1386], %mul3A_1385 {strides = array<i32>} : memref<12288xf32, #tpu.memory_space<vmem>>, vector<16xf32>,
        %mul3A_1388 = arith.mulf %gather3A_253, %select_n3A_1356 : vector<16xf32>
        %add3A_1389 = arith.constant 128 : i32
        %add3A_1390 = arith.addi %add3A_1365, %add3A_1389 : i32
        %swap3A_1391 = arith.index_cast %add3A_1390 : i32 to index
        %swap3A_1392 = tpu.vector_load %arg14[%swap3A_1391] {strides = array<i32>} : memref<12288xf32, #tpu.memory_space<vmem>>, vector<16xf32>,
        tpu.vector_store %arg14[%swap3A_1391], %mul3A_1388 {strides = array<i32>} : memref<12288xf32, #tpu.memory_space<vmem>>, vector<16xf32>,
        %mul3A_1393 = arith.mulf %gather3A_256, %select_n3A_1356 : vector<16xf32>
        %add3A_1394 = arith.constant 256 : i32
        %add3A_1395 = arith.addi %add3A_1365, %add3A_1394 : i32
        %swap3A_1396 = arith.index_cast %add3A_1395 : i32 to index
        %swap3A_1397 = tpu.vector_load %arg14[%swap3A_1396] {strides = array<i32>} : memref<12288xf32, #tpu.memory_space<vmem>>, vector<16xf32>,
        tpu.vector_store %arg14[%swap3A_1396], %mul3A_1393 {strides = array<i32>} : memref<12288xf32, #tpu.memory_space<vmem>>, vector<16xf32>,
        %add3A_1398 = arith.addf %gather3A_259, %add3A_38 : vector<16xf32>
        %add3A_1399 = arith.constant 1.000000e+00 : f32
        %add3A_1400 = vector.broadcast %add3A_1399 : f32 to vector<16xf32>
        %add3A_1401 = arith.addf %add3A_1398, %add3A_1400 : vector<16xf32>
        %add3A_1402 = arith.addf %add3A_1398, %add3A_1401 : vector<16xf32>
        %mul3A_1403 = arith.constant 5.000000e-01 : f32
        %mul3A_1404 = vector.broadcast %mul3A_1403 : f32 to vector<16xf32>
        %mul3A_1405 = arith.mulf %add3A_1402, %mul3A_1404 : vector<16xf32>
        %mul3A_1406 = arith.mulf %gather3A_250, %mul3A_1405 : vector<16xf32>
        %add3A_1407 = arith.addf %gather3A_241, %mul3A_1406 : vector<16xf32>
        %sub3A_1408 = arith.constant -6.400000e+01 : f32
        %sub3A_1409 = vector.broadcast %sub3A_1408 : f32 to vector<16xf32>
        %sub3A_1410 = arith.subf %add3A_1407, %sub3A_1409 : vector<16xf32>
        %mul3A_1411 = arith.mulf %gather3A_253, %mul3A_1405 : vector<16xf32>
        %add3A_1412 = arith.addf %gather3A_244, %mul3A_1411 : vector<16xf32>
        %sub3A_1413 = arith.constant -6.400000e+01 : f32
        %sub3A_1414 = vector.broadcast %sub3A_1413 : f32 to vector<16xf32>
        %sub3A_1415 = arith.subf %add3A_1412, %sub3A_1414 : vector<16xf32>
        %mul3A_1416 = arith.mulf %gather3A_256, %mul3A_1405 : vector<16xf32>
        %add3A_1417 = arith.addf %gather3A_247, %mul3A_1416 : vector<16xf32>
        %sub3A_1418 = arith.constant -6.400000e+01 : f32
        %sub3A_1419 = vector.broadcast %sub3A_1418 : f32 to vector<16xf32>
        %sub3A_1420 = arith.subf %add3A_1417, %sub3A_1419 : vector<16xf32>
        %max3A_1421 = arith.constant 0.000000e+00 : f32
        %max3A_1422 = vector.broadcast %max3A_1421 : f32 to vector<16xf32>
        %max3A_1423 = arith.maximumf %sub3A_1410, %max3A_1422 : vector<16xf32>
        %min3A_1424 = arith.constant 1.270000e+02 : f32
        %min3A_1425 = vector.broadcast %min3A_1424 : f32 to vector<16xf32>
        %min3A_1426 = arith.minimumf %max3A_1423, %min3A_1425 : vector<16xf32>
        %max3A_1427 = arith.constant 0.000000e+00 : f32
        %max3A_1428 = vector.broadcast %max3A_1427 : f32 to vector<16xf32>
        %max3A_1429 = arith.maximumf %sub3A_1415, %max3A_1428 : vector<16xf32>
        %min3A_1430 = arith.constant 1.270000e+02 : f32
        %min3A_1431 = vector.broadcast %min3A_1430 : f32 to vector<16xf32>
        %min3A_1432 = arith.minimumf %max3A_1429, %min3A_1431 : vector<16xf32>
        %max3A_1433 = arith.constant 0.000000e+00 : f32
        %max3A_1434 = vector.broadcast %max3A_1433 : f32 to vector<16xf32>
        %max3A_1435 = arith.maximumf %sub3A_1420, %max3A_1434 : vector<16xf32>
        %min3A_1436 = arith.constant 1.270000e+02 : f32
        %min3A_1437 = vector.broadcast %min3A_1436 : f32 to vector<16xf32>
        %min3A_1438 = arith.minimumf %max3A_1435, %min3A_1437 : vector<16xf32>
        %convert_element_type3A_1439 = arith.fptosi %min3A_1426 : vector<16xf32> to vector<16xi32>
        %mul3A_1440 = arith.constant 128 : i32
        %mul3A_1441 = vector.broadcast %mul3A_1440 : i32 to vector<16xi32>
        %mul3A_1442 = arith.muli %convert_element_type3A_1439, %mul3A_1441 : vector<16xi32>
        %convert_element_type3A_1443 = arith.fptosi %min3A_1432 : vector<16xf32> to vector<16xi32>
        %add3A_1444 = arith.addi %mul3A_1442, %convert_element_type3A_1443 : vector<16xi32>
        %mul3A_1445 = arith.constant 128 : i32
        %mul3A_1446 = vector.broadcast %mul3A_1445 : i32 to vector<16xi32>
        %mul3A_1447 = arith.muli %add3A_1444, %mul3A_1446 : vector<16xi32>
        %convert_element_type3A_1448 = arith.fptosi %min3A_1438 : vector<16xf32> to vector<16xi32>
        %add3A_1449 = arith.addi %mul3A_1447, %convert_element_type3A_1448 : vector<16xi32>
        %shift_right_logical3A_1450 = arith.constant 5 : i32
        %shift_right_logical3A_1451 = vector.broadcast %shift_right_logical3A_1450 : i32 to vector<16xi32>
        %shift_right_logical3A_1452 = arith.shrui %add3A_1449, %shift_right_logical3A_1451 : vector<16xi32>
        %and3A_1453 = arith.constant 31 : i32
        %and3A_1454 = vector.broadcast %and3A_1453 : i32 to vector<16xi32>
        %and3A_1455 = arith.andi %add3A_1449, %and3A_1454 : vector<16xi32>
        %gather3A_1456 = tpu.vector_load_idx %arg8[%shift_right_logical3A_1452] : memref<65536xi32, #tpu.memory_space<vmem>>[vector<16xi32>], vector<16xi32>,
        %shift_right_logical3A_1457 = arith.shrui %gather3A_1456, %and3A_1455 : vector<16xi32>
        %and3A_1458 = arith.constant 1 : i32
        %and3A_1459 = vector.broadcast %and3A_1458 : i32 to vector<16xi32>
        %and3A_1460 = arith.andi %shift_right_logical3A_1457, %and3A_1459 : vector<16xi32>
        %eq3A_1461 = arith.constant 1 : i32
        %eq3A_1462 = vector.broadcast %eq3A_1461 : i32 to vector<16xi32>
        %eq3A_1463 = arith.cmpi eq, %and3A_1460, %eq3A_1462 : vector<16xi32>
        %le3A_1464 = arith.cmpf ole, %add3A_1401, %select_n3A : vector<16xf32>
        %and3A_1465 = arith.andi %le3A_1464, %eq3A_1463 : vector<16xi1>
        %jit3A_1466 = arith.constant 1.000000e+00 : f32
        %jit3A_1467 = arith.constant 0.000000e+00 : f32
        %broadcast_in_dim3A_1468 = vector.broadcast %jit3A_1466 : f32 to vector<16xf32>
        %broadcast_in_dim3A_1469 = vector.broadcast %jit3A_1467 : f32 to vector<16xf32>
        %select_n3A_1470 = arith.select %and3A_1465, %broadcast_in_dim3A_1468, %broadcast_in_dim3A_1469 : vector<16xi1>, vector<16xf32>
        %add3A_1471 = arith.constant 160 : i32
        %add3A_1472 = arith.addi %mul3A_264, %add3A_1471 : i32
        %shift_right_logical3A_1473 = arith.constant 7 : i32
        %shift_right_logical3A_1474 = arith.shrui %add3A_1472, %shift_right_logical3A_1473 : i32
        %mul3A_1475 = arith.constant 512 : i32
        %mul3A_1476 = arith.muli %shift_right_logical3A_1474, %mul3A_1475 : i32
        %and3A_1477 = arith.constant 127 : i32
        %and3A_1478 = arith.andi %add3A_1472, %and3A_1477 : i32
        %add3A_1479 = arith.addi %mul3A_1476, %and3A_1478 : i32
        %mul3A_1480 = arith.mulf %add3A_1398, %select_n3A_1470 : vector<16xf32>
        %swap3A_1481 = arith.index_cast %add3A_1472 : i32 to index
        %swap3A_1482 = tpu.vector_load %arg16[%swap3A_1481] {strides = array<i32>} : memref<3072xf32, #tpu.memory_space<vmem>>, vector<16xf32>,
        tpu.vector_store %arg16[%swap3A_1481], %mul3A_1480 {strides = array<i32>} : memref<3072xf32, #tpu.memory_space<vmem>>, vector<16xf32>,
        %mul3A_1483 = arith.mulf %add3A_1401, %select_n3A_1470 : vector<16xf32>
        %swap3A_1484 = arith.index_cast %add3A_1472 : i32 to index
        %swap3A_1485 = tpu.vector_load %arg18[%swap3A_1484] {strides = array<i32>} : memref<3072xf32, #tpu.memory_space<vmem>>, vector<16xf32>,
        tpu.vector_store %arg18[%swap3A_1484], %mul3A_1483 {strides = array<i32>} : memref<3072xf32, #tpu.memory_space<vmem>>, vector<16xf32>,
        %mul3A_1486 = arith.mulf %gather3A_241, %select_n3A_1470 : vector<16xf32>
        %swap3A_1487 = arith.index_cast %add3A_1479 : i32 to index
        %swap3A_1488 = tpu.vector_load %arg12[%swap3A_1487] {strides = array<i32>} : memref<12288xf32, #tpu.memory_space<vmem>>, vector<16xf32>,
        tpu.vector_store %arg12[%swap3A_1487], %mul3A_1486 {strides = array<i32>} : memref<12288xf32, #tpu.memory_space<vmem>>, vector<16xf32>,
        %mul3A_1489 = arith.mulf %gather3A_244, %select_n3A_1470 : vector<16xf32>
        %add3A_1490 = arith.constant 128 : i32
        %add3A_1491 = arith.addi %add3A_1479, %add3A_1490 : i32
        %swap3A_1492 = arith.index_cast %add3A_1491 : i32 to index
        %swap3A_1493 = tpu.vector_load %arg12[%swap3A_1492] {strides = array<i32>} : memref<12288xf32, #tpu.memory_space<vmem>>, vector<16xf32>,
        tpu.vector_store %arg12[%swap3A_1492], %mul3A_1489 {strides = array<i32>} : memref<12288xf32, #tpu.memory_space<vmem>>, vector<16xf32>,
        %mul3A_1494 = arith.mulf %gather3A_247, %select_n3A_1470 : vector<16xf32>
        %add3A_1495 = arith.constant 256 : i32
        %add3A_1496 = arith.addi %add3A_1479, %add3A_1495 : i32
        %swap3A_1497 = arith.index_cast %add3A_1496 : i32 to index
        %swap3A_1498 = tpu.vector_load %arg12[%swap3A_1497] {strides = array<i32>} : memref<12288xf32, #tpu.memory_space<vmem>>, vector<16xf32>,
        tpu.vector_store %arg12[%swap3A_1497], %mul3A_1494 {strides = array<i32>} : memref<12288xf32, #tpu.memory_space<vmem>>, vector<16xf32>,
        %mul3A_1499 = arith.mulf %gather3A_250, %select_n3A_1470 : vector<16xf32>
        %swap3A_1500 = arith.index_cast %add3A_1479 : i32 to index
        %swap3A_1501 = tpu.vector_load %arg14[%swap3A_1500] {strides = array<i32>} : memref<12288xf32, #tpu.memory_space<vmem>>, vector<16xf32>,
        tpu.vector_store %arg14[%swap3A_1500], %mul3A_1499 {strides = array<i32>} : memref<12288xf32, #tpu.memory_space<vmem>>, vector<16xf32>,
        %mul3A_1502 = arith.mulf %gather3A_253, %select_n3A_1470 : vector<16xf32>
        %add3A_1503 = arith.constant 128 : i32
        %add3A_1504 = arith.addi %add3A_1479, %add3A_1503 : i32
        %swap3A_1505 = arith.index_cast %add3A_1504 : i32 to index
        %swap3A_1506 = tpu.vector_load %arg14[%swap3A_1505] {strides = array<i32>} : memref<12288xf32, #tpu.memory_space<vmem>>, vector<16xf32>,
        tpu.vector_store %arg14[%swap3A_1505], %mul3A_1502 {strides = array<i32>} : memref<12288xf32, #tpu.memory_space<vmem>>, vector<16xf32>,
        %mul3A_1507 = arith.mulf %gather3A_256, %select_n3A_1470 : vector<16xf32>
        %add3A_1508 = arith.constant 256 : i32
        %add3A_1509 = arith.addi %add3A_1479, %add3A_1508 : i32
        %swap3A_1510 = arith.index_cast %add3A_1509 : i32 to index
        %swap3A_1511 = tpu.vector_load %arg14[%swap3A_1510] {strides = array<i32>} : memref<12288xf32, #tpu.memory_space<vmem>>, vector<16xf32>,
        tpu.vector_store %arg14[%swap3A_1510], %mul3A_1507 {strides = array<i32>} : memref<12288xf32, #tpu.memory_space<vmem>>, vector<16xf32>,
        %add3A_1512 = arith.addf %gather3A_259, %add3A_41 : vector<16xf32>
        %add3A_1513 = arith.constant 1.000000e+00 : f32
        %add3A_1514 = vector.broadcast %add3A_1513 : f32 to vector<16xf32>
        %add3A_1515 = arith.addf %add3A_1512, %add3A_1514 : vector<16xf32>
        %add3A_1516 = arith.addf %add3A_1512, %add3A_1515 : vector<16xf32>
        %mul3A_1517 = arith.constant 5.000000e-01 : f32
        %mul3A_1518 = vector.broadcast %mul3A_1517 : f32 to vector<16xf32>
        %mul3A_1519 = arith.mulf %add3A_1516, %mul3A_1518 : vector<16xf32>
        %mul3A_1520 = arith.mulf %gather3A_250, %mul3A_1519 : vector<16xf32>
        %add3A_1521 = arith.addf %gather3A_241, %mul3A_1520 : vector<16xf32>
        %sub3A_1522 = arith.constant -6.400000e+01 : f32
        %sub3A_1523 = vector.broadcast %sub3A_1522 : f32 to vector<16xf32>
        %sub3A_1524 = arith.subf %add3A_1521, %sub3A_1523 : vector<16xf32>
        %mul3A_1525 = arith.mulf %gather3A_253, %mul3A_1519 : vector<16xf32>
        %add3A_1526 = arith.addf %gather3A_244, %mul3A_1525 : vector<16xf32>
        %sub3A_1527 = arith.constant -6.400000e+01 : f32
        %sub3A_1528 = vector.broadcast %sub3A_1527 : f32 to vector<16xf32>
        %sub3A_1529 = arith.subf %add3A_1526, %sub3A_1528 : vector<16xf32>
        %mul3A_1530 = arith.mulf %gather3A_256, %mul3A_1519 : vector<16xf32>
        %add3A_1531 = arith.addf %gather3A_247, %mul3A_1530 : vector<16xf32>
        %sub3A_1532 = arith.constant -6.400000e+01 : f32
        %sub3A_1533 = vector.broadcast %sub3A_1532 : f32 to vector<16xf32>
        %sub3A_1534 = arith.subf %add3A_1531, %sub3A_1533 : vector<16xf32>
        %max3A_1535 = arith.constant 0.000000e+00 : f32
        %max3A_1536 = vector.broadcast %max3A_1535 : f32 to vector<16xf32>
        %max3A_1537 = arith.maximumf %sub3A_1524, %max3A_1536 : vector<16xf32>
        %min3A_1538 = arith.constant 1.270000e+02 : f32
        %min3A_1539 = vector.broadcast %min3A_1538 : f32 to vector<16xf32>
        %min3A_1540 = arith.minimumf %max3A_1537, %min3A_1539 : vector<16xf32>
        %max3A_1541 = arith.constant 0.000000e+00 : f32
        %max3A_1542 = vector.broadcast %max3A_1541 : f32 to vector<16xf32>
        %max3A_1543 = arith.maximumf %sub3A_1529, %max3A_1542 : vector<16xf32>
        %min3A_1544 = arith.constant 1.270000e+02 : f32
        %min3A_1545 = vector.broadcast %min3A_1544 : f32 to vector<16xf32>
        %min3A_1546 = arith.minimumf %max3A_1543, %min3A_1545 : vector<16xf32>
        %max3A_1547 = arith.constant 0.000000e+00 : f32
        %max3A_1548 = vector.broadcast %max3A_1547 : f32 to vector<16xf32>
        %max3A_1549 = arith.maximumf %sub3A_1534, %max3A_1548 : vector<16xf32>
        %min3A_1550 = arith.constant 1.270000e+02 : f32
        %min3A_1551 = vector.broadcast %min3A_1550 : f32 to vector<16xf32>
        %min3A_1552 = arith.minimumf %max3A_1549, %min3A_1551 : vector<16xf32>
        %convert_element_type3A_1553 = arith.fptosi %min3A_1540 : vector<16xf32> to vector<16xi32>
        %mul3A_1554 = arith.constant 128 : i32
        %mul3A_1555 = vector.broadcast %mul3A_1554 : i32 to vector<16xi32>
        %mul3A_1556 = arith.muli %convert_element_type3A_1553, %mul3A_1555 : vector<16xi32>
        %convert_element_type3A_1557 = arith.fptosi %min3A_1546 : vector<16xf32> to vector<16xi32>
        %add3A_1558 = arith.addi %mul3A_1556, %convert_element_type3A_1557 : vector<16xi32>
        %mul3A_1559 = arith.constant 128 : i32
        %mul3A_1560 = vector.broadcast %mul3A_1559 : i32 to vector<16xi32>
        %mul3A_1561 = arith.muli %add3A_1558, %mul3A_1560 : vector<16xi32>
        %convert_element_type3A_1562 = arith.fptosi %min3A_1552 : vector<16xf32> to vector<16xi32>
        %add3A_1563 = arith.addi %mul3A_1561, %convert_element_type3A_1562 : vector<16xi32>
        %shift_right_logical3A_1564 = arith.constant 5 : i32
        %shift_right_logical3A_1565 = vector.broadcast %shift_right_logical3A_1564 : i32 to vector<16xi32>
        %shift_right_logical3A_1566 = arith.shrui %add3A_1563, %shift_right_logical3A_1565 : vector<16xi32>
        %and3A_1567 = arith.constant 31 : i32
        %and3A_1568 = vector.broadcast %and3A_1567 : i32 to vector<16xi32>
        %and3A_1569 = arith.andi %add3A_1563, %and3A_1568 : vector<16xi32>
        %gather3A_1570 = tpu.vector_load_idx %arg8[%shift_right_logical3A_1566] : memref<65536xi32, #tpu.memory_space<vmem>>[vector<16xi32>], vector<16xi32>,
        %shift_right_logical3A_1571 = arith.shrui %gather3A_1570, %and3A_1569 : vector<16xi32>
        %and3A_1572 = arith.constant 1 : i32
        %and3A_1573 = vector.broadcast %and3A_1572 : i32 to vector<16xi32>
        %and3A_1574 = arith.andi %shift_right_logical3A_1571, %and3A_1573 : vector<16xi32>
        %eq3A_1575 = arith.constant 1 : i32
        %eq3A_1576 = vector.broadcast %eq3A_1575 : i32 to vector<16xi32>
        %eq3A_1577 = arith.cmpi eq, %and3A_1574, %eq3A_1576 : vector<16xi32>
        %le3A_1578 = arith.cmpf ole, %add3A_1515, %select_n3A : vector<16xf32>
        %and3A_1579 = arith.andi %le3A_1578, %eq3A_1577 : vector<16xi1>
        %jit3A_1580 = arith.constant 1.000000e+00 : f32
        %jit3A_1581 = arith.constant 0.000000e+00 : f32
        %broadcast_in_dim3A_1582 = vector.broadcast %jit3A_1580 : f32 to vector<16xf32>
        %broadcast_in_dim3A_1583 = vector.broadcast %jit3A_1581 : f32 to vector<16xf32>
        %select_n3A_1584 = arith.select %and3A_1579, %broadcast_in_dim3A_1582, %broadcast_in_dim3A_1583 : vector<16xi1>, vector<16xf32>
        %add3A_1585 = arith.constant 176 : i32
        %add3A_1586 = arith.addi %mul3A_264, %add3A_1585 : i32
        %shift_right_logical3A_1587 = arith.constant 7 : i32
        %shift_right_logical3A_1588 = arith.shrui %add3A_1586, %shift_right_logical3A_1587 : i32
        %mul3A_1589 = arith.constant 512 : i32
        %mul3A_1590 = arith.muli %shift_right_logical3A_1588, %mul3A_1589 : i32
        %and3A_1591 = arith.constant 127 : i32
        %and3A_1592 = arith.andi %add3A_1586, %and3A_1591 : i32
        %add3A_1593 = arith.addi %mul3A_1590, %and3A_1592 : i32
        %mul3A_1594 = arith.mulf %add3A_1512, %select_n3A_1584 : vector<16xf32>
        %swap3A_1595 = arith.index_cast %add3A_1586 : i32 to index
        %swap3A_1596 = tpu.vector_load %arg16[%swap3A_1595] {strides = array<i32>} : memref<3072xf32, #tpu.memory_space<vmem>>, vector<16xf32>,
        tpu.vector_store %arg16[%swap3A_1595], %mul3A_1594 {strides = array<i32>} : memref<3072xf32, #tpu.memory_space<vmem>>, vector<16xf32>,
        %mul3A_1597 = arith.mulf %add3A_1515, %select_n3A_1584 : vector<16xf32>
        %swap3A_1598 = arith.index_cast %add3A_1586 : i32 to index
        %swap3A_1599 = tpu.vector_load %arg18[%swap3A_1598] {strides = array<i32>} : memref<3072xf32, #tpu.memory_space<vmem>>, vector<16xf32>,
        tpu.vector_store %arg18[%swap3A_1598], %mul3A_1597 {strides = array<i32>} : memref<3072xf32, #tpu.memory_space<vmem>>, vector<16xf32>,
        %mul3A_1600 = arith.mulf %gather3A_241, %select_n3A_1584 : vector<16xf32>
        %swap3A_1601 = arith.index_cast %add3A_1593 : i32 to index
        %swap3A_1602 = tpu.vector_load %arg12[%swap3A_1601] {strides = array<i32>} : memref<12288xf32, #tpu.memory_space<vmem>>, vector<16xf32>,
        tpu.vector_store %arg12[%swap3A_1601], %mul3A_1600 {strides = array<i32>} : memref<12288xf32, #tpu.memory_space<vmem>>, vector<16xf32>,
        %mul3A_1603 = arith.mulf %gather3A_244, %select_n3A_1584 : vector<16xf32>
        %add3A_1604 = arith.constant 128 : i32
        %add3A_1605 = arith.addi %add3A_1593, %add3A_1604 : i32
        %swap3A_1606 = arith.index_cast %add3A_1605 : i32 to index
        %swap3A_1607 = tpu.vector_load %arg12[%swap3A_1606] {strides = array<i32>} : memref<12288xf32, #tpu.memory_space<vmem>>, vector<16xf32>,
        tpu.vector_store %arg12[%swap3A_1606], %mul3A_1603 {strides = array<i32>} : memref<12288xf32, #tpu.memory_space<vmem>>, vector<16xf32>,
        %mul3A_1608 = arith.mulf %gather3A_247, %select_n3A_1584 : vector<16xf32>
        %add3A_1609 = arith.constant 256 : i32
        %add3A_1610 = arith.addi %add3A_1593, %add3A_1609 : i32
        %swap3A_1611 = arith.index_cast %add3A_1610 : i32 to index
        %swap3A_1612 = tpu.vector_load %arg12[%swap3A_1611] {strides = array<i32>} : memref<12288xf32, #tpu.memory_space<vmem>>, vector<16xf32>,
        tpu.vector_store %arg12[%swap3A_1611], %mul3A_1608 {strides = array<i32>} : memref<12288xf32, #tpu.memory_space<vmem>>, vector<16xf32>,
        %mul3A_1613 = arith.mulf %gather3A_250, %select_n3A_1584 : vector<16xf32>
        %swap3A_1614 = arith.index_cast %add3A_1593 : i32 to index
        %swap3A_1615 = tpu.vector_load %arg14[%swap3A_1614] {strides = array<i32>} : memref<12288xf32, #tpu.memory_space<vmem>>, vector<16xf32>,
        tpu.vector_store %arg14[%swap3A_1614], %mul3A_1613 {strides = array<i32>} : memref<12288xf32, #tpu.memory_space<vmem>>, vector<16xf32>,
        %mul3A_1616 = arith.mulf %gather3A_253, %select_n3A_1584 : vector<16xf32>
        %add3A_1617 = arith.constant 128 : i32
        %add3A_1618 = arith.addi %add3A_1593, %add3A_1617 : i32
        %swap3A_1619 = arith.index_cast %add3A_1618 : i32 to index
        %swap3A_1620 = tpu.vector_load %arg14[%swap3A_1619] {strides = array<i32>} : memref<12288xf32, #tpu.memory_space<vmem>>, vector<16xf32>,
        tpu.vector_store %arg14[%swap3A_1619], %mul3A_1616 {strides = array<i32>} : memref<12288xf32, #tpu.memory_space<vmem>>, vector<16xf32>,
        %mul3A_1621 = arith.mulf %gather3A_256, %select_n3A_1584 : vector<16xf32>
        %add3A_1622 = arith.constant 256 : i32
        %add3A_1623 = arith.addi %add3A_1593, %add3A_1622 : i32
        %swap3A_1624 = arith.index_cast %add3A_1623 : i32 to index
        %swap3A_1625 = tpu.vector_load %arg14[%swap3A_1624] {strides = array<i32>} : memref<12288xf32, #tpu.memory_space<vmem>>, vector<16xf32>,
        tpu.vector_store %arg14[%swap3A_1624], %mul3A_1621 {strides = array<i32>} : memref<12288xf32, #tpu.memory_space<vmem>>, vector<16xf32>,
      }
      %scan3A_215 = arith.constant 16 : i32
      %mul3A_216 = arith.constant 16 : i32
      %mul3A_217 = arith.muli %add3A_163, %mul3A_216 : i32
      %mul3A_218 = arith.constant 192 : i32
      %mul3A_219 = arith.muli %mul3A_217, %mul3A_218 : i32
      %multiple_of3A_220 = tpu.assume_multiple %mul3A_219, 3072 : i32
      %mul3A_221 = arith.constant 192 : i32
      %mul3A_222 = arith.muli %mul3A_217, %mul3A_221 : i32
      %mul3A_223 = arith.constant 4 : i32
      %mul3A_224 = arith.muli %mul3A_222, %mul3A_223 : i32
      %multiple_of3A_225 = tpu.assume_multiple %mul3A_224, 12288 : i32
      %dma_start3A_226 = tpu.memref_slice %arg4[%multiple_of3A_225] : memref<12582912xf32, #tpu.memory_space<hbm>> -> memref<12288xf32, #tpu.memory_space<hbm>>
      %dma_start3A_227 = tpu.memref_slice %arg4[%multiple_of3A_225] : memref<12582912xf32, #tpu.memory_space<hbm>> -> memref<12288xf32, #tpu.memory_space<hbm>>
      tpu.enqueue_dma source(%arg12 : memref<12288xf32, #tpu.memory_space<vmem>>) target(%dma_start3A_227 : memref<12288xf32, #tpu.memory_space<hbm>>) target_semaphore(%arg20 : memref<!tpu.dma_semaphore, #tpu.memory_space<semaphore_mem>>)
      %dma_start3A_228 = tpu.memref_slice %arg5[%multiple_of3A_225] : memref<12582912xf32, #tpu.memory_space<hbm>> -> memref<12288xf32, #tpu.memory_space<hbm>>
      %dma_start3A_229 = tpu.memref_slice %arg5[%multiple_of3A_225] : memref<12582912xf32, #tpu.memory_space<hbm>> -> memref<12288xf32, #tpu.memory_space<hbm>>
      tpu.enqueue_dma source(%arg14 : memref<12288xf32, #tpu.memory_space<vmem>>) target(%dma_start3A_229 : memref<12288xf32, #tpu.memory_space<hbm>>) target_semaphore(%arg20 : memref<!tpu.dma_semaphore, #tpu.memory_space<semaphore_mem>>)
      %dma_start3A_230 = tpu.memref_slice %arg6[%multiple_of3A_220] : memref<3145728xf32, #tpu.memory_space<hbm>> -> memref<3072xf32, #tpu.memory_space<hbm>>
      %dma_start3A_231 = tpu.memref_slice %arg6[%multiple_of3A_220] : memref<3145728xf32, #tpu.memory_space<hbm>> -> memref<3072xf32, #tpu.memory_space<hbm>>
      tpu.enqueue_dma source(%arg16 : memref<3072xf32, #tpu.memory_space<vmem>>) target(%dma_start3A_231 : memref<3072xf32, #tpu.memory_space<hbm>>) target_semaphore(%arg20 : memref<!tpu.dma_semaphore, #tpu.memory_space<semaphore_mem>>)
      %dma_start3A_232 = tpu.memref_slice %arg7[%multiple_of3A_220] : memref<3145728xf32, #tpu.memory_space<hbm>> -> memref<3072xf32, #tpu.memory_space<hbm>>
      %dma_start3A_233 = tpu.memref_slice %arg7[%multiple_of3A_220] : memref<3145728xf32, #tpu.memory_space<hbm>> -> memref<3072xf32, #tpu.memory_space<hbm>>
      tpu.enqueue_dma source(%arg18 : memref<3072xf32, #tpu.memory_space<vmem>>) target(%dma_start3A_233 : memref<3072xf32, #tpu.memory_space<hbm>>) target_semaphore(%arg20 : memref<!tpu.dma_semaphore, #tpu.memory_space<semaphore_mem>>)
    }
    %scan3A_45 = arith.constant 16 : i32
    %add3A_46 = arith.constant 30 : i32
    %add3A_47 = arith.addi %mul3A_2, %add3A_46 : i32
    %mul3A_48 = arith.constant 16 : i32
    %mul3A_49 = arith.muli %add3A_47, %mul3A_48 : i32
    %mul3A_50 = arith.constant 192 : i32
    %mul3A_51 = arith.muli %mul3A_49, %mul3A_50 : i32
    %multiple_of3A = tpu.assume_multiple %mul3A_51, 3072 : i32
    %mul3A_52 = arith.constant 192 : i32
    %mul3A_53 = arith.muli %mul3A_49, %mul3A_52 : i32
    %mul3A_54 = arith.constant 4 : i32
    %mul3A_55 = arith.muli %mul3A_53, %mul3A_54 : i32
    %multiple_of3A_56 = tpu.assume_multiple %mul3A_55, 12288 : i32
    %dma_wait3A = tpu.memref_slice %arg4[%multiple_of3A_56] : memref<12582912xf32, #tpu.memory_space<hbm>> -> memref<12288xf32, #tpu.memory_space<hbm>>
    %dma_wait3A_57 = tpu.memref_slice %arg4[%multiple_of3A_56] : memref<12582912xf32, #tpu.memory_space<hbm>> -> memref<12288xf32, #tpu.memory_space<hbm>>
    tpu.wait_dma2 semaphore(%arg19 : memref<!tpu.dma_semaphore, #tpu.memory_space<semaphore_mem>>) src(%arg11 : memref<12288xf32, #tpu.memory_space<vmem>>) dst(%dma_wait3A_57 : memref<12288xf32, #tpu.memory_space<hbm>>)
    %dma_wait3A_58 = tpu.memref_slice %arg5[%multiple_of3A_56] : memref<12582912xf32, #tpu.memory_space<hbm>> -> memref<12288xf32, #tpu.memory_space<hbm>>
    %dma_wait3A_59 = tpu.memref_slice %arg5[%multiple_of3A_56] : memref<12582912xf32, #tpu.memory_space<hbm>> -> memref<12288xf32, #tpu.memory_space<hbm>>
    tpu.wait_dma2 semaphore(%arg19 : memref<!tpu.dma_semaphore, #tpu.memory_space<semaphore_mem>>) src(%arg13 : memref<12288xf32, #tpu.memory_space<vmem>>) dst(%dma_wait3A_59 : memref<12288xf32, #tpu.memory_space<hbm>>)
    %dma_wait3A_60 = tpu.memref_slice %arg6[%multiple_of3A] : memref<3145728xf32, #tpu.memory_space<hbm>> -> memref<3072xf32, #tpu.memory_space<hbm>>
    %dma_wait3A_61 = tpu.memref_slice %arg6[%multiple_of3A] : memref<3145728xf32, #tpu.memory_space<hbm>> -> memref<3072xf32, #tpu.memory_space<hbm>>
    tpu.wait_dma2 semaphore(%arg19 : memref<!tpu.dma_semaphore, #tpu.memory_space<semaphore_mem>>) src(%arg15 : memref<3072xf32, #tpu.memory_space<vmem>>) dst(%dma_wait3A_61 : memref<3072xf32, #tpu.memory_space<hbm>>)
    %dma_wait3A_62 = tpu.memref_slice %arg7[%multiple_of3A] : memref<3145728xf32, #tpu.memory_space<hbm>> -> memref<3072xf32, #tpu.memory_space<hbm>>
    %dma_wait3A_63 = tpu.memref_slice %arg7[%multiple_of3A] : memref<3145728xf32, #tpu.memory_space<hbm>> -> memref<3072xf32, #tpu.memory_space<hbm>>
    tpu.wait_dma2 semaphore(%arg19 : memref<!tpu.dma_semaphore, #tpu.memory_space<semaphore_mem>>) src(%arg17 : memref<3072xf32, #tpu.memory_space<vmem>>) dst(%dma_wait3A_63 : memref<3072xf32, #tpu.memory_space<hbm>>)
    %add3A_64 = arith.constant 31 : i32
    %add3A_65 = arith.addi %mul3A_2, %add3A_64 : i32
    %mul3A_66 = arith.constant 16 : i32
    %mul3A_67 = arith.muli %add3A_65, %mul3A_66 : i32
    %mul3A_68 = arith.constant 192 : i32
    %mul3A_69 = arith.muli %mul3A_67, %mul3A_68 : i32
    %multiple_of3A_70 = tpu.assume_multiple %mul3A_69, 3072 : i32
    %mul3A_71 = arith.constant 192 : i32
    %mul3A_72 = arith.muli %mul3A_67, %mul3A_71 : i32
    %mul3A_73 = arith.constant 4 : i32
    %mul3A_74 = arith.muli %mul3A_72, %mul3A_73 : i32
    %multiple_of3A_75 = tpu.assume_multiple %mul3A_74, 12288 : i32
    %dma_wait3A_76 = tpu.memref_slice %arg4[%multiple_of3A_75] : memref<12582912xf32, #tpu.memory_space<hbm>> -> memref<12288xf32, #tpu.memory_space<hbm>>
    %dma_wait3A_77 = tpu.memref_slice %arg4[%multiple_of3A_75] : memref<12582912xf32, #tpu.memory_space<hbm>> -> memref<12288xf32, #tpu.memory_space<hbm>>
    tpu.wait_dma2 semaphore(%arg20 : memref<!tpu.dma_semaphore, #tpu.memory_space<semaphore_mem>>) src(%arg12 : memref<12288xf32, #tpu.memory_space<vmem>>) dst(%dma_wait3A_77 : memref<12288xf32, #tpu.memory_space<hbm>>)
    %dma_wait3A_78 = tpu.memref_slice %arg5[%multiple_of3A_75] : memref<12582912xf32, #tpu.memory_space<hbm>> -> memref<12288xf32, #tpu.memory_space<hbm>>
    %dma_wait3A_79 = tpu.memref_slice %arg5[%multiple_of3A_75] : memref<12582912xf32, #tpu.memory_space<hbm>> -> memref<12288xf32, #tpu.memory_space<hbm>>
    tpu.wait_dma2 semaphore(%arg20 : memref<!tpu.dma_semaphore, #tpu.memory_space<semaphore_mem>>) src(%arg14 : memref<12288xf32, #tpu.memory_space<vmem>>) dst(%dma_wait3A_79 : memref<12288xf32, #tpu.memory_space<hbm>>)
    %dma_wait3A_80 = tpu.memref_slice %arg6[%multiple_of3A_70] : memref<3145728xf32, #tpu.memory_space<hbm>> -> memref<3072xf32, #tpu.memory_space<hbm>>
    %dma_wait3A_81 = tpu.memref_slice %arg6[%multiple_of3A_70] : memref<3145728xf32, #tpu.memory_space<hbm>> -> memref<3072xf32, #tpu.memory_space<hbm>>
    tpu.wait_dma2 semaphore(%arg20 : memref<!tpu.dma_semaphore, #tpu.memory_space<semaphore_mem>>) src(%arg16 : memref<3072xf32, #tpu.memory_space<vmem>>) dst(%dma_wait3A_81 : memref<3072xf32, #tpu.memory_space<hbm>>)
    %dma_wait3A_82 = tpu.memref_slice %arg7[%multiple_of3A_70] : memref<3145728xf32, #tpu.memory_space<hbm>> -> memref<3072xf32, #tpu.memory_space<hbm>>
    %dma_wait3A_83 = tpu.memref_slice %arg7[%multiple_of3A_70] : memref<3145728xf32, #tpu.memory_space<hbm>> -> memref<3072xf32, #tpu.memory_space<hbm>>
    tpu.wait_dma2 semaphore(%arg20 : memref<!tpu.dma_semaphore, #tpu.memory_space<semaphore_mem>>) src(%arg18 : memref<3072xf32, #tpu.memory_space<vmem>>) dst(%dma_wait3A_83 : memref<3072xf32, #tpu.memory_space<hbm>>)
    return
  }
}

</mosaic_0001>

<sc_bundles>
// kernel: kernel.3.cloned.1.call-start
scs
__scs_entry_jumppad:
0x0: {  	(pc) =	sbr.rel $0x88, $3  }
0x1: {  	(tag) =	ssettag $0x0;
	lr =	simm.s32 $0x1  }
0x2: {  	[smem:$0x3F9E] =	sst lr;
	_ =	strace $0xD0000000  }
0x3: {  	_ = 	snop  }
0x4: {  	_ = 	snop  }
0x5: {  	_ = 	snop  }
0x6: {  	_ = 	snop  }
0x7: {  	_ = 	snop  }
__scs_overlays_trampoline_lowered:
0x8: {  	[smem:$0x3FAD] =	sst s0  }
0x9: {  	[smem:$0x3FAE] =	sst s1  }
0xa: {  	[smem:$0x3FAF] =	sst s2  }
0xb: {  	[smem:$0x3FB0] =	sst s3  }
0xc: {  	[smem:$0x3FB1] =	sst s4  }
0xd: {  	[smem:$0x3FB2] =	sst s5  }
0xe: {  	[smem:$0x3FB3] =	sst s6  }
0xf: {  	[smem:$0x3FB4] =	sst s7  }
0x10: {  	[smem:$0x3FB5] =	sst s8  }
0x11: {  	[smem:$0x3FB6] =	sst s9;
	s0 =	simm.s32 @!p0 $0x0  }
0x12: {  	s1 =	sld [smem:$0x3F9C];
	s0 =	simm.s32 @p0 $0x1  }
0x13: {  	[smem:$0x3FB7] =	sst s0;
	s0 =	simm.s32 @!p1 $0x0  }
0x14: {  	s2 =	sld [smem:$0x3F9B];
	s0 =	simm.s32 @p1 $0x1  }
0x15: {  	[smem:$0x3FB8] =	sst s0;
	s0 =	simm.s32 @!p2 $0x0  }
0x16: {  	s3 =	sld [smem:$0x3FDB];
	s0 =	simm.s32 @p2 $0x1  }
0x17: {  	s4 =	simm.s32 $0x1BF5;
	[smem:$0x3FBA] =	sst s0  }
0x18: {  	s0 =	sld [smem:$0x3F9D];
	_ =	swait.ge [sflag:s4], $0x0  }
0x19: {  	s7 =	sld [smem:$0x3F9E]  }
0x1a: {  	s8 =	sadd.s32 $0xFFFFE003, lr  }
0x1b: {  	s9 =	sadd.s32 $0xFFFFFEF7, lr;
	s5 =	simm.s32 $0xFFFFFFFF;
	p2 =	slt.u32 s8, $0xFFFFF086  }
0x1c: {  	p1 =	slt.u32 s9, $0xF7A;
	s5 =	simm.s32 @!p2 $0x0  }
0x1d: {  	s5 =	simm.s32 @p1 $0x1;
	p0 =	seq.s32 s7, s2  }
0x1e: {  	s7 =	smul.u32 @!p0 $0xF7A, s2;
	p2 =	seq.s32 @!p0 s5, $0x0  }
0x1f: {  	s9 =	smul.u32 $0xF7A, s1;
	s8 =	simm.s32 @!p0 $0x1BF5;
	p2 =	por !p2, p0  }
0x20: {  	[sflag:s8] =	ssyncset.s32 @!p0 $0xFFFFF086;
	s6 =	sadd.s32 @!p0 s3, s7;
	s7 =	simm.s32 @!p0 $0x108  }
0x21: {  	s3 =	sadd.s32 s3, s9;
	s6 =	sadd.s32 @!p0 $0x88, s6;
	s7 =	simm.s32 @p2 $0x1082  }
0x22: {  	[simem:s7], [sflag:s8] =	dma.local @!p0 [hbm:s6], $0xF7A  }
0x23: {  	s9 =	sor.u32 $0xD0000000, s2;
	s6 =	simm.s32 $0x108;
	_ =	swait.ge @!p0 [sflag:s8], $0x0  }
0x24: {  	s3 =	sadd.s32 $0x88, s3;
	s6 =	simm.s32 @!p1 $0x1082;
	[sflag:s4] =	ssyncset.s32 $0xFFFFF086  }
0x25: {  	[simem:s6], [sflag:s4] =	dma.local [hbm:s3], $0xF7A  }
0x26: {  	[smem:$0x3F9E] =	sst s1;
	(tag) =	ssettag s2;
	_ =	strace s9  }
0x27: {  	s1 =	sld [smem:$0x3FAE]  }
0x28: {  	s2 =	sld [smem:$0x3FAF]  }
0x29: {  	s4 =	sld [smem:$0x3FB1]  }
0x2a: {  	p0 =	seq.s32 s5, $0x0;
	s5 =	sld [smem:$0x3FB2]  }
0x2b: {  	s6 =	sld [smem:$0x3FB3]  }
0x2c: {  	s7 =	sld [smem:$0x3FB4]  }
0x2d: {  	s3 =	simm.s32 $0x108;
	s8 =	sld [smem:$0x3FB5]  }
0x2e: {  	s3 =	simm.s32 @!p0 $0x1082;
	s9 =	sld [smem:$0x3FB6]  }
0x2f: {  	lr =	sadd.s32 s0, s3;
	s0 =	sld [smem:$0x3FAD]  }
0x30: {  	s3 =	sld [smem:$0x3FB0]  }
0x31: {  	[smem:$0x3FB9] =	sst s10  }
0x32: {  	s10 =	sld [smem:$0x3FB7];
	_ =	sdelay $0x3  }
0x33: {  	p0 =	seq.s32 s10, $0x1;
	s10 =	sld [smem:$0x3FB9];
	_ =	sdelay $0x3  }
0x34: {  	[smem:$0x3FB9] =	sst s10  }
0x35: {  	s10 =	sld [smem:$0x3FB8];
	_ =	sdelay $0x3  }
0x36: {  	p1 =	seq.s32 s10, $0x1;
	s10 =	sld [smem:$0x3FB9];
	_ =	sdelay $0x3  }
0x37: {  	[smem:$0x3FB9] =	sst s10  }
0x38: {  	s10 =	sld [smem:$0x3FBA]  }
0x39: {  	_ = 	snop;
	(pc) =	sbr.ind lr, $3  }
0x3a: {  	_ = 	snop  }
0x3b: {  	_ = 	snop  }
0x3c: {  	p2 =	seq.s32 s10, $0x1;
	s10 =	sld [smem:$0x3FB9]  }
0x3d: {  	_ =	shalt  }
0x3e: {  	_ =	shalt  }
0x3f: {  	_ =	shalt  }
0x40: {  	_ =	shalt  }
0x41: {  	_ =	shalt  }
0x42: {  	_ =	shalt  }
0x43: {  	_ =	shalt  }
0x44: {  	_ =	shalt  }
0x45: {  	_ =	shalt  }
0x46: {  	_ =	shalt  }
0x47: {  	_ =	shalt  }
0x48: {  	_ =	shalt  }
0x49: {  	_ =	shalt  }
0x4a: {  	_ =	shalt  }
0x4b: {  	_ =	shalt  }
0x4c: {  	_ =	shalt  }
0x4d: {  	_ =	shalt  }
0x4e: {  	_ =	shalt  }
0x4f: {  	_ =	shalt  }
0x50: {  	_ =	shalt  }
0x51: {  	_ =	shalt  }
0x52: {  	_ =	shalt  }
0x53: {  	_ =	shalt  }
0x54: {  	_ =	shalt  }
0x55: {  	_ =	shalt  }
0x56: {  	_ =	shalt  }
0x57: {  	_ =	shalt  }
0x58: {  	_ =	shalt  }
0x59: {  	_ =	shalt  }
0x5a: {  	_ =	shalt  }
0x5b: {  	_ =	shalt  }
0x5c: {  	_ =	shalt  }
0x5d: {  	_ =	shalt  }
0x5e: {  	_ =	shalt  }
0x5f: {  	_ =	shalt  }
0x60: {  	_ =	shalt  }
0x61: {  	_ =	shalt  }
0x62: {  	_ =	shalt  }
0x63: {  	_ =	shalt  }
0x64: {  	_ =	shalt  }
0x65: {  	_ =	shalt  }
0x66: {  	_ =	shalt  }
0x67: {  	_ =	shalt  }
0x68: {  	_ =	shalt  }
0x69: {  	_ =	shalt  }
0x6a: {  	_ =	shalt  }
0x6b: {  	_ =	shalt  }
0x6c: {  	_ =	shalt  }
0x6d: {  	_ =	shalt  }
0x6e: {  	_ =	shalt  }
0x6f: {  	_ =	shalt  }
0x70: {  	_ =	shalt  }
0x71: {  	_ =	shalt  }
0x72: {  	_ =	shalt  }
0x73: {  	_ =	shalt  }
0x74: {  	_ =	shalt  }
0x75: {  	_ =	shalt  }
0x76: {  	_ =	shalt  }
0x77: {  	_ =	shalt  }
0x78: {  	_ =	shalt  }
0x79: {  	_ =	shalt  }
0x7a: {  	_ =	shalt  }
0x7b: {  	_ =	shalt  }
0x7c: {  	_ =	shalt  }
0x7d: {  	_ =	shalt  }
0x7e: {  	_ =	shalt  }
0x7f: {  	_ =	shalt  }
0x80: {  	_ =	shalt  }
0x81: {  	_ =	shalt  }
0x82: {  	_ =	shalt  }
0x83: {  	_ =	shalt  }
0x84: {  	_ =	shalt  }
0x85: {  	_ =	shalt  }
0x86: {  	_ =	shalt  }
0x87: {  	_ =	shalt  }
.Lfunc_end0:
.L_simem_size_0:
called_computation_lowered:
.L_overlay_start_0:
0x88: {  	s2 =	sld [smem:$0x3FD9]  }
0x89: {  	s3 =	sld [smem:$0x3FFE];
	_ =	sdelay $0x1  }
0x8a: {  	s1 =	srdreg.scid  }
0x8b: {  	s0 =	sand.u32 $0x1, s1  }
0x8c: {  	s14 =	sshll.u32 s0, $0xA;
	s2 =	sadd.s32 s3, s2  }
0x8d: {  	s2 =	sadd.s32 s2, s14  }
0x8e: {  	[smem:$0x3FC5] =	sst s2  }
0x8f: {  	_ = 	snop  }
0x90: {  	s2 =	sld [smem:$0x3FD0];
	_ =	sdelay $0x2  }
0x91: {  	s15 =	simm.s32 $0xA;
	s4 =	simm.s32 $0x10  }
0x92: {  	[smem:s4], [sflag:s15] =	dma.local [hbm:s2], $0x1  }
0x93: {  	_ =	swait.eq [sflag:s15], $0x1  }
0x94: {  	s16 =	sld [smem:$0x11]  }
0x95: {  	s17 =	sld [smem:$0x12]  }
0x96: {  	s5 =	sld [smem:$0x13];
	[sflag:s15] =	ssyncset.done $0x0  }
0x97: {  	s6 =	sld [smem:$0x14];
	[sflag:s15] =	ssyncadd.s32 $0xFFFFFFFF  }
0x98: {  	s18 =	sld [smem:$0x15];
	(tm) =	ssettm $0x1  }
0x99: {  	s7 =	sld [smem:$0x3FFB];
	_ =	sdelay $0x3  }
0x9a: {  	_ =	strace s7  }
0x9b: {  	s7 =	sld [smem:$0x3FFC];
	_ =	sdelay $0x3  }
0x9c: {  	_ =	strace s7  }
0x9d: {  	s7 =	sld [smem:$0x3FFD];
	_ =	sdelay $0x3  }
0x9e: {  	_ =	strace s7  }
0x9f: {  	_ =	strace $0x8FFFFFFF  }
0xa0: {  	s19 =	sld [smem:$0x3FDB];
	_ =	sdelay $0x1  }
0xa1: {  	s8 =	simm.s32 $_scs_section_size  }
0xa2: {  	s9 =	simm.s32 $_size__tile_overlayer_lowered;
	s10 =	simm.s32 $_tile_overlayer_lowered  }
0xa3: {  	s22 =	simm.s32 $0x1BFF;
	s21 =	sshll.u32 s10, $0x1;
	s7 =	sadd.s32 s8, s19  }
0xa4: {  	s11 =	simm.s32 $0x0;
	s20 =	sshll.u32 s9, $0x1;
	s9 =	sadd.s32 s21, s7  }
0xa5: {  	[timem:s11], [sflag:s22] =	dma.local [hbm:s9], s20  }
0xa6: {  	_ =	swait.ge [sflag:s22], s20  }
0xa7: {  	s8 =	ssub.s32 $0x0, s20;
	[sflag:s22] =	ssyncset.done $0x0  }
0xa8: {  	[sflag:s22] =	ssyncadd.s32 s8;
	_ =	sdelay $0x1  }
0xa9: {  	s23 =	simm.s32 $0x1B8B  }
0xaa: {  	_ =	swait.ge [sflag:s23], $0x1  }
0xab: {  	[sflag:s23] =	ssyncset.done $0x0  }
0xac: {  	s25 =	simm.s32 $0x1B8E;
	s24 =	sld [smem:$0x3FFE];
	[sflag:s23] =	ssyncadd.s32 $0xFFFFFFFF  }
0xad: {  	s26 =	simm.s32 $execute0_lowered;
	[smem:$0x3FD2] =	sst s25  }
0xae: {  	s9 =	sshll.u32 s26, $0x1;
	_ =	strace $0x80000046;
	[dreg:$0x1] =	wrdreg $0xFFFFFFFF  }
0xaf: {  	s28 =	simm.s32 $_size_execute0_lowered;
	s7 =	sadd.s32 s7, s9;
	[dreg:$0x0] =	wrdreg $0x0  }
0xb0: {  	s9 =	sshll.u32 s28, $0x1;
	[dreg:$0x2] =	wrdreg s7  }
0xb1: {  	[dreg:$0x3] =	wrdreg s9  }
0xb2: {  	[dreg:$0x4] =	wrdreg $0xC0  }
0xb3: {  	_ =	task [dreg:s11], $0x5FFFF  }
0xb4: {  	[dreg:$0x1] =	wrdreg $0xFFFFFFFF  }
0xb5: {  	[dreg:$0x0] =	wrdreg $0x60  }
0xb6: {  	[dreg:$0x2] =	wrdreg s18  }
0xb7: {  	[dreg:$0x3] =	wrdreg s6  }
0xb8: {  	[dreg:$0x4] =	wrdreg s16  }
0xb9: {  	[dreg:$0x5] =	wrdreg s24  }
0xba: {  	[dreg:$0x6] =	wrdreg s17  }
0xbb: {  	[dreg:$0x7] =	wrdreg s5  }
0xbc: {  	[dreg:$0x8] =	wrdreg $0x9  }
0xbd: {  	_ =	task.clear_ibuf [dreg:s11], $0x9FFFF;
	_ =	strace $0x90000046  }
0xbe: {  	s29 =	simm.s32 $0x9;
	_ =	strace $0x80000048  }
0xbf: {  	_ =	swait.ge [sflag:s29], $0x1  }
0xc0: {  	[sflag:s29] =	ssyncadd.s32 $0xFFFFFFFF  }
0xc1: {  	_ =	strace $0x90000048  }
0xc2: {  	_ =	sfence  }
0xc3: {  	s30 =	sld [smem:$0x0];
	_ =	sdelay $0x2  }
0xc4: {  	s31 =	sshll.u32 s1, $0xD;
	s1 =	sshrl.u32 s1, $0x2  }
0xc5: {  	s3 =	sand.u32 $0x4000, s31;
	s1 =	sadd.s32 s1, s30  }
0xc6: {  	s0 =	sor.u32 s3, s0;
	s1 =	sshll.u32 s1, $0x11  }
0xc7: {  	s0 =	sor.u32 s1, s0  }
0xc8: {  	s0 =	sadd.s32 $0x8F2B, s0  }
0xc9: {  	[sflag:s0] =	ssyncadd.remote.s32 $0x1  }
0xca: {  	_ =	sfence.sel $0xFFFF  }
0xcb: {  	[dreg:$0x0] =	wrdreg $0xFFFFFFFF;
	(pc) =	sbr.abs _section_cstart, $3  }
0xcc: {  	[dreg:$0x1] =	wrdreg $0xFFFFFFFF  }
0xcd: {  	_ =	task.clear_ibuf [dreg:s11], $0x2FFFF;
	_ =	strace $0x9FFFFFFF  }
0xce: {  	(tm) =	ssettm $0x7FFFFFFF  }
0xcf: {  	_ =	shalt  }
tec
execute0_lowered:
.L_overlay_start_1:
0x0: {  	(tag) =	ssettag $0x1  }
0x1: {  	v0 =	vimm.f32 $1.500000000e+01  }
0x2: {  	vm14 =	vcmask $0x300;
	vm13 =	vcmask $0x704;
	vm12 =	vcmask $0xB08  }
0x3: {  	vm11 =	vcmask $0xF0C;
	vm10 =	vcmask $0x1310;
	vm9 =	vcmask $0x1714  }
0x4: {  	vm8 =	vcmask $0x1B18;
	vm3 =	vcmask $0x1F1C;
	v1 =	vimm.f32 $3.100000000e+01  }
0x5: {  	v2 =	vimm.f32 $4.700000000e+01;
	vm0 =	vcmask $0x2320;
	vm1 =	vcmask $0x2724  }
0x6: {  	vm2 =	vcmask $0x2B28;
	vm4 =	vcmask $0x2F2C;
	vm5 =	vcmask $0x3330  }
0x7: {  	vm6 =	vcmask $0x3734;
	vm7 =	vcmask $0x3B38;
	v5 =	vimm.f32 $7.900000000e+01  }
0x8: {  	v6 =	vimm.f32 $9.500000000e+01;
	v7 =	vimm.f32 $1.110000000e+02;
	v8 =	vimm.f32 $1.270000000e+02  }
0x9: {  	v9 =	vimm.f32 $1.430000000e+02;
	v10 =	vimm.f32 $1.590000000e+02;
	v11 =	vimm.f32 $1.750000000e+02  }
0xa: {  	v12 =	vimm.f32 $1.910000000e+02;
	v0 =	vsel vm14, $0x0, v0;
	v1 =	vsel vm14, $0x41800000, v1  }
0xb: {  	v2 =	vsel vm14, $0x42000000, v2;
	v5 =	vsel vm14, $0x42800000, v5;
	v6 =	vsel vm14, $0x42A00000, v6  }
0xc: {  	v7 =	vsel vm14, $0x42C00000, v7;
	v8 =	vsel vm14, $0x42E00000, v8;
	v9 =	vsel vm14, $0x43000000, v9  }
0xd: {  	v10 =	vsel vm14, $0x43100000, v10;
	v11 =	vsel vm14, $0x43200000, v11;
	v12 =	vsel vm14, $0x43300000, v12  }
0xe: {  	v0 =	vsel vm13, $0x3F800000, v0;
	v1 =	vsel vm13, $0x41880000, v1;
	v2 =	vsel vm13, $0x42040000, v2  }
0xf: {  	v5 =	vsel vm13, $0x42820000, v5;
	v6 =	vsel vm13, $0x42A20000, v6;
	v7 =	vsel vm13, $0x42C20000, v7  }
0x10: {  	v8 =	vsel vm13, $0x42E20000, v8;
	v9 =	vsel vm13, $0x43010000, v9;
	v10 =	vsel vm13, $0x43110000, v10  }
0x11: {  	v11 =	vsel vm13, $0x43210000, v11;
	v12 =	vsel vm13, $0x43310000, v12;
	v0 =	vsel vm12, $0x40000000, v0  }
0x12: {  	v1 =	vsel vm12, $0x41900000, v1;
	v2 =	vsel vm12, $0x42080000, v2;
	v5 =	vsel vm12, $0x42840000, v5  }
0x13: {  	v6 =	vsel vm12, $0x42A40000, v6;
	v7 =	vsel vm12, $0x42C40000, v7;
	v8 =	vsel vm12, $0x42E40000, v8  }
0x14: {  	v9 =	vsel vm12, $0x43020000, v9;
	v10 =	vsel vm12, $0x43120000, v10;
	v11 =	vsel vm12, $0x43220000, v11  }
0x15: {  	v12 =	vsel vm12, $0x43320000, v12;
	v0 =	vsel vm11, $0x40400000, v0;
	v1 =	vsel vm11, $0x41980000, v1  }
0x16: {  	v2 =	vsel vm11, $0x420C0000, v2;
	v5 =	vsel vm11, $0x42860000, v5;
	v6 =	vsel vm11, $0x42A60000, v6  }
0x17: {  	v7 =	vsel vm11, $0x42C60000, v7;
	v8 =	vsel vm11, $0x42E60000, v8;
	v9 =	vsel vm11, $0x43030000, v9  }
0x18: {  	v10 =	vsel vm11, $0x43130000, v10;
	v11 =	vsel vm11, $0x43230000, v11;
	v12 =	vsel vm11, $0x43330000, v12  }
0x19: {  	v0 =	vsel vm10, $0x40800000, v0;
	v1 =	vsel vm10, $0x41A00000, v1;
	v2 =	vsel vm10, $0x42100000, v2  }
0x1a: {  	v5 =	vsel vm10, $0x42880000, v5;
	v6 =	vsel vm10, $0x42A80000, v6;
	v7 =	vsel vm10, $0x42C80000, v7  }
0x1b: {  	v8 =	vsel vm10, $0x42E80000, v8;
	v9 =	vsel vm10, $0x43040000, v9;
	v10 =	vsel vm10, $0x43140000, v10  }
0x1c: {  	v11 =	vsel vm10, $0x43240000, v11;
	v12 =	vsel vm10, $0x43340000, v12;
	v0 =	vsel vm9, $0x40A00000, v0  }
0x1d: {  	v1 =	vsel vm9, $0x41A80000, v1;
	v2 =	vsel vm9, $0x42140000, v2;
	v5 =	vsel vm9, $0x428A0000, v5  }
0x1e: {  	v6 =	vsel vm9, $0x42AA0000, v6;
	v7 =	vsel vm9, $0x42CA0000, v7;
	v8 =	vsel vm9, $0x42EA0000, v8  }
0x1f: {  	v9 =	vsel vm9, $0x43050000, v9;
	v10 =	vsel vm9, $0x43150000, v10;
	v11 =	vsel vm9, $0x43250000, v11  }
0x20: {  	v12 =	vsel vm9, $0x43350000, v12;
	v0 =	vsel vm8, $0x40C00000, v0;
	v1 =	vsel vm8, $0x41B00000, v1  }
0x21: {  	v2 =	vsel vm8, $0x42180000, v2;
	v5 =	vsel vm8, $0x428C0000, v5;
	v6 =	vsel vm8, $0x42AC0000, v6  }
0x22: {  	v7 =	vsel vm8, $0x42CC0000, v7;
	v8 =	vsel vm8, $0x42EC0000, v8;
	v9 =	vsel vm8, $0x43060000, v9  }
0x23: {  	v10 =	vsel vm8, $0x43160000, v10;
	v11 =	vsel vm8, $0x43260000, v11;
	v12 =	vsel vm8, $0x43360000, v12  }
0x24: {  	v0 =	vsel vm3, $0x40E00000, v0;
	v1 =	vsel vm3, $0x41B80000, v1;
	v2 =	vsel vm3, $0x421C0000, v2  }
0x25: {  	v5 =	vsel vm3, $0x428E0000, v5;
	v6 =	vsel vm3, $0x42AE0000, v6;
	v7 =	vsel vm3, $0x42CE0000, v7  }
0x26: {  	v8 =	vsel vm3, $0x42EE0000, v8;
	v9 =	vsel vm3, $0x43070000, v9;
	v10 =	vsel vm3, $0x43170000, v10  }
0x27: {  	v11 =	vsel vm3, $0x43270000, v11;
	v12 =	vsel vm3, $0x43370000, v12;
	v0 =	vsel vm0, $0x41000000, v0  }
0x28: {  	v1 =	vsel vm0, $0x41C00000, v1;
	v2 =	vsel vm0, $0x42200000, v2;
	v5 =	vsel vm0, $0x42900000, v5  }
0x29: {  	v6 =	vsel vm0, $0x42B00000, v6;
	v7 =	vsel vm0, $0x42D00000, v7;
	v8 =	vsel vm0, $0x42F00000, v8  }
0x2a: {  	v9 =	vsel vm0, $0x43080000, v9;
	v10 =	vsel vm0, $0x43180000, v10;
	v11 =	vsel vm0, $0x43280000, v11  }
0x2b: {  	v12 =	vsel vm0, $0x43380000, v12;
	v0 =	vsel vm1, $0x41100000, v0;
	v1 =	vsel vm1, $0x41C80000, v1  }
0x2c: {  	v2 =	vsel vm1, $0x42240000, v2;
	v5 =	vsel vm1, $0x42920000, v5;
	v6 =	vsel vm1, $0x42B20000, v6  }
0x2d: {  	v7 =	vsel vm1, $0x42D20000, v7;
	v8 =	vsel vm1, $0x42F20000, v8;
	v9 =	vsel vm1, $0x43090000, v9  }
0x2e: {  	v10 =	vsel vm1, $0x43190000, v10;
	v11 =	vsel vm1, $0x43290000, v11;
	v12 =	vsel vm1, $0x43390000, v12  }
0x2f: {  	v0 =	vsel vm2, $0x41200000, v0;
	v1 =	vsel vm2, $0x41D00000, v1;
	v2 =	vsel vm2, $0x42280000, v2  }
0x30: {  	v5 =	vsel vm2, $0x42940000, v5;
	v6 =	vsel vm2, $0x42B40000, v6;
	v7 =	vsel vm2, $0x42D40000, v7  }
0x31: {  	v8 =	vsel vm2, $0x42F40000, v8;
	v9 =	vsel vm2, $0x430A0000, v9;
	v10 =	vsel vm2, $0x431A0000, v10  }
0x32: {  	v11 =	vsel vm2, $0x432A0000, v11;
	v12 =	vsel vm2, $0x433A0000, v12;
	v0 =	vsel vm4, $0x41300000, v0  }
0x33: {  	v1 =	vsel vm4, $0x41D80000, v1;
	v2 =	vsel vm4, $0x422C0000, v2;
	v5 =	vsel vm4, $0x42960000, v5  }
0x34: {  	v6 =	vsel vm4, $0x42B60000, v6;
	v7 =	vsel vm4, $0x42D60000, v7;
	v8 =	vsel vm4, $0x42F60000, v8  }
0x35: {  	v9 =	vsel vm4, $0x430B0000, v9;
	v1 =	vsel vm5, $0x41E00000, v1;
	v2 =	vsel vm5, $0x42300000, v2  }
0x36: {  	v10 =	vsel vm4, $0x431B0000, v10;
	v3 =	vsel vm6, $0x41E80000, v1;
	v4 =	vsel vm6, $0x42340000, v2  }
0x37: {  	v2 =	vsel vm7, $0x41F00000, v3;
	v3 =	vsel vm7, $0x42380000, v4;
	v4 =	vimm.f32 $6.300000000e+01  }
0x38: {  	v11 =	vsel vm4, $0x432B0000, v11;
	v12 =	vsel vm4, $0x433B0000, v12;
	v4 =	vsel vm14, $0x42400000, v4  }
0x39: {  	s0 =	rddreg [dreg:$0x0];
	v0 =	vsel vm5, $0x41400000, v0;
	v5 =	vsel vm5, $0x42980000, v5;
	v4 =	vsel vm13, $0x42440000, v4  }
0x3a: {  	s1 =	rddreg [dreg:$0x2];
	v6 =	vsel vm5, $0x42B80000, v6;
	v7 =	vsel vm5, $0x42D80000, v7;
	v4 =	vsel vm12, $0x42480000, v4  }
0x3b: {  	s2 =	rddreg [dreg:$0x3];
	v8 =	vsel vm5, $0x42F80000, v8;
	v9 =	vsel vm5, $0x430C0000, v9;
	v4 =	vsel vm11, $0x424C0000, v4  }
0x3c: {  	s3 =	rddreg [dreg:$0x4];
	v10 =	vsel vm5, $0x431C0000, v10;
	v11 =	vsel vm5, $0x432C0000, v11;
	v4 =	vsel vm10, $0x42500000, v4  }
0x3d: {  	s5 =	rddreg [dreg:$0x5];
	s4 =	srdreg.scid;
	v12 =	vsel vm5, $0x433C0000, v12;
	v0 =	vsel vm6, $0x41500000, v0;
	v4 =	vsel vm9, $0x42540000, v4  }
0x3e: {  	s7 =	simm.s32 $0x0;
	s6 =	stileid.u32;
	s17 =	simm.s32 $0x16800;
	v1 =	vimm.f32 $0.0e+00;
	v5 =	vsel vm6, $0x429A0000, v5;
	v4 =	vsel vm8, $0x42580000, v4  }
0x3f: {  	s18 =	simm.s32 $0x1C800;
	s19 =	simm.s32 $0x1E000;
	s20 =	simm.s32 $0x4;
	v6 =	vsel vm6, $0x42BA0000, v6;
	v7 =	vsel vm6, $0x42DA0000, v7;
	v4 =	vsel vm3, $0x425C0000, v4  }
0x40: {  	s21 =	simm.s32 $0x13800;
	s22 =	simm.s32 $0x19800;
	s4 =	sand.u32 $0x1, s4;
	v8 =	vsel vm6, $0x42FA0000, v8;
	v9 =	vsel vm6, $0x430D0000, v9;
	v4 =	vsel vm0, $0x42600000, v4  }
0x41: {  	s23 =	simm.s32 $0x1D400;
	s6 =	sshll.u32 s6, $0x6;
	s8 =	sshll.u32 s4, $0x5;
	v10 =	vsel vm6, $0x431D0000, v10;
	v11 =	vsel vm6, $0x432D0000, v11;
	v4 =	vsel vm1, $0x42640000, v4  }
0x42: {  	s24 =	simm.s32 $0x1EC00;
	s4 =	ssub.s32 $0x2, s4;
	s8 =	sor.u32 s8, s6;
	v12 =	vsel vm6, $0x433D0000, v12;
	v0 =	vsel vm7, $0x41600000, v0;
	v4 =	vsel vm2, $0x42680000, v4  }
0x43: {  	[smem:$0x7FF] =	sst s7;
	s30 =	sshrl.u32 s4, $0x1;
	s10 =	sshll.u32 s8, $0x7;
	v5 =	vsel vm7, $0x429C0000, v5;
	v6 =	vsel vm7, $0x42BC0000, v6;
	v4 =	vsel vm4, $0x426C0000, v4  }
0x44: {  	s9 =	sadd.s32 $0x80, s0;
	s4 =	ssub.s32 s4, s30;
	s0 =	sadd.s32 s0, s10;
	v7 =	vsel vm7, $0x42DC0000, v7;
	v8 =	vsel vm7, $0x42FC0000, v8;
	v4 =	vsel vm5, $0x42700000, v4  }
0x45: {  	_ =	strace $0x80000047;
	s31 =	smax.u32 s4, $0x1;
	[dreg:$0x7] =	wrdreg s0;
	v9 =	vsel vm7, $0x430E0000, v9;
	v10 =	vsel vm7, $0x431E0000, v10;
	v4 =	vsel vm6, $0x42740000, v4  }
0x46: {  	s6 =	simm.s32 $0x0;
	s11 =	sadd.s32 s10, s9;
	[dreg:$0x8] =	wrdreg s31;
	v11 =	vsel vm7, $0x432E0000, v11;
	v12 =	vsel vm7, $0x433E0000, v12;
	v4 =	vsel vm7, $0x42780000, v4  }
.LBB2_1:
0x47: {  	[dreg:$0x9] =	wrdreg s6  }
0x48: {  	s0 =	rddreg [dreg:$0x1];
	s4 =	simm.s32 $0x5  }
0x49: {  	[tilespmem:s7], [sflag:$0x5] =	stream.linear.gather [hbm4b:s0+s7], $0x10000, $0x38;
	[tilespmem:$0x1F800] =	vst v63  }
0x4a: {  	_ =	swait.ge [sflag:s4], $0x10000  }
0x4b: {  	[sflag:s4] =	ssyncset.done $0x0  }
0x4c: {  	s31 =	simm.s32 $0x10000;
	s30 =	rddreg [dreg:$0x7];
	[sflag:s4] =	ssyncadd.s32 $0xFFFF0000  }
0x4d: {  	[tilespmem:s31], [sflag:$0x5] =	stream.linear.gather [hbm4b:s30+s7], $0x400, $0x38;
	[tilespmem:$0x1F800] =	vst v63  }
0x4e: {  	_ =	swait.ge [sflag:s4], $0x400  }
0x4f: {  	[sflag:s4] =	ssyncset.done $0x0  }
0x50: {  	s28 =	simm.s32 $0x0;
	[sflag:s4] =	ssyncadd.s32 $0xFFFFFC00  }
.LBB2_2:
0x51: {  	p0 =	seq.s32 s28, $0x0  }
0x52: {  	s0 =	simm.s32 @p0 $0x0;
	s4 =	simm.s32 @p0 $0x10400  }
0x53: {  	[tilespmem:s4], [sflag:$0x4] =	stream.linear.gather @p0 [hbm4b:s11+s0], $0x400, $0x38;
	[tilespmem:$0x1F800] =	vst v63  }
0x54: {  	s0 =	simm.s32 @!p0 $0x1  }
0x55: {  	_ =	swait.ge @!p0 [sflag:s0], $0x3000  }
0x56: {  	[sflag:s0] =	ssyncset.done @!p0 $0x0  }
0x57: {  	[sflag:s0] =	ssyncadd.s32 @!p0 $0xFFFFD000  }
0x58: {  	_ =	swait.ge @!p0 [sflag:s0], $0x3000  }
0x59: {  	[sflag:s0] =	ssyncset.done @!p0 $0x0  }
0x5a: {  	[sflag:s0] =	ssyncadd.s32 @!p0 $0xFFFFD000  }
0x5b: {  	_ =	swait.ge @!p0 [sflag:s0], $0xC00  }
0x5c: {  	[sflag:s0] =	ssyncset.done @!p0 $0x0  }
0x5d: {  	[sflag:s0] =	ssyncadd.s32 @!p0 $0xFFFFF400  }
0x5e: {  	s29 =	sshll.u32 s28, $0x1;
	_ =	swait.ge @!p0 [sflag:s0], $0xC00  }
0x5f: {  	s30 =	sor.u32 s8, s29;
	[sflag:s0] =	ssyncset.done @!p0 $0x0  }
0x60: {  	[sflag:s0] =	ssyncadd.s32 @!p0 $0xFFFFF400;
	s0 =	sshll.u32 @!p0 s30, $0x7  }
0x61: {  	s6 =	simm.s32 @!p0 $0x10400;
	s4 =	simm.s32 @!p0 $0x0;
	s0 =	sadd.s32 @!p0 s0, s9  }
0x62: {  	[tilespmem:s6], [sflag:$0x4] =	stream.linear.gather @!p0 [hbm4b:s0+s4], $0x400, $0x38;
	[tilespmem:$0x1F800] =	vst v63  }
0x63: {  	s0 =	simm.s32 @!p0 $0x3  }
0x64: {  	_ =	swait.ge @!p0 [sflag:s0], $0x400  }
0x65: {  	[sflag:s0] =	ssyncset.done @!p0 $0x0  }
0x66: {  	[sflag:s0] =	ssyncadd.s32 @!p0 $0xFFFFFC00  }
0x67: {  	v13 =	vld [tilespmem:$0x10000]  }
0x68: {  	v14 =	vld [tilespmem:$0x10080]  }
0x69: {  	v15 =	vld [tilespmem:$0x10100]  }
0x6a: {  	v16 =	vld [tilespmem:$0x10180]  }
0x6b: {  	v19 =	vld [tilespmem:$0x10300]  }
0x6c: {  	s31 =	simm.s32 $0x0;
	v17 =	vld [tilespmem:$0x10200]  }
0x6d: {  	p1 =	por $0x0, $0x0;
	p2 =	por $0x1, $0x1;
	s14 =	simm.s32 $0x0;
	v18 =	vld [tilespmem:$0x10280]  }
0x6e: {  	s4 =	simm.s32 $0xB0;
	s6 =	simm.s32 $0x0;
	s0 =	simm.s32 $0x0;
	v20 =	vld [tilespmem:$0x10380]  }
.LBB2_3:
0x6f: {  	v27 =	vmov s14  }
0x70: {  	v28 =	vperm.xlane v19, v27;
	_ =	sdelay $0x1  }
0x71: {  	v29 =	vadd.f32 v0, v28;
	_ =	sdelay $0x1  }
0x72: {  	v30 =	vadd.f32 $1.000000000e+00, v29;
	_ =	sdelay $0x1  }
0x73: {  	v23 =	vadd.f32 v30, v29  }
0x74: {  	v24 =	vperm.xlane v13, v27;
	v22 =	vperm.xlane v16, v27  }
0x75: {  	v21 =	vperm.xlane v17, v27;
	v31 =	vmul.f32 $5.000000000e-01, v23  }
0x76: {  	v25 =	vperm.xlane v14, v27;
	v23 =	vperm.xlane v18, v27  }
0x77: {  	v32 =	vmul.f32 v31, v22;
	v33 =	vmul.f32 v31, v21  }
0x78: {  	v26 =	vperm.xlane v15, v27;
	v31 =	vmul.f32 v31, v23  }
0x79: {  	v32 =	vadd.f32 v32, v24;
	v33 =	vadd.f32 v33, v25  }
0x7a: {  	v31 =	vadd.f32 v31, v26  }
0x7b: {  	v32 =	vadd.f32 $6.400000000e+01, v32;
	v33 =	vadd.f32 $6.400000000e+01, v33  }
0x7c: {  	v31 =	vadd.f32 $6.400000000e+01, v31  }
0x7d: {  	v32 =	vmax.f32 v32, $0.0e+00;
	v33 =	vmax.f32 v33, $0.0e+00  }
0x7e: {  	v31 =	vmax.f32 v31, $0.0e+00;
	v32 =	vmin.f32 v32, $1.270000000e+02;
	v33 =	vmin.f32 v33, $1.270000000e+02  }
0x7f: {  	v31 =	vmin.f32 v31, $1.270000000e+02;
	v32 =	vtrunc.f32 v32;
	v33 =	vtrunc.f32 v33  }
0x80: {  	v31 =	vtrunc.f32 v31;
	v33 =	vcvt.f32.s32 v33  }
0x81: {  	v42 =	vadd.f32 v2, v28;
	v32 =	vcvt.f32.s32 v32;
	v31 =	vcvt.f32.s32 v31  }
0x82: {  	v33 =	vshll.u32 v33, $0x7  }
0x83: {  	v34 =	vadd.f32 $1.000000000e+00, v42;
	v32 =	vshll.u32 v32, $0xE;
	v33 =	vadd.s32 v31, v33  }
0x84: {  	v32 =	vadd.s32 v32, v33  }
0x85: {  	v35 =	vadd.f32 v34, v42;
	v32 =	vshrl.u32 v32, $0x5;
	_ =	sdelay $0x1  }
0x86: {  	v35 =	vmul.f32 $5.000000000e-01, v35;
	_ =	sdelay $0x1  }
0x87: {  	v36 =	vmul.f32 v35, v21  }
0x88: {  	v32 =	vld.idx.msk [tilespmem:v32+s7+$0x0], $0xffff  }
0x89: {  	v45 =	vadd.f32 v36, v25  }
0x8a: {  	v27 =	vperm.xlane v20, v27  }
0x8b: {  	v43 =	vmul.f32 v35, v22;
	v44 =	vmul.f32 v35, v23;
	v35 =	vadd.f32 $6.400000000e+01, v45  }
0x8c: {  	v31 =	vand.u32 $0x1F, v31  }
0x8d: {  	vm0 =	vgt.f32 v27, v28;
	v35 =	vmax.f32 v35, $0.0e+00;
	v31 =	vshrl.u32 v32, v31  }
0x8e: {  	v27 =	vnsel vm0, $0xFF61B1E6, v27;
	v35 =	vmin.f32 v35, $1.270000000e+02;
	v31 =	vand.u32 $0x1, v31  }
0x8f: {  	v32 =	vadd.f32 v43, v24;
	vm5 =	veq.s32 v31, $0x1;
	v31 =	vadd.f32 v44, v26  }
0x90: {  	vm1 =	vle.f32 v30, v27;
	v35 =	vtrunc.f32 v35  }
0x91: {  	v32 =	vadd.f32 $6.400000000e+01, v32;
	vm0 =	vmand vm1, vm5;
	v31 =	vadd.f32 $6.400000000e+01, v31  }
0x92: {  	v35 =	vcvt.f32.s32 v35;
	v46 =	vsel vm0, $0x3F800000, v1  }
0x93: {  	v32 =	vmax.f32 v32, $0.0e+00;
	v29 =	vmul.f32 v46, v29;
	v31 =	vmax.f32 v31, $0.0e+00  }
0x94: {  	v30 =	vmul.f32 v46, v30;
	v32 =	vmin.f32 v32, $1.270000000e+02;
	v31 =	vmin.f32 v31, $1.270000000e+02  }
0x95: {  	v53 =	vadd.f32 v3, v28;
	v32 =	vtrunc.f32 v32;
	v31 =	vtrunc.f32 v31  }
0x96: {  	s13 =	simm.s32 $0x1;
	s12 =	sadd.s32 $0xFFFFFF50, s4;
	s10 =	sshra.s32 s0, $0x2;
	v32 =	vcvt.f32.s32 v32;
	v31 =	vcvt.f32.s32 v31  }
0x97: {  	s15 =	sand.u32 $0x3E00, s0;
	s13 =	simm.s32 @!p1 $0x0;
	s12 =	sand.u32 $0x40, s12;
	v54 =	vadd.f32 $1.000000000e+00, v53;
	v35 =	vshll.u32 v35, $0x7;
	v47 =	vmul.f32 v46, v24;
	[tilespmem:s10+$0x1C800] =	vst v29  }
0x98: {  	s13 =	sshll.u32 s13, $0x6;
	s25 =	sor.u32 s12, s15;
	v48 =	vmul.f32 v46, v25;
	[tilespmem:s10+$0x1E000] =	vst v30;
	v32 =	vshll.u32 v32, $0xE;
	v35 =	vadd.s32 v31, v35  }
0x99: {  	s13 =	sadd.s32 s13, s0;
	v49 =	vmul.f32 v46, v26;
	[tilespmem:s25+$0x10800] =	vst v47;
	v32 =	vadd.s32 v32, v35  }
0x9a: {  	s26 =	sor.u32 $0x100, s13;
	v55 =	vadd.f32 v54, v53;
	v50 =	vmul.f32 v46, v22;
	[tilespmem:s25+$0x10880] =	vst v48;
	v32 =	vshrl.u32 v32, $0x5  }
0x9b: {  	v51 =	vmul.f32 v46, v21;
	[tilespmem:s26+$0x10800] =	vst v49  }
0x9c: {  	v52 =	vmul.f32 v46, v23;
	[tilespmem:s25+$0x16800] =	vst v50;
	v35 =	vmul.f32 $5.000000000e-01, v55  }
0x9d: {  	[tilespmem:s25+$0x16880] =	vst v51  }
0x9e: {  	[tilespmem:s26+$0x16800] =	vst v52;
	v57 =	vmul.f32 v35, v21  }
0x9f: {  	v30 =	vld.idx.msk [tilespmem:v32+s7+$0x0], $0xffff  }
0xa0: {  	v59 =	vadd.f32 v57, v25;
	_ =	sdelay $0x1  }
0xa1: {  	v56 =	vmul.f32 v35, v22;
	v58 =	vmul.f32 v35, v23;
	v35 =	vadd.f32 $6.400000000e+01, v59  }
0xa2: {  	v31 =	vand.u32 $0x1F, v31  }
0xa3: {  	v35 =	vmax.f32 v35, $0.0e+00;
	v30 =	vshrl.u32 v30, v31  }
0xa4: {  	v35 =	vmin.f32 v35, $1.270000000e+02;
	v30 =	vand.u32 $0x1, v30  }
0xa5: {  	v31 =	vadd.f32 v56, v24;
	vm6 =	veq.s32 v30, $0x1;
	v30 =	vadd.f32 v58, v26  }
0xa6: {  	vm7 =	vle.f32 v34, v27;
	v35 =	vtrunc.f32 v35  }
0xa7: {  	v31 =	vadd.f32 $6.400000000e+01, v31;
	vm0 =	vmand vm7, vm6;
	v30 =	vadd.f32 $6.400000000e+01, v30  }
0xa8: {  	v35 =	vcvt.f32.s32 v35;
	v60 =	vsel vm0, $0x3F800000, v1  }
0xa9: {  	v31 =	vmax.f32 v31, $0.0e+00;
	v33 =	vmul.f32 v60, v42;
	v30 =	vmax.f32 v30, $0.0e+00  }
0xaa: {  	v34 =	vmul.f32 v60, v34;
	v31 =	vmin.f32 v31, $1.270000000e+02;
	v30 =	vmin.f32 v30, $1.270000000e+02  }
0xab: {  	v40 =	vadd.f32 v4, v28;
	v31 =	vtrunc.f32 v31;
	v30 =	vtrunc.f32 v30  }
0xac: {  	s16 =	sadd.s32 $0xFFFFFF60, s4;
	s26 =	sand.u32 $0x7, s6;
	v31 =	vcvt.f32.s32 v31;
	v30 =	vcvt.f32.s32 v30  }
0xad: {  	v41 =	vadd.f32 $1.000000000e+00, v40;
	s25 =	sshll.u32 s26, $0x4;
	s26 =	sand.u32 $0x50, s16;
	v35 =	vshll.u32 v35, $0x7;
	v61 =	vmul.f32 v60, v24;
	[tilespmem:s10+$0x1C810] =	vst v33  }
0xae: {  	s26 =	sor.u32 s15, s26;
	s25 =	sadd.s32 s25, s0;
	v62 =	vmul.f32 v60, v25;
	[tilespmem:s10+$0x1E010] =	vst v34;
	v31 =	vshll.u32 v31, $0xE;
	v35 =	vadd.s32 v30, v35  }
0xaf: {  	s16 =	sadd.s32 $0x10, s25;
	v63 =	vmul.f32 v60, v26;
	[tilespmem:s26+$0x10800] =	vst v61;
	v31 =	vadd.s32 v31, v35  }
0xb0: {  	s16 =	sor.u32 $0x100, s16;
	v37 =	vmul.f32 v60, v22;
	v42 =	vadd.f32 v41, v40;
	[tilespmem:s26+$0x10880] =	vst v62;
	v31 =	vshrl.u32 v31, $0x5  }
0xb1: {  	v38 =	vmul.f32 v60, v21;
	[tilespmem:s16+$0x10800] =	vst v63  }
0xb2: {  	v39 =	vmul.f32 v60, v23;
	[tilespmem:s26+$0x16800] =	vst v37;
	v35 =	vmul.f32 $5.000000000e-01, v42  }
0xb3: {  	[tilespmem:s26+$0x16880] =	vst v38  }
0xb4: {  	[tilespmem:s16+$0x16800] =	vst v39;
	v44 =	vmul.f32 v35, v21  }
0xb5: {  	v31 =	vld.idx.msk [tilespmem:v31+s7+$0x0], $0xffff  }
0xb6: {  	v46 =	vadd.f32 v44, v25;
	_ =	sdelay $0x1  }
0xb7: {  	v43 =	vmul.f32 v35, v22;
	v45 =	vmul.f32 v35, v23;
	v35 =	vadd.f32 $6.400000000e+01, v46  }
0xb8: {  	v30 =	vand.u32 $0x1F, v30  }
0xb9: {  	v35 =	vmax.f32 v35, $0.0e+00;
	v30 =	vshrl.u32 v31, v30  }
0xba: {  	v35 =	vmin.f32 v35, $1.270000000e+02;
	v30 =	vand.u32 $0x1, v30  }
0xbb: {  	v31 =	vadd.f32 v43, v24;
	vm8 =	veq.s32 v30, $0x1;
	v30 =	vadd.f32 v45, v26  }
0xbc: {  	vm9 =	vle.f32 v54, v27;
	v35 =	vtrunc.f32 v35  }
0xbd: {  	v31 =	vadd.f32 $6.400000000e+01, v31;
	vm0 =	vmand vm9, vm8;
	v30 =	vadd.f32 $6.400000000e+01, v30  }
0xbe: {  	v35 =	vcvt.f32.s32 v35;
	v47 =	vsel vm0, $0x3F800000, v1  }
0xbf: {  	v31 =	vmax.f32 v31, $0.0e+00;
	v29 =	vmul.f32 v47, v53;
	v30 =	vmax.f32 v30, $0.0e+00  }
0xc0: {  	v32 =	vmul.f32 v47, v54;
	v31 =	vmin.f32 v31, $1.270000000e+02;
	v30 =	vmin.f32 v30, $1.270000000e+02  }
0xc1: {  	v31 =	vtrunc.f32 v31;
	v30 =	vtrunc.f32 v30  }
0xc2: {  	s26 =	sadd.s32 $0xFFFFFF70, s4;
	s16 =	sand.u32 $0x3, s31;
	v54 =	vadd.f32 v5, v28;
	v31 =	vcvt.f32.s32 v31;
	v30 =	vcvt.f32.s32 v30  }
0xc3: {  	s26 =	sand.u32 $0x60, s26;
	s16 =	sshll.u32 s16, $0x5;
	v35 =	vshll.u32 v35, $0x7;
	v48 =	vmul.f32 v47, v24;
	v49 =	vmul.f32 v47, v25;
	[tilespmem:s10+$0x1C820] =	vst v29  }
0xc4: {  	s26 =	sor.u32 s15, s26;
	s16 =	sadd.s32 s0, s16;
	[tilespmem:s10+$0x1E020] =	vst v32;
	v55 =	vadd.f32 $1.000000000e+00, v54;
	v31 =	vshll.u32 v31, $0xE;
	v35 =	vadd.s32 v30, v35  }
0xc5: {  	s16 =	sadd.s32 $0x20, s16;
	v50 =	vmul.f32 v47, v26;
	[tilespmem:s26+$0x10800] =	vst v48;
	v31 =	vadd.s32 v31, v35  }
0xc6: {  	s16 =	sor.u32 $0x100, s16;
	v51 =	vmul.f32 v47, v22;
	[tilespmem:s26+$0x10880] =	vst v49;
	v56 =	vadd.f32 v55, v54;
	v31 =	vshrl.u32 v31, $0x5  }
0xc7: {  	v52 =	vmul.f32 v47, v21;
	[tilespmem:s16+$0x10800] =	vst v50  }
0xc8: {  	v53 =	vmul.f32 v47, v23;
	[tilespmem:s26+$0x16800] =	vst v51;
	v35 =	vmul.f32 $5.000000000e-01, v56  }
0xc9: {  	[tilespmem:s26+$0x16880] =	vst v52  }
0xca: {  	[tilespmem:s16+$0x16800] =	vst v53;
	v58 =	vmul.f32 v35, v21  }
0xcb: {  	v31 =	vld.idx.msk [tilespmem:v31+s7+$0x0], $0xffff  }
0xcc: {  	v60 =	vadd.f32 v58, v25;
	_ =	sdelay $0x1  }
0xcd: {  	v57 =	vmul.f32 v35, v22;
	v59 =	vmul.f32 v35, v23;
	v35 =	vadd.f32 $6.400000000e+01, v60  }
0xce: {  	v30 =	vand.u32 $0x1F, v30  }
0xcf: {  	v35 =	vmax.f32 v35, $0.0e+00;
	v30 =	vshrl.u32 v31, v30  }
0xd0: {  	v35 =	vmin.f32 v35, $1.270000000e+02;
	v30 =	vand.u32 $0x1, v30  }
0xd1: {  	v31 =	vadd.f32 v57, v24;
	vm10 =	veq.s32 v30, $0x1;
	v30 =	vadd.f32 v59, v26  }
0xd2: {  	vm11 =	vle.f32 v41, v27;
	v35 =	vtrunc.f32 v35  }
0xd3: {  	v31 =	vadd.f32 $6.400000000e+01, v31;
	vm0 =	vmand vm11, vm10;
	v30 =	vadd.f32 $6.400000000e+01, v30  }
0xd4: {  	v35 =	vcvt.f32.s32 v35;
	v61 =	vsel vm0, $0x3F800000, v1  }
0xd5: {  	v31 =	vmax.f32 v31, $0.0e+00;
	v33 =	vmul.f32 v61, v40;
	v30 =	vmax.f32 v30, $0.0e+00  }
0xd6: {  	v34 =	vmul.f32 v61, v41;
	v31 =	vmin.f32 v31, $1.270000000e+02;
	v30 =	vmin.f32 v30, $1.270000000e+02  }
0xd7: {  	v31 =	vtrunc.f32 v31;
	v30 =	vtrunc.f32 v30  }
0xd8: {  	s26 =	sadd.s32 $0xFFFFFF80, s4;
	v41 =	vadd.f32 v6, v28;
	v31 =	vcvt.f32.s32 v31;
	v30 =	vcvt.f32.s32 v30  }
0xd9: {  	s16 =	sand.u32 $0x70, s26;
	v35 =	vshll.u32 v35, $0x7;
	v62 =	vmul.f32 v61, v24;
	v63 =	vmul.f32 v61, v25;
	[tilespmem:s10+$0x1C830] =	vst v33  }
0xda: {  	s15 =	sor.u32 s15, s16;
	[tilespmem:s10+$0x1E030] =	vst v34;
	v42 =	vadd.f32 $1.000000000e+00, v41;
	v31 =	vshll.u32 v31, $0xE;
	v35 =	vadd.s32 v30, v35  }
0xdb: {  	s26 =	sadd.s32 $0x30, s25;
	v37 =	vmul.f32 v61, v26;
	[tilespmem:s15+$0x10800] =	vst v62;
	v31 =	vadd.s32 v31, v35  }
0xdc: {  	s16 =	sor.u32 $0x100, s26;
	v38 =	vmul.f32 v61, v22;
	[tilespmem:s15+$0x10880] =	vst v63;
	v43 =	vadd.f32 v42, v41;
	v31 =	vshrl.u32 v31, $0x5  }
0xdd: {  	v39 =	vmul.f32 v61, v21;
	[tilespmem:s16+$0x10800] =	vst v37  }
0xde: {  	v40 =	vmul.f32 v61, v23;
	[tilespmem:s15+$0x16800] =	vst v38;
	v35 =	vmul.f32 $5.000000000e-01, v43  }
0xdf: {  	[tilespmem:s15+$0x16880] =	vst v39  }
0xe0: {  	[tilespmem:s16+$0x16800] =	vst v40;
	v45 =	vmul.f32 v35, v21  }
0xe1: {  	v31 =	vld.idx.msk [tilespmem:v31+s7+$0x0], $0xffff  }
0xe2: {  	v47 =	vadd.f32 v45, v25;
	_ =	sdelay $0x1  }
0xe3: {  	v44 =	vmul.f32 v35, v22;
	v46 =	vmul.f32 v35, v23;
	v35 =	vadd.f32 $6.400000000e+01, v47  }
0xe4: {  	v30 =	vand.u32 $0x1F, v30  }
0xe5: {  	v35 =	vmax.f32 v35, $0.0e+00;
	v30 =	vshrl.u32 v31, v30  }
0xe6: {  	v35 =	vmin.f32 v35, $1.270000000e+02;
	v30 =	vand.u32 $0x1, v30  }
0xe7: {  	v31 =	vadd.f32 v44, v24;
	vm12 =	veq.s32 v30, $0x1;
	v30 =	vadd.f32 v46, v26  }
0xe8: {  	vm13 =	vle.f32 v55, v27;
	v35 =	vtrunc.f32 v35  }
0xe9: {  	v31 =	vadd.f32 $6.400000000e+01, v31;
	vm0 =	vmand vm13, vm12;
	v30 =	vadd.f32 $6.400000000e+01, v30  }
0xea: {  	v35 =	vcvt.f32.s32 v35;
	v48 =	vsel vm0, $0x3F800000, v1  }
0xeb: {  	v31 =	vmax.f32 v31, $0.0e+00;
	v29 =	vmul.f32 v48, v54;
	v30 =	vmax.f32 v30, $0.0e+00  }
0xec: {  	v32 =	vmul.f32 v48, v55;
	v31 =	vmin.f32 v31, $1.270000000e+02;
	v30 =	vmin.f32 v30, $1.270000000e+02  }
0xed: {  	v31 =	vtrunc.f32 v31;
	v30 =	vtrunc.f32 v30  }
0xee: {  	s25 =	sadd.s32 $0x100, s0;
	s15 =	simm.s32 $0x1;
	s16 =	sadd.s32 $0xFFFFFF90, s4;
	v55 =	vadd.f32 v7, v28;
	v31 =	vcvt.f32.s32 v31;
	v30 =	vcvt.f32.s32 v30  }
0xef: {  	s26 =	sand.u32 $0x7E00, s25;
	s15 =	simm.s32 @!p2 $0x0;
	s16 =	sand.u32 $0x40, s16;
	v35 =	vshll.u32 v35, $0x7;
	v49 =	vmul.f32 v48, v24;
	v50 =	vmul.f32 v48, v25;
	[tilespmem:s10+$0x1C840] =	vst v29  }
0xf0: {  	s15 =	sshll.u32 s15, $0x6;
	s16 =	sor.u32 s16, s26;
	[tilespmem:s10+$0x1E040] =	vst v32;
	v56 =	vadd.f32 $1.000000000e+00, v55;
	v31 =	vshll.u32 v31, $0xE;
	v35 =	vadd.s32 v30, v35  }
0xf1: {  	s15 =	sadd.s32 s15, s25;
	v51 =	vmul.f32 v48, v26;
	[tilespmem:s16+$0x10800] =	vst v49;
	v31 =	vadd.s32 v31, v35  }
0xf2: {  	s15 =	sor.u32 $0x100, s15;
	v52 =	vmul.f32 v48, v22;
	[tilespmem:s16+$0x10880] =	vst v50;
	v57 =	vadd.f32 v56, v55;
	v31 =	vshrl.u32 v31, $0x5  }
0xf3: {  	v53 =	vmul.f32 v48, v21;
	[tilespmem:s15+$0x10800] =	vst v51  }
0xf4: {  	v54 =	vmul.f32 v48, v23;
	[tilespmem:s16+$0x16800] =	vst v52;
	v35 =	vmul.f32 $5.000000000e-01, v57  }
0xf5: {  	[tilespmem:s16+$0x16880] =	vst v53  }
0xf6: {  	[tilespmem:s15+$0x16800] =	vst v54;
	v59 =	vmul.f32 v35, v21  }
0xf7: {  	v31 =	vld.idx.msk [tilespmem:v31+s7+$0x0], $0xffff  }
0xf8: {  	v61 =	vadd.f32 v59, v25;
	_ =	sdelay $0x1  }
0xf9: {  	v58 =	vmul.f32 v35, v22;
	v60 =	vmul.f32 v35, v23;
	v35 =	vadd.f32 $6.400000000e+01, v61  }
0xfa: {  	v30 =	vand.u32 $0x1F, v30  }
0xfb: {  	v35 =	vmax.f32 v35, $0.0e+00;
	v30 =	vshrl.u32 v31, v30  }
0xfc: {  	v35 =	vmin.f32 v35, $1.270000000e+02;
	v30 =	vand.u32 $0x1, v30  }
0xfd: {  	v31 =	vadd.f32 v58, v24;
	vm14 =	veq.s32 v30, $0x1;
	v30 =	vadd.f32 v60, v26  }
0xfe: {  	vm15 =	vle.f32 v42, v27;
	v35 =	vtrunc.f32 v35  }
0xff: {  	v31 =	vadd.f32 $6.400000000e+01, v31;
	vm0 =	vmand vm15, vm14;
	v30 =	vadd.f32 $6.400000000e+01, v30  }
0x100: {  	v35 =	vcvt.f32.s32 v35;
	v62 =	vsel vm0, $0x3F800000, v1  }
0x101: {  	v31 =	vmax.f32 v31, $0.0e+00;
	v33 =	vmul.f32 v62, v41;
	v30 =	vmax.f32 v30, $0.0e+00  }
0x102: {  	v34 =	vmul.f32 v62, v42;
	v31 =	vmin.f32 v31, $1.270000000e+02;
	v30 =	vmin.f32 v30, $1.270000000e+02  }
0x103: {  	v31 =	vtrunc.f32 v31;
	v30 =	vtrunc.f32 v30  }
0x104: {  	s25 =	sadd.s32 $0xFFFFFFA0, s4;
	s26 =	sadd.s32 $0x140, s0;
	v42 =	vadd.f32 v8, v28;
	v31 =	vcvt.f32.s32 v31;
	v30 =	vcvt.f32.s32 v30  }
0x105: {  	s16 =	sand.u32 $0x7E00, s26;
	s15 =	sand.u32 $0x50, s25;
	v35 =	vshll.u32 v35, $0x7;
	v63 =	vmul.f32 v62, v24;
	v37 =	vmul.f32 v62, v25;
	[tilespmem:s10+$0x1C850] =	vst v33  }
0x106: {  	s15 =	sor.u32 s15, s16;
	[tilespmem:s10+$0x1E050] =	vst v34;
	v43 =	vadd.f32 $1.000000000e+00, v42;
	v31 =	vshll.u32 v31, $0xE;
	v35 =	vadd.s32 v30, v35  }
0x107: {  	v38 =	vmul.f32 v62, v26;
	[tilespmem:s15+$0x10800] =	vst v63;
	v31 =	vadd.s32 v31, v35  }
0x108: {  	v39 =	vmul.f32 v62, v22;
	[tilespmem:s15+$0x10880] =	vst v37;
	v44 =	vadd.f32 v43, v42;
	v31 =	vshrl.u32 v31, $0x5  }
0x109: {  	v40 =	vmul.f32 v62, v21;
	[tilespmem:s15+$0x10900] =	vst v38  }
0x10a: {  	v41 =	vmul.f32 v62, v23;
	[tilespmem:s15+$0x16800] =	vst v39;
	v35 =	vmul.f32 $5.000000000e-01, v44  }
0x10b: {  	[tilespmem:s15+$0x16880] =	vst v40  }
0x10c: {  	[tilespmem:s15+$0x16900] =	vst v41;
	v46 =	vmul.f32 v35, v21  }
0x10d: {  	v31 =	vld.idx.msk [tilespmem:v31+s7+$0x0], $0xffff  }
0x10e: {  	v48 =	vadd.f32 v46, v25;
	_ =	sdelay $0x1  }
0x10f: {  	v45 =	vmul.f32 v35, v22;
	v47 =	vmul.f32 v35, v23;
	v35 =	vadd.f32 $6.400000000e+01, v48  }
0x110: {  	v30 =	vand.u32 $0x1F, v30  }
0x111: {  	v35 =	vmax.f32 v35, $0.0e+00;
	v30 =	vshrl.u32 v31, v30  }
0x112: {  	v35 =	vmin.f32 v35, $1.270000000e+02;
	v30 =	vand.u32 $0x1, v30  }
0x113: {  	v31 =	vadd.f32 v45, v24;
	vm4 =	veq.s32 v30, $0x1;
	v30 =	vadd.f32 v47, v26  }
0x114: {  	vm5 =	vle.f32 v56, v27;
	v35 =	vtrunc.f32 v35  }
0x115: {  	v31 =	vadd.f32 $6.400000000e+01, v31;
	vm0 =	vmand vm5, vm4;
	v30 =	vadd.f32 $6.400000000e+01, v30  }
0x116: {  	v35 =	vcvt.f32.s32 v35;
	v49 =	vsel vm0, $0x3F800000, v1  }
0x117: {  	v31 =	vmax.f32 v31, $0.0e+00;
	v29 =	vmul.f32 v49, v55;
	v30 =	vmax.f32 v30, $0.0e+00  }
0x118: {  	v32 =	vmul.f32 v49, v56;
	v31 =	vmin.f32 v31, $1.270000000e+02;
	v30 =	vmin.f32 v30, $1.270000000e+02  }
0x119: {  	v31 =	vtrunc.f32 v31;
	v30 =	vtrunc.f32 v30  }
0x11a: {  	s26 =	sadd.s32 $0x180, s0;
	s25 =	sadd.s32 $0xFFFFFFB0, s4;
	v56 =	vadd.f32 v9, v28;
	v31 =	vcvt.f32.s32 v31;
	v30 =	vcvt.f32.s32 v30  }
0x11b: {  	s16 =	sand.u32 $0x7E00, s26;
	s15 =	sand.u32 $0x60, s25;
	v35 =	vshll.u32 v35, $0x7;
	v50 =	vmul.f32 v49, v24;
	v51 =	vmul.f32 v49, v25;
	[tilespmem:s10+$0x1C860] =	vst v29  }
0x11c: {  	s15 =	sor.u32 s15, s16;
	[tilespmem:s10+$0x1E060] =	vst v32;
	v57 =	vadd.f32 $1.000000000e+00, v56;
	v31 =	vshll.u32 v31, $0xE;
	v35 =	vadd.s32 v30, v35  }
0x11d: {  	v52 =	vmul.f32 v49, v26;
	[tilespmem:s15+$0x10800] =	vst v50;
	v31 =	vadd.s32 v31, v35  }
0x11e: {  	v53 =	vmul.f32 v49, v22;
	[tilespmem:s15+$0x10880] =	vst v51;
	v58 =	vadd.f32 v57, v56;
	v31 =	vshrl.u32 v31, $0x5  }
0x11f: {  	v54 =	vmul.f32 v49, v21;
	[tilespmem:s15+$0x10900] =	vst v52  }
0x120: {  	v55 =	vmul.f32 v49, v23;
	[tilespmem:s15+$0x16800] =	vst v53;
	v35 =	vmul.f32 $5.000000000e-01, v58  }
0x121: {  	[tilespmem:s15+$0x16880] =	vst v54  }
0x122: {  	[tilespmem:s15+$0x16900] =	vst v55;
	v60 =	vmul.f32 v35, v21  }
0x123: {  	v31 =	vld.idx.msk [tilespmem:v31+s7+$0x0], $0xffff  }
0x124: {  	v62 =	vadd.f32 v60, v25;
	_ =	sdelay $0x1  }
0x125: {  	v59 =	vmul.f32 v35, v22;
	v61 =	vmul.f32 v35, v23;
	v35 =	vadd.f32 $6.400000000e+01, v62  }
0x126: {  	v30 =	vand.u32 $0x1F, v30  }
0x127: {  	v35 =	vmax.f32 v35, $0.0e+00;
	v30 =	vshrl.u32 v31, v30  }
0x128: {  	v35 =	vmin.f32 v35, $1.270000000e+02;
	v30 =	vand.u32 $0x1, v30  }
0x129: {  	v31 =	vadd.f32 v59, v24;
	vm6 =	veq.s32 v30, $0x1;
	v30 =	vadd.f32 v61, v26  }
0x12a: {  	vm7 =	vle.f32 v43, v27;
	v35 =	vtrunc.f32 v35  }
0x12b: {  	v31 =	vadd.f32 $6.400000000e+01, v31;
	vm0 =	vmand vm7, vm6;
	v30 =	vadd.f32 $6.400000000e+01, v30  }
0x12c: {  	v35 =	vcvt.f32.s32 v35;
	v63 =	vsel vm0, $0x3F800000, v1  }
0x12d: {  	v31 =	vmax.f32 v31, $0.0e+00;
	v33 =	vmul.f32 v63, v42;
	v30 =	vmax.f32 v30, $0.0e+00  }
0x12e: {  	v34 =	vmul.f32 v63, v43;
	v31 =	vmin.f32 v31, $1.270000000e+02;
	v30 =	vmin.f32 v30, $1.270000000e+02  }
0x12f: {  	v31 =	vtrunc.f32 v31;
	v30 =	vtrunc.f32 v30  }
0x130: {  	s26 =	sadd.s32 $0x1C0, s0;
	s25 =	sadd.s32 $0xFFFFFFC0, s4;
	v43 =	vadd.f32 v10, v28;
	v31 =	vcvt.f32.s32 v31;
	v30 =	vcvt.f32.s32 v30  }
0x131: {  	s16 =	sand.u32 $0x7E00, s26;
	s15 =	sand.u32 $0x70, s25;
	v35 =	vshll.u32 v35, $0x7;
	v37 =	vmul.f32 v63, v24;
	v38 =	vmul.f32 v63, v25;
	[tilespmem:s10+$0x1C870] =	vst v33  }
0x132: {  	s15 =	sor.u32 s15, s16;
	[tilespmem:s10+$0x1E070] =	vst v34;
	v44 =	vadd.f32 $1.000000000e+00, v43;
	v31 =	vshll.u32 v31, $0xE;
	v35 =	vadd.s32 v30, v35  }
0x133: {  	v39 =	vmul.f32 v63, v26;
	[tilespmem:s15+$0x10800] =	vst v37;
	v31 =	vadd.s32 v31, v35  }
0x134: {  	v40 =	vmul.f32 v63, v22;
	[tilespmem:s15+$0x10880] =	vst v38;
	v45 =	vadd.f32 v44, v43;
	v31 =	vshrl.u32 v31, $0x5  }
0x135: {  	v41 =	vmul.f32 v63, v21;
	[tilespmem:s15+$0x10900] =	vst v39  }
0x136: {  	v42 =	vmul.f32 v63, v23;
	[tilespmem:s15+$0x16800] =	vst v40;
	v35 =	vmul.f32 $5.000000000e-01, v45  }
0x137: {  	[tilespmem:s15+$0x16880] =	vst v41  }
0x138: {  	[tilespmem:s15+$0x16900] =	vst v42;
	v47 =	vmul.f32 v35, v21  }
0x139: {  	v31 =	vld.idx.msk [tilespmem:v31+s7+$0x0], $0xffff  }
0x13a: {  	v49 =	vadd.f32 v47, v25;
	_ =	sdelay $0x1  }
0x13b: {  	v46 =	vmul.f32 v35, v22;
	v48 =	vmul.f32 v35, v23;
	v35 =	vadd.f32 $6.400000000e+01, v49  }
0x13c: {  	v30 =	vand.u32 $0x1F, v30  }
0x13d: {  	v35 =	vmax.f32 v35, $0.0e+00;
	v30 =	vshrl.u32 v31, v30  }
0x13e: {  	v35 =	vmin.f32 v35, $1.270000000e+02;
	v30 =	vand.u32 $0x1, v30  }
0x13f: {  	v31 =	vadd.f32 v46, v24;
	vm8 =	veq.s32 v30, $0x1;
	v30 =	vadd.f32 v48, v26  }
0x140: {  	vm9 =	vle.f32 v57, v27;
	v35 =	vtrunc.f32 v35  }
0x141: {  	v31 =	vadd.f32 $6.400000000e+01, v31;
	vm0 =	vmand vm9, vm8;
	v30 =	vadd.f32 $6.400000000e+01, v30  }
0x142: {  	v35 =	vcvt.f32.s32 v35;
	v50 =	vsel vm0, $0x3F800000, v1  }
0x143: {  	v31 =	vmax.f32 v31, $0.0e+00;
	v29 =	vmul.f32 v50, v56;
	v30 =	vmax.f32 v30, $0.0e+00  }
0x144: {  	s25 =	sadd.s32 $0xFFFFFFD0, s4;
	v32 =	vmul.f32 v50, v57;
	v31 =	vmin.f32 v31, $1.270000000e+02;
	v30 =	vmin.f32 v30, $1.270000000e+02  }
0x145: {  	s15 =	sand.u32 $0x1F80, s25;
	v31 =	vtrunc.f32 v31;
	v30 =	vtrunc.f32 v30  }
0x146: {  	s26 =	sadd.s32 $0x200, s0;
	s15 =	sor.u32 s12, s15;
	v57 =	vadd.f32 v11, v28;
	v31 =	vcvt.f32.s32 v31;
	v30 =	vcvt.f32.s32 v30  }
0x147: {  	s16 =	sand.u32 $0x7E00, s26;
	v35 =	vshll.u32 v35, $0x7;
	v51 =	vmul.f32 v50, v24;
	v52 =	vmul.f32 v50, v25;
	[tilespmem:s15+$0x1C800] =	vst v29  }
0x148: {  	s12 =	sor.u32 s12, s16;
	[tilespmem:s15+$0x1E000] =	vst v32;
	v58 =	vadd.f32 $1.000000000e+00, v57;
	v31 =	vshll.u32 v31, $0xE;
	v35 =	vadd.s32 v30, v35  }
0x149: {  	s13 =	sadd.s32 $0x200, s13;
	v53 =	vmul.f32 v50, v26;
	[tilespmem:s12+$0x10800] =	vst v51;
	v31 =	vadd.s32 v31, v35  }
0x14a: {  	s13 =	sor.u32 $0x100, s13;
	v54 =	vmul.f32 v50, v22;
	[tilespmem:s12+$0x10880] =	vst v52;
	v59 =	vadd.f32 v58, v57;
	v31 =	vshrl.u32 v31, $0x5  }
0x14b: {  	v55 =	vmul.f32 v50, v21;
	[tilespmem:s13+$0x10800] =	vst v53  }
0x14c: {  	v56 =	vmul.f32 v50, v23;
	[tilespmem:s12+$0x16800] =	vst v54;
	v35 =	vmul.f32 $5.000000000e-01, v59  }
0x14d: {  	[tilespmem:s12+$0x16880] =	vst v55  }
0x14e: {  	[tilespmem:s13+$0x16800] =	vst v56;
	v61 =	vmul.f32 v35, v21  }
0x14f: {  	v31 =	vld.idx.msk [tilespmem:v31+s7+$0x0], $0xffff  }
0x150: {  	v63 =	vadd.f32 v61, v25;
	_ =	sdelay $0x1  }
0x151: {  	v60 =	vmul.f32 v35, v22;
	v62 =	vmul.f32 v35, v23;
	v35 =	vadd.f32 $6.400000000e+01, v63  }
0x152: {  	v30 =	vand.u32 $0x1F, v30  }
0x153: {  	v35 =	vmax.f32 v35, $0.0e+00;
	v30 =	vshrl.u32 v31, v30  }
0x154: {  	v35 =	vmin.f32 v35, $1.270000000e+02;
	v30 =	vand.u32 $0x1, v30  }
0x155: {  	v31 =	vadd.f32 v60, v24;
	vm10 =	veq.s32 v30, $0x1;
	v30 =	vadd.f32 v62, v26  }
0x156: {  	vm11 =	vle.f32 v44, v27;
	v35 =	vtrunc.f32 v35  }
0x157: {  	v31 =	vadd.f32 $6.400000000e+01, v31;
	vm0 =	vmand vm11, vm10;
	v30 =	vadd.f32 $6.400000000e+01, v30  }
0x158: {  	v35 =	vcvt.f32.s32 v35;
	v40 =	vsel vm0, $0x3F800000, v1  }
0x159: {  	v31 =	vmax.f32 v31, $0.0e+00;
	v33 =	vmul.f32 v40, v43;
	v30 =	vmax.f32 v30, $0.0e+00  }
0x15a: {  	v34 =	vmul.f32 v40, v44;
	v31 =	vmin.f32 v31, $1.270000000e+02;
	v30 =	vmin.f32 v30, $1.270000000e+02  }
0x15b: {  	v28 =	vadd.f32 v12, v28;
	v31 =	vtrunc.f32 v31;
	v30 =	vtrunc.f32 v30  }
0x15c: {  	s25 =	sadd.s32 $0x240, s0;
	s16 =	sadd.s32 $0xFFFFFFE0, s4;
	v31 =	vcvt.f32.s32 v31;
	v30 =	vcvt.f32.s32 v30  }
0x15d: {  	v47 =	vadd.f32 $1.000000000e+00, v28;
	s12 =	sand.u32 $0x50, s16;
	s13 =	sand.u32 $0x7E00, s25;
	v35 =	vshll.u32 v35, $0x7;
	v41 =	vmul.f32 v40, v24;
	[tilespmem:s10+$0x1C890] =	vst v33  }
0x15e: {  	s12 =	sor.u32 s12, s13;
	v42 =	vmul.f32 v40, v25;
	[tilespmem:s10+$0x1E090] =	vst v34;
	v31 =	vshll.u32 v31, $0xE;
	v35 =	vadd.s32 v30, v35  }
0x15f: {  	v43 =	vmul.f32 v40, v26;
	[tilespmem:s12+$0x10800] =	vst v41;
	v31 =	vadd.s32 v31, v35  }
0x160: {  	v48 =	vadd.f32 v47, v28;
	v44 =	vmul.f32 v40, v22;
	[tilespmem:s12+$0x10880] =	vst v42;
	v31 =	vshrl.u32 v31, $0x5  }
0x161: {  	v45 =	vmul.f32 v40, v21;
	[tilespmem:s12+$0x10900] =	vst v43  }
0x162: {  	v46 =	vmul.f32 v40, v23;
	v34 =	vmul.f32 $5.000000000e-01, v48;
	[tilespmem:s12+$0x16800] =	vst v44  }
0x163: {  	[tilespmem:s12+$0x16880] =	vst v45  }
0x164: {  	[tilespmem:s12+$0x16900] =	vst v46;
	v50 =	vmul.f32 v34, v21  }
0x165: {  	v31 =	vld.idx.msk [tilespmem:v31+s7+$0x0], $0xffff  }
0x166: {  	v52 =	vadd.f32 v50, v25;
	_ =	sdelay $0x1  }
0x167: {  	v49 =	vmul.f32 v34, v22;
	v51 =	vmul.f32 v34, v23;
	v34 =	vadd.f32 $6.400000000e+01, v52  }
0x168: {  	v30 =	vand.u32 $0x1F, v30  }
0x169: {  	v34 =	vmax.f32 v34, $0.0e+00;
	v30 =	vshrl.u32 v31, v30  }
0x16a: {  	v34 =	vmin.f32 v34, $1.270000000e+02;
	v30 =	vand.u32 $0x1, v30  }
0x16b: {  	v31 =	vadd.f32 v49, v24;
	vm12 =	veq.s32 v30, $0x1;
	v30 =	vadd.f32 v51, v26  }
0x16c: {  	vm13 =	vle.f32 v58, v27;
	v34 =	vtrunc.f32 v34  }
0x16d: {  	v31 =	vadd.f32 $6.400000000e+01, v31;
	vm0 =	vmand vm13, vm12;
	v30 =	vadd.f32 $6.400000000e+01, v30  }
0x16e: {  	v34 =	vcvt.f32.s32 v34;
	v53 =	vsel vm0, $0x3F800000, v1  }
0x16f: {  	v31 =	vmax.f32 v31, $0.0e+00;
	v29 =	vmul.f32 v53, v57;
	v30 =	vmax.f32 v30, $0.0e+00  }
0x170: {  	v32 =	vmul.f32 v53, v58;
	v31 =	vmin.f32 v31, $1.270000000e+02;
	v30 =	vmin.f32 v30, $1.270000000e+02  }
0x171: {  	v31 =	vtrunc.f32 v31;
	v30 =	vtrunc.f32 v30  }
0x172: {  	s26 =	sadd.s32 $0xFFFFFFF0, s4;
	s15 =	sadd.s32 $0x280, s0;
	v31 =	vcvt.f32.s32 v31;
	v30 =	vcvt.f32.s32 v30  }
0x173: {  	s13 =	sand.u32 $0x7E00, s15;
	s12 =	sand.u32 $0x60, s26;
	v34 =	vshll.u32 v34, $0x7;
	v54 =	vmul.f32 v53, v24;
	[tilespmem:s10+$0x1C8A0] =	vst v29  }
0x174: {  	s12 =	sor.u32 s12, s13;
	v55 =	vmul.f32 v53, v25;
	[tilespmem:s10+$0x1E0A0] =	vst v32;
	v31 =	vshll.u32 v31, $0xE;
	v34 =	vadd.s32 v30, v34  }
0x175: {  	v57 =	vmul.f32 v53, v26;
	[tilespmem:s12+$0x10800] =	vst v54;
	v56 =	vadd.s32 v31, v34  }
0x176: {  	v58 =	vmul.f32 v53, v22;
	[tilespmem:s12+$0x10880] =	vst v55;
	v29 =	vshrl.u32 v56, $0x5  }
0x177: {  	v59 =	vmul.f32 v53, v21;
	[tilespmem:s12+$0x10900] =	vst v57  }
0x178: {  	v60 =	vmul.f32 v53, v23;
	[tilespmem:s12+$0x16800] =	vst v58  }
0x179: {  	[tilespmem:s12+$0x16880] =	vst v59  }
0x17a: {  	[tilespmem:s12+$0x16900] =	vst v60  }
0x17b: {  	v29 =	vld.idx.msk [tilespmem:v29+s7+$0x0], $0xffff;
	_ =	sdelay $0x3  }
0x17c: {  	v30 =	vand.u32 $0x1F, v30  }
0x17d: {  	v29 =	vshrl.u32 v29, v30  }
0x17e: {  	v29 =	vand.u32 $0x1, v29  }
0x17f: {  	vm15 =	vle.f32 v47, v27;
	vm14 =	veq.s32 v29, $0x1  }
0x180: {  	vm0 =	vmand vm15, vm14  }
0x181: {  	v61 =	vsel vm0, $0x3F800000, v1  }
0x182: {  	v28 =	vmul.f32 v61, v28  }
0x183: {  	s16 =	sadd.s32 $0x2C0, s0;
	v62 =	vmul.f32 v61, v47  }
0x184: {  	s25 =	sand.u32 $0x70, s4;
	s12 =	sand.u32 $0x7E00, s16;
	v24 =	vmul.f32 v61, v24;
	[tilespmem:s10+$0x1C8B0] =	vst v28  }
0x185: {  	s26 =	sor.u32 s25, s12;
	v25 =	vmul.f32 v61, v25;
	[tilespmem:s10+$0x1E0B0] =	vst v62  }
0x186: {  	p3 =	sne.s32 s0, $0x2D00;
	v63 =	vmul.f32 v61, v26;
	[tilespmem:s26+$0x10800] =	vst v24  }
.Ltmp0:
0x187: {  	v22 =	vmul.f32 v61, v22;
	[tilespmem:s26+$0x10880] =	vst v25;
	(pc) =	sbr.rel @p3 .LBB2_3-.Ltmp0, $4  }
0x188: {  	v21 =	vmul.f32 v61, v21;
	[tilespmem:s26+$0x10900] =	vst v63  }
0x189: {  	s14 =	sadd.s32 $0x1, s14;
	[tilespmem:s26+$0x16800] =	vst v22;
	v22 =	vmul.f32 v61, v23  }
0x18a: {  	p1 =	por !p1, !p1;
	s6 =	sadd.s32 $0x4, s6;
	s31 =	sadd.s32 $0x2, s31;
	[tilespmem:s26+$0x16880] =	vst v21  }
0x18b: {  	p2 =	por !p2, !p2;
	s0 =	sadd.s32 $0x300, s0;
	s4 =	sadd.s32 $0xC0, s4;
	[tilespmem:s26+$0x16900] =	vst v22  }
0x18c: {  	s0 =	smul.u32 $0x600, s30;
	_ =	sdelay $0x1  }
0x18d: {  	s6 =	simm.s32 $0x10800;
	s4 =	sadd.s32 s1, s0  }
0x18e: {  	[hbm4b:s4+s7] =	stream.linear.scatter [tilespmem:s6], [sflag:$0x1], $0x3000, $0x38;
	[tilespmem:$0x1F800] =	vst v63  }
0x18f: {  	s16 =	smul.u32 $0x180, s30;
	s0 =	sadd.s32 s2, s0  }
0x190: {  	[hbm4b:s0+s7] =	stream.linear.scatter [tilespmem:s17], [sflag:$0x1], $0x3000, $0x38;
	[tilespmem:$0x1F800] =	vst v63  }
0x191: {  	s25 =	sadd.s32 s3, s16  }
0x192: {  	[hbm4b:s25+s7] =	stream.linear.scatter [tilespmem:s18], [sflag:$0x1], $0xC00, $0x38;
	[tilespmem:$0x1F800] =	vst v63  }
0x193: {  	s26 =	sadd.s32 s5, s16;
	s0 =	simm.s32 @!p0 $0x2  }
0x194: {  	[hbm4b:s26+s7] =	stream.linear.scatter [tilespmem:s19], [sflag:$0x1], $0xC00, $0x38;
	[tilespmem:$0x1F800] =	vst v63  }
0x195: {  	_ =	swait.ge @!p0 [sflag:s0], $0x3000  }
0x196: {  	[sflag:s0] =	ssyncset.done @!p0 $0x0  }
0x197: {  	[sflag:s0] =	ssyncadd.s32 @!p0 $0xFFFFD000  }
0x198: {  	_ =	swait.ge @!p0 [sflag:s0], $0x3000  }
0x199: {  	[sflag:s0] =	ssyncset.done @!p0 $0x0  }
0x19a: {  	[sflag:s0] =	ssyncadd.s32 @!p0 $0xFFFFD000  }
0x19b: {  	_ =	swait.ge @!p0 [sflag:s0], $0xC00  }
0x19c: {  	[sflag:s0] =	ssyncset.done @!p0 $0x0  }
0x19d: {  	[sflag:s0] =	ssyncadd.s32 @!p0 $0xFFFFF400  }
0x19e: {  	s31 =	sor.u32 $0x1, s29;
	_ =	swait.ge @!p0 [sflag:s0], $0xC00  }
0x19f: {  	s29 =	sor.u32 s8, s31;
	p1 =	sgt.u32 s31, $0x1E;
	[sflag:s0] =	ssyncset.done @!p0 $0x0  }
0x1a0: {  	[sflag:s0] =	ssyncadd.s32 @!p0 $0xFFFFF400;
	s0 =	sshll.u32 @!p1 s29, $0x7  }
0x1a1: {  	s4 =	simm.s32 @!p1 $0x0;
	s6 =	simm.s32 @!p1 $0x10000;
	s0 =	sadd.s32 @!p1 s0, s9  }
0x1a2: {  	[tilespmem:s6], [sflag:$0x3] =	stream.linear.gather @!p1 [hbm4b:s0+s4], $0x400, $0x38;
	[tilespmem:$0x1F800] =	vst v63  }
0x1a3: {  	_ =	swait.ge [sflag:s20], $0x400  }
0x1a4: {  	[sflag:s20] =	ssyncset.done $0x0  }
0x1a5: {  	[sflag:s20] =	ssyncadd.s32 $0xFFFFFC00  }
0x1a6: {  	v13 =	vld [tilespmem:$0x10400]  }
0x1a7: {  	v14 =	vld [tilespmem:$0x10480]  }
0x1a8: {  	v15 =	vld [tilespmem:$0x10500]  }
0x1a9: {  	v16 =	vld [tilespmem:$0x10580]  }
0x1aa: {  	v19 =	vld [tilespmem:$0x10700]  }
0x1ab: {  	s30 =	simm.s32 $0x0;
	v17 =	vld [tilespmem:$0x10600]  }
0x1ac: {  	s14 =	simm.s32 $0x0;
	p0 =	por $0x0, $0x0;
	s4 =	simm.s32 $0xB0;
	v18 =	vld [tilespmem:$0x10680]  }
0x1ad: {  	p1 =	por $0x1, $0x1;
	s6 =	simm.s32 $0x0;
	s0 =	simm.s32 $0x0;
	v20 =	vld [tilespmem:$0x10780]  }
.LBB2_5:
0x1ae: {  	v27 =	vmov s14  }
0x1af: {  	v28 =	vperm.xlane v19, v27;
	_ =	sdelay $0x1  }
0x1b0: {  	v29 =	vadd.f32 v0, v28;
	_ =	sdelay $0x1  }
0x1b1: {  	v30 =	vadd.f32 $1.000000000e+00, v29;
	_ =	sdelay $0x1  }
0x1b2: {  	v23 =	vadd.f32 v30, v29  }
0x1b3: {  	v24 =	vperm.xlane v13, v27;
	v22 =	vperm.xlane v16, v27  }
0x1b4: {  	v21 =	vperm.xlane v17, v27;
	v31 =	vmul.f32 $5.000000000e-01, v23  }
0x1b5: {  	v25 =	vperm.xlane v14, v27;
	v23 =	vperm.xlane v18, v27  }
0x1b6: {  	v32 =	vmul.f32 v31, v22;
	v33 =	vmul.f32 v31, v21  }
0x1b7: {  	v26 =	vperm.xlane v15, v27;
	v31 =	vmul.f32 v31, v23  }
0x1b8: {  	v32 =	vadd.f32 v32, v24;
	v33 =	vadd.f32 v33, v25  }
0x1b9: {  	v31 =	vadd.f32 v31, v26  }
0x1ba: {  	v32 =	vadd.f32 $6.400000000e+01, v32;
	v33 =	vadd.f32 $6.400000000e+01, v33  }
0x1bb: {  	v31 =	vadd.f32 $6.400000000e+01, v31  }
0x1bc: {  	v32 =	vmax.f32 v32, $0.0e+00;
	v33 =	vmax.f32 v33, $0.0e+00  }
0x1bd: {  	v31 =	vmax.f32 v31, $0.0e+00;
	v32 =	vmin.f32 v32, $1.270000000e+02;
	v33 =	vmin.f32 v33, $1.270000000e+02  }
0x1be: {  	v31 =	vmin.f32 v31, $1.270000000e+02;
	v32 =	vtrunc.f32 v32;
	v33 =	vtrunc.f32 v33  }
0x1bf: {  	v31 =	vtrunc.f32 v31;
	v33 =	vcvt.f32.s32 v33  }
0x1c0: {  	v42 =	vadd.f32 v2, v28;
	v32 =	vcvt.f32.s32 v32;
	v31 =	vcvt.f32.s32 v31  }
0x1c1: {  	v33 =	vshll.u32 v33, $0x7  }
0x1c2: {  	v34 =	vadd.f32 $1.000000000e+00, v42;
	v32 =	vshll.u32 v32, $0xE;
	v33 =	vadd.s32 v31, v33  }
0x1c3: {  	v32 =	vadd.s32 v32, v33  }
0x1c4: {  	v35 =	vadd.f32 v34, v42;
	v32 =	vshrl.u32 v32, $0x5;
	_ =	sdelay $0x1  }
0x1c5: {  	v35 =	vmul.f32 $5.000000000e-01, v35;
	_ =	sdelay $0x1  }
0x1c6: {  	v36 =	vmul.f32 v35, v21  }
0x1c7: {  	v32 =	vld.idx.msk [tilespmem:v32+s7+$0x0], $0xffff  }
0x1c8: {  	v45 =	vadd.f32 v36, v25  }
0x1c9: {  	v27 =	vperm.xlane v20, v27  }
0x1ca: {  	v43 =	vmul.f32 v35, v22;
	v44 =	vmul.f32 v35, v23;
	v35 =	vadd.f32 $6.400000000e+01, v45  }
0x1cb: {  	v31 =	vand.u32 $0x1F, v31  }
0x1cc: {  	vm0 =	vgt.f32 v27, v28;
	v35 =	vmax.f32 v35, $0.0e+00;
	v31 =	vshrl.u32 v32, v31  }
0x1cd: {  	v27 =	vnsel vm0, $0xFF61B1E6, v27;
	v35 =	vmin.f32 v35, $1.270000000e+02;
	v31 =	vand.u32 $0x1, v31  }
0x1ce: {  	v32 =	vadd.f32 v43, v24;
	vm5 =	veq.s32 v31, $0x1;
	v31 =	vadd.f32 v44, v26  }
0x1cf: {  	vm1 =	vle.f32 v30, v27;
	v35 =	vtrunc.f32 v35  }
0x1d0: {  	v32 =	vadd.f32 $6.400000000e+01, v32;
	vm0 =	vmand vm1, vm5;
	v31 =	vadd.f32 $6.400000000e+01, v31  }
0x1d1: {  	v35 =	vcvt.f32.s32 v35;
	v46 =	vsel vm0, $0x3F800000, v1  }
0x1d2: {  	v32 =	vmax.f32 v32, $0.0e+00;
	v29 =	vmul.f32 v46, v29;
	v31 =	vmax.f32 v31, $0.0e+00  }
0x1d3: {  	v30 =	vmul.f32 v46, v30;
	v32 =	vmin.f32 v32, $1.270000000e+02;
	v31 =	vmin.f32 v31, $1.270000000e+02  }
0x1d4: {  	v53 =	vadd.f32 v3, v28;
	v32 =	vtrunc.f32 v32;
	v31 =	vtrunc.f32 v31  }
0x1d5: {  	s13 =	simm.s32 $0x1;
	s12 =	sadd.s32 $0xFFFFFF50, s4;
	s10 =	sshra.s32 s0, $0x2;
	v32 =	vcvt.f32.s32 v32;
	v31 =	vcvt.f32.s32 v31  }
0x1d6: {  	s15 =	sand.u32 $0x3E00, s0;
	s13 =	simm.s32 @!p0 $0x0;
	s12 =	sand.u32 $0x40, s12;
	v54 =	vadd.f32 $1.000000000e+00, v53;
	v35 =	vshll.u32 v35, $0x7;
	v47 =	vmul.f32 v46, v24;
	[tilespmem:s10+$0x1D400] =	vst v29  }
0x1d7: {  	s13 =	sshll.u32 s13, $0x6;
	s16 =	sor.u32 s12, s15;
	v48 =	vmul.f32 v46, v25;
	[tilespmem:s10+$0x1EC00] =	vst v30;
	v32 =	vshll.u32 v32, $0xE;
	v35 =	vadd.s32 v31, v35  }
0x1d8: {  	s13 =	sadd.s32 s13, s0;
	v49 =	vmul.f32 v46, v26;
	[tilespmem:s16+$0x13800] =	vst v47;
	v32 =	vadd.s32 v32, v35  }
0x1d9: {  	s25 =	sor.u32 $0x100, s13;
	v55 =	vadd.f32 v54, v53;
	v50 =	vmul.f32 v46, v22;
	[tilespmem:s16+$0x13880] =	vst v48;
	v32 =	vshrl.u32 v32, $0x5  }
0x1da: {  	v51 =	vmul.f32 v46, v21;
	[tilespmem:s25+$0x13800] =	vst v49  }
0x1db: {  	v52 =	vmul.f32 v46, v23;
	[tilespmem:s16+$0x19800] =	vst v50;
	v35 =	vmul.f32 $5.000000000e-01, v55  }
0x1dc: {  	[tilespmem:s16+$0x19880] =	vst v51  }
0x1dd: {  	[tilespmem:s25+$0x19800] =	vst v52;
	v57 =	vmul.f32 v35, v21  }
0x1de: {  	v30 =	vld.idx.msk [tilespmem:v32+s7+$0x0], $0xffff  }
0x1df: {  	v59 =	vadd.f32 v57, v25;
	_ =	sdelay $0x1  }
0x1e0: {  	v56 =	vmul.f32 v35, v22;
	v58 =	vmul.f32 v35, v23;
	v35 =	vadd.f32 $6.400000000e+01, v59  }
0x1e1: {  	v31 =	vand.u32 $0x1F, v31  }
0x1e2: {  	v35 =	vmax.f32 v35, $0.0e+00;
	v30 =	vshrl.u32 v30, v31  }
0x1e3: {  	v35 =	vmin.f32 v35, $1.270000000e+02;
	v30 =	vand.u32 $0x1, v30  }
0x1e4: {  	v31 =	vadd.f32 v56, v24;
	vm6 =	veq.s32 v30, $0x1;
	v30 =	vadd.f32 v58, v26  }
0x1e5: {  	vm7 =	vle.f32 v34, v27;
	v35 =	vtrunc.f32 v35  }
0x1e6: {  	v31 =	vadd.f32 $6.400000000e+01, v31;
	vm0 =	vmand vm7, vm6;
	v30 =	vadd.f32 $6.400000000e+01, v30  }
0x1e7: {  	v35 =	vcvt.f32.s32 v35;
	v60 =	vsel vm0, $0x3F800000, v1  }
0x1e8: {  	v31 =	vmax.f32 v31, $0.0e+00;
	v33 =	vmul.f32 v60, v42;
	v30 =	vmax.f32 v30, $0.0e+00  }
0x1e9: {  	v34 =	vmul.f32 v60, v34;
	v31 =	vmin.f32 v31, $1.270000000e+02;
	v30 =	vmin.f32 v30, $1.270000000e+02  }
0x1ea: {  	v40 =	vadd.f32 v4, v28;
	v31 =	vtrunc.f32 v31;
	v30 =	vtrunc.f32 v30  }
0x1eb: {  	s26 =	sand.u32 $0x7, s6;
	s31 =	sadd.s32 $0xFFFFFF60, s4;
	v31 =	vcvt.f32.s32 v31;
	v30 =	vcvt.f32.s32 v30  }
0x1ec: {  	v41 =	vadd.f32 $1.000000000e+00, v40;
	s16 =	sshll.u32 s26, $0x4;
	s25 =	sand.u32 $0x50, s31;
	v35 =	vshll.u32 v35, $0x7;
	v61 =	vmul.f32 v60, v24;
	[tilespmem:s10+$0x1D410] =	vst v33  }
0x1ed: {  	s26 =	sor.u32 s15, s25;
	s25 =	sadd.s32 s16, s0;
	v62 =	vmul.f32 v60, v25;
	[tilespmem:s10+$0x1EC10] =	vst v34;
	v31 =	vshll.u32 v31, $0xE;
	v35 =	vadd.s32 v30, v35  }
0x1ee: {  	s16 =	sadd.s32 $0x10, s25;
	v63 =	vmul.f32 v60, v26;
	[tilespmem:s26+$0x13800] =	vst v61;
	v31 =	vadd.s32 v31, v35  }
0x1ef: {  	s16 =	sor.u32 $0x100, s16;
	v37 =	vmul.f32 v60, v22;
	v42 =	vadd.f32 v41, v40;
	[tilespmem:s26+$0x13880] =	vst v62;
	v31 =	vshrl.u32 v31, $0x5  }
0x1f0: {  	v38 =	vmul.f32 v60, v21;
	[tilespmem:s16+$0x13800] =	vst v63  }
0x1f1: {  	v39 =	vmul.f32 v60, v23;
	[tilespmem:s26+$0x19800] =	vst v37;
	v35 =	vmul.f32 $5.000000000e-01, v42  }
0x1f2: {  	[tilespmem:s26+$0x19880] =	vst v38  }
0x1f3: {  	[tilespmem:s16+$0x19800] =	vst v39;
	v44 =	vmul.f32 v35, v21  }
0x1f4: {  	v31 =	vld.idx.msk [tilespmem:v31+s7+$0x0], $0xffff  }
0x1f5: {  	v46 =	vadd.f32 v44, v25;
	_ =	sdelay $0x1  }
0x1f6: {  	v43 =	vmul.f32 v35, v22;
	v45 =	vmul.f32 v35, v23;
	v35 =	vadd.f32 $6.400000000e+01, v46  }
0x1f7: {  	v30 =	vand.u32 $0x1F, v30  }
0x1f8: {  	v35 =	vmax.f32 v35, $0.0e+00;
	v30 =	vshrl.u32 v31, v30  }
0x1f9: {  	v35 =	vmin.f32 v35, $1.270000000e+02;
	v30 =	vand.u32 $0x1, v30  }
0x1fa: {  	v31 =	vadd.f32 v43, v24;
	vm8 =	veq.s32 v30, $0x1;
	v30 =	vadd.f32 v45, v26  }
0x1fb: {  	vm9 =	vle.f32 v54, v27;
	v35 =	vtrunc.f32 v35  }
0x1fc: {  	v31 =	vadd.f32 $6.400000000e+01, v31;
	vm0 =	vmand vm9, vm8;
	v30 =	vadd.f32 $6.400000000e+01, v30  }
0x1fd: {  	v35 =	vcvt.f32.s32 v35;
	v47 =	vsel vm0, $0x3F800000, v1  }
0x1fe: {  	v31 =	vmax.f32 v31, $0.0e+00;
	v29 =	vmul.f32 v47, v53;
	v30 =	vmax.f32 v30, $0.0e+00  }
0x1ff: {  	v32 =	vmul.f32 v47, v54;
	v31 =	vmin.f32 v31, $1.270000000e+02;
	v30 =	vmin.f32 v30, $1.270000000e+02  }
0x200: {  	v31 =	vtrunc.f32 v31;
	v30 =	vtrunc.f32 v30  }
0x201: {  	s31 =	sadd.s32 $0xFFFFFF70, s4;
	s26 =	sand.u32 $0x3, s30;
	v54 =	vadd.f32 v5, v28;
	v31 =	vcvt.f32.s32 v31;
	v30 =	vcvt.f32.s32 v30  }
0x202: {  	s16 =	sshll.u32 s26, $0x5;
	s26 =	sand.u32 $0x60, s31;
	v35 =	vshll.u32 v35, $0x7;
	v48 =	vmul.f32 v47, v24;
	v49 =	vmul.f32 v47, v25;
	[tilespmem:s10+$0x1D420] =	vst v29  }
0x203: {  	s16 =	sadd.s32 s0, s16;
	s26 =	sor.u32 s15, s26;
	[tilespmem:s10+$0x1EC20] =	vst v32;
	v55 =	vadd.f32 $1.000000000e+00, v54;
	v31 =	vshll.u32 v31, $0xE;
	v35 =	vadd.s32 v30, v35  }
0x204: {  	s16 =	sadd.s32 $0x20, s16;
	v50 =	vmul.f32 v47, v26;
	[tilespmem:s26+$0x13800] =	vst v48;
	v31 =	vadd.s32 v31, v35  }
0x205: {  	s16 =	sor.u32 $0x100, s16;
	v51 =	vmul.f32 v47, v22;
	[tilespmem:s26+$0x13880] =	vst v49;
	v56 =	vadd.f32 v55, v54;
	v31 =	vshrl.u32 v31, $0x5  }
0x206: {  	v52 =	vmul.f32 v47, v21;
	[tilespmem:s16+$0x13800] =	vst v50  }
0x207: {  	v53 =	vmul.f32 v47, v23;
	[tilespmem:s26+$0x19800] =	vst v51;
	v35 =	vmul.f32 $5.000000000e-01, v56  }
0x208: {  	[tilespmem:s26+$0x19880] =	vst v52  }
0x209: {  	[tilespmem:s16+$0x19800] =	vst v53;
	v58 =	vmul.f32 v35, v21  }
0x20a: {  	v31 =	vld.idx.msk [tilespmem:v31+s7+$0x0], $0xffff  }
0x20b: {  	v60 =	vadd.f32 v58, v25;
	_ =	sdelay $0x1  }
0x20c: {  	v57 =	vmul.f32 v35, v22;
	v59 =	vmul.f32 v35, v23;
	v35 =	vadd.f32 $6.400000000e+01, v60  }
0x20d: {  	v30 =	vand.u32 $0x1F, v30  }
0x20e: {  	v35 =	vmax.f32 v35, $0.0e+00;
	v30 =	vshrl.u32 v31, v30  }
0x20f: {  	v35 =	vmin.f32 v35, $1.270000000e+02;
	v30 =	vand.u32 $0x1, v30  }
0x210: {  	v31 =	vadd.f32 v57, v24;
	vm10 =	veq.s32 v30, $0x1;
	v30 =	vadd.f32 v59, v26  }
0x211: {  	vm11 =	vle.f32 v41, v27;
	v35 =	vtrunc.f32 v35  }
0x212: {  	v31 =	vadd.f32 $6.400000000e+01, v31;
	vm0 =	vmand vm11, vm10;
	v30 =	vadd.f32 $6.400000000e+01, v30  }
0x213: {  	v35 =	vcvt.f32.s32 v35;
	v61 =	vsel vm0, $0x3F800000, v1  }
0x214: {  	v31 =	vmax.f32 v31, $0.0e+00;
	v33 =	vmul.f32 v61, v40;
	v30 =	vmax.f32 v30, $0.0e+00  }
0x215: {  	v34 =	vmul.f32 v61, v41;
	v31 =	vmin.f32 v31, $1.270000000e+02;
	v30 =	vmin.f32 v30, $1.270000000e+02  }
0x216: {  	v31 =	vtrunc.f32 v31;
	v30 =	vtrunc.f32 v30  }
0x217: {  	s31 =	sadd.s32 $0xFFFFFF80, s4;
	v41 =	vadd.f32 v6, v28;
	v31 =	vcvt.f32.s32 v31;
	v30 =	vcvt.f32.s32 v30  }
0x218: {  	s16 =	sand.u32 $0x70, s31;
	v35 =	vshll.u32 v35, $0x7;
	v62 =	vmul.f32 v61, v24;
	v63 =	vmul.f32 v61, v25;
	[tilespmem:s10+$0x1D430] =	vst v33  }
0x219: {  	s15 =	sor.u32 s15, s16;
	[tilespmem:s10+$0x1EC30] =	vst v34;
	v42 =	vadd.f32 $1.000000000e+00, v41;
	v31 =	vshll.u32 v31, $0xE;
	v35 =	vadd.s32 v30, v35  }
0x21a: {  	s25 =	sadd.s32 $0x30, s25;
	v37 =	vmul.f32 v61, v26;
	[tilespmem:s15+$0x13800] =	vst v62;
	v31 =	vadd.s32 v31, v35  }
0x21b: {  	s16 =	sor.u32 $0x100, s25;
	v38 =	vmul.f32 v61, v22;
	[tilespmem:s15+$0x13880] =	vst v63;
	v43 =	vadd.f32 v42, v41;
	v31 =	vshrl.u32 v31, $0x5  }
0x21c: {  	v39 =	vmul.f32 v61, v21;
	[tilespmem:s16+$0x13800] =	vst v37  }
0x21d: {  	v40 =	vmul.f32 v61, v23;
	[tilespmem:s15+$0x19800] =	vst v38;
	v35 =	vmul.f32 $5.000000000e-01, v43  }
0x21e: {  	[tilespmem:s15+$0x19880] =	vst v39  }
0x21f: {  	[tilespmem:s16+$0x19800] =	vst v40;
	v45 =	vmul.f32 v35, v21  }
0x220: {  	v31 =	vld.idx.msk [tilespmem:v31+s7+$0x0], $0xffff  }
0x221: {  	v47 =	vadd.f32 v45, v25;
	_ =	sdelay $0x1  }
0x222: {  	v44 =	vmul.f32 v35, v22;
	v46 =	vmul.f32 v35, v23;
	v35 =	vadd.f32 $6.400000000e+01, v47  }
0x223: {  	v30 =	vand.u32 $0x1F, v30  }
0x224: {  	v35 =	vmax.f32 v35, $0.0e+00;
	v30 =	vshrl.u32 v31, v30  }
0x225: {  	v35 =	vmin.f32 v35, $1.270000000e+02;
	v30 =	vand.u32 $0x1, v30  }
0x226: {  	v31 =	vadd.f32 v44, v24;
	vm12 =	veq.s32 v30, $0x1;
	v30 =	vadd.f32 v46, v26  }
0x227: {  	vm13 =	vle.f32 v55, v27;
	v35 =	vtrunc.f32 v35  }
0x228: {  	v31 =	vadd.f32 $6.400000000e+01, v31;
	vm0 =	vmand vm13, vm12;
	v30 =	vadd.f32 $6.400000000e+01, v30  }
0x229: {  	v35 =	vcvt.f32.s32 v35;
	v48 =	vsel vm0, $0x3F800000, v1  }
0x22a: {  	v31 =	vmax.f32 v31, $0.0e+00;
	v29 =	vmul.f32 v48, v54;
	v30 =	vmax.f32 v30, $0.0e+00  }
0x22b: {  	v32 =	vmul.f32 v48, v55;
	v31 =	vmin.f32 v31, $1.270000000e+02;
	v30 =	vmin.f32 v30, $1.270000000e+02  }
0x22c: {  	v31 =	vtrunc.f32 v31;
	v30 =	vtrunc.f32 v30  }
0x22d: {  	s26 =	sadd.s32 $0xFFFFFF90, s4;
	s25 =	sadd.s32 $0x100, s0;
	s15 =	simm.s32 $0x1;
	v55 =	vadd.f32 v7, v28;
	v31 =	vcvt.f32.s32 v31;
	v30 =	vcvt.f32.s32 v30  }
0x22e: {  	s31 =	sand.u32 $0x7E00, s25;
	s15 =	simm.s32 @!p1 $0x0;
	s16 =	sand.u32 $0x40, s26;
	v35 =	vshll.u32 v35, $0x7;
	v49 =	vmul.f32 v48, v24;
	v50 =	vmul.f32 v48, v25;
	[tilespmem:s10+$0x1D440] =	vst v29  }
0x22f: {  	s15 =	sshll.u32 s15, $0x6;
	s16 =	sor.u32 s16, s31;
	[tilespmem:s10+$0x1EC40] =	vst v32;
	v56 =	vadd.f32 $1.000000000e+00, v55;
	v31 =	vshll.u32 v31, $0xE;
	v35 =	vadd.s32 v30, v35  }
0x230: {  	s15 =	sadd.s32 s15, s25;
	v51 =	vmul.f32 v48, v26;
	[tilespmem:s16+$0x13800] =	vst v49;
	v31 =	vadd.s32 v31, v35  }
0x231: {  	s15 =	sor.u32 $0x100, s15;
	v52 =	vmul.f32 v48, v22;
	[tilespmem:s16+$0x13880] =	vst v50;
	v57 =	vadd.f32 v56, v55;
	v31 =	vshrl.u32 v31, $0x5  }
0x232: {  	v53 =	vmul.f32 v48, v21;
	[tilespmem:s15+$0x13800] =	vst v51  }
0x233: {  	v54 =	vmul.f32 v48, v23;
	[tilespmem:s16+$0x19800] =	vst v52;
	v35 =	vmul.f32 $5.000000000e-01, v57  }
0x234: {  	[tilespmem:s16+$0x19880] =	vst v53  }
0x235: {  	[tilespmem:s15+$0x19800] =	vst v54;
	v59 =	vmul.f32 v35, v21  }
0x236: {  	v31 =	vld.idx.msk [tilespmem:v31+s7+$0x0], $0xffff  }
0x237: {  	v61 =	vadd.f32 v59, v25;
	_ =	sdelay $0x1  }
0x238: {  	v58 =	vmul.f32 v35, v22;
	v60 =	vmul.f32 v35, v23;
	v35 =	vadd.f32 $6.400000000e+01, v61  }
0x239: {  	v30 =	vand.u32 $0x1F, v30  }
0x23a: {  	v35 =	vmax.f32 v35, $0.0e+00;
	v30 =	vshrl.u32 v31, v30  }
0x23b: {  	v35 =	vmin.f32 v35, $1.270000000e+02;
	v30 =	vand.u32 $0x1, v30  }
0x23c: {  	v31 =	vadd.f32 v58, v24;
	vm14 =	veq.s32 v30, $0x1;
	v30 =	vadd.f32 v60, v26  }
0x23d: {  	vm15 =	vle.f32 v42, v27;
	v35 =	vtrunc.f32 v35  }
0x23e: {  	v31 =	vadd.f32 $6.400000000e+01, v31;
	vm0 =	vmand vm15, vm14;
	v30 =	vadd.f32 $6.400000000e+01, v30  }
0x23f: {  	v35 =	vcvt.f32.s32 v35;
	v62 =	vsel vm0, $0x3F800000, v1  }
0x240: {  	v31 =	vmax.f32 v31, $0.0e+00;
	v33 =	vmul.f32 v62, v41;
	v30 =	vmax.f32 v30, $0.0e+00  }
0x241: {  	v34 =	vmul.f32 v62, v42;
	v31 =	vmin.f32 v31, $1.270000000e+02;
	v30 =	vmin.f32 v30, $1.270000000e+02  }
0x242: {  	v31 =	vtrunc.f32 v31;
	v30 =	vtrunc.f32 v30  }
0x243: {  	s26 =	sadd.s32 $0x140, s0;
	s25 =	sadd.s32 $0xFFFFFFA0, s4;
	v42 =	vadd.f32 v8, v28;
	v31 =	vcvt.f32.s32 v31;
	v30 =	vcvt.f32.s32 v30  }
0x244: {  	s16 =	sand.u32 $0x7E00, s26;
	s15 =	sand.u32 $0x50, s25;
	v35 =	vshll.u32 v35, $0x7;
	v63 =	vmul.f32 v62, v24;
	v37 =	vmul.f32 v62, v25;
	[tilespmem:s10+$0x1D450] =	vst v33  }
0x245: {  	s15 =	sor.u32 s15, s16;
	[tilespmem:s10+$0x1EC50] =	vst v34;
	v43 =	vadd.f32 $1.000000000e+00, v42;
	v31 =	vshll.u32 v31, $0xE;
	v35 =	vadd.s32 v30, v35  }
0x246: {  	v38 =	vmul.f32 v62, v26;
	[tilespmem:s15+$0x13800] =	vst v63;
	v31 =	vadd.s32 v31, v35  }
0x247: {  	v39 =	vmul.f32 v62, v22;
	[tilespmem:s15+$0x13880] =	vst v37;
	v44 =	vadd.f32 v43, v42;
	v31 =	vshrl.u32 v31, $0x5  }
0x248: {  	v40 =	vmul.f32 v62, v21;
	[tilespmem:s15+$0x13900] =	vst v38  }
0x249: {  	v41 =	vmul.f32 v62, v23;
	[tilespmem:s15+$0x19800] =	vst v39;
	v35 =	vmul.f32 $5.000000000e-01, v44  }
0x24a: {  	[tilespmem:s15+$0x19880] =	vst v40  }
0x24b: {  	[tilespmem:s15+$0x19900] =	vst v41;
	v46 =	vmul.f32 v35, v21  }
0x24c: {  	v31 =	vld.idx.msk [tilespmem:v31+s7+$0x0], $0xffff  }
0x24d: {  	v48 =	vadd.f32 v46, v25;
	_ =	sdelay $0x1  }
0x24e: {  	v45 =	vmul.f32 v35, v22;
	v47 =	vmul.f32 v35, v23;
	v35 =	vadd.f32 $6.400000000e+01, v48  }
0x24f: {  	v30 =	vand.u32 $0x1F, v30  }
0x250: {  	v35 =	vmax.f32 v35, $0.0e+00;
	v30 =	vshrl.u32 v31, v30  }
0x251: {  	v35 =	vmin.f32 v35, $1.270000000e+02;
	v30 =	vand.u32 $0x1, v30  }
0x252: {  	v31 =	vadd.f32 v45, v24;
	vm4 =	veq.s32 v30, $0x1;
	v30 =	vadd.f32 v47, v26  }
0x253: {  	vm5 =	vle.f32 v56, v27;
	v35 =	vtrunc.f32 v35  }
0x254: {  	v31 =	vadd.f32 $6.400000000e+01, v31;
	vm0 =	vmand vm5, vm4;
	v30 =	vadd.f32 $6.400000000e+01, v30  }
0x255: {  	v35 =	vcvt.f32.s32 v35;
	v49 =	vsel vm0, $0x3F800000, v1  }
0x256: {  	v31 =	vmax.f32 v31, $0.0e+00;
	v29 =	vmul.f32 v49, v55;
	v30 =	vmax.f32 v30, $0.0e+00  }
0x257: {  	v32 =	vmul.f32 v49, v56;
	v31 =	vmin.f32 v31, $1.270000000e+02;
	v30 =	vmin.f32 v30, $1.270000000e+02  }
0x258: {  	v31 =	vtrunc.f32 v31;
	v30 =	vtrunc.f32 v30  }
0x259: {  	s31 =	sadd.s32 $0xFFFFFFB0, s4;
	s25 =	sadd.s32 $0x180, s0;
	v56 =	vadd.f32 v9, v28;
	v31 =	vcvt.f32.s32 v31;
	v30 =	vcvt.f32.s32 v30  }
0x25a: {  	s16 =	sand.u32 $0x7E00, s25;
	s15 =	sand.u32 $0x60, s31;
	v35 =	vshll.u32 v35, $0x7;
	v50 =	vmul.f32 v49, v24;
	v51 =	vmul.f32 v49, v25;
	[tilespmem:s10+$0x1D460] =	vst v29  }
0x25b: {  	s15 =	sor.u32 s15, s16;
	[tilespmem:s10+$0x1EC60] =	vst v32;
	v57 =	vadd.f32 $1.000000000e+00, v56;
	v31 =	vshll.u32 v31, $0xE;
	v35 =	vadd.s32 v30, v35  }
0x25c: {  	v52 =	vmul.f32 v49, v26;
	[tilespmem:s15+$0x13800] =	vst v50;
	v31 =	vadd.s32 v31, v35  }
0x25d: {  	v53 =	vmul.f32 v49, v22;
	[tilespmem:s15+$0x13880] =	vst v51;
	v58 =	vadd.f32 v57, v56;
	v31 =	vshrl.u32 v31, $0x5  }
0x25e: {  	v54 =	vmul.f32 v49, v21;
	[tilespmem:s15+$0x13900] =	vst v52  }
0x25f: {  	v55 =	vmul.f32 v49, v23;
	[tilespmem:s15+$0x19800] =	vst v53;
	v35 =	vmul.f32 $5.000000000e-01, v58  }
0x260: {  	[tilespmem:s15+$0x19880] =	vst v54  }
0x261: {  	[tilespmem:s15+$0x19900] =	vst v55;
	v60 =	vmul.f32 v35, v21  }
0x262: {  	v31 =	vld.idx.msk [tilespmem:v31+s7+$0x0], $0xffff  }
0x263: {  	v62 =	vadd.f32 v60, v25;
	_ =	sdelay $0x1  }
0x264: {  	v59 =	vmul.f32 v35, v22;
	v61 =	vmul.f32 v35, v23;
	v35 =	vadd.f32 $6.400000000e+01, v62  }
0x265: {  	v30 =	vand.u32 $0x1F, v30  }
0x266: {  	v35 =	vmax.f32 v35, $0.0e+00;
	v30 =	vshrl.u32 v31, v30  }
0x267: {  	v35 =	vmin.f32 v35, $1.270000000e+02;
	v30 =	vand.u32 $0x1, v30  }
0x268: {  	v31 =	vadd.f32 v59, v24;
	vm6 =	veq.s32 v30, $0x1;
	v30 =	vadd.f32 v61, v26  }
0x269: {  	vm7 =	vle.f32 v43, v27;
	v35 =	vtrunc.f32 v35  }
0x26a: {  	v31 =	vadd.f32 $6.400000000e+01, v31;
	vm0 =	vmand vm7, vm6;
	v30 =	vadd.f32 $6.400000000e+01, v30  }
0x26b: {  	v35 =	vcvt.f32.s32 v35;
	v63 =	vsel vm0, $0x3F800000, v1  }
0x26c: {  	v31 =	vmax.f32 v31, $0.0e+00;
	v33 =	vmul.f32 v63, v42;
	v30 =	vmax.f32 v30, $0.0e+00  }
0x26d: {  	v34 =	vmul.f32 v63, v43;
	v31 =	vmin.f32 v31, $1.270000000e+02;
	v30 =	vmin.f32 v30, $1.270000000e+02  }
0x26e: {  	v31 =	vtrunc.f32 v31;
	v30 =	vtrunc.f32 v30  }
0x26f: {  	s26 =	sadd.s32 $0xFFFFFFC0, s4;
	s31 =	sadd.s32 $0x1C0, s0;
	v43 =	vadd.f32 v10, v28;
	v31 =	vcvt.f32.s32 v31;
	v30 =	vcvt.f32.s32 v30  }
0x270: {  	s16 =	sand.u32 $0x7E00, s31;
	s15 =	sand.u32 $0x70, s26;
	v35 =	vshll.u32 v35, $0x7;
	v37 =	vmul.f32 v63, v24;
	v38 =	vmul.f32 v63, v25;
	[tilespmem:s10+$0x1D470] =	vst v33  }
0x271: {  	s15 =	sor.u32 s15, s16;
	[tilespmem:s10+$0x1EC70] =	vst v34;
	v44 =	vadd.f32 $1.000000000e+00, v43;
	v31 =	vshll.u32 v31, $0xE;
	v35 =	vadd.s32 v30, v35  }
0x272: {  	v39 =	vmul.f32 v63, v26;
	[tilespmem:s15+$0x13800] =	vst v37;
	v31 =	vadd.s32 v31, v35  }
0x273: {  	v40 =	vmul.f32 v63, v22;
	[tilespmem:s15+$0x13880] =	vst v38;
	v45 =	vadd.f32 v44, v43;
	v31 =	vshrl.u32 v31, $0x5  }
0x274: {  	v41 =	vmul.f32 v63, v21;
	[tilespmem:s15+$0x13900] =	vst v39  }
0x275: {  	v42 =	vmul.f32 v63, v23;
	[tilespmem:s15+$0x19800] =	vst v40;
	v35 =	vmul.f32 $5.000000000e-01, v45  }
0x276: {  	[tilespmem:s15+$0x19880] =	vst v41  }
0x277: {  	[tilespmem:s15+$0x19900] =	vst v42;
	v47 =	vmul.f32 v35, v21  }
0x278: {  	v31 =	vld.idx.msk [tilespmem:v31+s7+$0x0], $0xffff  }
0x279: {  	v49 =	vadd.f32 v47, v25;
	_ =	sdelay $0x1  }
0x27a: {  	v46 =	vmul.f32 v35, v22;
	v48 =	vmul.f32 v35, v23;
	v35 =	vadd.f32 $6.400000000e+01, v49  }
0x27b: {  	v30 =	vand.u32 $0x1F, v30  }
0x27c: {  	v35 =	vmax.f32 v35, $0.0e+00;
	v30 =	vshrl.u32 v31, v30  }
0x27d: {  	v35 =	vmin.f32 v35, $1.270000000e+02;
	v30 =	vand.u32 $0x1, v30  }
0x27e: {  	v31 =	vadd.f32 v46, v24;
	vm8 =	veq.s32 v30, $0x1;
	v30 =	vadd.f32 v48, v26  }
0x27f: {  	vm9 =	vle.f32 v57, v27;
	v35 =	vtrunc.f32 v35  }
0x280: {  	v31 =	vadd.f32 $6.400000000e+01, v31;
	vm0 =	vmand vm9, vm8;
	v30 =	vadd.f32 $6.400000000e+01, v30  }
0x281: {  	v35 =	vcvt.f32.s32 v35;
	v50 =	vsel vm0, $0x3F800000, v1  }
0x282: {  	v31 =	vmax.f32 v31, $0.0e+00;
	v29 =	vmul.f32 v50, v56;
	v30 =	vmax.f32 v30, $0.0e+00  }
0x283: {  	s16 =	sadd.s32 $0xFFFFFFD0, s4;
	v32 =	vmul.f32 v50, v57;
	v31 =	vmin.f32 v31, $1.270000000e+02;
	v30 =	vmin.f32 v30, $1.270000000e+02  }
0x284: {  	s15 =	sand.u32 $0x1F80, s16;
	v31 =	vtrunc.f32 v31;
	v30 =	vtrunc.f32 v30  }
0x285: {  	s25 =	sadd.s32 $0x200, s0;
	s15 =	sor.u32 s12, s15;
	v57 =	vadd.f32 v11, v28;
	v31 =	vcvt.f32.s32 v31;
	v30 =	vcvt.f32.s32 v30  }
0x286: {  	s16 =	sand.u32 $0x7E00, s25;
	v35 =	vshll.u32 v35, $0x7;
	v51 =	vmul.f32 v50, v24;
	v52 =	vmul.f32 v50, v25;
	[tilespmem:s15+$0x1D400] =	vst v29  }
0x287: {  	s12 =	sor.u32 s12, s16;
	[tilespmem:s15+$0x1EC00] =	vst v32;
	v58 =	vadd.f32 $1.000000000e+00, v57;
	v31 =	vshll.u32 v31, $0xE;
	v35 =	vadd.s32 v30, v35  }
0x288: {  	s13 =	sadd.s32 $0x200, s13;
	v53 =	vmul.f32 v50, v26;
	[tilespmem:s12+$0x13800] =	vst v51;
	v31 =	vadd.s32 v31, v35  }
0x289: {  	s13 =	sor.u32 $0x100, s13;
	v54 =	vmul.f32 v50, v22;
	[tilespmem:s12+$0x13880] =	vst v52;
	v59 =	vadd.f32 v58, v57;
	v31 =	vshrl.u32 v31, $0x5  }
0x28a: {  	v55 =	vmul.f32 v50, v21;
	[tilespmem:s13+$0x13800] =	vst v53  }
0x28b: {  	v56 =	vmul.f32 v50, v23;
	[tilespmem:s12+$0x19800] =	vst v54;
	v35 =	vmul.f32 $5.000000000e-01, v59  }
0x28c: {  	[tilespmem:s12+$0x19880] =	vst v55  }
0x28d: {  	[tilespmem:s13+$0x19800] =	vst v56;
	v61 =	vmul.f32 v35, v21  }
0x28e: {  	v31 =	vld.idx.msk [tilespmem:v31+s7+$0x0], $0xffff  }
0x28f: {  	v63 =	vadd.f32 v61, v25;
	_ =	sdelay $0x1  }
0x290: {  	v60 =	vmul.f32 v35, v22;
	v62 =	vmul.f32 v35, v23;
	v35 =	vadd.f32 $6.400000000e+01, v63  }
0x291: {  	v30 =	vand.u32 $0x1F, v30  }
0x292: {  	v35 =	vmax.f32 v35, $0.0e+00;
	v30 =	vshrl.u32 v31, v30  }
0x293: {  	v35 =	vmin.f32 v35, $1.270000000e+02;
	v30 =	vand.u32 $0x1, v30  }
0x294: {  	v31 =	vadd.f32 v60, v24;
	vm10 =	veq.s32 v30, $0x1;
	v30 =	vadd.f32 v62, v26  }
0x295: {  	vm11 =	vle.f32 v44, v27;
	v35 =	vtrunc.f32 v35  }
0x296: {  	v31 =	vadd.f32 $6.400000000e+01, v31;
	vm0 =	vmand vm11, vm10;
	v30 =	vadd.f32 $6.400000000e+01, v30  }
0x297: {  	v35 =	vcvt.f32.s32 v35;
	v40 =	vsel vm0, $0x3F800000, v1  }
0x298: {  	v31 =	vmax.f32 v31, $0.0e+00;
	v33 =	vmul.f32 v40, v43;
	v30 =	vmax.f32 v30, $0.0e+00  }
0x299: {  	v34 =	vmul.f32 v40, v44;
	v31 =	vmin.f32 v31, $1.270000000e+02;
	v30 =	vmin.f32 v30, $1.270000000e+02  }
0x29a: {  	v28 =	vadd.f32 v12, v28;
	v31 =	vtrunc.f32 v31;
	v30 =	vtrunc.f32 v30  }
0x29b: {  	s31 =	sadd.s32 $0x240, s0;
	s26 =	sadd.s32 $0xFFFFFFE0, s4;
	v31 =	vcvt.f32.s32 v31;
	v30 =	vcvt.f32.s32 v30  }
0x29c: {  	v47 =	vadd.f32 $1.000000000e+00, v28;
	s12 =	sand.u32 $0x50, s26;
	s13 =	sand.u32 $0x7E00, s31;
	v35 =	vshll.u32 v35, $0x7;
	v41 =	vmul.f32 v40, v24;
	[tilespmem:s10+$0x1D490] =	vst v33  }
0x29d: {  	s12 =	sor.u32 s12, s13;
	v42 =	vmul.f32 v40, v25;
	[tilespmem:s10+$0x1EC90] =	vst v34;
	v31 =	vshll.u32 v31, $0xE;
	v35 =	vadd.s32 v30, v35  }
0x29e: {  	v43 =	vmul.f32 v40, v26;
	[tilespmem:s12+$0x13800] =	vst v41;
	v31 =	vadd.s32 v31, v35  }
0x29f: {  	v48 =	vadd.f32 v47, v28;
	v44 =	vmul.f32 v40, v22;
	[tilespmem:s12+$0x13880] =	vst v42;
	v31 =	vshrl.u32 v31, $0x5  }
0x2a0: {  	v45 =	vmul.f32 v40, v21;
	[tilespmem:s12+$0x13900] =	vst v43  }
0x2a1: {  	v46 =	vmul.f32 v40, v23;
	v34 =	vmul.f32 $5.000000000e-01, v48;
	[tilespmem:s12+$0x19800] =	vst v44  }
0x2a2: {  	[tilespmem:s12+$0x19880] =	vst v45  }
0x2a3: {  	[tilespmem:s12+$0x19900] =	vst v46;
	v50 =	vmul.f32 v34, v21  }
0x2a4: {  	v31 =	vld.idx.msk [tilespmem:v31+s7+$0x0], $0xffff  }
0x2a5: {  	v52 =	vadd.f32 v50, v25;
	_ =	sdelay $0x1  }
0x2a6: {  	v49 =	vmul.f32 v34, v22;
	v51 =	vmul.f32 v34, v23;
	v34 =	vadd.f32 $6.400000000e+01, v52  }
0x2a7: {  	v30 =	vand.u32 $0x1F, v30  }
0x2a8: {  	v34 =	vmax.f32 v34, $0.0e+00;
	v30 =	vshrl.u32 v31, v30  }
0x2a9: {  	v34 =	vmin.f32 v34, $1.270000000e+02;
	v30 =	vand.u32 $0x1, v30  }
0x2aa: {  	v31 =	vadd.f32 v49, v24;
	vm12 =	veq.s32 v30, $0x1;
	v30 =	vadd.f32 v51, v26  }
0x2ab: {  	vm13 =	vle.f32 v58, v27;
	v34 =	vtrunc.f32 v34  }
0x2ac: {  	v31 =	vadd.f32 $6.400000000e+01, v31;
	vm0 =	vmand vm13, vm12;
	v30 =	vadd.f32 $6.400000000e+01, v30  }
0x2ad: {  	v34 =	vcvt.f32.s32 v34;
	v53 =	vsel vm0, $0x3F800000, v1  }
0x2ae: {  	v31 =	vmax.f32 v31, $0.0e+00;
	v29 =	vmul.f32 v53, v57;
	v30 =	vmax.f32 v30, $0.0e+00  }
0x2af: {  	v32 =	vmul.f32 v53, v58;
	v31 =	vmin.f32 v31, $1.270000000e+02;
	v30 =	vmin.f32 v30, $1.270000000e+02  }
0x2b0: {  	v31 =	vtrunc.f32 v31;
	v30 =	vtrunc.f32 v30  }
0x2b1: {  	s16 =	sadd.s32 $0x280, s0;
	s15 =	sadd.s32 $0xFFFFFFF0, s4;
	v31 =	vcvt.f32.s32 v31;
	v30 =	vcvt.f32.s32 v30  }
0x2b2: {  	s13 =	sand.u32 $0x7E00, s16;
	s12 =	sand.u32 $0x60, s15;
	v34 =	vshll.u32 v34, $0x7;
	v54 =	vmul.f32 v53, v24;
	[tilespmem:s10+$0x1D4A0] =	vst v29  }
0x2b3: {  	s12 =	sor.u32 s12, s13;
	v55 =	vmul.f32 v53, v25;
	[tilespmem:s10+$0x1ECA0] =	vst v32;
	v31 =	vshll.u32 v31, $0xE;
	v34 =	vadd.s32 v30, v34  }
0x2b4: {  	v57 =	vmul.f32 v53, v26;
	[tilespmem:s12+$0x13800] =	vst v54;
	v56 =	vadd.s32 v31, v34  }
0x2b5: {  	v58 =	vmul.f32 v53, v22;
	[tilespmem:s12+$0x13880] =	vst v55;
	v29 =	vshrl.u32 v56, $0x5  }
0x2b6: {  	v59 =	vmul.f32 v53, v21;
	[tilespmem:s12+$0x13900] =	vst v57  }
0x2b7: {  	v60 =	vmul.f32 v53, v23;
	[tilespmem:s12+$0x19800] =	vst v58  }
0x2b8: {  	[tilespmem:s12+$0x19880] =	vst v59  }
0x2b9: {  	[tilespmem:s12+$0x19900] =	vst v60  }
0x2ba: {  	v29 =	vld.idx.msk [tilespmem:v29+s7+$0x0], $0xffff;
	_ =	sdelay $0x3  }
0x2bb: {  	v30 =	vand.u32 $0x1F, v30  }
0x2bc: {  	v29 =	vshrl.u32 v29, v30  }
0x2bd: {  	v29 =	vand.u32 $0x1, v29  }
0x2be: {  	vm15 =	vle.f32 v47, v27;
	vm14 =	veq.s32 v29, $0x1  }
0x2bf: {  	vm0 =	vmand vm15, vm14  }
0x2c0: {  	v61 =	vsel vm0, $0x3F800000, v1  }
0x2c1: {  	v28 =	vmul.f32 v61, v28  }
0x2c2: {  	s25 =	sadd.s32 $0x2C0, s0;
	v62 =	vmul.f32 v61, v47  }
0x2c3: {  	s26 =	sand.u32 $0x70, s4;
	s12 =	sand.u32 $0x7E00, s25;
	v24 =	vmul.f32 v61, v24;
	[tilespmem:s10+$0x1D4B0] =	vst v28  }
0x2c4: {  	s31 =	sor.u32 s26, s12;
	v25 =	vmul.f32 v61, v25;
	[tilespmem:s10+$0x1ECB0] =	vst v62  }
0x2c5: {  	p2 =	sne.s32 s0, $0x2D00;
	v63 =	vmul.f32 v61, v26;
	[tilespmem:s31+$0x13800] =	vst v24  }
.Ltmp1:
0x2c6: {  	v22 =	vmul.f32 v61, v22;
	[tilespmem:s31+$0x13880] =	vst v25;
	(pc) =	sbr.rel @p2 .LBB2_5-.Ltmp1, $4  }
0x2c7: {  	v21 =	vmul.f32 v61, v21;
	[tilespmem:s31+$0x13900] =	vst v63  }
0x2c8: {  	s14 =	sadd.s32 $0x1, s14;
	[tilespmem:s31+$0x19800] =	vst v22;
	v22 =	vmul.f32 v61, v23  }
0x2c9: {  	s6 =	sadd.s32 $0x4, s6;
	p0 =	por !p0, !p0;
	s30 =	sadd.s32 $0x2, s30;
	[tilespmem:s31+$0x19880] =	vst v21  }
0x2ca: {  	p1 =	por !p1, !p1;
	s0 =	sadd.s32 $0x300, s0;
	s4 =	sadd.s32 $0xC0, s4;
	[tilespmem:s31+$0x19900] =	vst v22  }
0x2cb: {  	s0 =	smul.u32 $0x600, s29;
	_ =	sdelay $0x1  }
0x2cc: {  	s28 =	sadd.s32 $0x1, s28;
	s4 =	sadd.s32 s1, s0  }
0x2cd: {  	[hbm4b:s4+s7] =	stream.linear.scatter [tilespmem:s21], [sflag:$0x2], $0x3000, $0x38;
	[tilespmem:$0x1F800] =	vst v63  }
0x2ce: {  	s29 =	smul.u32 $0x180, s29;
	p0 =	sne.s32 s28, $0x10;
	s0 =	sadd.s32 s2, s0  }
0x2cf: {  	[hbm4b:s0+s7] =	stream.linear.scatter [tilespmem:s22], [sflag:$0x2], $0x3000, $0x38;
	[tilespmem:$0x1F800] =	vst v63  }
.Ltmp2:
0x2d0: {  	_ = 	snop;
	(pc) =	sbr.rel @p0 .LBB2_2-.Ltmp2, $4  }
0x2d1: {  	s30 =	sadd.s32 s3, s29  }
0x2d2: {  	[hbm4b:s30+s7] =	stream.linear.scatter [tilespmem:s23], [sflag:$0x2], $0xC00, $0x38;
	[tilespmem:$0x1F800] =	vst v63  }
0x2d3: {  	s31 =	sadd.s32 s5, s29  }
0x2d4: {  	[hbm4b:s31+s7] =	stream.linear.scatter [tilespmem:s24], [sflag:$0x2], $0xC00, $0x38;
	[tilespmem:$0x1F800] =	vst v63  }
0x2d5: {  	s0 =	simm.s32 $0x1  }
0x2d6: {  	_ =	swait.ge [sflag:s0], $0x3000  }
0x2d7: {  	[sflag:s0] =	ssyncset.done $0x0  }
0x2d8: {  	[sflag:s0] =	ssyncadd.s32 $0xFFFFD000  }
0x2d9: {  	_ =	swait.ge [sflag:s0], $0x3000  }
0x2da: {  	[sflag:s0] =	ssyncset.done $0x0  }
0x2db: {  	[sflag:s0] =	ssyncadd.s32 $0xFFFFD000  }
0x2dc: {  	_ =	swait.ge [sflag:s0], $0xC00  }
0x2dd: {  	[sflag:s0] =	ssyncset.done $0x0  }
0x2de: {  	[sflag:s0] =	ssyncadd.s32 $0xFFFFF400  }
0x2df: {  	_ =	swait.ge [sflag:s0], $0xC00  }
0x2e0: {  	[sflag:s0] =	ssyncset.done $0x0  }
0x2e1: {  	s4 =	simm.s32 $0x2;
	[sflag:s0] =	ssyncadd.s32 $0xFFFFF400  }
0x2e2: {  	_ =	swait.ge [sflag:s4], $0x3000  }
0x2e3: {  	[sflag:s4] =	ssyncset.done $0x0  }
0x2e4: {  	[sflag:s4] =	ssyncadd.s32 $0xFFFFD000  }
0x2e5: {  	_ =	swait.ge [sflag:s4], $0x3000  }
0x2e6: {  	[sflag:s4] =	ssyncset.done $0x0  }
0x2e7: {  	[sflag:s4] =	ssyncadd.s32 $0xFFFFD000  }
0x2e8: {  	_ =	swait.ge [sflag:s4], $0xC00  }
0x2e9: {  	[sflag:s4] =	ssyncset.done $0x0  }
0x2ea: {  	[sflag:s4] =	ssyncadd.s32 $0xFFFFF400  }
0x2eb: {  	_ =	swait.ge [sflag:s4], $0xC00  }
0x2ec: {  	s6 =	rddreg [dreg:$0x9]  }
0x2ed: {  	s31 =	rddreg [dreg:$0x8];
	s6 =	sadd.s32 $0x1, s6  }
0x2ee: {  	p0 =	sne.s32 s6, s31  }
.Ltmp3:
0x2ef: {  	_ = 	snop;
	(pc) =	sbr.rel @p0 .LBB2_1-.Ltmp3, $3  }
0x2f0: {  	_ =	sdelay $0x1  }
0x2f1: {  	[sflag:s4] =	ssyncset.done $0x0  }
0x2f2: {  	[sflag:s4] =	ssyncadd.s32 $0xFFFFF400  }
0x2f3: {  	_ =	sfence.sel $0x180000  }
0x2f4: {  	[bflag:$0x0] =	sbarrier.arrive $0xFFFF  }
0x2f5: {  	_ =	strace $0x90000047  }
0x2f6: {  	s0 =	stileid.u32;
	[bflag:$0x2] =	sbarrier.arrive $0xFFFF  }
0x2f7: {  	p0 =	sne.s32 s0, $0x0;
	s0 =	rddreg [dreg:$0x6]  }
0x2f8: {  	s0 =	sadd.s32 @!p0 $0x100000, s0  }
0x2f9: {  	[sflag:s0] =	ssyncadd.tile.s32 @!p0 $0x1;
	_ =	shalt  }
.Lfunc_end2:
_tile_overlayer_lowered:
.L_overlay_start_2:
0x2fa: {  	(tag) =	ssettag $0x2  }
0x2fb: {  	s0 =	rddreg [dreg:$0x0];
	s2 =	stileid.u32  }
0x2fc: {  	s1 =	rddreg [dreg:$0x1];
	p0 =	sne.s32 s2, $0x0  }
0x2fd: {  	s3 =	rddreg [dreg:$0x2];
	[bflag:$0x3] =	sbarrier.arrive $0xFFFF;
	s2 =	simm.s32 @!p0 $0x1C05  }
0x2fe: {  	[timem:s3], [sflag:s2] =	dma.local @!p0 [hbm:s0], s1  }
0x2ff: {  	s0 =	simm.s32 @!p0 $0x5  }
0x300: {  	_ =	swait.ge @!p0 [sflag:s0], s1  }
0x301: {  	s1 =	ssub.s32 @!p0 $0x0, s1;
	[sflag:s0] =	ssyncset.done @!p0 $0x0  }
0x302: {  	[sflag:s0] =	ssyncadd.s32 @!p0 s1  }
0x303: {  	[bflag:$0x3] =	sbarrier.arrive $0xFFFF  }
0x304: {  	_ =	shalt  }

</sc_bundles>
